<compile_context>
chip_gen: v7x
topology: tpu7x:2x2x1
jax: 0.10.2.dev20260603
libtpu: 0.0.44.dev20260713+nightly
codegen_flags: <defaults>
</compile_context>

<pallas_src>
import functools

import jax
import jax.numpy as jnp
from jax import lax
from jax.experimental import pallas as pl
from jax.experimental.pallas import tpu as pltpu
from jax.experimental.pallas import tpu_sc as plsc

_NUM_ITEMS = 1000000
_BATCH = 16384
_HIST = 200
_N = _BATCH * _HIST

_TROWS = 8
_TCOLS = 131072
_PAD_N = _TROWS * _TCOLS

_NC, _NS = 2, 16
_NW = _NC * _NS
_ROWS_PER_W = _BATCH // _NW
_CROWS = 64
_CHUNK = _CROWS * _HIST
_NCHUNKS = _ROWS_PER_W // _CROWS

_COLS = tuple(range(0, _HIST - 8, 16))
_TAIL = _HIST - 16

_TSLICE = _PAD_N // _NS


def _sigmoid_body(u_ref, x_ref, o_ref):
    o_ref[...] = jax.nn.sigmoid(u_ref[0] - x_ref[...])


def _sigmoid_table(user_params, table_pad):
    return pl.pallas_call(
        _sigmoid_body,
        grid=(16,),
        out_shape=jax.ShapeDtypeStruct((_TROWS, _TCOLS), jnp.float32),
        in_specs=[
            pl.BlockSpec(memory_space=pltpu.SMEM),
            pl.BlockSpec((_TROWS, _TCOLS // 16), lambda i: (0, i)),
        ],
        out_specs=pl.BlockSpec((_TROWS, _TCOLS // 16), lambda i: (0, i)),
    )(user_params, table_pad)


def _gather_body(tbl_hbm, idx_hbm, out_hbm, tbl_sh, iv2, iv1, rv1, rv2, sem):
    wid = lax.axis_index("s") * _NC + lax.axis_index("c")
    sid = lax.axis_index("s")
    trow = sid % _TROWS
    thalf = sid // _TROWS
    tcols = _TCOLS // 2
    pltpu.sync_copy(
        tbl_hbm.at[trow, pl.ds(thalf * tcols, tcols)],
        tbl_sh.at[pl.ds((trow * 2 + thalf) * tcols, tcols)],
    )
    plsc.subcore_barrier()

    def pack_rows(r, _):
        for c in _COLS:
            iv1[pl.ds(r * _HIST + c, 16)] = iv2[r, pl.ds(c, 16)]
        c_dyn = r * 0 + _TAIL
        iv1[pl.ds(r * _HIST + _TAIL, 16)] = iv2[r, pl.ds(c_dyn, 16)]
        return _

    def unpack_rows(r, _):
        c_dyn = r * 0 + _TAIL
        rv2[r, pl.ds(c_dyn, 16)] = rv1[pl.ds(r * _HIST + _TAIL, 16)]
        for c in _COLS:
            rv2[r, pl.ds(c, 16)] = rv1[pl.ds(r * _HIST + c, 16)]
        return _

    for k in range(_NCHUNKS):
        r0 = wid * _ROWS_PER_W + k * _CROWS
        pltpu.sync_copy(idx_hbm.at[pl.ds(r0, _CROWS), :], iv2)
        lax.fori_loop(0, _CROWS, pack_rows, 0)
        pltpu.async_copy(tbl_sh.at[iv1], rv1, sem).wait()
        lax.fori_loop(0, _CROWS, unpack_rows, 0)
        pltpu.sync_copy(rv2, out_hbm.at[pl.ds(r0, _CROWS), :])


@functools.cache
def _make_gather():
    return pl.kernel(
        _gather_body,
        mesh=plsc.VectorSubcoreMesh(core_axis_name="c", subcore_axis_name="s"),
        out_type=jax.ShapeDtypeStruct((_BATCH, _HIST), jnp.float32),
        scratch_types=[
            pltpu.VMEM_SHARED((_PAD_N,), jnp.float32),
            pltpu.VMEM((_CROWS, _HIST), jnp.int32),
            pltpu.VMEM((_CHUNK,), jnp.int32),
            pltpu.VMEM((_CHUNK,), jnp.float32),
            pltpu.VMEM((_CROWS, _HIST), jnp.float32),
            pltpu.SemaphoreType.DMA,
        ],
    )


def kernel(item_nos, user_params, item_table):
    idx = item_nos.astype(jnp.int32)
    t = item_table.reshape(-1)
    t_pad = jnp.pad(t, (0, _PAD_N - _NUM_ITEMS)).reshape(_TROWS, _TCOLS)
    f = _sigmoid_table(user_params, t_pad)
    return _make_gather()(f, idx)

# --- scband reference (transcript-rebuilt; emitter-appended) ---
"""Pipeline reference for scband-item-response-theory-model-40570261078316 (READ-ONLY COPY).

The authoritative reference and input builder live on the scoring server;
editing this copy changes nothing except your own understanding.
"""

import jax, jax.numpy as jnp
import numpy as np

NUM_ITEMS = 1000000
BATCH = 16384
HIST = 200

def setup_inputs(seed: int = 0) -> dict:
    key = jax.random.key(seed)
    k1, k2, k3 = jax.random.split(key, 3)
    item_nos = jax.random.randint(k1, (BATCH, HIST), 0, NUM_ITEMS, dtype=jnp.int64)
    user_params = jax.random.normal(k2, (1,), dtype=jnp.float32)
    # xavier_normal for [NUM_ITEMS, 1]: std = sqrt(2/(fan_in+fan_out)) = sqrt(2/(NUM_ITEMS+1))
    std = float(np.sqrt(2.0 / (NUM_ITEMS + 1)))
    item_table = jax.random.normal(k3, (NUM_ITEMS, 1), dtype=jnp.float32) * std
    return {"item_nos": item_nos, "user_params": user_params, "item_table": item_table}

def reference(item_nos, user_params, item_table):
    # item_params = embedding lookup -> [B, L, 1]
    item_params = jnp.take(item_table, item_nos, axis=0)
    out = jax.nn.sigmoid(user_params - item_params)
    return jnp.squeeze(out, axis=-1)

if __name__ == "__main__":
    import jax
    _d = setup_inputs()
    print(jax.jit(kernel)(*tuple(_d.values())))

</pallas_src>

<mosaic_0001>
#map = affine_map<(d0, d1) -> (0, 0)>
module attributes {stable_mosaic.version = 14 : i64} {
  func.func @_gather_body(%arg0: i32, %arg1: i32, %arg2: memref<8x131072xf32, #tpu.memory_space<hbm>>, %arg3: memref<16384x200xi32, #tpu.memory_space<hbm>>, %arg4: memref<16384x200xf32, #tpu.memory_space<hbm>>, %arg5: memref<1048576xf32, #tpu.memory_space<vmem_shared>>, %arg6: memref<64x200xi32, #tpu.memory_space<vmem>>, %arg7: memref<12800xi32, #tpu.memory_space<vmem>>, %arg8: memref<12800xf32, #tpu.memory_space<vmem>>, %arg9: memref<64x200xf32, #tpu.memory_space<vmem>>, %arg10: memref<!tpu.dma_semaphore, #tpu.memory_space<semaphore_mem>>) attributes {dimension_semantics = [#tpu.dimension_semantics<core_parallel>, #tpu.dimension_semantics<subcore_parallel>], iteration_bounds = array<i64: 2, 16>, scalar_prefetch = 0 : i64, scratch_operands = 6 : i64, tpu.core_type = #tpu.core_type<sc_vector_subcore>, window_params = [{transform_indices = #map}, {transform_indices = #map}, {transform_indices = #map}]} {
    %mul3A = arith.constant 2 : i32
    %mul3A_0 = arith.muli %arg1, %mul3A : i32
    %add3A = arith.addi %mul3A_0, %arg0 : i32
    %jit3A = arith.constant 8 : i32
    %eq3A = arith.constant 0 : i32
    %eq3A_1 = arith.cmpi eq, %jit3A, %eq3A : i32
    %jit3A_2 = arith.constant 1 : i32
    %select_n3A = arith.select %eq3A_1, %jit3A_2, %jit3A : i32
    %rem3A = arith.remsi %arg1, %select_n3A : i32
    %ne3A = arith.constant 0 : i32
    %ne3A_3 = arith.cmpi ne, %rem3A, %ne3A : i32
    %lt3A = arith.constant 0 : i32
    %lt3A_4 = arith.cmpi slt, %rem3A, %lt3A : i32
    %lt3A_5 = arith.constant 0 : i32
    %lt3A_6 = arith.cmpi slt, %select_n3A, %lt3A_5 : i32
    %ne3A_7 = arith.xori %lt3A_4, %lt3A_6 : i1
    %and3A = arith.andi %ne3A_7, %ne3A_3 : i1
    %add3A_8 = arith.addi %rem3A, %select_n3A : i32
    %select_n3A_9 = arith.select %and3A, %add3A_8, %rem3A : i32
    %jit3A_10 = arith.constant 8 : i32
    %div3A = arith.divsi %arg1, %jit3A_10 : i32
    %sign3A = arith.constant 0 : i32
    %sign3A_11 = arith.cmpi sgt, %arg1, %sign3A : i32
    %sign3A_12 = arith.extui %sign3A_11 : i1 to i32
    %sign3A_13 = arith.constant 0 : i32
    %sign3A_14 = arith.cmpi slt, %arg1, %sign3A_13 : i32
    %sign3A_15 = arith.extui %sign3A_14 : i1 to i32
    %sign3A_16 = arith.subi %sign3A_12, %sign3A_15 : i32
    %sign3A_17 = arith.constant 0 : i32
    %sign3A_18 = arith.cmpi sgt, %jit3A_10, %sign3A_17 : i32
    %sign3A_19 = arith.extui %sign3A_18 : i1 to i32
    %sign3A_20 = arith.constant 0 : i32
    %sign3A_21 = arith.cmpi slt, %jit3A_10, %sign3A_20 : i32
    %sign3A_22 = arith.extui %sign3A_21 : i1 to i32
    %sign3A_23 = arith.subi %sign3A_19, %sign3A_22 : i32
    %ne3A_24 = arith.cmpi ne, %sign3A_16, %sign3A_23 : i32
    %rem3A_25 = arith.remsi %arg1, %jit3A_10 : i32
    %ne3A_26 = arith.constant 0 : i32
    %ne3A_27 = arith.cmpi ne, %rem3A_25, %ne3A_26 : i32
    %and3A_28 = arith.andi %ne3A_24, %ne3A_27 : i1
    %sub3A = arith.constant 1 : i32
    %sub3A_29 = arith.subi %div3A, %sub3A : i32
    %select_n3A_30 = arith.select %and3A_28, %sub3A_29, %div3A : i32
    %mul3A_31 = arith.constant 65536 : i32
    %mul3A_32 = arith.muli %select_n3A_30, %mul3A_31 : i32
    %mul3A_33 = arith.constant 2 : i32
    %mul3A_34 = arith.muli %select_n3A_9, %mul3A_33 : i32
    %add3A_35 = arith.addi %mul3A_34, %select_n3A_30 : i32
    %mul3A_36 = arith.constant 65536 : i32
    %mul3A_37 = arith.muli %add3A_35, %mul3A_36 : i32
    "tpu.region"() ({
      %run_scoped3A = tpu.sem_alloc : memref<!tpu.dma_semaphore, #tpu.memory_space<semaphore_mem>>
      %dma_start3A_195 = tpu.memref_slice %arg5[%mul3A_37] : memref<1048576xf32, #tpu.memory_space<vmem_shared>> -> memref<65536xf32, #tpu.memory_space<vmem_shared>>
      %dma_start3A_196 = tpu.memref_slice %arg2[%select_n3A_9, %mul3A_32] : memref<8x131072xf32, #tpu.memory_space<hbm>> -> memref<1x65536xf32, #tpu.memory_space<hbm>>
      %dma_start3A_197 = tpu.memref_squeeze %dma_start3A_196 : memref<1x65536xf32, #tpu.memory_space<hbm>> -> memref<65536xf32, #tpu.memory_space<hbm>>
      tpu.enqueue_dma source(%dma_start3A_197 : memref<65536xf32, #tpu.memory_space<hbm>>) target(%dma_start3A_195 : memref<65536xf32, #tpu.memory_space<vmem_shared>>) target_semaphore(%run_scoped3A : memref<!tpu.dma_semaphore, #tpu.memory_space<semaphore_mem>>)
      %dma_wait3A_198 = tpu.memref_slice %arg5[%mul3A_37] : memref<1048576xf32, #tpu.memory_space<vmem_shared>> -> memref<65536xf32, #tpu.memory_space<vmem_shared>>
      %dma_wait3A_199 = tpu.memref_slice %arg2[%select_n3A_9, %mul3A_32] : memref<8x131072xf32, #tpu.memory_space<hbm>> -> memref<1x65536xf32, #tpu.memory_space<hbm>>
      %dma_wait3A_200 = tpu.memref_squeeze %dma_wait3A_199 : memref<1x65536xf32, #tpu.memory_space<hbm>> -> memref<65536xf32, #tpu.memory_space<hbm>>
      tpu.wait_dma2 semaphore(%run_scoped3A : memref<!tpu.dma_semaphore, #tpu.memory_space<semaphore_mem>>) src(%dma_wait3A_200 : memref<65536xf32, #tpu.memory_space<hbm>>) dst(%dma_wait3A_198 : memref<65536xf32, #tpu.memory_space<vmem_shared>>)
      tpu.yield
    }) : () -> ()
    %barrier3A = arith.constant 0 : index
    tpu.barrier barrier_id(%barrier3A)
    %mul3A_38 = arith.constant 512 : i32
    %mul3A_39 = arith.muli %add3A, %mul3A_38 : i32
    %add3A_40 = arith.constant 0 : i32
    %add3A_41 = arith.addi %mul3A_39, %add3A_40 : i32
    "tpu.region"() ({
      %run_scoped3A = tpu.sem_alloc : memref<!tpu.dma_semaphore, #tpu.memory_space<semaphore_mem>>
      %dma_start3A_195 = arith.constant 0 : i32
      %dma_start3A_196 = tpu.memref_slice %arg3[%add3A_41, %dma_start3A_195] : memref<16384x200xi32, #tpu.memory_space<hbm>> -> memref<64x200xi32, #tpu.memory_space<hbm>>
      %dma_start3A_197 = arith.constant 0 : i32
      %dma_start3A_198 = tpu.memref_slice %arg3[%add3A_41, %dma_start3A_197] : memref<16384x200xi32, #tpu.memory_space<hbm>> -> memref<64x200xi32, #tpu.memory_space<hbm>>
      tpu.enqueue_dma source(%dma_start3A_198 : memref<64x200xi32, #tpu.memory_space<hbm>>) target(%arg6 : memref<64x200xi32, #tpu.memory_space<vmem>>) target_semaphore(%run_scoped3A : memref<!tpu.dma_semaphore, #tpu.memory_space<semaphore_mem>>)
      %dma_wait3A_199 = arith.constant 0 : i32
      %dma_wait3A_200 = tpu.memref_slice %arg3[%add3A_41, %dma_wait3A_199] : memref<16384x200xi32, #tpu.memory_space<hbm>> -> memref<64x200xi32, #tpu.memory_space<hbm>>
      %dma_wait3A_201 = arith.constant 0 : i32
      %dma_wait3A_202 = tpu.memref_slice %arg3[%add3A_41, %dma_wait3A_201] : memref<16384x200xi32, #tpu.memory_space<hbm>> -> memref<64x200xi32, #tpu.memory_space<hbm>>
      tpu.wait_dma2 semaphore(%run_scoped3A : memref<!tpu.dma_semaphore, #tpu.memory_space<semaphore_mem>>) src(%dma_wait3A_202 : memref<64x200xi32, #tpu.memory_space<hbm>>) dst(%arg6 : memref<64x200xi32, #tpu.memory_space<vmem>>)
      tpu.yield
    }) : () -> ()
    %scan3A = arith.constant 0 : i32
    %scan3A_42 = arith.constant 0 : i32
    %scan3A_43 = arith.constant 64 : i32
    %scan3A_44 = arith.addi %scan3A_42, %scan3A_43 : i32
    %scan3A_45 = arith.constant 1 : i32
    scf.for %scan3A_195 = %scan3A_42 to %scan3A_44 step %scan3A_45  : i32 {
      %get3A = arith.index_cast %scan3A_195 : i32 to index
      %get3A_196 = arith.constant 0 : index
      %get3A_197 = tpu.vector_load %arg6[%get3A, %get3A_196] {strides = array<i32>} : memref<64x200xi32, #tpu.memory_space<vmem>>, vector<1x16xi32>,
      %get3A_198 = vector.shape_cast %get3A_197 : vector<1x16xi32> to vector<16xi32>
      %mul3A_199 = arith.constant 200 : i32
      %mul3A_200 = arith.muli %scan3A_195, %mul3A_199 : i32
      %add3A_201 = arith.constant 0 : i32
      %add3A_202 = arith.addi %mul3A_200, %add3A_201 : i32
      %swap3A = arith.index_cast %add3A_202 : i32 to index
      %swap3A_203 = tpu.vector_load %arg7[%swap3A] {strides = array<i32>} : memref<12800xi32, #tpu.memory_space<vmem>>, vector<16xi32>,
      %swap3A_204 = vector.shape_cast %swap3A_203 : vector<16xi32> to vector<16xi32>
      %swap3A_205 = vector.shape_cast %get3A_198 : vector<16xi32> to vector<16xi32>
      tpu.vector_store %arg7[%swap3A], %swap3A_205 {strides = array<i32>} : memref<12800xi32, #tpu.memory_space<vmem>>, vector<16xi32>,
      %get3A_206 = arith.index_cast %scan3A_195 : i32 to index
      %get3A_207 = arith.constant 16 : index
      %get3A_208 = tpu.vector_load %arg6[%get3A_206, %get3A_207] {strides = array<i32>} : memref<64x200xi32, #tpu.memory_space<vmem>>, vector<1x16xi32>,
      %get3A_209 = vector.shape_cast %get3A_208 : vector<1x16xi32> to vector<16xi32>
      %mul3A_210 = arith.constant 200 : i32
      %mul3A_211 = arith.muli %scan3A_195, %mul3A_210 : i32
      %add3A_212 = arith.constant 16 : i32
      %add3A_213 = arith.addi %mul3A_211, %add3A_212 : i32
      %swap3A_214 = arith.index_cast %add3A_213 : i32 to index
      %swap3A_215 = tpu.vector_load %arg7[%swap3A_214] {strides = array<i32>} : memref<12800xi32, #tpu.memory_space<vmem>>, vector<16xi32>,
      %swap3A_216 = vector.shape_cast %swap3A_215 : vector<16xi32> to vector<16xi32>
      %swap3A_217 = vector.shape_cast %get3A_209 : vector<16xi32> to vector<16xi32>
      tpu.vector_store %arg7[%swap3A_214], %swap3A_217 {strides = array<i32>} : memref<12800xi32, #tpu.memory_space<vmem>>, vector<16xi32>,
      %get3A_218 = arith.index_cast %scan3A_195 : i32 to index
      %get3A_219 = arith.constant 32 : index
      %get3A_220 = tpu.vector_load %arg6[%get3A_218, %get3A_219] {strides = array<i32>} : memref<64x200xi32, #tpu.memory_space<vmem>>, vector<1x16xi32>,
      %get3A_221 = vector.shape_cast %get3A_220 : vector<1x16xi32> to vector<16xi32>
      %mul3A_222 = arith.constant 200 : i32
      %mul3A_223 = arith.muli %scan3A_195, %mul3A_222 : i32
      %add3A_224 = arith.constant 32 : i32
      %add3A_225 = arith.addi %mul3A_223, %add3A_224 : i32
      %swap3A_226 = arith.index_cast %add3A_225 : i32 to index
      %swap3A_227 = tpu.vector_load %arg7[%swap3A_226] {strides = array<i32>} : memref<12800xi32, #tpu.memory_space<vmem>>, vector<16xi32>,
      %swap3A_228 = vector.shape_cast %swap3A_227 : vector<16xi32> to vector<16xi32>
      %swap3A_229 = vector.shape_cast %get3A_221 : vector<16xi32> to vector<16xi32>
      tpu.vector_store %arg7[%swap3A_226], %swap3A_229 {strides = array<i32>} : memref<12800xi32, #tpu.memory_space<vmem>>, vector<16xi32>,
      %get3A_230 = arith.index_cast %scan3A_195 : i32 to index
      %get3A_231 = arith.constant 48 : index
      %get3A_232 = tpu.vector_load %arg6[%get3A_230, %get3A_231] {strides = array<i32>} : memref<64x200xi32, #tpu.memory_space<vmem>>, vector<1x16xi32>,
      %get3A_233 = vector.shape_cast %get3A_232 : vector<1x16xi32> to vector<16xi32>
      %mul3A_234 = arith.constant 200 : i32
      %mul3A_235 = arith.muli %scan3A_195, %mul3A_234 : i32
      %add3A_236 = arith.constant 48 : i32
      %add3A_237 = arith.addi %mul3A_235, %add3A_236 : i32
      %swap3A_238 = arith.index_cast %add3A_237 : i32 to index
      %swap3A_239 = tpu.vector_load %arg7[%swap3A_238] {strides = array<i32>} : memref<12800xi32, #tpu.memory_space<vmem>>, vector<16xi32>,
      %swap3A_240 = vector.shape_cast %swap3A_239 : vector<16xi32> to vector<16xi32>
      %swap3A_241 = vector.shape_cast %get3A_233 : vector<16xi32> to vector<16xi32>
      tpu.vector_store %arg7[%swap3A_238], %swap3A_241 {strides = array<i32>} : memref<12800xi32, #tpu.memory_space<vmem>>, vector<16xi32>,
      %get3A_242 = arith.index_cast %scan3A_195 : i32 to index
      %get3A_243 = arith.constant 64 : index
      %get3A_244 = tpu.vector_load %arg6[%get3A_242, %get3A_243] {strides = array<i32>} : memref<64x200xi32, #tpu.memory_space<vmem>>, vector<1x16xi32>,
      %get3A_245 = vector.shape_cast %get3A_244 : vector<1x16xi32> to vector<16xi32>
      %mul3A_246 = arith.constant 200 : i32
      %mul3A_247 = arith.muli %scan3A_195, %mul3A_246 : i32
      %add3A_248 = arith.constant 64 : i32
      %add3A_249 = arith.addi %mul3A_247, %add3A_248 : i32
      %swap3A_250 = arith.index_cast %add3A_249 : i32 to index
      %swap3A_251 = tpu.vector_load %arg7[%swap3A_250] {strides = array<i32>} : memref<12800xi32, #tpu.memory_space<vmem>>, vector<16xi32>,
      %swap3A_252 = vector.shape_cast %swap3A_251 : vector<16xi32> to vector<16xi32>
      %swap3A_253 = vector.shape_cast %get3A_245 : vector<16xi32> to vector<16xi32>
      tpu.vector_store %arg7[%swap3A_250], %swap3A_253 {strides = array<i32>} : memref<12800xi32, #tpu.memory_space<vmem>>, vector<16xi32>,
      %get3A_254 = arith.index_cast %scan3A_195 : i32 to index
      %get3A_255 = arith.constant 80 : index
      %get3A_256 = tpu.vector_load %arg6[%get3A_254, %get3A_255] {strides = array<i32>} : memref<64x200xi32, #tpu.memory_space<vmem>>, vector<1x16xi32>,
      %get3A_257 = vector.shape_cast %get3A_256 : vector<1x16xi32> to vector<16xi32>
      %mul3A_258 = arith.constant 200 : i32
      %mul3A_259 = arith.muli %scan3A_195, %mul3A_258 : i32
      %add3A_260 = arith.constant 80 : i32
      %add3A_261 = arith.addi %mul3A_259, %add3A_260 : i32
      %swap3A_262 = arith.index_cast %add3A_261 : i32 to index
      %swap3A_263 = tpu.vector_load %arg7[%swap3A_262] {strides = array<i32>} : memref<12800xi32, #tpu.memory_space<vmem>>, vector<16xi32>,
      %swap3A_264 = vector.shape_cast %swap3A_263 : vector<16xi32> to vector<16xi32>
      %swap3A_265 = vector.shape_cast %get3A_257 : vector<16xi32> to vector<16xi32>
      tpu.vector_store %arg7[%swap3A_262], %swap3A_265 {strides = array<i32>} : memref<12800xi32, #tpu.memory_space<vmem>>, vector<16xi32>,
      %get3A_266 = arith.index_cast %scan3A_195 : i32 to index
      %get3A_267 = arith.constant 96 : index
      %get3A_268 = tpu.vector_load %arg6[%get3A_266, %get3A_267] {strides = array<i32>} : memref<64x200xi32, #tpu.memory_space<vmem>>, vector<1x16xi32>,
      %get3A_269 = vector.shape_cast %get3A_268 : vector<1x16xi32> to vector<16xi32>
      %mul3A_270 = arith.constant 200 : i32
      %mul3A_271 = arith.muli %scan3A_195, %mul3A_270 : i32
      %add3A_272 = arith.constant 96 : i32
      %add3A_273 = arith.addi %mul3A_271, %add3A_272 : i32
      %swap3A_274 = arith.index_cast %add3A_273 : i32 to index
      %swap3A_275 = tpu.vector_load %arg7[%swap3A_274] {strides = array<i32>} : memref<12800xi32, #tpu.memory_space<vmem>>, vector<16xi32>,
      %swap3A_276 = vector.shape_cast %swap3A_275 : vector<16xi32> to vector<16xi32>
      %swap3A_277 = vector.shape_cast %get3A_269 : vector<16xi32> to vector<16xi32>
      tpu.vector_store %arg7[%swap3A_274], %swap3A_277 {strides = array<i32>} : memref<12800xi32, #tpu.memory_space<vmem>>, vector<16xi32>,
      %get3A_278 = arith.index_cast %scan3A_195 : i32 to index
      %get3A_279 = arith.constant 112 : index
      %get3A_280 = tpu.vector_load %arg6[%get3A_278, %get3A_279] {strides = array<i32>} : memref<64x200xi32, #tpu.memory_space<vmem>>, vector<1x16xi32>,
      %get3A_281 = vector.shape_cast %get3A_280 : vector<1x16xi32> to vector<16xi32>
      %mul3A_282 = arith.constant 200 : i32
      %mul3A_283 = arith.muli %scan3A_195, %mul3A_282 : i32
      %add3A_284 = arith.constant 112 : i32
      %add3A_285 = arith.addi %mul3A_283, %add3A_284 : i32
      %swap3A_286 = arith.index_cast %add3A_285 : i32 to index
      %swap3A_287 = tpu.vector_load %arg7[%swap3A_286] {strides = array<i32>} : memref<12800xi32, #tpu.memory_space<vmem>>, vector<16xi32>,
      %swap3A_288 = vector.shape_cast %swap3A_287 : vector<16xi32> to vector<16xi32>
      %swap3A_289 = vector.shape_cast %get3A_281 : vector<16xi32> to vector<16xi32>
      tpu.vector_store %arg7[%swap3A_286], %swap3A_289 {strides = array<i32>} : memref<12800xi32, #tpu.memory_space<vmem>>, vector<16xi32>,
      %get3A_290 = arith.index_cast %scan3A_195 : i32 to index
      %get3A_291 = arith.constant 128 : index
      %get3A_292 = tpu.vector_load %arg6[%get3A_290, %get3A_291] {strides = array<i32>} : memref<64x200xi32, #tpu.memory_space<vmem>>, vector<1x16xi32>,
      %get3A_293 = vector.shape_cast %get3A_292 : vector<1x16xi32> to vector<16xi32>
      %mul3A_294 = arith.constant 200 : i32
      %mul3A_295 = arith.muli %scan3A_195, %mul3A_294 : i32
      %add3A_296 = arith.constant 128 : i32
      %add3A_297 = arith.addi %mul3A_295, %add3A_296 : i32
      %swap3A_298 = arith.index_cast %add3A_297 : i32 to index
      %swap3A_299 = tpu.vector_load %arg7[%swap3A_298] {strides = array<i32>} : memref<12800xi32, #tpu.memory_space<vmem>>, vector<16xi32>,
      %swap3A_300 = vector.shape_cast %swap3A_299 : vector<16xi32> to vector<16xi32>
      %swap3A_301 = vector.shape_cast %get3A_293 : vector<16xi32> to vector<16xi32>
      tpu.vector_store %arg7[%swap3A_298], %swap3A_301 {strides = array<i32>} : memref<12800xi32, #tpu.memory_space<vmem>>, vector<16xi32>,
      %get3A_302 = arith.index_cast %scan3A_195 : i32 to index
      %get3A_303 = arith.constant 144 : index
      %get3A_304 = tpu.vector_load %arg6[%get3A_302, %get3A_303] {strides = array<i32>} : memref<64x200xi32, #tpu.memory_space<vmem>>, vector<1x16xi32>,
      %get3A_305 = vector.shape_cast %get3A_304 : vector<1x16xi32> to vector<16xi32>
      %mul3A_306 = arith.constant 200 : i32
      %mul3A_307 = arith.muli %scan3A_195, %mul3A_306 : i32
      %add3A_308 = arith.constant 144 : i32
      %add3A_309 = arith.addi %mul3A_307, %add3A_308 : i32
      %swap3A_310 = arith.index_cast %add3A_309 : i32 to index
      %swap3A_311 = tpu.vector_load %arg7[%swap3A_310] {strides = array<i32>} : memref<12800xi32, #tpu.memory_space<vmem>>, vector<16xi32>,
      %swap3A_312 = vector.shape_cast %swap3A_311 : vector<16xi32> to vector<16xi32>
      %swap3A_313 = vector.shape_cast %get3A_305 : vector<16xi32> to vector<16xi32>
      tpu.vector_store %arg7[%swap3A_310], %swap3A_313 {strides = array<i32>} : memref<12800xi32, #tpu.memory_space<vmem>>, vector<16xi32>,
      %get3A_314 = arith.index_cast %scan3A_195 : i32 to index
      %get3A_315 = arith.constant 160 : index
      %get3A_316 = tpu.vector_load %arg6[%get3A_314, %get3A_315] {strides = array<i32>} : memref<64x200xi32, #tpu.memory_space<vmem>>, vector<1x16xi32>,
      %get3A_317 = vector.shape_cast %get3A_316 : vector<1x16xi32> to vector<16xi32>
      %mul3A_318 = arith.constant 200 : i32
      %mul3A_319 = arith.muli %scan3A_195, %mul3A_318 : i32
      %add3A_320 = arith.constant 160 : i32
      %add3A_321 = arith.addi %mul3A_319, %add3A_320 : i32
      %swap3A_322 = arith.index_cast %add3A_321 : i32 to index
      %swap3A_323 = tpu.vector_load %arg7[%swap3A_322] {strides = array<i32>} : memref<12800xi32, #tpu.memory_space<vmem>>, vector<16xi32>,
      %swap3A_324 = vector.shape_cast %swap3A_323 : vector<16xi32> to vector<16xi32>
      %swap3A_325 = vector.shape_cast %get3A_317 : vector<16xi32> to vector<16xi32>
      tpu.vector_store %arg7[%swap3A_322], %swap3A_325 {strides = array<i32>} : memref<12800xi32, #tpu.memory_space<vmem>>, vector<16xi32>,
      %get3A_326 = arith.index_cast %scan3A_195 : i32 to index
      %get3A_327 = arith.constant 176 : index
      %get3A_328 = tpu.vector_load %arg6[%get3A_326, %get3A_327] {strides = array<i32>} : memref<64x200xi32, #tpu.memory_space<vmem>>, vector<1x16xi32>,
      %get3A_329 = vector.shape_cast %get3A_328 : vector<1x16xi32> to vector<16xi32>
      %mul3A_330 = arith.constant 200 : i32
      %mul3A_331 = arith.muli %scan3A_195, %mul3A_330 : i32
      %add3A_332 = arith.constant 176 : i32
      %add3A_333 = arith.addi %mul3A_331, %add3A_332 : i32
      %swap3A_334 = arith.index_cast %add3A_333 : i32 to index
      %swap3A_335 = tpu.vector_load %arg7[%swap3A_334] {strides = array<i32>} : memref<12800xi32, #tpu.memory_space<vmem>>, vector<16xi32>,
      %swap3A_336 = vector.shape_cast %swap3A_335 : vector<16xi32> to vector<16xi32>
      %swap3A_337 = vector.shape_cast %get3A_329 : vector<16xi32> to vector<16xi32>
      tpu.vector_store %arg7[%swap3A_334], %swap3A_337 {strides = array<i32>} : memref<12800xi32, #tpu.memory_space<vmem>>, vector<16xi32>,
      %mul3A_338 = arith.constant 0 : i32
      %mul3A_339 = arith.muli %scan3A_195, %mul3A_338 : i32
      %add3A_340 = arith.constant 184 : i32
      %add3A_341 = arith.addi %mul3A_339, %add3A_340 : i32
      %get3A_342 = arith.index_cast %scan3A_195 : i32 to index
      %get3A_343 = arith.index_cast %add3A_341 : i32 to index
      %get3A_344 = tpu.vector_load %arg6[%get3A_342, %get3A_343] {strides = array<i32>} : memref<64x200xi32, #tpu.memory_space<vmem>>, vector<1x16xi32>,
      %get3A_345 = vector.shape_cast %get3A_344 : vector<1x16xi32> to vector<16xi32>
      %mul3A_346 = arith.constant 200 : i32
      %mul3A_347 = arith.muli %scan3A_195, %mul3A_346 : i32
      %add3A_348 = arith.constant 184 : i32
      %add3A_349 = arith.addi %mul3A_347, %add3A_348 : i32
      %swap3A_350 = arith.index_cast %add3A_349 : i32 to index
      %swap3A_351 = tpu.vector_load %arg7[%swap3A_350] {strides = array<i32>} : memref<12800xi32, #tpu.memory_space<vmem>>, vector<16xi32>,
      %swap3A_352 = vector.shape_cast %swap3A_351 : vector<16xi32> to vector<16xi32>
      %swap3A_353 = vector.shape_cast %get3A_345 : vector<16xi32> to vector<16xi32>
      tpu.vector_store %arg7[%swap3A_350], %swap3A_353 {strides = array<i32>} : memref<12800xi32, #tpu.memory_space<vmem>>, vector<16xi32>,
    }
    %scan3A_46 = arith.constant 64 : i32
    %dma_start3A = arith.constant 0 : i32
    %dma_start3A_47 = tpu.memref_slice %arg5[%dma_start3A] : memref<1048576xf32, #tpu.memory_space<vmem_shared>> -> memref<1048576xf32, #tpu.memory_space<vmem_shared>>
    tpu.enqueue_indirect_dma source(%dma_start3A_47 : memref<1048576xf32, #tpu.memory_space<vmem_shared>>) target(%arg8 : memref<12800xf32, #tpu.memory_space<vmem>>) offsets(%arg7 : memref<12800xi32, #tpu.memory_space<vmem>>) semaphore(%arg10 : memref<!tpu.dma_semaphore, #tpu.memory_space<semaphore_mem>>)
    %dma_wait3A = arith.constant 0 : i32
    %dma_wait3A_48 = tpu.memref_slice %arg5[%dma_wait3A] : memref<1048576xf32, #tpu.memory_space<vmem_shared>> -> memref<1048576xf32, #tpu.memory_space<vmem_shared>>
    tpu.wait_indirect_dma semaphore(%arg10 : memref<!tpu.dma_semaphore, #tpu.memory_space<semaphore_mem>>) src(%dma_wait3A_48 : memref<1048576xf32, #tpu.memory_space<vmem_shared>>) dst(%arg8 : memref<12800xf32, #tpu.memory_space<vmem>>)
    %scan3A_49 = arith.constant 0 : i32
    %scan3A_50 = arith.constant 0 : i32
    %scan3A_51 = arith.constant 64 : i32
    %scan3A_52 = arith.addi %scan3A_50, %scan3A_51 : i32
    %scan3A_53 = arith.constant 1 : i32
    scf.for %scan3A_195 = %scan3A_50 to %scan3A_52 step %scan3A_53  : i32 {
      %mul3A_196 = arith.constant 0 : i32
      %mul3A_197 = arith.muli %scan3A_195, %mul3A_196 : i32
      %add3A_198 = arith.constant 184 : i32
      %add3A_199 = arith.addi %mul3A_197, %add3A_198 : i32
      %mul3A_200 = arith.constant 200 : i32
      %mul3A_201 = arith.muli %scan3A_195, %mul3A_200 : i32
      %add3A_202 = arith.constant 184 : i32
      %add3A_203 = arith.addi %mul3A_201, %add3A_202 : i32
      %get3A = arith.index_cast %add3A_203 : i32 to index
      %get3A_204 = tpu.vector_load %arg8[%get3A] {strides = array<i32>} : memref<12800xf32, #tpu.memory_space<vmem>>, vector<16xf32>,
      %get3A_205 = vector.shape_cast %get3A_204 : vector<16xf32> to vector<16xf32>
      %swap3A = arith.index_cast %scan3A_195 : i32 to index
      %swap3A_206 = arith.index_cast %add3A_199 : i32 to index
      %swap3A_207 = tpu.vector_load %arg9[%swap3A, %swap3A_206] {strides = array<i32>} : memref<64x200xf32, #tpu.memory_space<vmem>>, vector<1x16xf32>,
      %swap3A_208 = vector.shape_cast %swap3A_207 : vector<1x16xf32> to vector<16xf32>
      %swap3A_209 = vector.shape_cast %get3A_205 : vector<16xf32> to vector<1x16xf32>
      tpu.vector_store %arg9[%swap3A, %swap3A_206], %swap3A_209 {strides = array<i32>} : memref<64x200xf32, #tpu.memory_space<vmem>>, vector<1x16xf32>,
      %mul3A_210 = arith.constant 200 : i32
      %mul3A_211 = arith.muli %scan3A_195, %mul3A_210 : i32
      %add3A_212 = arith.constant 0 : i32
      %add3A_213 = arith.addi %mul3A_211, %add3A_212 : i32
      %get3A_214 = arith.index_cast %add3A_213 : i32 to index
      %get3A_215 = tpu.vector_load %arg8[%get3A_214] {strides = array<i32>} : memref<12800xf32, #tpu.memory_space<vmem>>, vector<16xf32>,
      %get3A_216 = vector.shape_cast %get3A_215 : vector<16xf32> to vector<16xf32>
      %swap3A_217 = arith.index_cast %scan3A_195 : i32 to index
      %swap3A_218 = arith.constant 0 : index
      %swap3A_219 = tpu.vector_load %arg9[%swap3A_217, %swap3A_218] {strides = array<i32>} : memref<64x200xf32, #tpu.memory_space<vmem>>, vector<1x16xf32>,
      %swap3A_220 = vector.shape_cast %swap3A_219 : vector<1x16xf32> to vector<16xf32>
      %swap3A_221 = vector.shape_cast %get3A_216 : vector<16xf32> to vector<1x16xf32>
      tpu.vector_store %arg9[%swap3A_217, %swap3A_218], %swap3A_221 {strides = array<i32>} : memref<64x200xf32, #tpu.memory_space<vmem>>, vector<1x16xf32>,
      %mul3A_222 = arith.constant 200 : i32
      %mul3A_223 = arith.muli %scan3A_195, %mul3A_222 : i32
      %add3A_224 = arith.constant 16 : i32
      %add3A_225 = arith.addi %mul3A_223, %add3A_224 : i32
      %get3A_226 = arith.index_cast %add3A_225 : i32 to index
      %get3A_227 = tpu.vector_load %arg8[%get3A_226] {strides = array<i32>} : memref<12800xf32, #tpu.memory_space<vmem>>, vector<16xf32>,
      %get3A_228 = vector.shape_cast %get3A_227 : vector<16xf32> to vector<16xf32>
      %swap3A_229 = arith.index_cast %scan3A_195 : i32 to index
      %swap3A_230 = arith.constant 16 : index
      %swap3A_231 = tpu.vector_load %arg9[%swap3A_229, %swap3A_230] {strides = array<i32>} : memref<64x200xf32, #tpu.memory_space<vmem>>, vector<1x16xf32>,
      %swap3A_232 = vector.shape_cast %swap3A_231 : vector<1x16xf32> to vector<16xf32>
      %swap3A_233 = vector.shape_cast %get3A_228 : vector<16xf32> to vector<1x16xf32>
      tpu.vector_store %arg9[%swap3A_229, %swap3A_230], %swap3A_233 {strides = array<i32>} : memref<64x200xf32, #tpu.memory_space<vmem>>, vector<1x16xf32>,
      %mul3A_234 = arith.constant 200 : i32
      %mul3A_235 = arith.muli %scan3A_195, %mul3A_234 : i32
      %add3A_236 = arith.constant 32 : i32
      %add3A_237 = arith.addi %mul3A_235, %add3A_236 : i32
      %get3A_238 = arith.index_cast %add3A_237 : i32 to index
      %get3A_239 = tpu.vector_load %arg8[%get3A_238] {strides = array<i32>} : memref<12800xf32, #tpu.memory_space<vmem>>, vector<16xf32>,
      %get3A_240 = vector.shape_cast %get3A_239 : vector<16xf32> to vector<16xf32>
      %swap3A_241 = arith.index_cast %scan3A_195 : i32 to index
      %swap3A_242 = arith.constant 32 : index
      %swap3A_243 = tpu.vector_load %arg9[%swap3A_241, %swap3A_242] {strides = array<i32>} : memref<64x200xf32, #tpu.memory_space<vmem>>, vector<1x16xf32>,
      %swap3A_244 = vector.shape_cast %swap3A_243 : vector<1x16xf32> to vector<16xf32>
      %swap3A_245 = vector.shape_cast %get3A_240 : vector<16xf32> to vector<1x16xf32>
      tpu.vector_store %arg9[%swap3A_241, %swap3A_242], %swap3A_245 {strides = array<i32>} : memref<64x200xf32, #tpu.memory_space<vmem>>, vector<1x16xf32>,
      %mul3A_246 = arith.constant 200 : i32
      %mul3A_247 = arith.muli %scan3A_195, %mul3A_246 : i32
      %add3A_248 = arith.constant 48 : i32
      %add3A_249 = arith.addi %mul3A_247, %add3A_248 : i32
      %get3A_250 = arith.index_cast %add3A_249 : i32 to index
      %get3A_251 = tpu.vector_load %arg8[%get3A_250] {strides = array<i32>} : memref<12800xf32, #tpu.memory_space<vmem>>, vector<16xf32>,
      %get3A_252 = vector.shape_cast %get3A_251 : vector<16xf32> to vector<16xf32>
      %swap3A_253 = arith.index_cast %scan3A_195 : i32 to index
      %swap3A_254 = arith.constant 48 : index
      %swap3A_255 = tpu.vector_load %arg9[%swap3A_253, %swap3A_254] {strides = array<i32>} : memref<64x200xf32, #tpu.memory_space<vmem>>, vector<1x16xf32>,
      %swap3A_256 = vector.shape_cast %swap3A_255 : vector<1x16xf32> to vector<16xf32>
      %swap3A_257 = vector.shape_cast %get3A_252 : vector<16xf32> to vector<1x16xf32>
      tpu.vector_store %arg9[%swap3A_253, %swap3A_254], %swap3A_257 {strides = array<i32>} : memref<64x200xf32, #tpu.memory_space<vmem>>, vector<1x16xf32>,
      %mul3A_258 = arith.constant 200 : i32
      %mul3A_259 = arith.muli %scan3A_195, %mul3A_258 : i32
      %add3A_260 = arith.constant 64 : i32
      %add3A_261 = arith.addi %mul3A_259, %add3A_260 : i32
      %get3A_262 = arith.index_cast %add3A_261 : i32 to index
      %get3A_263 = tpu.vector_load %arg8[%get3A_262] {strides = array<i32>} : memref<12800xf32, #tpu.memory_space<vmem>>, vector<16xf32>,
      %get3A_264 = vector.shape_cast %get3A_263 : vector<16xf32> to vector<16xf32>
      %swap3A_265 = arith.index_cast %scan3A_195 : i32 to index
      %swap3A_266 = arith.constant 64 : index
      %swap3A_267 = tpu.vector_load %arg9[%swap3A_265, %swap3A_266] {strides = array<i32>} : memref<64x200xf32, #tpu.memory_space<vmem>>, vector<1x16xf32>,
      %swap3A_268 = vector.shape_cast %swap3A_267 : vector<1x16xf32> to vector<16xf32>
      %swap3A_269 = vector.shape_cast %get3A_264 : vector<16xf32> to vector<1x16xf32>
      tpu.vector_store %arg9[%swap3A_265, %swap3A_266], %swap3A_269 {strides = array<i32>} : memref<64x200xf32, #tpu.memory_space<vmem>>, vector<1x16xf32>,
      %mul3A_270 = arith.constant 200 : i32
      %mul3A_271 = arith.muli %scan3A_195, %mul3A_270 : i32
      %add3A_272 = arith.constant 80 : i32
      %add3A_273 = arith.addi %mul3A_271, %add3A_272 : i32
      %get3A_274 = arith.index_cast %add3A_273 : i32 to index
      %get3A_275 = tpu.vector_load %arg8[%get3A_274] {strides = array<i32>} : memref<12800xf32, #tpu.memory_space<vmem>>, vector<16xf32>,
      %get3A_276 = vector.shape_cast %get3A_275 : vector<16xf32> to vector<16xf32>
      %swap3A_277 = arith.index_cast %scan3A_195 : i32 to index
      %swap3A_278 = arith.constant 80 : index
      %swap3A_279 = tpu.vector_load %arg9[%swap3A_277, %swap3A_278] {strides = array<i32>} : memref<64x200xf32, #tpu.memory_space<vmem>>, vector<1x16xf32>,
      %swap3A_280 = vector.shape_cast %swap3A_279 : vector<1x16xf32> to vector<16xf32>
      %swap3A_281 = vector.shape_cast %get3A_276 : vector<16xf32> to vector<1x16xf32>
      tpu.vector_store %arg9[%swap3A_277, %swap3A_278], %swap3A_281 {strides = array<i32>} : memref<64x200xf32, #tpu.memory_space<vmem>>, vector<1x16xf32>,
      %mul3A_282 = arith.constant 200 : i32
      %mul3A_283 = arith.muli %scan3A_195, %mul3A_282 : i32
      %add3A_284 = arith.constant 96 : i32
      %add3A_285 = arith.addi %mul3A_283, %add3A_284 : i32
      %get3A_286 = arith.index_cast %add3A_285 : i32 to index
      %get3A_287 = tpu.vector_load %arg8[%get3A_286] {strides = array<i32>} : memref<12800xf32, #tpu.memory_space<vmem>>, vector<16xf32>,
      %get3A_288 = vector.shape_cast %get3A_287 : vector<16xf32> to vector<16xf32>
      %swap3A_289 = arith.index_cast %scan3A_195 : i32 to index
      %swap3A_290 = arith.constant 96 : index
      %swap3A_291 = tpu.vector_load %arg9[%swap3A_289, %swap3A_290] {strides = array<i32>} : memref<64x200xf32, #tpu.memory_space<vmem>>, vector<1x16xf32>,
      %swap3A_292 = vector.shape_cast %swap3A_291 : vector<1x16xf32> to vector<16xf32>
      %swap3A_293 = vector.shape_cast %get3A_288 : vector<16xf32> to vector<1x16xf32>
      tpu.vector_store %arg9[%swap3A_289, %swap3A_290], %swap3A_293 {strides = array<i32>} : memref<64x200xf32, #tpu.memory_space<vmem>>, vector<1x16xf32>,
      %mul3A_294 = arith.constant 200 : i32
      %mul3A_295 = arith.muli %scan3A_195, %mul3A_294 : i32
      %add3A_296 = arith.constant 112 : i32
      %add3A_297 = arith.addi %mul3A_295, %add3A_296 : i32
      %get3A_298 = arith.index_cast %add3A_297 : i32 to index
      %get3A_299 = tpu.vector_load %arg8[%get3A_298] {strides = array<i32>} : memref<12800xf32, #tpu.memory_space<vmem>>, vector<16xf32>,
      %get3A_300 = vector.shape_cast %get3A_299 : vector<16xf32> to vector<16xf32>
      %swap3A_301 = arith.index_cast %scan3A_195 : i32 to index
      %swap3A_302 = arith.constant 112 : index
      %swap3A_303 = tpu.vector_load %arg9[%swap3A_301, %swap3A_302] {strides = array<i32>} : memref<64x200xf32, #tpu.memory_space<vmem>>, vector<1x16xf32>,
      %swap3A_304 = vector.shape_cast %swap3A_303 : vector<1x16xf32> to vector<16xf32>
      %swap3A_305 = vector.shape_cast %get3A_300 : vector<16xf32> to vector<1x16xf32>
      tpu.vector_store %arg9[%swap3A_301, %swap3A_302], %swap3A_305 {strides = array<i32>} : memref<64x200xf32, #tpu.memory_space<vmem>>, vector<1x16xf32>,
      %mul3A_306 = arith.constant 200 : i32
      %mul3A_307 = arith.muli %scan3A_195, %mul3A_306 : i32
      %add3A_308 = arith.constant 128 : i32
      %add3A_309 = arith.addi %mul3A_307, %add3A_308 : i32
      %get3A_310 = arith.index_cast %add3A_309 : i32 to index
      %get3A_311 = tpu.vector_load %arg8[%get3A_310] {strides = array<i32>} : memref<12800xf32, #tpu.memory_space<vmem>>, vector<16xf32>,
      %get3A_312 = vector.shape_cast %get3A_311 : vector<16xf32> to vector<16xf32>
      %swap3A_313 = arith.index_cast %scan3A_195 : i32 to index
      %swap3A_314 = arith.constant 128 : index
      %swap3A_315 = tpu.vector_load %arg9[%swap3A_313, %swap3A_314] {strides = array<i32>} : memref<64x200xf32, #tpu.memory_space<vmem>>, vector<1x16xf32>,
      %swap3A_316 = vector.shape_cast %swap3A_315 : vector<1x16xf32> to vector<16xf32>
      %swap3A_317 = vector.shape_cast %get3A_312 : vector<16xf32> to vector<1x16xf32>
      tpu.vector_store %arg9[%swap3A_313, %swap3A_314], %swap3A_317 {strides = array<i32>} : memref<64x200xf32, #tpu.memory_space<vmem>>, vector<1x16xf32>,
      %mul3A_318 = arith.constant 200 : i32
      %mul3A_319 = arith.muli %scan3A_195, %mul3A_318 : i32
      %add3A_320 = arith.constant 144 : i32
      %add3A_321 = arith.addi %mul3A_319, %add3A_320 : i32
      %get3A_322 = arith.index_cast %add3A_321 : i32 to index
      %get3A_323 = tpu.vector_load %arg8[%get3A_322] {strides = array<i32>} : memref<12800xf32, #tpu.memory_space<vmem>>, vector<16xf32>,
      %get3A_324 = vector.shape_cast %get3A_323 : vector<16xf32> to vector<16xf32>
      %swap3A_325 = arith.index_cast %scan3A_195 : i32 to index
      %swap3A_326 = arith.constant 144 : index
      %swap3A_327 = tpu.vector_load %arg9[%swap3A_325, %swap3A_326] {strides = array<i32>} : memref<64x200xf32, #tpu.memory_space<vmem>>, vector<1x16xf32>,
      %swap3A_328 = vector.shape_cast %swap3A_327 : vector<1x16xf32> to vector<16xf32>
      %swap3A_329 = vector.shape_cast %get3A_324 : vector<16xf32> to vector<1x16xf32>
      tpu.vector_store %arg9[%swap3A_325, %swap3A_326], %swap3A_329 {strides = array<i32>} : memref<64x200xf32, #tpu.memory_space<vmem>>, vector<1x16xf32>,
      %mul3A_330 = arith.constant 200 : i32
      %mul3A_331 = arith.muli %scan3A_195, %mul3A_330 : i32
      %add3A_332 = arith.constant 160 : i32
      %add3A_333 = arith.addi %mul3A_331, %add3A_332 : i32
      %get3A_334 = arith.index_cast %add3A_333 : i32 to index
      %get3A_335 = tpu.vector_load %arg8[%get3A_334] {strides = array<i32>} : memref<12800xf32, #tpu.memory_space<vmem>>, vector<16xf32>,
      %get3A_336 = vector.shape_cast %get3A_335 : vector<16xf32> to vector<16xf32>
      %swap3A_337 = arith.index_cast %scan3A_195 : i32 to index
      %swap3A_338 = arith.constant 160 : index
      %swap3A_339 = tpu.vector_load %arg9[%swap3A_337, %swap3A_338] {strides = array<i32>} : memref<64x200xf32, #tpu.memory_space<vmem>>, vector<1x16xf32>,
      %swap3A_340 = vector.shape_cast %swap3A_339 : vector<1x16xf32> to vector<16xf32>
      %swap3A_341 = vector.shape_cast %get3A_336 : vector<16xf32> to vector<1x16xf32>
      tpu.vector_store %arg9[%swap3A_337, %swap3A_338], %swap3A_341 {strides = array<i32>} : memref<64x200xf32, #tpu.memory_space<vmem>>, vector<1x16xf32>,
      %mul3A_342 = arith.constant 200 : i32
      %mul3A_343 = arith.muli %scan3A_195, %mul3A_342 : i32
      %add3A_344 = arith.constant 176 : i32
      %add3A_345 = arith.addi %mul3A_343, %add3A_344 : i32
      %get3A_346 = arith.index_cast %add3A_345 : i32 to index
      %get3A_347 = tpu.vector_load %arg8[%get3A_346] {strides = array<i32>} : memref<12800xf32, #tpu.memory_space<vmem>>, vector<16xf32>,
      %get3A_348 = vector.shape_cast %get3A_347 : vector<16xf32> to vector<16xf32>
      %swap3A_349 = arith.index_cast %scan3A_195 : i32 to index
      %swap3A_350 = arith.constant 176 : index
      %swap3A_351 = tpu.vector_load %arg9[%swap3A_349, %swap3A_350] {strides = array<i32>} : memref<64x200xf32, #tpu.memory_space<vmem>>, vector<1x16xf32>,
      %swap3A_352 = vector.shape_cast %swap3A_351 : vector<1x16xf32> to vector<16xf32>
      %swap3A_353 = vector.shape_cast %get3A_348 : vector<16xf32> to vector<1x16xf32>
      tpu.vector_store %arg9[%swap3A_349, %swap3A_350], %swap3A_353 {strides = array<i32>} : memref<64x200xf32, #tpu.memory_space<vmem>>, vector<1x16xf32>,
    }
    %scan3A_54 = arith.constant 64 : i32
    "tpu.region"() ({
      %run_scoped3A = tpu.sem_alloc : memref<!tpu.dma_semaphore, #tpu.memory_space<semaphore_mem>>
      %dma_start3A_195 = arith.constant 0 : i32
      %dma_start3A_196 = tpu.memref_slice %arg4[%add3A_41, %dma_start3A_195] : memref<16384x200xf32, #tpu.memory_space<hbm>> -> memref<64x200xf32, #tpu.memory_space<hbm>>
      %dma_start3A_197 = arith.constant 0 : i32
      %dma_start3A_198 = tpu.memref_slice %arg4[%add3A_41, %dma_start3A_197] : memref<16384x200xf32, #tpu.memory_space<hbm>> -> memref<64x200xf32, #tpu.memory_space<hbm>>
      tpu.enqueue_dma source(%arg9 : memref<64x200xf32, #tpu.memory_space<vmem>>) target(%dma_start3A_198 : memref<64x200xf32, #tpu.memory_space<hbm>>) target_semaphore(%run_scoped3A : memref<!tpu.dma_semaphore, #tpu.memory_space<semaphore_mem>>)
      %dma_wait3A_199 = arith.constant 0 : i32
      %dma_wait3A_200 = tpu.memref_slice %arg4[%add3A_41, %dma_wait3A_199] : memref<16384x200xf32, #tpu.memory_space<hbm>> -> memref<64x200xf32, #tpu.memory_space<hbm>>
      %dma_wait3A_201 = arith.constant 0 : i32
      %dma_wait3A_202 = tpu.memref_slice %arg4[%add3A_41, %dma_wait3A_201] : memref<16384x200xf32, #tpu.memory_space<hbm>> -> memref<64x200xf32, #tpu.memory_space<hbm>>
      tpu.wait_dma2 semaphore(%run_scoped3A : memref<!tpu.dma_semaphore, #tpu.memory_space<semaphore_mem>>) src(%arg9 : memref<64x200xf32, #tpu.memory_space<vmem>>) dst(%dma_wait3A_202 : memref<64x200xf32, #tpu.memory_space<hbm>>)
      tpu.yield
    }) : () -> ()
    %mul3A_55 = arith.constant 512 : i32
    %mul3A_56 = arith.muli %add3A, %mul3A_55 : i32
    %add3A_57 = arith.constant 64 : i32
    %add3A_58 = arith.addi %mul3A_56, %add3A_57 : i32
    "tpu.region"() ({
      %run_scoped3A = tpu.sem_alloc : memref<!tpu.dma_semaphore, #tpu.memory_space<semaphore_mem>>
      %dma_start3A_195 = arith.constant 0 : i32
      %dma_start3A_196 = tpu.memref_slice %arg3[%add3A_58, %dma_start3A_195] : memref<16384x200xi32, #tpu.memory_space<hbm>> -> memref<64x200xi32, #tpu.memory_space<hbm>>
      %dma_start3A_197 = arith.constant 0 : i32
      %dma_start3A_198 = tpu.memref_slice %arg3[%add3A_58, %dma_start3A_197] : memref<16384x200xi32, #tpu.memory_space<hbm>> -> memref<64x200xi32, #tpu.memory_space<hbm>>
      tpu.enqueue_dma source(%dma_start3A_198 : memref<64x200xi32, #tpu.memory_space<hbm>>) target(%arg6 : memref<64x200xi32, #tpu.memory_space<vmem>>) target_semaphore(%run_scoped3A : memref<!tpu.dma_semaphore, #tpu.memory_space<semaphore_mem>>)
      %dma_wait3A_199 = arith.constant 0 : i32
      %dma_wait3A_200 = tpu.memref_slice %arg3[%add3A_58, %dma_wait3A_199] : memref<16384x200xi32, #tpu.memory_space<hbm>> -> memref<64x200xi32, #tpu.memory_space<hbm>>
      %dma_wait3A_201 = arith.constant 0 : i32
      %dma_wait3A_202 = tpu.memref_slice %arg3[%add3A_58, %dma_wait3A_201] : memref<16384x200xi32, #tpu.memory_space<hbm>> -> memref<64x200xi32, #tpu.memory_space<hbm>>
      tpu.wait_dma2 semaphore(%run_scoped3A : memref<!tpu.dma_semaphore, #tpu.memory_space<semaphore_mem>>) src(%dma_wait3A_202 : memref<64x200xi32, #tpu.memory_space<hbm>>) dst(%arg6 : memref<64x200xi32, #tpu.memory_space<vmem>>)
      tpu.yield
    }) : () -> ()
    %scan3A_59 = arith.constant 0 : i32
    %scan3A_60 = arith.constant 0 : i32
    %scan3A_61 = arith.constant 64 : i32
    %scan3A_62 = arith.addi %scan3A_60, %scan3A_61 : i32
    %scan3A_63 = arith.constant 1 : i32
    scf.for %scan3A_195 = %scan3A_60 to %scan3A_62 step %scan3A_63  : i32 {
      %get3A = arith.index_cast %scan3A_195 : i32 to index
      %get3A_196 = arith.constant 0 : index
      %get3A_197 = tpu.vector_load %arg6[%get3A, %get3A_196] {strides = array<i32>} : memref<64x200xi32, #tpu.memory_space<vmem>>, vector<1x16xi32>,
      %get3A_198 = vector.shape_cast %get3A_197 : vector<1x16xi32> to vector<16xi32>
      %mul3A_199 = arith.constant 200 : i32
      %mul3A_200 = arith.muli %scan3A_195, %mul3A_199 : i32
      %add3A_201 = arith.constant 0 : i32
      %add3A_202 = arith.addi %mul3A_200, %add3A_201 : i32
      %swap3A = arith.index_cast %add3A_202 : i32 to index
      %swap3A_203 = tpu.vector_load %arg7[%swap3A] {strides = array<i32>} : memref<12800xi32, #tpu.memory_space<vmem>>, vector<16xi32>,
      %swap3A_204 = vector.shape_cast %swap3A_203 : vector<16xi32> to vector<16xi32>
      %swap3A_205 = vector.shape_cast %get3A_198 : vector<16xi32> to vector<16xi32>
      tpu.vector_store %arg7[%swap3A], %swap3A_205 {strides = array<i32>} : memref<12800xi32, #tpu.memory_space<vmem>>, vector<16xi32>,
      %get3A_206 = arith.index_cast %scan3A_195 : i32 to index
      %get3A_207 = arith.constant 16 : index
      %get3A_208 = tpu.vector_load %arg6[%get3A_206, %get3A_207] {strides = array<i32>} : memref<64x200xi32, #tpu.memory_space<vmem>>, vector<1x16xi32>,
      %get3A_209 = vector.shape_cast %get3A_208 : vector<1x16xi32> to vector<16xi32>
      %mul3A_210 = arith.constant 200 : i32
      %mul3A_211 = arith.muli %scan3A_195, %mul3A_210 : i32
      %add3A_212 = arith.constant 16 : i32
      %add3A_213 = arith.addi %mul3A_211, %add3A_212 : i32
      %swap3A_214 = arith.index_cast %add3A_213 : i32 to index
      %swap3A_215 = tpu.vector_load %arg7[%swap3A_214] {strides = array<i32>} : memref<12800xi32, #tpu.memory_space<vmem>>, vector<16xi32>,
      %swap3A_216 = vector.shape_cast %swap3A_215 : vector<16xi32> to vector<16xi32>
      %swap3A_217 = vector.shape_cast %get3A_209 : vector<16xi32> to vector<16xi32>
      tpu.vector_store %arg7[%swap3A_214], %swap3A_217 {strides = array<i32>} : memref<12800xi32, #tpu.memory_space<vmem>>, vector<16xi32>,
      %get3A_218 = arith.index_cast %scan3A_195 : i32 to index
      %get3A_219 = arith.constant 32 : index
      %get3A_220 = tpu.vector_load %arg6[%get3A_218, %get3A_219] {strides = array<i32>} : memref<64x200xi32, #tpu.memory_space<vmem>>, vector<1x16xi32>,
      %get3A_221 = vector.shape_cast %get3A_220 : vector<1x16xi32> to vector<16xi32>
      %mul3A_222 = arith.constant 200 : i32
      %mul3A_223 = arith.muli %scan3A_195, %mul3A_222 : i32
      %add3A_224 = arith.constant 32 : i32
      %add3A_225 = arith.addi %mul3A_223, %add3A_224 : i32
      %swap3A_226 = arith.index_cast %add3A_225 : i32 to index
      %swap3A_227 = tpu.vector_load %arg7[%swap3A_226] {strides = array<i32>} : memref<12800xi32, #tpu.memory_space<vmem>>, vector<16xi32>,
      %swap3A_228 = vector.shape_cast %swap3A_227 : vector<16xi32> to vector<16xi32>
      %swap3A_229 = vector.shape_cast %get3A_221 : vector<16xi32> to vector<16xi32>
      tpu.vector_store %arg7[%swap3A_226], %swap3A_229 {strides = array<i32>} : memref<12800xi32, #tpu.memory_space<vmem>>, vector<16xi32>,
      %get3A_230 = arith.index_cast %scan3A_195 : i32 to index
      %get3A_231 = arith.constant 48 : index
      %get3A_232 = tpu.vector_load %arg6[%get3A_230, %get3A_231] {strides = array<i32>} : memref<64x200xi32, #tpu.memory_space<vmem>>, vector<1x16xi32>,
      %get3A_233 = vector.shape_cast %get3A_232 : vector<1x16xi32> to vector<16xi32>
      %mul3A_234 = arith.constant 200 : i32
      %mul3A_235 = arith.muli %scan3A_195, %mul3A_234 : i32
      %add3A_236 = arith.constant 48 : i32
      %add3A_237 = arith.addi %mul3A_235, %add3A_236 : i32
      %swap3A_238 = arith.index_cast %add3A_237 : i32 to index
      %swap3A_239 = tpu.vector_load %arg7[%swap3A_238] {strides = array<i32>} : memref<12800xi32, #tpu.memory_space<vmem>>, vector<16xi32>,
      %swap3A_240 = vector.shape_cast %swap3A_239 : vector<16xi32> to vector<16xi32>
      %swap3A_241 = vector.shape_cast %get3A_233 : vector<16xi32> to vector<16xi32>
      tpu.vector_store %arg7[%swap3A_238], %swap3A_241 {strides = array<i32>} : memref<12800xi32, #tpu.memory_space<vmem>>, vector<16xi32>,
      %get3A_242 = arith.index_cast %scan3A_195 : i32 to index
      %get3A_243 = arith.constant 64 : index
      %get3A_244 = tpu.vector_load %arg6[%get3A_242, %get3A_243] {strides = array<i32>} : memref<64x200xi32, #tpu.memory_space<vmem>>, vector<1x16xi32>,
      %get3A_245 = vector.shape_cast %get3A_244 : vector<1x16xi32> to vector<16xi32>
      %mul3A_246 = arith.constant 200 : i32
      %mul3A_247 = arith.muli %scan3A_195, %mul3A_246 : i32
      %add3A_248 = arith.constant 64 : i32
      %add3A_249 = arith.addi %mul3A_247, %add3A_248 : i32
      %swap3A_250 = arith.index_cast %add3A_249 : i32 to index
      %swap3A_251 = tpu.vector_load %arg7[%swap3A_250] {strides = array<i32>} : memref<12800xi32, #tpu.memory_space<vmem>>, vector<16xi32>,
      %swap3A_252 = vector.shape_cast %swap3A_251 : vector<16xi32> to vector<16xi32>
      %swap3A_253 = vector.shape_cast %get3A_245 : vector<16xi32> to vector<16xi32>
      tpu.vector_store %arg7[%swap3A_250], %swap3A_253 {strides = array<i32>} : memref<12800xi32, #tpu.memory_space<vmem>>, vector<16xi32>,
      %get3A_254 = arith.index_cast %scan3A_195 : i32 to index
      %get3A_255 = arith.constant 80 : index
      %get3A_256 = tpu.vector_load %arg6[%get3A_254, %get3A_255] {strides = array<i32>} : memref<64x200xi32, #tpu.memory_space<vmem>>, vector<1x16xi32>,
      %get3A_257 = vector.shape_cast %get3A_256 : vector<1x16xi32> to vector<16xi32>
      %mul3A_258 = arith.constant 200 : i32
      %mul3A_259 = arith.muli %scan3A_195, %mul3A_258 : i32
      %add3A_260 = arith.constant 80 : i32
      %add3A_261 = arith.addi %mul3A_259, %add3A_260 : i32
      %swap3A_262 = arith.index_cast %add3A_261 : i32 to index
      %swap3A_263 = tpu.vector_load %arg7[%swap3A_262] {strides = array<i32>} : memref<12800xi32, #tpu.memory_space<vmem>>, vector<16xi32>,
      %swap3A_264 = vector.shape_cast %swap3A_263 : vector<16xi32> to vector<16xi32>
      %swap3A_265 = vector.shape_cast %get3A_257 : vector<16xi32> to vector<16xi32>
      tpu.vector_store %arg7[%swap3A_262], %swap3A_265 {strides = array<i32>} : memref<12800xi32, #tpu.memory_space<vmem>>, vector<16xi32>,
      %get3A_266 = arith.index_cast %scan3A_195 : i32 to index
      %get3A_267 = arith.constant 96 : index
      %get3A_268 = tpu.vector_load %arg6[%get3A_266, %get3A_267] {strides = array<i32>} : memref<64x200xi32, #tpu.memory_space<vmem>>, vector<1x16xi32>,
      %get3A_269 = vector.shape_cast %get3A_268 : vector<1x16xi32> to vector<16xi32>
      %mul3A_270 = arith.constant 200 : i32
      %mul3A_271 = arith.muli %scan3A_195, %mul3A_270 : i32
      %add3A_272 = arith.constant 96 : i32
      %add3A_273 = arith.addi %mul3A_271, %add3A_272 : i32
      %swap3A_274 = arith.index_cast %add3A_273 : i32 to index
      %swap3A_275 = tpu.vector_load %arg7[%swap3A_274] {strides = array<i32>} : memref<12800xi32, #tpu.memory_space<vmem>>, vector<16xi32>,
      %swap3A_276 = vector.shape_cast %swap3A_275 : vector<16xi32> to vector<16xi32>
      %swap3A_277 = vector.shape_cast %get3A_269 : vector<16xi32> to vector<16xi32>
      tpu.vector_store %arg7[%swap3A_274], %swap3A_277 {strides = array<i32>} : memref<12800xi32, #tpu.memory_space<vmem>>, vector<16xi32>,
      %get3A_278 = arith.index_cast %scan3A_195 : i32 to index
      %get3A_279 = arith.constant 112 : index
      %get3A_280 = tpu.vector_load %arg6[%get3A_278, %get3A_279] {strides = array<i32>} : memref<64x200xi32, #tpu.memory_space<vmem>>, vector<1x16xi32>,
      %get3A_281 = vector.shape_cast %get3A_280 : vector<1x16xi32> to vector<16xi32>
      %mul3A_282 = arith.constant 200 : i32
      %mul3A_283 = arith.muli %scan3A_195, %mul3A_282 : i32
      %add3A_284 = arith.constant 112 : i32
      %add3A_285 = arith.addi %mul3A_283, %add3A_284 : i32
      %swap3A_286 = arith.index_cast %add3A_285 : i32 to index
      %swap3A_287 = tpu.vector_load %arg7[%swap3A_286] {strides = array<i32>} : memref<12800xi32, #tpu.memory_space<vmem>>, vector<16xi32>,
      %swap3A_288 = vector.shape_cast %swap3A_287 : vector<16xi32> to vector<16xi32>
      %swap3A_289 = vector.shape_cast %get3A_281 : vector<16xi32> to vector<16xi32>
      tpu.vector_store %arg7[%swap3A_286], %swap3A_289 {strides = array<i32>} : memref<12800xi32, #tpu.memory_space<vmem>>, vector<16xi32>,
      %get3A_290 = arith.index_cast %scan3A_195 : i32 to index
      %get3A_291 = arith.constant 128 : index
      %get3A_292 = tpu.vector_load %arg6[%get3A_290, %get3A_291] {strides = array<i32>} : memref<64x200xi32, #tpu.memory_space<vmem>>, vector<1x16xi32>,
      %get3A_293 = vector.shape_cast %get3A_292 : vector<1x16xi32> to vector<16xi32>
      %mul3A_294 = arith.constant 200 : i32
      %mul3A_295 = arith.muli %scan3A_195, %mul3A_294 : i32
      %add3A_296 = arith.constant 128 : i32
      %add3A_297 = arith.addi %mul3A_295, %add3A_296 : i32
      %swap3A_298 = arith.index_cast %add3A_297 : i32 to index
      %swap3A_299 = tpu.vector_load %arg7[%swap3A_298] {strides = array<i32>} : memref<12800xi32, #tpu.memory_space<vmem>>, vector<16xi32>,
      %swap3A_300 = vector.shape_cast %swap3A_299 : vector<16xi32> to vector<16xi32>
      %swap3A_301 = vector.shape_cast %get3A_293 : vector<16xi32> to vector<16xi32>
      tpu.vector_store %arg7[%swap3A_298], %swap3A_301 {strides = array<i32>} : memref<12800xi32, #tpu.memory_space<vmem>>, vector<16xi32>,
      %get3A_302 = arith.index_cast %scan3A_195 : i32 to index
      %get3A_303 = arith.constant 144 : index
      %get3A_304 = tpu.vector_load %arg6[%get3A_302, %get3A_303] {strides = array<i32>} : memref<64x200xi32, #tpu.memory_space<vmem>>, vector<1x16xi32>,
      %get3A_305 = vector.shape_cast %get3A_304 : vector<1x16xi32> to vector<16xi32>
      %mul3A_306 = arith.constant 200 : i32
      %mul3A_307 = arith.muli %scan3A_195, %mul3A_306 : i32
      %add3A_308 = arith.constant 144 : i32
      %add3A_309 = arith.addi %mul3A_307, %add3A_308 : i32
      %swap3A_310 = arith.index_cast %add3A_309 : i32 to index
      %swap3A_311 = tpu.vector_load %arg7[%swap3A_310] {strides = array<i32>} : memref<12800xi32, #tpu.memory_space<vmem>>, vector<16xi32>,
      %swap3A_312 = vector.shape_cast %swap3A_311 : vector<16xi32> to vector<16xi32>
      %swap3A_313 = vector.shape_cast %get3A_305 : vector<16xi32> to vector<16xi32>
      tpu.vector_store %arg7[%swap3A_310], %swap3A_313 {strides = array<i32>} : memref<12800xi32, #tpu.memory_space<vmem>>, vector<16xi32>,
      %get3A_314 = arith.index_cast %scan3A_195 : i32 to index
      %get3A_315 = arith.constant 160 : index
      %get3A_316 = tpu.vector_load %arg6[%get3A_314, %get3A_315] {strides = array<i32>} : memref<64x200xi32, #tpu.memory_space<vmem>>, vector<1x16xi32>,
      %get3A_317 = vector.shape_cast %get3A_316 : vector<1x16xi32> to vector<16xi32>
      %mul3A_318 = arith.constant 200 : i32
      %mul3A_319 = arith.muli %scan3A_195, %mul3A_318 : i32
      %add3A_320 = arith.constant 160 : i32
      %add3A_321 = arith.addi %mul3A_319, %add3A_320 : i32
      %swap3A_322 = arith.index_cast %add3A_321 : i32 to index
      %swap3A_323 = tpu.vector_load %arg7[%swap3A_322] {strides = array<i32>} : memref<12800xi32, #tpu.memory_space<vmem>>, vector<16xi32>,
      %swap3A_324 = vector.shape_cast %swap3A_323 : vector<16xi32> to vector<16xi32>
      %swap3A_325 = vector.shape_cast %get3A_317 : vector<16xi32> to vector<16xi32>
      tpu.vector_store %arg7[%swap3A_322], %swap3A_325 {strides = array<i32>} : memref<12800xi32, #tpu.memory_space<vmem>>, vector<16xi32>,
      %get3A_326 = arith.index_cast %scan3A_195 : i32 to index
      %get3A_327 = arith.constant 176 : index
      %get3A_328 = tpu.vector_load %arg6[%get3A_326, %get3A_327] {strides = array<i32>} : memref<64x200xi32, #tpu.memory_space<vmem>>, vector<1x16xi32>,
      %get3A_329 = vector.shape_cast %get3A_328 : vector<1x16xi32> to vector<16xi32>
      %mul3A_330 = arith.constant 200 : i32
      %mul3A_331 = arith.muli %scan3A_195, %mul3A_330 : i32
      %add3A_332 = arith.constant 176 : i32
      %add3A_333 = arith.addi %mul3A_331, %add3A_332 : i32
      %swap3A_334 = arith.index_cast %add3A_333 : i32 to index
      %swap3A_335 = tpu.vector_load %arg7[%swap3A_334] {strides = array<i32>} : memref<12800xi32, #tpu.memory_space<vmem>>, vector<16xi32>,
      %swap3A_336 = vector.shape_cast %swap3A_335 : vector<16xi32> to vector<16xi32>
      %swap3A_337 = vector.shape_cast %get3A_329 : vector<16xi32> to vector<16xi32>
      tpu.vector_store %arg7[%swap3A_334], %swap3A_337 {strides = array<i32>} : memref<12800xi32, #tpu.memory_space<vmem>>, vector<16xi32>,
      %mul3A_338 = arith.constant 0 : i32
      %mul3A_339 = arith.muli %scan3A_195, %mul3A_338 : i32
      %add3A_340 = arith.constant 184 : i32
      %add3A_341 = arith.addi %mul3A_339, %add3A_340 : i32
      %get3A_342 = arith.index_cast %scan3A_195 : i32 to index
      %get3A_343 = arith.index_cast %add3A_341 : i32 to index
      %get3A_344 = tpu.vector_load %arg6[%get3A_342, %get3A_343] {strides = array<i32>} : memref<64x200xi32, #tpu.memory_space<vmem>>, vector<1x16xi32>,
      %get3A_345 = vector.shape_cast %get3A_344 : vector<1x16xi32> to vector<16xi32>
      %mul3A_346 = arith.constant 200 : i32
      %mul3A_347 = arith.muli %scan3A_195, %mul3A_346 : i32
      %add3A_348 = arith.constant 184 : i32
      %add3A_349 = arith.addi %mul3A_347, %add3A_348 : i32
      %swap3A_350 = arith.index_cast %add3A_349 : i32 to index
      %swap3A_351 = tpu.vector_load %arg7[%swap3A_350] {strides = array<i32>} : memref<12800xi32, #tpu.memory_space<vmem>>, vector<16xi32>,
      %swap3A_352 = vector.shape_cast %swap3A_351 : vector<16xi32> to vector<16xi32>
      %swap3A_353 = vector.shape_cast %get3A_345 : vector<16xi32> to vector<16xi32>
      tpu.vector_store %arg7[%swap3A_350], %swap3A_353 {strides = array<i32>} : memref<12800xi32, #tpu.memory_space<vmem>>, vector<16xi32>,
    }
    %scan3A_64 = arith.constant 64 : i32
    %dma_start3A_65 = arith.constant 0 : i32
    %dma_start3A_66 = tpu.memref_slice %arg5[%dma_start3A_65] : memref<1048576xf32, #tpu.memory_space<vmem_shared>> -> memref<1048576xf32, #tpu.memory_space<vmem_shared>>
    tpu.enqueue_indirect_dma source(%dma_start3A_66 : memref<1048576xf32, #tpu.memory_space<vmem_shared>>) target(%arg8 : memref<12800xf32, #tpu.memory_space<vmem>>) offsets(%arg7 : memref<12800xi32, #tpu.memory_space<vmem>>) semaphore(%arg10 : memref<!tpu.dma_semaphore, #tpu.memory_space<semaphore_mem>>)
    %dma_wait3A_67 = arith.constant 0 : i32
    %dma_wait3A_68 = tpu.memref_slice %arg5[%dma_wait3A_67] : memref<1048576xf32, #tpu.memory_space<vmem_shared>> -> memref<1048576xf32, #tpu.memory_space<vmem_shared>>
    tpu.wait_indirect_dma semaphore(%arg10 : memref<!tpu.dma_semaphore, #tpu.memory_space<semaphore_mem>>) src(%dma_wait3A_68 : memref<1048576xf32, #tpu.memory_space<vmem_shared>>) dst(%arg8 : memref<12800xf32, #tpu.memory_space<vmem>>)
    %scan3A_69 = arith.constant 0 : i32
    %scan3A_70 = arith.constant 0 : i32
    %scan3A_71 = arith.constant 64 : i32
    %scan3A_72 = arith.addi %scan3A_70, %scan3A_71 : i32
    %scan3A_73 = arith.constant 1 : i32
    scf.for %scan3A_195 = %scan3A_70 to %scan3A_72 step %scan3A_73  : i32 {
      %mul3A_196 = arith.constant 0 : i32
      %mul3A_197 = arith.muli %scan3A_195, %mul3A_196 : i32
      %add3A_198 = arith.constant 184 : i32
      %add3A_199 = arith.addi %mul3A_197, %add3A_198 : i32
      %mul3A_200 = arith.constant 200 : i32
      %mul3A_201 = arith.muli %scan3A_195, %mul3A_200 : i32
      %add3A_202 = arith.constant 184 : i32
      %add3A_203 = arith.addi %mul3A_201, %add3A_202 : i32
      %get3A = arith.index_cast %add3A_203 : i32 to index
      %get3A_204 = tpu.vector_load %arg8[%get3A] {strides = array<i32>} : memref<12800xf32, #tpu.memory_space<vmem>>, vector<16xf32>,
      %get3A_205 = vector.shape_cast %get3A_204 : vector<16xf32> to vector<16xf32>
      %swap3A = arith.index_cast %scan3A_195 : i32 to index
      %swap3A_206 = arith.index_cast %add3A_199 : i32 to index
      %swap3A_207 = tpu.vector_load %arg9[%swap3A, %swap3A_206] {strides = array<i32>} : memref<64x200xf32, #tpu.memory_space<vmem>>, vector<1x16xf32>,
      %swap3A_208 = vector.shape_cast %swap3A_207 : vector<1x16xf32> to vector<16xf32>
      %swap3A_209 = vector.shape_cast %get3A_205 : vector<16xf32> to vector<1x16xf32>
      tpu.vector_store %arg9[%swap3A, %swap3A_206], %swap3A_209 {strides = array<i32>} : memref<64x200xf32, #tpu.memory_space<vmem>>, vector<1x16xf32>,
      %mul3A_210 = arith.constant 200 : i32
      %mul3A_211 = arith.muli %scan3A_195, %mul3A_210 : i32
      %add3A_212 = arith.constant 0 : i32
      %add3A_213 = arith.addi %mul3A_211, %add3A_212 : i32
      %get3A_214 = arith.index_cast %add3A_213 : i32 to index
      %get3A_215 = tpu.vector_load %arg8[%get3A_214] {strides = array<i32>} : memref<12800xf32, #tpu.memory_space<vmem>>, vector<16xf32>,
      %get3A_216 = vector.shape_cast %get3A_215 : vector<16xf32> to vector<16xf32>
      %swap3A_217 = arith.index_cast %scan3A_195 : i32 to index
      %swap3A_218 = arith.constant 0 : index
      %swap3A_219 = tpu.vector_load %arg9[%swap3A_217, %swap3A_218] {strides = array<i32>} : memref<64x200xf32, #tpu.memory_space<vmem>>, vector<1x16xf32>,
      %swap3A_220 = vector.shape_cast %swap3A_219 : vector<1x16xf32> to vector<16xf32>
      %swap3A_221 = vector.shape_cast %get3A_216 : vector<16xf32> to vector<1x16xf32>
      tpu.vector_store %arg9[%swap3A_217, %swap3A_218], %swap3A_221 {strides = array<i32>} : memref<64x200xf32, #tpu.memory_space<vmem>>, vector<1x16xf32>,
      %mul3A_222 = arith.constant 200 : i32
      %mul3A_223 = arith.muli %scan3A_195, %mul3A_222 : i32
      %add3A_224 = arith.constant 16 : i32
      %add3A_225 = arith.addi %mul3A_223, %add3A_224 : i32
      %get3A_226 = arith.index_cast %add3A_225 : i32 to index
      %get3A_227 = tpu.vector_load %arg8[%get3A_226] {strides = array<i32>} : memref<12800xf32, #tpu.memory_space<vmem>>, vector<16xf32>,
      %get3A_228 = vector.shape_cast %get3A_227 : vector<16xf32> to vector<16xf32>
      %swap3A_229 = arith.index_cast %scan3A_195 : i32 to index
      %swap3A_230 = arith.constant 16 : index
      %swap3A_231 = tpu.vector_load %arg9[%swap3A_229, %swap3A_230] {strides = array<i32>} : memref<64x200xf32, #tpu.memory_space<vmem>>, vector<1x16xf32>,
      %swap3A_232 = vector.shape_cast %swap3A_231 : vector<1x16xf32> to vector<16xf32>
      %swap3A_233 = vector.shape_cast %get3A_228 : vector<16xf32> to vector<1x16xf32>
      tpu.vector_store %arg9[%swap3A_229, %swap3A_230], %swap3A_233 {strides = array<i32>} : memref<64x200xf32, #tpu.memory_space<vmem>>, vector<1x16xf32>,
      %mul3A_234 = arith.constant 200 : i32
      %mul3A_235 = arith.muli %scan3A_195, %mul3A_234 : i32
      %add3A_236 = arith.constant 32 : i32
      %add3A_237 = arith.addi %mul3A_235, %add3A_236 : i32
      %get3A_238 = arith.index_cast %add3A_237 : i32 to index
      %get3A_239 = tpu.vector_load %arg8[%get3A_238] {strides = array<i32>} : memref<12800xf32, #tpu.memory_space<vmem>>, vector<16xf32>,
      %get3A_240 = vector.shape_cast %get3A_239 : vector<16xf32> to vector<16xf32>
      %swap3A_241 = arith.index_cast %scan3A_195 : i32 to index
      %swap3A_242 = arith.constant 32 : index
      %swap3A_243 = tpu.vector_load %arg9[%swap3A_241, %swap3A_242] {strides = array<i32>} : memref<64x200xf32, #tpu.memory_space<vmem>>, vector<1x16xf32>,
      %swap3A_244 = vector.shape_cast %swap3A_243 : vector<1x16xf32> to vector<16xf32>
      %swap3A_245 = vector.shape_cast %get3A_240 : vector<16xf32> to vector<1x16xf32>
      tpu.vector_store %arg9[%swap3A_241, %swap3A_242], %swap3A_245 {strides = array<i32>} : memref<64x200xf32, #tpu.memory_space<vmem>>, vector<1x16xf32>,
      %mul3A_246 = arith.constant 200 : i32
      %mul3A_247 = arith.muli %scan3A_195, %mul3A_246 : i32
      %add3A_248 = arith.constant 48 : i32
      %add3A_249 = arith.addi %mul3A_247, %add3A_248 : i32
      %get3A_250 = arith.index_cast %add3A_249 : i32 to index
      %get3A_251 = tpu.vector_load %arg8[%get3A_250] {strides = array<i32>} : memref<12800xf32, #tpu.memory_space<vmem>>, vector<16xf32>,
      %get3A_252 = vector.shape_cast %get3A_251 : vector<16xf32> to vector<16xf32>
      %swap3A_253 = arith.index_cast %scan3A_195 : i32 to index
      %swap3A_254 = arith.constant 48 : index
      %swap3A_255 = tpu.vector_load %arg9[%swap3A_253, %swap3A_254] {strides = array<i32>} : memref<64x200xf32, #tpu.memory_space<vmem>>, vector<1x16xf32>,
      %swap3A_256 = vector.shape_cast %swap3A_255 : vector<1x16xf32> to vector<16xf32>
      %swap3A_257 = vector.shape_cast %get3A_252 : vector<16xf32> to vector<1x16xf32>
      tpu.vector_store %arg9[%swap3A_253, %swap3A_254], %swap3A_257 {strides = array<i32>} : memref<64x200xf32, #tpu.memory_space<vmem>>, vector<1x16xf32>,
      %mul3A_258 = arith.constant 200 : i32
      %mul3A_259 = arith.muli %scan3A_195, %mul3A_258 : i32
      %add3A_260 = arith.constant 64 : i32
      %add3A_261 = arith.addi %mul3A_259, %add3A_260 : i32
      %get3A_262 = arith.index_cast %add3A_261 : i32 to index
      %get3A_263 = tpu.vector_load %arg8[%get3A_262] {strides = array<i32>} : memref<12800xf32, #tpu.memory_space<vmem>>, vector<16xf32>,
      %get3A_264 = vector.shape_cast %get3A_263 : vector<16xf32> to vector<16xf32>
      %swap3A_265 = arith.index_cast %scan3A_195 : i32 to index
      %swap3A_266 = arith.constant 64 : index
      %swap3A_267 = tpu.vector_load %arg9[%swap3A_265, %swap3A_266] {strides = array<i32>} : memref<64x200xf32, #tpu.memory_space<vmem>>, vector<1x16xf32>,
      %swap3A_268 = vector.shape_cast %swap3A_267 : vector<1x16xf32> to vector<16xf32>
      %swap3A_269 = vector.shape_cast %get3A_264 : vector<16xf32> to vector<1x16xf32>
      tpu.vector_store %arg9[%swap3A_265, %swap3A_266], %swap3A_269 {strides = array<i32>} : memref<64x200xf32, #tpu.memory_space<vmem>>, vector<1x16xf32>,
      %mul3A_270 = arith.constant 200 : i32
      %mul3A_271 = arith.muli %scan3A_195, %mul3A_270 : i32
      %add3A_272 = arith.constant 80 : i32
      %add3A_273 = arith.addi %mul3A_271, %add3A_272 : i32
      %get3A_274 = arith.index_cast %add3A_273 : i32 to index
      %get3A_275 = tpu.vector_load %arg8[%get3A_274] {strides = array<i32>} : memref<12800xf32, #tpu.memory_space<vmem>>, vector<16xf32>,
      %get3A_276 = vector.shape_cast %get3A_275 : vector<16xf32> to vector<16xf32>
      %swap3A_277 = arith.index_cast %scan3A_195 : i32 to index
      %swap3A_278 = arith.constant 80 : index
      %swap3A_279 = tpu.vector_load %arg9[%swap3A_277, %swap3A_278] {strides = array<i32>} : memref<64x200xf32, #tpu.memory_space<vmem>>, vector<1x16xf32>,
      %swap3A_280 = vector.shape_cast %swap3A_279 : vector<1x16xf32> to vector<16xf32>
      %swap3A_281 = vector.shape_cast %get3A_276 : vector<16xf32> to vector<1x16xf32>
      tpu.vector_store %arg9[%swap3A_277, %swap3A_278], %swap3A_281 {strides = array<i32>} : memref<64x200xf32, #tpu.memory_space<vmem>>, vector<1x16xf32>,
      %mul3A_282 = arith.constant 200 : i32
      %mul3A_283 = arith.muli %scan3A_195, %mul3A_282 : i32
      %add3A_284 = arith.constant 96 : i32
      %add3A_285 = arith.addi %mul3A_283, %add3A_284 : i32
      %get3A_286 = arith.index_cast %add3A_285 : i32 to index
      %get3A_287 = tpu.vector_load %arg8[%get3A_286] {strides = array<i32>} : memref<12800xf32, #tpu.memory_space<vmem>>, vector<16xf32>,
      %get3A_288 = vector.shape_cast %get3A_287 : vector<16xf32> to vector<16xf32>
      %swap3A_289 = arith.index_cast %scan3A_195 : i32 to index
      %swap3A_290 = arith.constant 96 : index
      %swap3A_291 = tpu.vector_load %arg9[%swap3A_289, %swap3A_290] {strides = array<i32>} : memref<64x200xf32, #tpu.memory_space<vmem>>, vector<1x16xf32>,
      %swap3A_292 = vector.shape_cast %swap3A_291 : vector<1x16xf32> to vector<16xf32>
      %swap3A_293 = vector.shape_cast %get3A_288 : vector<16xf32> to vector<1x16xf32>
      tpu.vector_store %arg9[%swap3A_289, %swap3A_290], %swap3A_293 {strides = array<i32>} : memref<64x200xf32, #tpu.memory_space<vmem>>, vector<1x16xf32>,
      %mul3A_294 = arith.constant 200 : i32
      %mul3A_295 = arith.muli %scan3A_195, %mul3A_294 : i32
      %add3A_296 = arith.constant 112 : i32
      %add3A_297 = arith.addi %mul3A_295, %add3A_296 : i32
      %get3A_298 = arith.index_cast %add3A_297 : i32 to index
      %get3A_299 = tpu.vector_load %arg8[%get3A_298] {strides = array<i32>} : memref<12800xf32, #tpu.memory_space<vmem>>, vector<16xf32>,
      %get3A_300 = vector.shape_cast %get3A_299 : vector<16xf32> to vector<16xf32>
      %swap3A_301 = arith.index_cast %scan3A_195 : i32 to index
      %swap3A_302 = arith.constant 112 : index
      %swap3A_303 = tpu.vector_load %arg9[%swap3A_301, %swap3A_302] {strides = array<i32>} : memref<64x200xf32, #tpu.memory_space<vmem>>, vector<1x16xf32>,
      %swap3A_304 = vector.shape_cast %swap3A_303 : vector<1x16xf32> to vector<16xf32>
      %swap3A_305 = vector.shape_cast %get3A_300 : vector<16xf32> to vector<1x16xf32>
      tpu.vector_store %arg9[%swap3A_301, %swap3A_302], %swap3A_305 {strides = array<i32>} : memref<64x200xf32, #tpu.memory_space<vmem>>, vector<1x16xf32>,
      %mul3A_306 = arith.constant 200 : i32
      %mul3A_307 = arith.muli %scan3A_195, %mul3A_306 : i32
      %add3A_308 = arith.constant 128 : i32
      %add3A_309 = arith.addi %mul3A_307, %add3A_308 : i32
      %get3A_310 = arith.index_cast %add3A_309 : i32 to index
      %get3A_311 = tpu.vector_load %arg8[%get3A_310] {strides = array<i32>} : memref<12800xf32, #tpu.memory_space<vmem>>, vector<16xf32>,
      %get3A_312 = vector.shape_cast %get3A_311 : vector<16xf32> to vector<16xf32>
      %swap3A_313 = arith.index_cast %scan3A_195 : i32 to index
      %swap3A_314 = arith.constant 128 : index
      %swap3A_315 = tpu.vector_load %arg9[%swap3A_313, %swap3A_314] {strides = array<i32>} : memref<64x200xf32, #tpu.memory_space<vmem>>, vector<1x16xf32>,
      %swap3A_316 = vector.shape_cast %swap3A_315 : vector<1x16xf32> to vector<16xf32>
      %swap3A_317 = vector.shape_cast %get3A_312 : vector<16xf32> to vector<1x16xf32>
      tpu.vector_store %arg9[%swap3A_313, %swap3A_314], %swap3A_317 {strides = array<i32>} : memref<64x200xf32, #tpu.memory_space<vmem>>, vector<1x16xf32>,
      %mul3A_318 = arith.constant 200 : i32
      %mul3A_319 = arith.muli %scan3A_195, %mul3A_318 : i32
      %add3A_320 = arith.constant 144 : i32
      %add3A_321 = arith.addi %mul3A_319, %add3A_320 : i32
      %get3A_322 = arith.index_cast %add3A_321 : i32 to index
      %get3A_323 = tpu.vector_load %arg8[%get3A_322] {strides = array<i32>} : memref<12800xf32, #tpu.memory_space<vmem>>, vector<16xf32>,
      %get3A_324 = vector.shape_cast %get3A_323 : vector<16xf32> to vector<16xf32>
      %swap3A_325 = arith.index_cast %scan3A_195 : i32 to index
      %swap3A_326 = arith.constant 144 : index
      %swap3A_327 = tpu.vector_load %arg9[%swap3A_325, %swap3A_326] {strides = array<i32>} : memref<64x200xf32, #tpu.memory_space<vmem>>, vector<1x16xf32>,
      %swap3A_328 = vector.shape_cast %swap3A_327 : vector<1x16xf32> to vector<16xf32>
      %swap3A_329 = vector.shape_cast %get3A_324 : vector<16xf32> to vector<1x16xf32>
      tpu.vector_store %arg9[%swap3A_325, %swap3A_326], %swap3A_329 {strides = array<i32>} : memref<64x200xf32, #tpu.memory_space<vmem>>, vector<1x16xf32>,
      %mul3A_330 = arith.constant 200 : i32
      %mul3A_331 = arith.muli %scan3A_195, %mul3A_330 : i32
      %add3A_332 = arith.constant 160 : i32
      %add3A_333 = arith.addi %mul3A_331, %add3A_332 : i32
      %get3A_334 = arith.index_cast %add3A_333 : i32 to index
      %get3A_335 = tpu.vector_load %arg8[%get3A_334] {strides = array<i32>} : memref<12800xf32, #tpu.memory_space<vmem>>, vector<16xf32>,
      %get3A_336 = vector.shape_cast %get3A_335 : vector<16xf32> to vector<16xf32>
      %swap3A_337 = arith.index_cast %scan3A_195 : i32 to index
      %swap3A_338 = arith.constant 160 : index
      %swap3A_339 = tpu.vector_load %arg9[%swap3A_337, %swap3A_338] {strides = array<i32>} : memref<64x200xf32, #tpu.memory_space<vmem>>, vector<1x16xf32>,
      %swap3A_340 = vector.shape_cast %swap3A_339 : vector<1x16xf32> to vector<16xf32>
      %swap3A_341 = vector.shape_cast %get3A_336 : vector<16xf32> to vector<1x16xf32>
      tpu.vector_store %arg9[%swap3A_337, %swap3A_338], %swap3A_341 {strides = array<i32>} : memref<64x200xf32, #tpu.memory_space<vmem>>, vector<1x16xf32>,
      %mul3A_342 = arith.constant 200 : i32
      %mul3A_343 = arith.muli %scan3A_195, %mul3A_342 : i32
      %add3A_344 = arith.constant 176 : i32
      %add3A_345 = arith.addi %mul3A_343, %add3A_344 : i32
      %get3A_346 = arith.index_cast %add3A_345 : i32 to index
      %get3A_347 = tpu.vector_load %arg8[%get3A_346] {strides = array<i32>} : memref<12800xf32, #tpu.memory_space<vmem>>, vector<16xf32>,
      %get3A_348 = vector.shape_cast %get3A_347 : vector<16xf32> to vector<16xf32>
      %swap3A_349 = arith.index_cast %scan3A_195 : i32 to index
      %swap3A_350 = arith.constant 176 : index
      %swap3A_351 = tpu.vector_load %arg9[%swap3A_349, %swap3A_350] {strides = array<i32>} : memref<64x200xf32, #tpu.memory_space<vmem>>, vector<1x16xf32>,
      %swap3A_352 = vector.shape_cast %swap3A_351 : vector<1x16xf32> to vector<16xf32>
      %swap3A_353 = vector.shape_cast %get3A_348 : vector<16xf32> to vector<1x16xf32>
      tpu.vector_store %arg9[%swap3A_349, %swap3A_350], %swap3A_353 {strides = array<i32>} : memref<64x200xf32, #tpu.memory_space<vmem>>, vector<1x16xf32>,
    }
    %scan3A_74 = arith.constant 64 : i32
    "tpu.region"() ({
      %run_scoped3A = tpu.sem_alloc : memref<!tpu.dma_semaphore, #tpu.memory_space<semaphore_mem>>
      %dma_start3A_195 = arith.constant 0 : i32
      %dma_start3A_196 = tpu.memref_slice %arg4[%add3A_58, %dma_start3A_195] : memref<16384x200xf32, #tpu.memory_space<hbm>> -> memref<64x200xf32, #tpu.memory_space<hbm>>
      %dma_start3A_197 = arith.constant 0 : i32
      %dma_start3A_198 = tpu.memref_slice %arg4[%add3A_58, %dma_start3A_197] : memref<16384x200xf32, #tpu.memory_space<hbm>> -> memref<64x200xf32, #tpu.memory_space<hbm>>
      tpu.enqueue_dma source(%arg9 : memref<64x200xf32, #tpu.memory_space<vmem>>) target(%dma_start3A_198 : memref<64x200xf32, #tpu.memory_space<hbm>>) target_semaphore(%run_scoped3A : memref<!tpu.dma_semaphore, #tpu.memory_space<semaphore_mem>>)
      %dma_wait3A_199 = arith.constant 0 : i32
      %dma_wait3A_200 = tpu.memref_slice %arg4[%add3A_58, %dma_wait3A_199] : memref<16384x200xf32, #tpu.memory_space<hbm>> -> memref<64x200xf32, #tpu.memory_space<hbm>>
      %dma_wait3A_201 = arith.constant 0 : i32
      %dma_wait3A_202 = tpu.memref_slice %arg4[%add3A_58, %dma_wait3A_201] : memref<16384x200xf32, #tpu.memory_space<hbm>> -> memref<64x200xf32, #tpu.memory_space<hbm>>
      tpu.wait_dma2 semaphore(%run_scoped3A : memref<!tpu.dma_semaphore, #tpu.memory_space<semaphore_mem>>) src(%arg9 : memref<64x200xf32, #tpu.memory_space<vmem>>) dst(%dma_wait3A_202 : memref<64x200xf32, #tpu.memory_space<hbm>>)
      tpu.yield
    }) : () -> ()
    %mul3A_75 = arith.constant 512 : i32
    %mul3A_76 = arith.muli %add3A, %mul3A_75 : i32
    %add3A_77 = arith.constant 128 : i32
    %add3A_78 = arith.addi %mul3A_76, %add3A_77 : i32
    "tpu.region"() ({
      %run_scoped3A = tpu.sem_alloc : memref<!tpu.dma_semaphore, #tpu.memory_space<semaphore_mem>>
      %dma_start3A_195 = arith.constant 0 : i32
      %dma_start3A_196 = tpu.memref_slice %arg3[%add3A_78, %dma_start3A_195] : memref<16384x200xi32, #tpu.memory_space<hbm>> -> memref<64x200xi32, #tpu.memory_space<hbm>>
      %dma_start3A_197 = arith.constant 0 : i32
      %dma_start3A_198 = tpu.memref_slice %arg3[%add3A_78, %dma_start3A_197] : memref<16384x200xi32, #tpu.memory_space<hbm>> -> memref<64x200xi32, #tpu.memory_space<hbm>>
      tpu.enqueue_dma source(%dma_start3A_198 : memref<64x200xi32, #tpu.memory_space<hbm>>) target(%arg6 : memref<64x200xi32, #tpu.memory_space<vmem>>) target_semaphore(%run_scoped3A : memref<!tpu.dma_semaphore, #tpu.memory_space<semaphore_mem>>)
      %dma_wait3A_199 = arith.constant 0 : i32
      %dma_wait3A_200 = tpu.memref_slice %arg3[%add3A_78, %dma_wait3A_199] : memref<16384x200xi32, #tpu.memory_space<hbm>> -> memref<64x200xi32, #tpu.memory_space<hbm>>
      %dma_wait3A_201 = arith.constant 0 : i32
      %dma_wait3A_202 = tpu.memref_slice %arg3[%add3A_78, %dma_wait3A_201] : memref<16384x200xi32, #tpu.memory_space<hbm>> -> memref<64x200xi32, #tpu.memory_space<hbm>>
      tpu.wait_dma2 semaphore(%run_scoped3A : memref<!tpu.dma_semaphore, #tpu.memory_space<semaphore_mem>>) src(%dma_wait3A_202 : memref<64x200xi32, #tpu.memory_space<hbm>>) dst(%arg6 : memref<64x200xi32, #tpu.memory_space<vmem>>)
      tpu.yield
    }) : () -> ()
    %scan3A_79 = arith.constant 0 : i32
    %scan3A_80 = arith.constant 0 : i32
    %scan3A_81 = arith.constant 64 : i32
    %scan3A_82 = arith.addi %scan3A_80, %scan3A_81 : i32
    %scan3A_83 = arith.constant 1 : i32
    scf.for %scan3A_195 = %scan3A_80 to %scan3A_82 step %scan3A_83  : i32 {
      %get3A = arith.index_cast %scan3A_195 : i32 to index
      %get3A_196 = arith.constant 0 : index
      %get3A_197 = tpu.vector_load %arg6[%get3A, %get3A_196] {strides = array<i32>} : memref<64x200xi32, #tpu.memory_space<vmem>>, vector<1x16xi32>,
      %get3A_198 = vector.shape_cast %get3A_197 : vector<1x16xi32> to vector<16xi32>
      %mul3A_199 = arith.constant 200 : i32
      %mul3A_200 = arith.muli %scan3A_195, %mul3A_199 : i32
      %add3A_201 = arith.constant 0 : i32
      %add3A_202 = arith.addi %mul3A_200, %add3A_201 : i32
      %swap3A = arith.index_cast %add3A_202 : i32 to index
      %swap3A_203 = tpu.vector_load %arg7[%swap3A] {strides = array<i32>} : memref<12800xi32, #tpu.memory_space<vmem>>, vector<16xi32>,
      %swap3A_204 = vector.shape_cast %swap3A_203 : vector<16xi32> to vector<16xi32>
      %swap3A_205 = vector.shape_cast %get3A_198 : vector<16xi32> to vector<16xi32>
      tpu.vector_store %arg7[%swap3A], %swap3A_205 {strides = array<i32>} : memref<12800xi32, #tpu.memory_space<vmem>>, vector<16xi32>,
      %get3A_206 = arith.index_cast %scan3A_195 : i32 to index
      %get3A_207 = arith.constant 16 : index
      %get3A_208 = tpu.vector_load %arg6[%get3A_206, %get3A_207] {strides = array<i32>} : memref<64x200xi32, #tpu.memory_space<vmem>>, vector<1x16xi32>,
      %get3A_209 = vector.shape_cast %get3A_208 : vector<1x16xi32> to vector<16xi32>
      %mul3A_210 = arith.constant 200 : i32
      %mul3A_211 = arith.muli %scan3A_195, %mul3A_210 : i32
      %add3A_212 = arith.constant 16 : i32
      %add3A_213 = arith.addi %mul3A_211, %add3A_212 : i32
      %swap3A_214 = arith.index_cast %add3A_213 : i32 to index
      %swap3A_215 = tpu.vector_load %arg7[%swap3A_214] {strides = array<i32>} : memref<12800xi32, #tpu.memory_space<vmem>>, vector<16xi32>,
      %swap3A_216 = vector.shape_cast %swap3A_215 : vector<16xi32> to vector<16xi32>
      %swap3A_217 = vector.shape_cast %get3A_209 : vector<16xi32> to vector<16xi32>
      tpu.vector_store %arg7[%swap3A_214], %swap3A_217 {strides = array<i32>} : memref<12800xi32, #tpu.memory_space<vmem>>, vector<16xi32>,
      %get3A_218 = arith.index_cast %scan3A_195 : i32 to index
      %get3A_219 = arith.constant 32 : index
      %get3A_220 = tpu.vector_load %arg6[%get3A_218, %get3A_219] {strides = array<i32>} : memref<64x200xi32, #tpu.memory_space<vmem>>, vector<1x16xi32>,
      %get3A_221 = vector.shape_cast %get3A_220 : vector<1x16xi32> to vector<16xi32>
      %mul3A_222 = arith.constant 200 : i32
      %mul3A_223 = arith.muli %scan3A_195, %mul3A_222 : i32
      %add3A_224 = arith.constant 32 : i32
      %add3A_225 = arith.addi %mul3A_223, %add3A_224 : i32
      %swap3A_226 = arith.index_cast %add3A_225 : i32 to index
      %swap3A_227 = tpu.vector_load %arg7[%swap3A_226] {strides = array<i32>} : memref<12800xi32, #tpu.memory_space<vmem>>, vector<16xi32>,
      %swap3A_228 = vector.shape_cast %swap3A_227 : vector<16xi32> to vector<16xi32>
      %swap3A_229 = vector.shape_cast %get3A_221 : vector<16xi32> to vector<16xi32>
      tpu.vector_store %arg7[%swap3A_226], %swap3A_229 {strides = array<i32>} : memref<12800xi32, #tpu.memory_space<vmem>>, vector<16xi32>,
      %get3A_230 = arith.index_cast %scan3A_195 : i32 to index
      %get3A_231 = arith.constant 48 : index
      %get3A_232 = tpu.vector_load %arg6[%get3A_230, %get3A_231] {strides = array<i32>} : memref<64x200xi32, #tpu.memory_space<vmem>>, vector<1x16xi32>,
      %get3A_233 = vector.shape_cast %get3A_232 : vector<1x16xi32> to vector<16xi32>
      %mul3A_234 = arith.constant 200 : i32
      %mul3A_235 = arith.muli %scan3A_195, %mul3A_234 : i32
      %add3A_236 = arith.constant 48 : i32
      %add3A_237 = arith.addi %mul3A_235, %add3A_236 : i32
      %swap3A_238 = arith.index_cast %add3A_237 : i32 to index
      %swap3A_239 = tpu.vector_load %arg7[%swap3A_238] {strides = array<i32>} : memref<12800xi32, #tpu.memory_space<vmem>>, vector<16xi32>,
      %swap3A_240 = vector.shape_cast %swap3A_239 : vector<16xi32> to vector<16xi32>
      %swap3A_241 = vector.shape_cast %get3A_233 : vector<16xi32> to vector<16xi32>
      tpu.vector_store %arg7[%swap3A_238], %swap3A_241 {strides = array<i32>} : memref<12800xi32, #tpu.memory_space<vmem>>, vector<16xi32>,
      %get3A_242 = arith.index_cast %scan3A_195 : i32 to index
      %get3A_243 = arith.constant 64 : index
      %get3A_244 = tpu.vector_load %arg6[%get3A_242, %get3A_243] {strides = array<i32>} : memref<64x200xi32, #tpu.memory_space<vmem>>, vector<1x16xi32>,
      %get3A_245 = vector.shape_cast %get3A_244 : vector<1x16xi32> to vector<16xi32>
      %mul3A_246 = arith.constant 200 : i32
      %mul3A_247 = arith.muli %scan3A_195, %mul3A_246 : i32
      %add3A_248 = arith.constant 64 : i32
      %add3A_249 = arith.addi %mul3A_247, %add3A_248 : i32
      %swap3A_250 = arith.index_cast %add3A_249 : i32 to index
      %swap3A_251 = tpu.vector_load %arg7[%swap3A_250] {strides = array<i32>} : memref<12800xi32, #tpu.memory_space<vmem>>, vector<16xi32>,
      %swap3A_252 = vector.shape_cast %swap3A_251 : vector<16xi32> to vector<16xi32>
      %swap3A_253 = vector.shape_cast %get3A_245 : vector<16xi32> to vector<16xi32>
      tpu.vector_store %arg7[%swap3A_250], %swap3A_253 {strides = array<i32>} : memref<12800xi32, #tpu.memory_space<vmem>>, vector<16xi32>,
      %get3A_254 = arith.index_cast %scan3A_195 : i32 to index
      %get3A_255 = arith.constant 80 : index
      %get3A_256 = tpu.vector_load %arg6[%get3A_254, %get3A_255] {strides = array<i32>} : memref<64x200xi32, #tpu.memory_space<vmem>>, vector<1x16xi32>,
      %get3A_257 = vector.shape_cast %get3A_256 : vector<1x16xi32> to vector<16xi32>
      %mul3A_258 = arith.constant 200 : i32
      %mul3A_259 = arith.muli %scan3A_195, %mul3A_258 : i32
      %add3A_260 = arith.constant 80 : i32
      %add3A_261 = arith.addi %mul3A_259, %add3A_260 : i32
      %swap3A_262 = arith.index_cast %add3A_261 : i32 to index
      %swap3A_263 = tpu.vector_load %arg7[%swap3A_262] {strides = array<i32>} : memref<12800xi32, #tpu.memory_space<vmem>>, vector<16xi32>,
      %swap3A_264 = vector.shape_cast %swap3A_263 : vector<16xi32> to vector<16xi32>
      %swap3A_265 = vector.shape_cast %get3A_257 : vector<16xi32> to vector<16xi32>
      tpu.vector_store %arg7[%swap3A_262], %swap3A_265 {strides = array<i32>} : memref<12800xi32, #tpu.memory_space<vmem>>, vector<16xi32>,
      %get3A_266 = arith.index_cast %scan3A_195 : i32 to index
      %get3A_267 = arith.constant 96 : index
      %get3A_268 = tpu.vector_load %arg6[%get3A_266, %get3A_267] {strides = array<i32>} : memref<64x200xi32, #tpu.memory_space<vmem>>, vector<1x16xi32>,
      %get3A_269 = vector.shape_cast %get3A_268 : vector<1x16xi32> to vector<16xi32>
      %mul3A_270 = arith.constant 200 : i32
      %mul3A_271 = arith.muli %scan3A_195, %mul3A_270 : i32
      %add3A_272 = arith.constant 96 : i32
      %add3A_273 = arith.addi %mul3A_271, %add3A_272 : i32
      %swap3A_274 = arith.index_cast %add3A_273 : i32 to index
      %swap3A_275 = tpu.vector_load %arg7[%swap3A_274] {strides = array<i32>} : memref<12800xi32, #tpu.memory_space<vmem>>, vector<16xi32>,
      %swap3A_276 = vector.shape_cast %swap3A_275 : vector<16xi32> to vector<16xi32>
      %swap3A_277 = vector.shape_cast %get3A_269 : vector<16xi32> to vector<16xi32>
      tpu.vector_store %arg7[%swap3A_274], %swap3A_277 {strides = array<i32>} : memref<12800xi32, #tpu.memory_space<vmem>>, vector<16xi32>,
      %get3A_278 = arith.index_cast %scan3A_195 : i32 to index
      %get3A_279 = arith.constant 112 : index
      %get3A_280 = tpu.vector_load %arg6[%get3A_278, %get3A_279] {strides = array<i32>} : memref<64x200xi32, #tpu.memory_space<vmem>>, vector<1x16xi32>,
      %get3A_281 = vector.shape_cast %get3A_280 : vector<1x16xi32> to vector<16xi32>
      %mul3A_282 = arith.constant 200 : i32
      %mul3A_283 = arith.muli %scan3A_195, %mul3A_282 : i32
      %add3A_284 = arith.constant 112 : i32
      %add3A_285 = arith.addi %mul3A_283, %add3A_284 : i32
      %swap3A_286 = arith.index_cast %add3A_285 : i32 to index
      %swap3A_287 = tpu.vector_load %arg7[%swap3A_286] {strides = array<i32>} : memref<12800xi32, #tpu.memory_space<vmem>>, vector<16xi32>,
      %swap3A_288 = vector.shape_cast %swap3A_287 : vector<16xi32> to vector<16xi32>
      %swap3A_289 = vector.shape_cast %get3A_281 : vector<16xi32> to vector<16xi32>
      tpu.vector_store %arg7[%swap3A_286], %swap3A_289 {strides = array<i32>} : memref<12800xi32, #tpu.memory_space<vmem>>, vector<16xi32>,
      %get3A_290 = arith.index_cast %scan3A_195 : i32 to index
      %get3A_291 = arith.constant 128 : index
      %get3A_292 = tpu.vector_load %arg6[%get3A_290, %get3A_291] {strides = array<i32>} : memref<64x200xi32, #tpu.memory_space<vmem>>, vector<1x16xi32>,
      %get3A_293 = vector.shape_cast %get3A_292 : vector<1x16xi32> to vector<16xi32>
      %mul3A_294 = arith.constant 200 : i32
      %mul3A_295 = arith.muli %scan3A_195, %mul3A_294 : i32
      %add3A_296 = arith.constant 128 : i32
      %add3A_297 = arith.addi %mul3A_295, %add3A_296 : i32
      %swap3A_298 = arith.index_cast %add3A_297 : i32 to index
      %swap3A_299 = tpu.vector_load %arg7[%swap3A_298] {strides = array<i32>} : memref<12800xi32, #tpu.memory_space<vmem>>, vector<16xi32>,
      %swap3A_300 = vector.shape_cast %swap3A_299 : vector<16xi32> to vector<16xi32>
      %swap3A_301 = vector.shape_cast %get3A_293 : vector<16xi32> to vector<16xi32>
      tpu.vector_store %arg7[%swap3A_298], %swap3A_301 {strides = array<i32>} : memref<12800xi32, #tpu.memory_space<vmem>>, vector<16xi32>,
      %get3A_302 = arith.index_cast %scan3A_195 : i32 to index
      %get3A_303 = arith.constant 144 : index
      %get3A_304 = tpu.vector_load %arg6[%get3A_302, %get3A_303] {strides = array<i32>} : memref<64x200xi32, #tpu.memory_space<vmem>>, vector<1x16xi32>,
      %get3A_305 = vector.shape_cast %get3A_304 : vector<1x16xi32> to vector<16xi32>
      %mul3A_306 = arith.constant 200 : i32
      %mul3A_307 = arith.muli %scan3A_195, %mul3A_306 : i32
      %add3A_308 = arith.constant 144 : i32
      %add3A_309 = arith.addi %mul3A_307, %add3A_308 : i32
      %swap3A_310 = arith.index_cast %add3A_309 : i32 to index
      %swap3A_311 = tpu.vector_load %arg7[%swap3A_310] {strides = array<i32>} : memref<12800xi32, #tpu.memory_space<vmem>>, vector<16xi32>,
      %swap3A_312 = vector.shape_cast %swap3A_311 : vector<16xi32> to vector<16xi32>
      %swap3A_313 = vector.shape_cast %get3A_305 : vector<16xi32> to vector<16xi32>
      tpu.vector_store %arg7[%swap3A_310], %swap3A_313 {strides = array<i32>} : memref<12800xi32, #tpu.memory_space<vmem>>, vector<16xi32>,
      %get3A_314 = arith.index_cast %scan3A_195 : i32 to index
      %get3A_315 = arith.constant 160 : index
      %get3A_316 = tpu.vector_load %arg6[%get3A_314, %get3A_315] {strides = array<i32>} : memref<64x200xi32, #tpu.memory_space<vmem>>, vector<1x16xi32>,
      %get3A_317 = vector.shape_cast %get3A_316 : vector<1x16xi32> to vector<16xi32>
      %mul3A_318 = arith.constant 200 : i32
      %mul3A_319 = arith.muli %scan3A_195, %mul3A_318 : i32
      %add3A_320 = arith.constant 160 : i32
      %add3A_321 = arith.addi %mul3A_319, %add3A_320 : i32
      %swap3A_322 = arith.index_cast %add3A_321 : i32 to index
      %swap3A_323 = tpu.vector_load %arg7[%swap3A_322] {strides = array<i32>} : memref<12800xi32, #tpu.memory_space<vmem>>, vector<16xi32>,
      %swap3A_324 = vector.shape_cast %swap3A_323 : vector<16xi32> to vector<16xi32>
      %swap3A_325 = vector.shape_cast %get3A_317 : vector<16xi32> to vector<16xi32>
      tpu.vector_store %arg7[%swap3A_322], %swap3A_325 {strides = array<i32>} : memref<12800xi32, #tpu.memory_space<vmem>>, vector<16xi32>,
      %get3A_326 = arith.index_cast %scan3A_195 : i32 to index
      %get3A_327 = arith.constant 176 : index
      %get3A_328 = tpu.vector_load %arg6[%get3A_326, %get3A_327] {strides = array<i32>} : memref<64x200xi32, #tpu.memory_space<vmem>>, vector<1x16xi32>,
      %get3A_329 = vector.shape_cast %get3A_328 : vector<1x16xi32> to vector<16xi32>
      %mul3A_330 = arith.constant 200 : i32
      %mul3A_331 = arith.muli %scan3A_195, %mul3A_330 : i32
      %add3A_332 = arith.constant 176 : i32
      %add3A_333 = arith.addi %mul3A_331, %add3A_332 : i32
      %swap3A_334 = arith.index_cast %add3A_333 : i32 to index
      %swap3A_335 = tpu.vector_load %arg7[%swap3A_334] {strides = array<i32>} : memref<12800xi32, #tpu.memory_space<vmem>>, vector<16xi32>,
      %swap3A_336 = vector.shape_cast %swap3A_335 : vector<16xi32> to vector<16xi32>
      %swap3A_337 = vector.shape_cast %get3A_329 : vector<16xi32> to vector<16xi32>
      tpu.vector_store %arg7[%swap3A_334], %swap3A_337 {strides = array<i32>} : memref<12800xi32, #tpu.memory_space<vmem>>, vector<16xi32>,
      %mul3A_338 = arith.constant 0 : i32
      %mul3A_339 = arith.muli %scan3A_195, %mul3A_338 : i32
      %add3A_340 = arith.constant 184 : i32
      %add3A_341 = arith.addi %mul3A_339, %add3A_340 : i32
      %get3A_342 = arith.index_cast %scan3A_195 : i32 to index
      %get3A_343 = arith.index_cast %add3A_341 : i32 to index
      %get3A_344 = tpu.vector_load %arg6[%get3A_342, %get3A_343] {strides = array<i32>} : memref<64x200xi32, #tpu.memory_space<vmem>>, vector<1x16xi32>,
      %get3A_345 = vector.shape_cast %get3A_344 : vector<1x16xi32> to vector<16xi32>
      %mul3A_346 = arith.constant 200 : i32
      %mul3A_347 = arith.muli %scan3A_195, %mul3A_346 : i32
      %add3A_348 = arith.constant 184 : i32
      %add3A_349 = arith.addi %mul3A_347, %add3A_348 : i32
      %swap3A_350 = arith.index_cast %add3A_349 : i32 to index
      %swap3A_351 = tpu.vector_load %arg7[%swap3A_350] {strides = array<i32>} : memref<12800xi32, #tpu.memory_space<vmem>>, vector<16xi32>,
      %swap3A_352 = vector.shape_cast %swap3A_351 : vector<16xi32> to vector<16xi32>
      %swap3A_353 = vector.shape_cast %get3A_345 : vector<16xi32> to vector<16xi32>
      tpu.vector_store %arg7[%swap3A_350], %swap3A_353 {strides = array<i32>} : memref<12800xi32, #tpu.memory_space<vmem>>, vector<16xi32>,
    }
    %scan3A_84 = arith.constant 64 : i32
    %dma_start3A_85 = arith.constant 0 : i32
    %dma_start3A_86 = tpu.memref_slice %arg5[%dma_start3A_85] : memref<1048576xf32, #tpu.memory_space<vmem_shared>> -> memref<1048576xf32, #tpu.memory_space<vmem_shared>>
    tpu.enqueue_indirect_dma source(%dma_start3A_86 : memref<1048576xf32, #tpu.memory_space<vmem_shared>>) target(%arg8 : memref<12800xf32, #tpu.memory_space<vmem>>) offsets(%arg7 : memref<12800xi32, #tpu.memory_space<vmem>>) semaphore(%arg10 : memref<!tpu.dma_semaphore, #tpu.memory_space<semaphore_mem>>)
    %dma_wait3A_87 = arith.constant 0 : i32
    %dma_wait3A_88 = tpu.memref_slice %arg5[%dma_wait3A_87] : memref<1048576xf32, #tpu.memory_space<vmem_shared>> -> memref<1048576xf32, #tpu.memory_space<vmem_shared>>
    tpu.wait_indirect_dma semaphore(%arg10 : memref<!tpu.dma_semaphore, #tpu.memory_space<semaphore_mem>>) src(%dma_wait3A_88 : memref<1048576xf32, #tpu.memory_space<vmem_shared>>) dst(%arg8 : memref<12800xf32, #tpu.memory_space<vmem>>)
    %scan3A_89 = arith.constant 0 : i32
    %scan3A_90 = arith.constant 0 : i32
    %scan3A_91 = arith.constant 64 : i32
    %scan3A_92 = arith.addi %scan3A_90, %scan3A_91 : i32
    %scan3A_93 = arith.constant 1 : i32
    scf.for %scan3A_195 = %scan3A_90 to %scan3A_92 step %scan3A_93  : i32 {
      %mul3A_196 = arith.constant 0 : i32
      %mul3A_197 = arith.muli %scan3A_195, %mul3A_196 : i32
      %add3A_198 = arith.constant 184 : i32
      %add3A_199 = arith.addi %mul3A_197, %add3A_198 : i32
      %mul3A_200 = arith.constant 200 : i32
      %mul3A_201 = arith.muli %scan3A_195, %mul3A_200 : i32
      %add3A_202 = arith.constant 184 : i32
      %add3A_203 = arith.addi %mul3A_201, %add3A_202 : i32
      %get3A = arith.index_cast %add3A_203 : i32 to index
      %get3A_204 = tpu.vector_load %arg8[%get3A] {strides = array<i32>} : memref<12800xf32, #tpu.memory_space<vmem>>, vector<16xf32>,
      %get3A_205 = vector.shape_cast %get3A_204 : vector<16xf32> to vector<16xf32>
      %swap3A = arith.index_cast %scan3A_195 : i32 to index
      %swap3A_206 = arith.index_cast %add3A_199 : i32 to index
      %swap3A_207 = tpu.vector_load %arg9[%swap3A, %swap3A_206] {strides = array<i32>} : memref<64x200xf32, #tpu.memory_space<vmem>>, vector<1x16xf32>,
      %swap3A_208 = vector.shape_cast %swap3A_207 : vector<1x16xf32> to vector<16xf32>
      %swap3A_209 = vector.shape_cast %get3A_205 : vector<16xf32> to vector<1x16xf32>
      tpu.vector_store %arg9[%swap3A, %swap3A_206], %swap3A_209 {strides = array<i32>} : memref<64x200xf32, #tpu.memory_space<vmem>>, vector<1x16xf32>,
      %mul3A_210 = arith.constant 200 : i32
      %mul3A_211 = arith.muli %scan3A_195, %mul3A_210 : i32
      %add3A_212 = arith.constant 0 : i32
      %add3A_213 = arith.addi %mul3A_211, %add3A_212 : i32
      %get3A_214 = arith.index_cast %add3A_213 : i32 to index
      %get3A_215 = tpu.vector_load %arg8[%get3A_214] {strides = array<i32>} : memref<12800xf32, #tpu.memory_space<vmem>>, vector<16xf32>,
      %get3A_216 = vector.shape_cast %get3A_215 : vector<16xf32> to vector<16xf32>
      %swap3A_217 = arith.index_cast %scan3A_195 : i32 to index
      %swap3A_218 = arith.constant 0 : index
      %swap3A_219 = tpu.vector_load %arg9[%swap3A_217, %swap3A_218] {strides = array<i32>} : memref<64x200xf32, #tpu.memory_space<vmem>>, vector<1x16xf32>,
      %swap3A_220 = vector.shape_cast %swap3A_219 : vector<1x16xf32> to vector<16xf32>
      %swap3A_221 = vector.shape_cast %get3A_216 : vector<16xf32> to vector<1x16xf32>
      tpu.vector_store %arg9[%swap3A_217, %swap3A_218], %swap3A_221 {strides = array<i32>} : memref<64x200xf32, #tpu.memory_space<vmem>>, vector<1x16xf32>,
      %mul3A_222 = arith.constant 200 : i32
      %mul3A_223 = arith.muli %scan3A_195, %mul3A_222 : i32
      %add3A_224 = arith.constant 16 : i32
      %add3A_225 = arith.addi %mul3A_223, %add3A_224 : i32
      %get3A_226 = arith.index_cast %add3A_225 : i32 to index
      %get3A_227 = tpu.vector_load %arg8[%get3A_226] {strides = array<i32>} : memref<12800xf32, #tpu.memory_space<vmem>>, vector<16xf32>,
      %get3A_228 = vector.shape_cast %get3A_227 : vector<16xf32> to vector<16xf32>
      %swap3A_229 = arith.index_cast %scan3A_195 : i32 to index
      %swap3A_230 = arith.constant 16 : index
      %swap3A_231 = tpu.vector_load %arg9[%swap3A_229, %swap3A_230] {strides = array<i32>} : memref<64x200xf32, #tpu.memory_space<vmem>>, vector<1x16xf32>,
      %swap3A_232 = vector.shape_cast %swap3A_231 : vector<1x16xf32> to vector<16xf32>
      %swap3A_233 = vector.shape_cast %get3A_228 : vector<16xf32> to vector<1x16xf32>
      tpu.vector_store %arg9[%swap3A_229, %swap3A_230], %swap3A_233 {strides = array<i32>} : memref<64x200xf32, #tpu.memory_space<vmem>>, vector<1x16xf32>,
      %mul3A_234 = arith.constant 200 : i32
      %mul3A_235 = arith.muli %scan3A_195, %mul3A_234 : i32
      %add3A_236 = arith.constant 32 : i32
      %add3A_237 = arith.addi %mul3A_235, %add3A_236 : i32
      %get3A_238 = arith.index_cast %add3A_237 : i32 to index
      %get3A_239 = tpu.vector_load %arg8[%get3A_238] {strides = array<i32>} : memref<12800xf32, #tpu.memory_space<vmem>>, vector<16xf32>,
      %get3A_240 = vector.shape_cast %get3A_239 : vector<16xf32> to vector<16xf32>
      %swap3A_241 = arith.index_cast %scan3A_195 : i32 to index
      %swap3A_242 = arith.constant 32 : index
      %swap3A_243 = tpu.vector_load %arg9[%swap3A_241, %swap3A_242] {strides = array<i32>} : memref<64x200xf32, #tpu.memory_space<vmem>>, vector<1x16xf32>,
      %swap3A_244 = vector.shape_cast %swap3A_243 : vector<1x16xf32> to vector<16xf32>
      %swap3A_245 = vector.shape_cast %get3A_240 : vector<16xf32> to vector<1x16xf32>
      tpu.vector_store %arg9[%swap3A_241, %swap3A_242], %swap3A_245 {strides = array<i32>} : memref<64x200xf32, #tpu.memory_space<vmem>>, vector<1x16xf32>,
      %mul3A_246 = arith.constant 200 : i32
      %mul3A_247 = arith.muli %scan3A_195, %mul3A_246 : i32
      %add3A_248 = arith.constant 48 : i32
      %add3A_249 = arith.addi %mul3A_247, %add3A_248 : i32
      %get3A_250 = arith.index_cast %add3A_249 : i32 to index
      %get3A_251 = tpu.vector_load %arg8[%get3A_250] {strides = array<i32>} : memref<12800xf32, #tpu.memory_space<vmem>>, vector<16xf32>,
      %get3A_252 = vector.shape_cast %get3A_251 : vector<16xf32> to vector<16xf32>
      %swap3A_253 = arith.index_cast %scan3A_195 : i32 to index
      %swap3A_254 = arith.constant 48 : index
      %swap3A_255 = tpu.vector_load %arg9[%swap3A_253, %swap3A_254] {strides = array<i32>} : memref<64x200xf32, #tpu.memory_space<vmem>>, vector<1x16xf32>,
      %swap3A_256 = vector.shape_cast %swap3A_255 : vector<1x16xf32> to vector<16xf32>
      %swap3A_257 = vector.shape_cast %get3A_252 : vector<16xf32> to vector<1x16xf32>
      tpu.vector_store %arg9[%swap3A_253, %swap3A_254], %swap3A_257 {strides = array<i32>} : memref<64x200xf32, #tpu.memory_space<vmem>>, vector<1x16xf32>,
      %mul3A_258 = arith.constant 200 : i32
      %mul3A_259 = arith.muli %scan3A_195, %mul3A_258 : i32
      %add3A_260 = arith.constant 64 : i32
      %add3A_261 = arith.addi %mul3A_259, %add3A_260 : i32
      %get3A_262 = arith.index_cast %add3A_261 : i32 to index
      %get3A_263 = tpu.vector_load %arg8[%get3A_262] {strides = array<i32>} : memref<12800xf32, #tpu.memory_space<vmem>>, vector<16xf32>,
      %get3A_264 = vector.shape_cast %get3A_263 : vector<16xf32> to vector<16xf32>
      %swap3A_265 = arith.index_cast %scan3A_195 : i32 to index
      %swap3A_266 = arith.constant 64 : index
      %swap3A_267 = tpu.vector_load %arg9[%swap3A_265, %swap3A_266] {strides = array<i32>} : memref<64x200xf32, #tpu.memory_space<vmem>>, vector<1x16xf32>,
      %swap3A_268 = vector.shape_cast %swap3A_267 : vector<1x16xf32> to vector<16xf32>
      %swap3A_269 = vector.shape_cast %get3A_264 : vector<16xf32> to vector<1x16xf32>
      tpu.vector_store %arg9[%swap3A_265, %swap3A_266], %swap3A_269 {strides = array<i32>} : memref<64x200xf32, #tpu.memory_space<vmem>>, vector<1x16xf32>,
      %mul3A_270 = arith.constant 200 : i32
      %mul3A_271 = arith.muli %scan3A_195, %mul3A_270 : i32
      %add3A_272 = arith.constant 80 : i32
      %add3A_273 = arith.addi %mul3A_271, %add3A_272 : i32
      %get3A_274 = arith.index_cast %add3A_273 : i32 to index
      %get3A_275 = tpu.vector_load %arg8[%get3A_274] {strides = array<i32>} : memref<12800xf32, #tpu.memory_space<vmem>>, vector<16xf32>,
      %get3A_276 = vector.shape_cast %get3A_275 : vector<16xf32> to vector<16xf32>
      %swap3A_277 = arith.index_cast %scan3A_195 : i32 to index
      %swap3A_278 = arith.constant 80 : index
      %swap3A_279 = tpu.vector_load %arg9[%swap3A_277, %swap3A_278] {strides = array<i32>} : memref<64x200xf32, #tpu.memory_space<vmem>>, vector<1x16xf32>,
      %swap3A_280 = vector.shape_cast %swap3A_279 : vector<1x16xf32> to vector<16xf32>
      %swap3A_281 = vector.shape_cast %get3A_276 : vector<16xf32> to vector<1x16xf32>
      tpu.vector_store %arg9[%swap3A_277, %swap3A_278], %swap3A_281 {strides = array<i32>} : memref<64x200xf32, #tpu.memory_space<vmem>>, vector<1x16xf32>,
      %mul3A_282 = arith.constant 200 : i32
      %mul3A_283 = arith.muli %scan3A_195, %mul3A_282 : i32
      %add3A_284 = arith.constant 96 : i32
      %add3A_285 = arith.addi %mul3A_283, %add3A_284 : i32
      %get3A_286 = arith.index_cast %add3A_285 : i32 to index
      %get3A_287 = tpu.vector_load %arg8[%get3A_286] {strides = array<i32>} : memref<12800xf32, #tpu.memory_space<vmem>>, vector<16xf32>,
      %get3A_288 = vector.shape_cast %get3A_287 : vector<16xf32> to vector<16xf32>
      %swap3A_289 = arith.index_cast %scan3A_195 : i32 to index
      %swap3A_290 = arith.constant 96 : index
      %swap3A_291 = tpu.vector_load %arg9[%swap3A_289, %swap3A_290] {strides = array<i32>} : memref<64x200xf32, #tpu.memory_space<vmem>>, vector<1x16xf32>,
      %swap3A_292 = vector.shape_cast %swap3A_291 : vector<1x16xf32> to vector<16xf32>
      %swap3A_293 = vector.shape_cast %get3A_288 : vector<16xf32> to vector<1x16xf32>
      tpu.vector_store %arg9[%swap3A_289, %swap3A_290], %swap3A_293 {strides = array<i32>} : memref<64x200xf32, #tpu.memory_space<vmem>>, vector<1x16xf32>,
      %mul3A_294 = arith.constant 200 : i32
      %mul3A_295 = arith.muli %scan3A_195, %mul3A_294 : i32
      %add3A_296 = arith.constant 112 : i32
      %add3A_297 = arith.addi %mul3A_295, %add3A_296 : i32
      %get3A_298 = arith.index_cast %add3A_297 : i32 to index
      %get3A_299 = tpu.vector_load %arg8[%get3A_298] {strides = array<i32>} : memref<12800xf32, #tpu.memory_space<vmem>>, vector<16xf32>,
      %get3A_300 = vector.shape_cast %get3A_299 : vector<16xf32> to vector<16xf32>
      %swap3A_301 = arith.index_cast %scan3A_195 : i32 to index
      %swap3A_302 = arith.constant 112 : index
      %swap3A_303 = tpu.vector_load %arg9[%swap3A_301, %swap3A_302] {strides = array<i32>} : memref<64x200xf32, #tpu.memory_space<vmem>>, vector<1x16xf32>,
      %swap3A_304 = vector.shape_cast %swap3A_303 : vector<1x16xf32> to vector<16xf32>
      %swap3A_305 = vector.shape_cast %get3A_300 : vector<16xf32> to vector<1x16xf32>
      tpu.vector_store %arg9[%swap3A_301, %swap3A_302], %swap3A_305 {strides = array<i32>} : memref<64x200xf32, #tpu.memory_space<vmem>>, vector<1x16xf32>,
      %mul3A_306 = arith.constant 200 : i32
      %mul3A_307 = arith.muli %scan3A_195, %mul3A_306 : i32
      %add3A_308 = arith.constant 128 : i32
      %add3A_309 = arith.addi %mul3A_307, %add3A_308 : i32
      %get3A_310 = arith.index_cast %add3A_309 : i32 to index
      %get3A_311 = tpu.vector_load %arg8[%get3A_310] {strides = array<i32>} : memref<12800xf32, #tpu.memory_space<vmem>>, vector<16xf32>,
      %get3A_312 = vector.shape_cast %get3A_311 : vector<16xf32> to vector<16xf32>
      %swap3A_313 = arith.index_cast %scan3A_195 : i32 to index
      %swap3A_314 = arith.constant 128 : index
      %swap3A_315 = tpu.vector_load %arg9[%swap3A_313, %swap3A_314] {strides = array<i32>} : memref<64x200xf32, #tpu.memory_space<vmem>>, vector<1x16xf32>,
      %swap3A_316 = vector.shape_cast %swap3A_315 : vector<1x16xf32> to vector<16xf32>
      %swap3A_317 = vector.shape_cast %get3A_312 : vector<16xf32> to vector<1x16xf32>
      tpu.vector_store %arg9[%swap3A_313, %swap3A_314], %swap3A_317 {strides = array<i32>} : memref<64x200xf32, #tpu.memory_space<vmem>>, vector<1x16xf32>,
      %mul3A_318 = arith.constant 200 : i32
      %mul3A_319 = arith.muli %scan3A_195, %mul3A_318 : i32
      %add3A_320 = arith.constant 144 : i32
      %add3A_321 = arith.addi %mul3A_319, %add3A_320 : i32
      %get3A_322 = arith.index_cast %add3A_321 : i32 to index
      %get3A_323 = tpu.vector_load %arg8[%get3A_322] {strides = array<i32>} : memref<12800xf32, #tpu.memory_space<vmem>>, vector<16xf32>,
      %get3A_324 = vector.shape_cast %get3A_323 : vector<16xf32> to vector<16xf32>
      %swap3A_325 = arith.index_cast %scan3A_195 : i32 to index
      %swap3A_326 = arith.constant 144 : index
      %swap3A_327 = tpu.vector_load %arg9[%swap3A_325, %swap3A_326] {strides = array<i32>} : memref<64x200xf32, #tpu.memory_space<vmem>>, vector<1x16xf32>,
      %swap3A_328 = vector.shape_cast %swap3A_327 : vector<1x16xf32> to vector<16xf32>
      %swap3A_329 = vector.shape_cast %get3A_324 : vector<16xf32> to vector<1x16xf32>
      tpu.vector_store %arg9[%swap3A_325, %swap3A_326], %swap3A_329 {strides = array<i32>} : memref<64x200xf32, #tpu.memory_space<vmem>>, vector<1x16xf32>,
      %mul3A_330 = arith.constant 200 : i32
      %mul3A_331 = arith.muli %scan3A_195, %mul3A_330 : i32
      %add3A_332 = arith.constant 160 : i32
      %add3A_333 = arith.addi %mul3A_331, %add3A_332 : i32
      %get3A_334 = arith.index_cast %add3A_333 : i32 to index
      %get3A_335 = tpu.vector_load %arg8[%get3A_334] {strides = array<i32>} : memref<12800xf32, #tpu.memory_space<vmem>>, vector<16xf32>,
      %get3A_336 = vector.shape_cast %get3A_335 : vector<16xf32> to vector<16xf32>
      %swap3A_337 = arith.index_cast %scan3A_195 : i32 to index
      %swap3A_338 = arith.constant 160 : index
      %swap3A_339 = tpu.vector_load %arg9[%swap3A_337, %swap3A_338] {strides = array<i32>} : memref<64x200xf32, #tpu.memory_space<vmem>>, vector<1x16xf32>,
      %swap3A_340 = vector.shape_cast %swap3A_339 : vector<1x16xf32> to vector<16xf32>
      %swap3A_341 = vector.shape_cast %get3A_336 : vector<16xf32> to vector<1x16xf32>
      tpu.vector_store %arg9[%swap3A_337, %swap3A_338], %swap3A_341 {strides = array<i32>} : memref<64x200xf32, #tpu.memory_space<vmem>>, vector<1x16xf32>,
      %mul3A_342 = arith.constant 200 : i32
      %mul3A_343 = arith.muli %scan3A_195, %mul3A_342 : i32
      %add3A_344 = arith.constant 176 : i32
      %add3A_345 = arith.addi %mul3A_343, %add3A_344 : i32
      %get3A_346 = arith.index_cast %add3A_345 : i32 to index
      %get3A_347 = tpu.vector_load %arg8[%get3A_346] {strides = array<i32>} : memref<12800xf32, #tpu.memory_space<vmem>>, vector<16xf32>,
      %get3A_348 = vector.shape_cast %get3A_347 : vector<16xf32> to vector<16xf32>
      %swap3A_349 = arith.index_cast %scan3A_195 : i32 to index
      %swap3A_350 = arith.constant 176 : index
      %swap3A_351 = tpu.vector_load %arg9[%swap3A_349, %swap3A_350] {strides = array<i32>} : memref<64x200xf32, #tpu.memory_space<vmem>>, vector<1x16xf32>,
      %swap3A_352 = vector.shape_cast %swap3A_351 : vector<1x16xf32> to vector<16xf32>
      %swap3A_353 = vector.shape_cast %get3A_348 : vector<16xf32> to vector<1x16xf32>
      tpu.vector_store %arg9[%swap3A_349, %swap3A_350], %swap3A_353 {strides = array<i32>} : memref<64x200xf32, #tpu.memory_space<vmem>>, vector<1x16xf32>,
    }
    %scan3A_94 = arith.constant 64 : i32
    "tpu.region"() ({
      %run_scoped3A = tpu.sem_alloc : memref<!tpu.dma_semaphore, #tpu.memory_space<semaphore_mem>>
      %dma_start3A_195 = arith.constant 0 : i32
      %dma_start3A_196 = tpu.memref_slice %arg4[%add3A_78, %dma_start3A_195] : memref<16384x200xf32, #tpu.memory_space<hbm>> -> memref<64x200xf32, #tpu.memory_space<hbm>>
      %dma_start3A_197 = arith.constant 0 : i32
      %dma_start3A_198 = tpu.memref_slice %arg4[%add3A_78, %dma_start3A_197] : memref<16384x200xf32, #tpu.memory_space<hbm>> -> memref<64x200xf32, #tpu.memory_space<hbm>>
      tpu.enqueue_dma source(%arg9 : memref<64x200xf32, #tpu.memory_space<vmem>>) target(%dma_start3A_198 : memref<64x200xf32, #tpu.memory_space<hbm>>) target_semaphore(%run_scoped3A : memref<!tpu.dma_semaphore, #tpu.memory_space<semaphore_mem>>)
      %dma_wait3A_199 = arith.constant 0 : i32
      %dma_wait3A_200 = tpu.memref_slice %arg4[%add3A_78, %dma_wait3A_199] : memref<16384x200xf32, #tpu.memory_space<hbm>> -> memref<64x200xf32, #tpu.memory_space<hbm>>
      %dma_wait3A_201 = arith.constant 0 : i32
      %dma_wait3A_202 = tpu.memref_slice %arg4[%add3A_78, %dma_wait3A_201] : memref<16384x200xf32, #tpu.memory_space<hbm>> -> memref<64x200xf32, #tpu.memory_space<hbm>>
      tpu.wait_dma2 semaphore(%run_scoped3A : memref<!tpu.dma_semaphore, #tpu.memory_space<semaphore_mem>>) src(%arg9 : memref<64x200xf32, #tpu.memory_space<vmem>>) dst(%dma_wait3A_202 : memref<64x200xf32, #tpu.memory_space<hbm>>)
      tpu.yield
    }) : () -> ()
    %mul3A_95 = arith.constant 512 : i32
    %mul3A_96 = arith.muli %add3A, %mul3A_95 : i32
    %add3A_97 = arith.constant 192 : i32
    %add3A_98 = arith.addi %mul3A_96, %add3A_97 : i32
    "tpu.region"() ({
      %run_scoped3A = tpu.sem_alloc : memref<!tpu.dma_semaphore, #tpu.memory_space<semaphore_mem>>
      %dma_start3A_195 = arith.constant 0 : i32
      %dma_start3A_196 = tpu.memref_slice %arg3[%add3A_98, %dma_start3A_195] : memref<16384x200xi32, #tpu.memory_space<hbm>> -> memref<64x200xi32, #tpu.memory_space<hbm>>
      %dma_start3A_197 = arith.constant 0 : i32
      %dma_start3A_198 = tpu.memref_slice %arg3[%add3A_98, %dma_start3A_197] : memref<16384x200xi32, #tpu.memory_space<hbm>> -> memref<64x200xi32, #tpu.memory_space<hbm>>
      tpu.enqueue_dma source(%dma_start3A_198 : memref<64x200xi32, #tpu.memory_space<hbm>>) target(%arg6 : memref<64x200xi32, #tpu.memory_space<vmem>>) target_semaphore(%run_scoped3A : memref<!tpu.dma_semaphore, #tpu.memory_space<semaphore_mem>>)
      %dma_wait3A_199 = arith.constant 0 : i32
      %dma_wait3A_200 = tpu.memref_slice %arg3[%add3A_98, %dma_wait3A_199] : memref<16384x200xi32, #tpu.memory_space<hbm>> -> memref<64x200xi32, #tpu.memory_space<hbm>>
      %dma_wait3A_201 = arith.constant 0 : i32
      %dma_wait3A_202 = tpu.memref_slice %arg3[%add3A_98, %dma_wait3A_201] : memref<16384x200xi32, #tpu.memory_space<hbm>> -> memref<64x200xi32, #tpu.memory_space<hbm>>
      tpu.wait_dma2 semaphore(%run_scoped3A : memref<!tpu.dma_semaphore, #tpu.memory_space<semaphore_mem>>) src(%dma_wait3A_202 : memref<64x200xi32, #tpu.memory_space<hbm>>) dst(%arg6 : memref<64x200xi32, #tpu.memory_space<vmem>>)
      tpu.yield
    }) : () -> ()
    %scan3A_99 = arith.constant 0 : i32
    %scan3A_100 = arith.constant 0 : i32
    %scan3A_101 = arith.constant 64 : i32
    %scan3A_102 = arith.addi %scan3A_100, %scan3A_101 : i32
    %scan3A_103 = arith.constant 1 : i32
    scf.for %scan3A_195 = %scan3A_100 to %scan3A_102 step %scan3A_103  : i32 {
      %get3A = arith.index_cast %scan3A_195 : i32 to index
      %get3A_196 = arith.constant 0 : index
      %get3A_197 = tpu.vector_load %arg6[%get3A, %get3A_196] {strides = array<i32>} : memref<64x200xi32, #tpu.memory_space<vmem>>, vector<1x16xi32>,
      %get3A_198 = vector.shape_cast %get3A_197 : vector<1x16xi32> to vector<16xi32>
      %mul3A_199 = arith.constant 200 : i32
      %mul3A_200 = arith.muli %scan3A_195, %mul3A_199 : i32
      %add3A_201 = arith.constant 0 : i32
      %add3A_202 = arith.addi %mul3A_200, %add3A_201 : i32
      %swap3A = arith.index_cast %add3A_202 : i32 to index
      %swap3A_203 = tpu.vector_load %arg7[%swap3A] {strides = array<i32>} : memref<12800xi32, #tpu.memory_space<vmem>>, vector<16xi32>,
      %swap3A_204 = vector.shape_cast %swap3A_203 : vector<16xi32> to vector<16xi32>
      %swap3A_205 = vector.shape_cast %get3A_198 : vector<16xi32> to vector<16xi32>
      tpu.vector_store %arg7[%swap3A], %swap3A_205 {strides = array<i32>} : memref<12800xi32, #tpu.memory_space<vmem>>, vector<16xi32>,
      %get3A_206 = arith.index_cast %scan3A_195 : i32 to index
      %get3A_207 = arith.constant 16 : index
      %get3A_208 = tpu.vector_load %arg6[%get3A_206, %get3A_207] {strides = array<i32>} : memref<64x200xi32, #tpu.memory_space<vmem>>, vector<1x16xi32>,
      %get3A_209 = vector.shape_cast %get3A_208 : vector<1x16xi32> to vector<16xi32>
      %mul3A_210 = arith.constant 200 : i32
      %mul3A_211 = arith.muli %scan3A_195, %mul3A_210 : i32
      %add3A_212 = arith.constant 16 : i32
      %add3A_213 = arith.addi %mul3A_211, %add3A_212 : i32
      %swap3A_214 = arith.index_cast %add3A_213 : i32 to index
      %swap3A_215 = tpu.vector_load %arg7[%swap3A_214] {strides = array<i32>} : memref<12800xi32, #tpu.memory_space<vmem>>, vector<16xi32>,
      %swap3A_216 = vector.shape_cast %swap3A_215 : vector<16xi32> to vector<16xi32>
      %swap3A_217 = vector.shape_cast %get3A_209 : vector<16xi32> to vector<16xi32>
      tpu.vector_store %arg7[%swap3A_214], %swap3A_217 {strides = array<i32>} : memref<12800xi32, #tpu.memory_space<vmem>>, vector<16xi32>,
      %get3A_218 = arith.index_cast %scan3A_195 : i32 to index
      %get3A_219 = arith.constant 32 : index
      %get3A_220 = tpu.vector_load %arg6[%get3A_218, %get3A_219] {strides = array<i32>} : memref<64x200xi32, #tpu.memory_space<vmem>>, vector<1x16xi32>,
      %get3A_221 = vector.shape_cast %get3A_220 : vector<1x16xi32> to vector<16xi32>
      %mul3A_222 = arith.constant 200 : i32
      %mul3A_223 = arith.muli %scan3A_195, %mul3A_222 : i32
      %add3A_224 = arith.constant 32 : i32
      %add3A_225 = arith.addi %mul3A_223, %add3A_224 : i32
      %swap3A_226 = arith.index_cast %add3A_225 : i32 to index
      %swap3A_227 = tpu.vector_load %arg7[%swap3A_226] {strides = array<i32>} : memref<12800xi32, #tpu.memory_space<vmem>>, vector<16xi32>,
      %swap3A_228 = vector.shape_cast %swap3A_227 : vector<16xi32> to vector<16xi32>
      %swap3A_229 = vector.shape_cast %get3A_221 : vector<16xi32> to vector<16xi32>
      tpu.vector_store %arg7[%swap3A_226], %swap3A_229 {strides = array<i32>} : memref<12800xi32, #tpu.memory_space<vmem>>, vector<16xi32>,
      %get3A_230 = arith.index_cast %scan3A_195 : i32 to index
      %get3A_231 = arith.constant 48 : index
      %get3A_232 = tpu.vector_load %arg6[%get3A_230, %get3A_231] {strides = array<i32>} : memref<64x200xi32, #tpu.memory_space<vmem>>, vector<1x16xi32>,
      %get3A_233 = vector.shape_cast %get3A_232 : vector<1x16xi32> to vector<16xi32>
      %mul3A_234 = arith.constant 200 : i32
      %mul3A_235 = arith.muli %scan3A_195, %mul3A_234 : i32
      %add3A_236 = arith.constant 48 : i32
      %add3A_237 = arith.addi %mul3A_235, %add3A_236 : i32
      %swap3A_238 = arith.index_cast %add3A_237 : i32 to index
      %swap3A_239 = tpu.vector_load %arg7[%swap3A_238] {strides = array<i32>} : memref<12800xi32, #tpu.memory_space<vmem>>, vector<16xi32>,
      %swap3A_240 = vector.shape_cast %swap3A_239 : vector<16xi32> to vector<16xi32>
      %swap3A_241 = vector.shape_cast %get3A_233 : vector<16xi32> to vector<16xi32>
      tpu.vector_store %arg7[%swap3A_238], %swap3A_241 {strides = array<i32>} : memref<12800xi32, #tpu.memory_space<vmem>>, vector<16xi32>,
      %get3A_242 = arith.index_cast %scan3A_195 : i32 to index
      %get3A_243 = arith.constant 64 : index
      %get3A_244 = tpu.vector_load %arg6[%get3A_242, %get3A_243] {strides = array<i32>} : memref<64x200xi32, #tpu.memory_space<vmem>>, vector<1x16xi32>,
      %get3A_245 = vector.shape_cast %get3A_244 : vector<1x16xi32> to vector<16xi32>
      %mul3A_246 = arith.constant 200 : i32
      %mul3A_247 = arith.muli %scan3A_195, %mul3A_246 : i32
      %add3A_248 = arith.constant 64 : i32
      %add3A_249 = arith.addi %mul3A_247, %add3A_248 : i32
      %swap3A_250 = arith.index_cast %add3A_249 : i32 to index
      %swap3A_251 = tpu.vector_load %arg7[%swap3A_250] {strides = array<i32>} : memref<12800xi32, #tpu.memory_space<vmem>>, vector<16xi32>,
      %swap3A_252 = vector.shape_cast %swap3A_251 : vector<16xi32> to vector<16xi32>
      %swap3A_253 = vector.shape_cast %get3A_245 : vector<16xi32> to vector<16xi32>
      tpu.vector_store %arg7[%swap3A_250], %swap3A_253 {strides = array<i32>} : memref<12800xi32, #tpu.memory_space<vmem>>, vector<16xi32>,
      %get3A_254 = arith.index_cast %scan3A_195 : i32 to index
      %get3A_255 = arith.constant 80 : index
      %get3A_256 = tpu.vector_load %arg6[%get3A_254, %get3A_255] {strides = array<i32>} : memref<64x200xi32, #tpu.memory_space<vmem>>, vector<1x16xi32>,
      %get3A_257 = vector.shape_cast %get3A_256 : vector<1x16xi32> to vector<16xi32>
      %mul3A_258 = arith.constant 200 : i32
      %mul3A_259 = arith.muli %scan3A_195, %mul3A_258 : i32
      %add3A_260 = arith.constant 80 : i32
      %add3A_261 = arith.addi %mul3A_259, %add3A_260 : i32
      %swap3A_262 = arith.index_cast %add3A_261 : i32 to index
      %swap3A_263 = tpu.vector_load %arg7[%swap3A_262] {strides = array<i32>} : memref<12800xi32, #tpu.memory_space<vmem>>, vector<16xi32>,
      %swap3A_264 = vector.shape_cast %swap3A_263 : vector<16xi32> to vector<16xi32>
      %swap3A_265 = vector.shape_cast %get3A_257 : vector<16xi32> to vector<16xi32>
      tpu.vector_store %arg7[%swap3A_262], %swap3A_265 {strides = array<i32>} : memref<12800xi32, #tpu.memory_space<vmem>>, vector<16xi32>,
      %get3A_266 = arith.index_cast %scan3A_195 : i32 to index
      %get3A_267 = arith.constant 96 : index
      %get3A_268 = tpu.vector_load %arg6[%get3A_266, %get3A_267] {strides = array<i32>} : memref<64x200xi32, #tpu.memory_space<vmem>>, vector<1x16xi32>,
      %get3A_269 = vector.shape_cast %get3A_268 : vector<1x16xi32> to vector<16xi32>
      %mul3A_270 = arith.constant 200 : i32
      %mul3A_271 = arith.muli %scan3A_195, %mul3A_270 : i32
      %add3A_272 = arith.constant 96 : i32
      %add3A_273 = arith.addi %mul3A_271, %add3A_272 : i32
      %swap3A_274 = arith.index_cast %add3A_273 : i32 to index
      %swap3A_275 = tpu.vector_load %arg7[%swap3A_274] {strides = array<i32>} : memref<12800xi32, #tpu.memory_space<vmem>>, vector<16xi32>,
      %swap3A_276 = vector.shape_cast %swap3A_275 : vector<16xi32> to vector<16xi32>
      %swap3A_277 = vector.shape_cast %get3A_269 : vector<16xi32> to vector<16xi32>
      tpu.vector_store %arg7[%swap3A_274], %swap3A_277 {strides = array<i32>} : memref<12800xi32, #tpu.memory_space<vmem>>, vector<16xi32>,
      %get3A_278 = arith.index_cast %scan3A_195 : i32 to index
      %get3A_279 = arith.constant 112 : index
      %get3A_280 = tpu.vector_load %arg6[%get3A_278, %get3A_279] {strides = array<i32>} : memref<64x200xi32, #tpu.memory_space<vmem>>, vector<1x16xi32>,
      %get3A_281 = vector.shape_cast %get3A_280 : vector<1x16xi32> to vector<16xi32>
      %mul3A_282 = arith.constant 200 : i32
      %mul3A_283 = arith.muli %scan3A_195, %mul3A_282 : i32
      %add3A_284 = arith.constant 112 : i32
      %add3A_285 = arith.addi %mul3A_283, %add3A_284 : i32
      %swap3A_286 = arith.index_cast %add3A_285 : i32 to index
      %swap3A_287 = tpu.vector_load %arg7[%swap3A_286] {strides = array<i32>} : memref<12800xi32, #tpu.memory_space<vmem>>, vector<16xi32>,
      %swap3A_288 = vector.shape_cast %swap3A_287 : vector<16xi32> to vector<16xi32>
      %swap3A_289 = vector.shape_cast %get3A_281 : vector<16xi32> to vector<16xi32>
      tpu.vector_store %arg7[%swap3A_286], %swap3A_289 {strides = array<i32>} : memref<12800xi32, #tpu.memory_space<vmem>>, vector<16xi32>,
      %get3A_290 = arith.index_cast %scan3A_195 : i32 to index
      %get3A_291 = arith.constant 128 : index
      %get3A_292 = tpu.vector_load %arg6[%get3A_290, %get3A_291] {strides = array<i32>} : memref<64x200xi32, #tpu.memory_space<vmem>>, vector<1x16xi32>,
      %get3A_293 = vector.shape_cast %get3A_292 : vector<1x16xi32> to vector<16xi32>
      %mul3A_294 = arith.constant 200 : i32
      %mul3A_295 = arith.muli %scan3A_195, %mul3A_294 : i32
      %add3A_296 = arith.constant 128 : i32
      %add3A_297 = arith.addi %mul3A_295, %add3A_296 : i32
      %swap3A_298 = arith.index_cast %add3A_297 : i32 to index
      %swap3A_299 = tpu.vector_load %arg7[%swap3A_298] {strides = array<i32>} : memref<12800xi32, #tpu.memory_space<vmem>>, vector<16xi32>,
      %swap3A_300 = vector.shape_cast %swap3A_299 : vector<16xi32> to vector<16xi32>
      %swap3A_301 = vector.shape_cast %get3A_293 : vector<16xi32> to vector<16xi32>
      tpu.vector_store %arg7[%swap3A_298], %swap3A_301 {strides = array<i32>} : memref<12800xi32, #tpu.memory_space<vmem>>, vector<16xi32>,
      %get3A_302 = arith.index_cast %scan3A_195 : i32 to index
      %get3A_303 = arith.constant 144 : index
      %get3A_304 = tpu.vector_load %arg6[%get3A_302, %get3A_303] {strides = array<i32>} : memref<64x200xi32, #tpu.memory_space<vmem>>, vector<1x16xi32>,
      %get3A_305 = vector.shape_cast %get3A_304 : vector<1x16xi32> to vector<16xi32>
      %mul3A_306 = arith.constant 200 : i32
      %mul3A_307 = arith.muli %scan3A_195, %mul3A_306 : i32
      %add3A_308 = arith.constant 144 : i32
      %add3A_309 = arith.addi %mul3A_307, %add3A_308 : i32
      %swap3A_310 = arith.index_cast %add3A_309 : i32 to index
      %swap3A_311 = tpu.vector_load %arg7[%swap3A_310] {strides = array<i32>} : memref<12800xi32, #tpu.memory_space<vmem>>, vector<16xi32>,
      %swap3A_312 = vector.shape_cast %swap3A_311 : vector<16xi32> to vector<16xi32>
      %swap3A_313 = vector.shape_cast %get3A_305 : vector<16xi32> to vector<16xi32>
      tpu.vector_store %arg7[%swap3A_310], %swap3A_313 {strides = array<i32>} : memref<12800xi32, #tpu.memory_space<vmem>>, vector<16xi32>,
      %get3A_314 = arith.index_cast %scan3A_195 : i32 to index
      %get3A_315 = arith.constant 160 : index
      %get3A_316 = tpu.vector_load %arg6[%get3A_314, %get3A_315] {strides = array<i32>} : memref<64x200xi32, #tpu.memory_space<vmem>>, vector<1x16xi32>,
      %get3A_317 = vector.shape_cast %get3A_316 : vector<1x16xi32> to vector<16xi32>
      %mul3A_318 = arith.constant 200 : i32
      %mul3A_319 = arith.muli %scan3A_195, %mul3A_318 : i32
      %add3A_320 = arith.constant 160 : i32
      %add3A_321 = arith.addi %mul3A_319, %add3A_320 : i32
      %swap3A_322 = arith.index_cast %add3A_321 : i32 to index
      %swap3A_323 = tpu.vector_load %arg7[%swap3A_322] {strides = array<i32>} : memref<12800xi32, #tpu.memory_space<vmem>>, vector<16xi32>,
      %swap3A_324 = vector.shape_cast %swap3A_323 : vector<16xi32> to vector<16xi32>
      %swap3A_325 = vector.shape_cast %get3A_317 : vector<16xi32> to vector<16xi32>
      tpu.vector_store %arg7[%swap3A_322], %swap3A_325 {strides = array<i32>} : memref<12800xi32, #tpu.memory_space<vmem>>, vector<16xi32>,
      %get3A_326 = arith.index_cast %scan3A_195 : i32 to index
      %get3A_327 = arith.constant 176 : index
      %get3A_328 = tpu.vector_load %arg6[%get3A_326, %get3A_327] {strides = array<i32>} : memref<64x200xi32, #tpu.memory_space<vmem>>, vector<1x16xi32>,
      %get3A_329 = vector.shape_cast %get3A_328 : vector<1x16xi32> to vector<16xi32>
      %mul3A_330 = arith.constant 200 : i32
      %mul3A_331 = arith.muli %scan3A_195, %mul3A_330 : i32
      %add3A_332 = arith.constant 176 : i32
      %add3A_333 = arith.addi %mul3A_331, %add3A_332 : i32
      %swap3A_334 = arith.index_cast %add3A_333 : i32 to index
      %swap3A_335 = tpu.vector_load %arg7[%swap3A_334] {strides = array<i32>} : memref<12800xi32, #tpu.memory_space<vmem>>, vector<16xi32>,
      %swap3A_336 = vector.shape_cast %swap3A_335 : vector<16xi32> to vector<16xi32>
      %swap3A_337 = vector.shape_cast %get3A_329 : vector<16xi32> to vector<16xi32>
      tpu.vector_store %arg7[%swap3A_334], %swap3A_337 {strides = array<i32>} : memref<12800xi32, #tpu.memory_space<vmem>>, vector<16xi32>,
      %mul3A_338 = arith.constant 0 : i32
      %mul3A_339 = arith.muli %scan3A_195, %mul3A_338 : i32
      %add3A_340 = arith.constant 184 : i32
      %add3A_341 = arith.addi %mul3A_339, %add3A_340 : i32
      %get3A_342 = arith.index_cast %scan3A_195 : i32 to index
      %get3A_343 = arith.index_cast %add3A_341 : i32 to index
      %get3A_344 = tpu.vector_load %arg6[%get3A_342, %get3A_343] {strides = array<i32>} : memref<64x200xi32, #tpu.memory_space<vmem>>, vector<1x16xi32>,
      %get3A_345 = vector.shape_cast %get3A_344 : vector<1x16xi32> to vector<16xi32>
      %mul3A_346 = arith.constant 200 : i32
      %mul3A_347 = arith.muli %scan3A_195, %mul3A_346 : i32
      %add3A_348 = arith.constant 184 : i32
      %add3A_349 = arith.addi %mul3A_347, %add3A_348 : i32
      %swap3A_350 = arith.index_cast %add3A_349 : i32 to index
      %swap3A_351 = tpu.vector_load %arg7[%swap3A_350] {strides = array<i32>} : memref<12800xi32, #tpu.memory_space<vmem>>, vector<16xi32>,
      %swap3A_352 = vector.shape_cast %swap3A_351 : vector<16xi32> to vector<16xi32>
      %swap3A_353 = vector.shape_cast %get3A_345 : vector<16xi32> to vector<16xi32>
      tpu.vector_store %arg7[%swap3A_350], %swap3A_353 {strides = array<i32>} : memref<12800xi32, #tpu.memory_space<vmem>>, vector<16xi32>,
    }
    %scan3A_104 = arith.constant 64 : i32
    %dma_start3A_105 = arith.constant 0 : i32
    %dma_start3A_106 = tpu.memref_slice %arg5[%dma_start3A_105] : memref<1048576xf32, #tpu.memory_space<vmem_shared>> -> memref<1048576xf32, #tpu.memory_space<vmem_shared>>
    tpu.enqueue_indirect_dma source(%dma_start3A_106 : memref<1048576xf32, #tpu.memory_space<vmem_shared>>) target(%arg8 : memref<12800xf32, #tpu.memory_space<vmem>>) offsets(%arg7 : memref<12800xi32, #tpu.memory_space<vmem>>) semaphore(%arg10 : memref<!tpu.dma_semaphore, #tpu.memory_space<semaphore_mem>>)
    %dma_wait3A_107 = arith.constant 0 : i32
    %dma_wait3A_108 = tpu.memref_slice %arg5[%dma_wait3A_107] : memref<1048576xf32, #tpu.memory_space<vmem_shared>> -> memref<1048576xf32, #tpu.memory_space<vmem_shared>>
    tpu.wait_indirect_dma semaphore(%arg10 : memref<!tpu.dma_semaphore, #tpu.memory_space<semaphore_mem>>) src(%dma_wait3A_108 : memref<1048576xf32, #tpu.memory_space<vmem_shared>>) dst(%arg8 : memref<12800xf32, #tpu.memory_space<vmem>>)
    %scan3A_109 = arith.constant 0 : i32
    %scan3A_110 = arith.constant 0 : i32
    %scan3A_111 = arith.constant 64 : i32
    %scan3A_112 = arith.addi %scan3A_110, %scan3A_111 : i32
    %scan3A_113 = arith.constant 1 : i32
    scf.for %scan3A_195 = %scan3A_110 to %scan3A_112 step %scan3A_113  : i32 {
      %mul3A_196 = arith.constant 0 : i32
      %mul3A_197 = arith.muli %scan3A_195, %mul3A_196 : i32
      %add3A_198 = arith.constant 184 : i32
      %add3A_199 = arith.addi %mul3A_197, %add3A_198 : i32
      %mul3A_200 = arith.constant 200 : i32
      %mul3A_201 = arith.muli %scan3A_195, %mul3A_200 : i32
      %add3A_202 = arith.constant 184 : i32
      %add3A_203 = arith.addi %mul3A_201, %add3A_202 : i32
      %get3A = arith.index_cast %add3A_203 : i32 to index
      %get3A_204 = tpu.vector_load %arg8[%get3A] {strides = array<i32>} : memref<12800xf32, #tpu.memory_space<vmem>>, vector<16xf32>,
      %get3A_205 = vector.shape_cast %get3A_204 : vector<16xf32> to vector<16xf32>
      %swap3A = arith.index_cast %scan3A_195 : i32 to index
      %swap3A_206 = arith.index_cast %add3A_199 : i32 to index
      %swap3A_207 = tpu.vector_load %arg9[%swap3A, %swap3A_206] {strides = array<i32>} : memref<64x200xf32, #tpu.memory_space<vmem>>, vector<1x16xf32>,
      %swap3A_208 = vector.shape_cast %swap3A_207 : vector<1x16xf32> to vector<16xf32>
      %swap3A_209 = vector.shape_cast %get3A_205 : vector<16xf32> to vector<1x16xf32>
      tpu.vector_store %arg9[%swap3A, %swap3A_206], %swap3A_209 {strides = array<i32>} : memref<64x200xf32, #tpu.memory_space<vmem>>, vector<1x16xf32>,
      %mul3A_210 = arith.constant 200 : i32
      %mul3A_211 = arith.muli %scan3A_195, %mul3A_210 : i32
      %add3A_212 = arith.constant 0 : i32
      %add3A_213 = arith.addi %mul3A_211, %add3A_212 : i32
      %get3A_214 = arith.index_cast %add3A_213 : i32 to index
      %get3A_215 = tpu.vector_load %arg8[%get3A_214] {strides = array<i32>} : memref<12800xf32, #tpu.memory_space<vmem>>, vector<16xf32>,
      %get3A_216 = vector.shape_cast %get3A_215 : vector<16xf32> to vector<16xf32>
      %swap3A_217 = arith.index_cast %scan3A_195 : i32 to index
      %swap3A_218 = arith.constant 0 : index
      %swap3A_219 = tpu.vector_load %arg9[%swap3A_217, %swap3A_218] {strides = array<i32>} : memref<64x200xf32, #tpu.memory_space<vmem>>, vector<1x16xf32>,
      %swap3A_220 = vector.shape_cast %swap3A_219 : vector<1x16xf32> to vector<16xf32>
      %swap3A_221 = vector.shape_cast %get3A_216 : vector<16xf32> to vector<1x16xf32>
      tpu.vector_store %arg9[%swap3A_217, %swap3A_218], %swap3A_221 {strides = array<i32>} : memref<64x200xf32, #tpu.memory_space<vmem>>, vector<1x16xf32>,
      %mul3A_222 = arith.constant 200 : i32
      %mul3A_223 = arith.muli %scan3A_195, %mul3A_222 : i32
      %add3A_224 = arith.constant 16 : i32
      %add3A_225 = arith.addi %mul3A_223, %add3A_224 : i32
      %get3A_226 = arith.index_cast %add3A_225 : i32 to index
      %get3A_227 = tpu.vector_load %arg8[%get3A_226] {strides = array<i32>} : memref<12800xf32, #tpu.memory_space<vmem>>, vector<16xf32>,
      %get3A_228 = vector.shape_cast %get3A_227 : vector<16xf32> to vector<16xf32>
      %swap3A_229 = arith.index_cast %scan3A_195 : i32 to index
      %swap3A_230 = arith.constant 16 : index
      %swap3A_231 = tpu.vector_load %arg9[%swap3A_229, %swap3A_230] {strides = array<i32>} : memref<64x200xf32, #tpu.memory_space<vmem>>, vector<1x16xf32>,
      %swap3A_232 = vector.shape_cast %swap3A_231 : vector<1x16xf32> to vector<16xf32>
      %swap3A_233 = vector.shape_cast %get3A_228 : vector<16xf32> to vector<1x16xf32>
      tpu.vector_store %arg9[%swap3A_229, %swap3A_230], %swap3A_233 {strides = array<i32>} : memref<64x200xf32, #tpu.memory_space<vmem>>, vector<1x16xf32>,
      %mul3A_234 = arith.constant 200 : i32
      %mul3A_235 = arith.muli %scan3A_195, %mul3A_234 : i32
      %add3A_236 = arith.constant 32 : i32
      %add3A_237 = arith.addi %mul3A_235, %add3A_236 : i32
      %get3A_238 = arith.index_cast %add3A_237 : i32 to index
      %get3A_239 = tpu.vector_load %arg8[%get3A_238] {strides = array<i32>} : memref<12800xf32, #tpu.memory_space<vmem>>, vector<16xf32>,
      %get3A_240 = vector.shape_cast %get3A_239 : vector<16xf32> to vector<16xf32>
      %swap3A_241 = arith.index_cast %scan3A_195 : i32 to index
      %swap3A_242 = arith.constant 32 : index
      %swap3A_243 = tpu.vector_load %arg9[%swap3A_241, %swap3A_242] {strides = array<i32>} : memref<64x200xf32, #tpu.memory_space<vmem>>, vector<1x16xf32>,
      %swap3A_244 = vector.shape_cast %swap3A_243 : vector<1x16xf32> to vector<16xf32>
      %swap3A_245 = vector.shape_cast %get3A_240 : vector<16xf32> to vector<1x16xf32>
      tpu.vector_store %arg9[%swap3A_241, %swap3A_242], %swap3A_245 {strides = array<i32>} : memref<64x200xf32, #tpu.memory_space<vmem>>, vector<1x16xf32>,
      %mul3A_246 = arith.constant 200 : i32
      %mul3A_247 = arith.muli %scan3A_195, %mul3A_246 : i32
      %add3A_248 = arith.constant 48 : i32
      %add3A_249 = arith.addi %mul3A_247, %add3A_248 : i32
      %get3A_250 = arith.index_cast %add3A_249 : i32 to index
      %get3A_251 = tpu.vector_load %arg8[%get3A_250] {strides = array<i32>} : memref<12800xf32, #tpu.memory_space<vmem>>, vector<16xf32>,
      %get3A_252 = vector.shape_cast %get3A_251 : vector<16xf32> to vector<16xf32>
      %swap3A_253 = arith.index_cast %scan3A_195 : i32 to index
      %swap3A_254 = arith.constant 48 : index
      %swap3A_255 = tpu.vector_load %arg9[%swap3A_253, %swap3A_254] {strides = array<i32>} : memref<64x200xf32, #tpu.memory_space<vmem>>, vector<1x16xf32>,
      %swap3A_256 = vector.shape_cast %swap3A_255 : vector<1x16xf32> to vector<16xf32>
      %swap3A_257 = vector.shape_cast %get3A_252 : vector<16xf32> to vector<1x16xf32>
      tpu.vector_store %arg9[%swap3A_253, %swap3A_254], %swap3A_257 {strides = array<i32>} : memref<64x200xf32, #tpu.memory_space<vmem>>, vector<1x16xf32>,
      %mul3A_258 = arith.constant 200 : i32
      %mul3A_259 = arith.muli %scan3A_195, %mul3A_258 : i32
      %add3A_260 = arith.constant 64 : i32
      %add3A_261 = arith.addi %mul3A_259, %add3A_260 : i32
      %get3A_262 = arith.index_cast %add3A_261 : i32 to index
      %get3A_263 = tpu.vector_load %arg8[%get3A_262] {strides = array<i32>} : memref<12800xf32, #tpu.memory_space<vmem>>, vector<16xf32>,
      %get3A_264 = vector.shape_cast %get3A_263 : vector<16xf32> to vector<16xf32>
      %swap3A_265 = arith.index_cast %scan3A_195 : i32 to index
      %swap3A_266 = arith.constant 64 : index
      %swap3A_267 = tpu.vector_load %arg9[%swap3A_265, %swap3A_266] {strides = array<i32>} : memref<64x200xf32, #tpu.memory_space<vmem>>, vector<1x16xf32>,
      %swap3A_268 = vector.shape_cast %swap3A_267 : vector<1x16xf32> to vector<16xf32>
      %swap3A_269 = vector.shape_cast %get3A_264 : vector<16xf32> to vector<1x16xf32>
      tpu.vector_store %arg9[%swap3A_265, %swap3A_266], %swap3A_269 {strides = array<i32>} : memref<64x200xf32, #tpu.memory_space<vmem>>, vector<1x16xf32>,
      %mul3A_270 = arith.constant 200 : i32
      %mul3A_271 = arith.muli %scan3A_195, %mul3A_270 : i32
      %add3A_272 = arith.constant 80 : i32
      %add3A_273 = arith.addi %mul3A_271, %add3A_272 : i32
      %get3A_274 = arith.index_cast %add3A_273 : i32 to index
      %get3A_275 = tpu.vector_load %arg8[%get3A_274] {strides = array<i32>} : memref<12800xf32, #tpu.memory_space<vmem>>, vector<16xf32>,
      %get3A_276 = vector.shape_cast %get3A_275 : vector<16xf32> to vector<16xf32>
      %swap3A_277 = arith.index_cast %scan3A_195 : i32 to index
      %swap3A_278 = arith.constant 80 : index
      %swap3A_279 = tpu.vector_load %arg9[%swap3A_277, %swap3A_278] {strides = array<i32>} : memref<64x200xf32, #tpu.memory_space<vmem>>, vector<1x16xf32>,
      %swap3A_280 = vector.shape_cast %swap3A_279 : vector<1x16xf32> to vector<16xf32>
      %swap3A_281 = vector.shape_cast %get3A_276 : vector<16xf32> to vector<1x16xf32>
      tpu.vector_store %arg9[%swap3A_277, %swap3A_278], %swap3A_281 {strides = array<i32>} : memref<64x200xf32, #tpu.memory_space<vmem>>, vector<1x16xf32>,
      %mul3A_282 = arith.constant 200 : i32
      %mul3A_283 = arith.muli %scan3A_195, %mul3A_282 : i32
      %add3A_284 = arith.constant 96 : i32
      %add3A_285 = arith.addi %mul3A_283, %add3A_284 : i32
      %get3A_286 = arith.index_cast %add3A_285 : i32 to index
      %get3A_287 = tpu.vector_load %arg8[%get3A_286] {strides = array<i32>} : memref<12800xf32, #tpu.memory_space<vmem>>, vector<16xf32>,
      %get3A_288 = vector.shape_cast %get3A_287 : vector<16xf32> to vector<16xf32>
      %swap3A_289 = arith.index_cast %scan3A_195 : i32 to index
      %swap3A_290 = arith.constant 96 : index
      %swap3A_291 = tpu.vector_load %arg9[%swap3A_289, %swap3A_290] {strides = array<i32>} : memref<64x200xf32, #tpu.memory_space<vmem>>, vector<1x16xf32>,
      %swap3A_292 = vector.shape_cast %swap3A_291 : vector<1x16xf32> to vector<16xf32>
      %swap3A_293 = vector.shape_cast %get3A_288 : vector<16xf32> to vector<1x16xf32>
      tpu.vector_store %arg9[%swap3A_289, %swap3A_290], %swap3A_293 {strides = array<i32>} : memref<64x200xf32, #tpu.memory_space<vmem>>, vector<1x16xf32>,
      %mul3A_294 = arith.constant 200 : i32
      %mul3A_295 = arith.muli %scan3A_195, %mul3A_294 : i32
      %add3A_296 = arith.constant 112 : i32
      %add3A_297 = arith.addi %mul3A_295, %add3A_296 : i32
      %get3A_298 = arith.index_cast %add3A_297 : i32 to index
      %get3A_299 = tpu.vector_load %arg8[%get3A_298] {strides = array<i32>} : memref<12800xf32, #tpu.memory_space<vmem>>, vector<16xf32>,
      %get3A_300 = vector.shape_cast %get3A_299 : vector<16xf32> to vector<16xf32>
      %swap3A_301 = arith.index_cast %scan3A_195 : i32 to index
      %swap3A_302 = arith.constant 112 : index
      %swap3A_303 = tpu.vector_load %arg9[%swap3A_301, %swap3A_302] {strides = array<i32>} : memref<64x200xf32, #tpu.memory_space<vmem>>, vector<1x16xf32>,
      %swap3A_304 = vector.shape_cast %swap3A_303 : vector<1x16xf32> to vector<16xf32>
      %swap3A_305 = vector.shape_cast %get3A_300 : vector<16xf32> to vector<1x16xf32>
      tpu.vector_store %arg9[%swap3A_301, %swap3A_302], %swap3A_305 {strides = array<i32>} : memref<64x200xf32, #tpu.memory_space<vmem>>, vector<1x16xf32>,
      %mul3A_306 = arith.constant 200 : i32
      %mul3A_307 = arith.muli %scan3A_195, %mul3A_306 : i32
      %add3A_308 = arith.constant 128 : i32
      %add3A_309 = arith.addi %mul3A_307, %add3A_308 : i32
      %get3A_310 = arith.index_cast %add3A_309 : i32 to index
      %get3A_311 = tpu.vector_load %arg8[%get3A_310] {strides = array<i32>} : memref<12800xf32, #tpu.memory_space<vmem>>, vector<16xf32>,
      %get3A_312 = vector.shape_cast %get3A_311 : vector<16xf32> to vector<16xf32>
      %swap3A_313 = arith.index_cast %scan3A_195 : i32 to index
      %swap3A_314 = arith.constant 128 : index
      %swap3A_315 = tpu.vector_load %arg9[%swap3A_313, %swap3A_314] {strides = array<i32>} : memref<64x200xf32, #tpu.memory_space<vmem>>, vector<1x16xf32>,
      %swap3A_316 = vector.shape_cast %swap3A_315 : vector<1x16xf32> to vector<16xf32>
      %swap3A_317 = vector.shape_cast %get3A_312 : vector<16xf32> to vector<1x16xf32>
      tpu.vector_store %arg9[%swap3A_313, %swap3A_314], %swap3A_317 {strides = array<i32>} : memref<64x200xf32, #tpu.memory_space<vmem>>, vector<1x16xf32>,
      %mul3A_318 = arith.constant 200 : i32
      %mul3A_319 = arith.muli %scan3A_195, %mul3A_318 : i32
      %add3A_320 = arith.constant 144 : i32
      %add3A_321 = arith.addi %mul3A_319, %add3A_320 : i32
      %get3A_322 = arith.index_cast %add3A_321 : i32 to index
      %get3A_323 = tpu.vector_load %arg8[%get3A_322] {strides = array<i32>} : memref<12800xf32, #tpu.memory_space<vmem>>, vector<16xf32>,
      %get3A_324 = vector.shape_cast %get3A_323 : vector<16xf32> to vector<16xf32>
      %swap3A_325 = arith.index_cast %scan3A_195 : i32 to index
      %swap3A_326 = arith.constant 144 : index
      %swap3A_327 = tpu.vector_load %arg9[%swap3A_325, %swap3A_326] {strides = array<i32>} : memref<64x200xf32, #tpu.memory_space<vmem>>, vector<1x16xf32>,
      %swap3A_328 = vector.shape_cast %swap3A_327 : vector<1x16xf32> to vector<16xf32>
      %swap3A_329 = vector.shape_cast %get3A_324 : vector<16xf32> to vector<1x16xf32>
      tpu.vector_store %arg9[%swap3A_325, %swap3A_326], %swap3A_329 {strides = array<i32>} : memref<64x200xf32, #tpu.memory_space<vmem>>, vector<1x16xf32>,
      %mul3A_330 = arith.constant 200 : i32
      %mul3A_331 = arith.muli %scan3A_195, %mul3A_330 : i32
      %add3A_332 = arith.constant 160 : i32
      %add3A_333 = arith.addi %mul3A_331, %add3A_332 : i32
      %get3A_334 = arith.index_cast %add3A_333 : i32 to index
      %get3A_335 = tpu.vector_load %arg8[%get3A_334] {strides = array<i32>} : memref<12800xf32, #tpu.memory_space<vmem>>, vector<16xf32>,
      %get3A_336 = vector.shape_cast %get3A_335 : vector<16xf32> to vector<16xf32>
      %swap3A_337 = arith.index_cast %scan3A_195 : i32 to index
      %swap3A_338 = arith.constant 160 : index
      %swap3A_339 = tpu.vector_load %arg9[%swap3A_337, %swap3A_338] {strides = array<i32>} : memref<64x200xf32, #tpu.memory_space<vmem>>, vector<1x16xf32>,
      %swap3A_340 = vector.shape_cast %swap3A_339 : vector<1x16xf32> to vector<16xf32>
      %swap3A_341 = vector.shape_cast %get3A_336 : vector<16xf32> to vector<1x16xf32>
      tpu.vector_store %arg9[%swap3A_337, %swap3A_338], %swap3A_341 {strides = array<i32>} : memref<64x200xf32, #tpu.memory_space<vmem>>, vector<1x16xf32>,
      %mul3A_342 = arith.constant 200 : i32
      %mul3A_343 = arith.muli %scan3A_195, %mul3A_342 : i32
      %add3A_344 = arith.constant 176 : i32
      %add3A_345 = arith.addi %mul3A_343, %add3A_344 : i32
      %get3A_346 = arith.index_cast %add3A_345 : i32 to index
      %get3A_347 = tpu.vector_load %arg8[%get3A_346] {strides = array<i32>} : memref<12800xf32, #tpu.memory_space<vmem>>, vector<16xf32>,
      %get3A_348 = vector.shape_cast %get3A_347 : vector<16xf32> to vector<16xf32>
      %swap3A_349 = arith.index_cast %scan3A_195 : i32 to index
      %swap3A_350 = arith.constant 176 : index
      %swap3A_351 = tpu.vector_load %arg9[%swap3A_349, %swap3A_350] {strides = array<i32>} : memref<64x200xf32, #tpu.memory_space<vmem>>, vector<1x16xf32>,
      %swap3A_352 = vector.shape_cast %swap3A_351 : vector<1x16xf32> to vector<16xf32>
      %swap3A_353 = vector.shape_cast %get3A_348 : vector<16xf32> to vector<1x16xf32>
      tpu.vector_store %arg9[%swap3A_349, %swap3A_350], %swap3A_353 {strides = array<i32>} : memref<64x200xf32, #tpu.memory_space<vmem>>, vector<1x16xf32>,
    }
    %scan3A_114 = arith.constant 64 : i32
    "tpu.region"() ({
      %run_scoped3A = tpu.sem_alloc : memref<!tpu.dma_semaphore, #tpu.memory_space<semaphore_mem>>
      %dma_start3A_195 = arith.constant 0 : i32
      %dma_start3A_196 = tpu.memref_slice %arg4[%add3A_98, %dma_start3A_195] : memref<16384x200xf32, #tpu.memory_space<hbm>> -> memref<64x200xf32, #tpu.memory_space<hbm>>
      %dma_start3A_197 = arith.constant 0 : i32
      %dma_start3A_198 = tpu.memref_slice %arg4[%add3A_98, %dma_start3A_197] : memref<16384x200xf32, #tpu.memory_space<hbm>> -> memref<64x200xf32, #tpu.memory_space<hbm>>
      tpu.enqueue_dma source(%arg9 : memref<64x200xf32, #tpu.memory_space<vmem>>) target(%dma_start3A_198 : memref<64x200xf32, #tpu.memory_space<hbm>>) target_semaphore(%run_scoped3A : memref<!tpu.dma_semaphore, #tpu.memory_space<semaphore_mem>>)
      %dma_wait3A_199 = arith.constant 0 : i32
      %dma_wait3A_200 = tpu.memref_slice %arg4[%add3A_98, %dma_wait3A_199] : memref<16384x200xf32, #tpu.memory_space<hbm>> -> memref<64x200xf32, #tpu.memory_space<hbm>>
      %dma_wait3A_201 = arith.constant 0 : i32
      %dma_wait3A_202 = tpu.memref_slice %arg4[%add3A_98, %dma_wait3A_201] : memref<16384x200xf32, #tpu.memory_space<hbm>> -> memref<64x200xf32, #tpu.memory_space<hbm>>
      tpu.wait_dma2 semaphore(%run_scoped3A : memref<!tpu.dma_semaphore, #tpu.memory_space<semaphore_mem>>) src(%arg9 : memref<64x200xf32, #tpu.memory_space<vmem>>) dst(%dma_wait3A_202 : memref<64x200xf32, #tpu.memory_space<hbm>>)
      tpu.yield
    }) : () -> ()
    %mul3A_115 = arith.constant 512 : i32
    %mul3A_116 = arith.muli %add3A, %mul3A_115 : i32
    %add3A_117 = arith.constant 256 : i32
    %add3A_118 = arith.addi %mul3A_116, %add3A_117 : i32
    "tpu.region"() ({
      %run_scoped3A = tpu.sem_alloc : memref<!tpu.dma_semaphore, #tpu.memory_space<semaphore_mem>>
      %dma_start3A_195 = arith.constant 0 : i32
      %dma_start3A_196 = tpu.memref_slice %arg3[%add3A_118, %dma_start3A_195] : memref<16384x200xi32, #tpu.memory_space<hbm>> -> memref<64x200xi32, #tpu.memory_space<hbm>>
      %dma_start3A_197 = arith.constant 0 : i32
      %dma_start3A_198 = tpu.memref_slice %arg3[%add3A_118, %dma_start3A_197] : memref<16384x200xi32, #tpu.memory_space<hbm>> -> memref<64x200xi32, #tpu.memory_space<hbm>>
      tpu.enqueue_dma source(%dma_start3A_198 : memref<64x200xi32, #tpu.memory_space<hbm>>) target(%arg6 : memref<64x200xi32, #tpu.memory_space<vmem>>) target_semaphore(%run_scoped3A : memref<!tpu.dma_semaphore, #tpu.memory_space<semaphore_mem>>)
      %dma_wait3A_199 = arith.constant 0 : i32
      %dma_wait3A_200 = tpu.memref_slice %arg3[%add3A_118, %dma_wait3A_199] : memref<16384x200xi32, #tpu.memory_space<hbm>> -> memref<64x200xi32, #tpu.memory_space<hbm>>
      %dma_wait3A_201 = arith.constant 0 : i32
      %dma_wait3A_202 = tpu.memref_slice %arg3[%add3A_118, %dma_wait3A_201] : memref<16384x200xi32, #tpu.memory_space<hbm>> -> memref<64x200xi32, #tpu.memory_space<hbm>>
      tpu.wait_dma2 semaphore(%run_scoped3A : memref<!tpu.dma_semaphore, #tpu.memory_space<semaphore_mem>>) src(%dma_wait3A_202 : memref<64x200xi32, #tpu.memory_space<hbm>>) dst(%arg6 : memref<64x200xi32, #tpu.memory_space<vmem>>)
      tpu.yield
    }) : () -> ()
    %scan3A_119 = arith.constant 0 : i32
    %scan3A_120 = arith.constant 0 : i32
    %scan3A_121 = arith.constant 64 : i32
    %scan3A_122 = arith.addi %scan3A_120, %scan3A_121 : i32
    %scan3A_123 = arith.constant 1 : i32
    scf.for %scan3A_195 = %scan3A_120 to %scan3A_122 step %scan3A_123  : i32 {
      %get3A = arith.index_cast %scan3A_195 : i32 to index
      %get3A_196 = arith.constant 0 : index
      %get3A_197 = tpu.vector_load %arg6[%get3A, %get3A_196] {strides = array<i32>} : memref<64x200xi32, #tpu.memory_space<vmem>>, vector<1x16xi32>,
      %get3A_198 = vector.shape_cast %get3A_197 : vector<1x16xi32> to vector<16xi32>
      %mul3A_199 = arith.constant 200 : i32
      %mul3A_200 = arith.muli %scan3A_195, %mul3A_199 : i32
      %add3A_201 = arith.constant 0 : i32
      %add3A_202 = arith.addi %mul3A_200, %add3A_201 : i32
      %swap3A = arith.index_cast %add3A_202 : i32 to index
      %swap3A_203 = tpu.vector_load %arg7[%swap3A] {strides = array<i32>} : memref<12800xi32, #tpu.memory_space<vmem>>, vector<16xi32>,
      %swap3A_204 = vector.shape_cast %swap3A_203 : vector<16xi32> to vector<16xi32>
      %swap3A_205 = vector.shape_cast %get3A_198 : vector<16xi32> to vector<16xi32>
      tpu.vector_store %arg7[%swap3A], %swap3A_205 {strides = array<i32>} : memref<12800xi32, #tpu.memory_space<vmem>>, vector<16xi32>,
      %get3A_206 = arith.index_cast %scan3A_195 : i32 to index
      %get3A_207 = arith.constant 16 : index
      %get3A_208 = tpu.vector_load %arg6[%get3A_206, %get3A_207] {strides = array<i32>} : memref<64x200xi32, #tpu.memory_space<vmem>>, vector<1x16xi32>,
      %get3A_209 = vector.shape_cast %get3A_208 : vector<1x16xi32> to vector<16xi32>
      %mul3A_210 = arith.constant 200 : i32
      %mul3A_211 = arith.muli %scan3A_195, %mul3A_210 : i32
      %add3A_212 = arith.constant 16 : i32
      %add3A_213 = arith.addi %mul3A_211, %add3A_212 : i32
      %swap3A_214 = arith.index_cast %add3A_213 : i32 to index
      %swap3A_215 = tpu.vector_load %arg7[%swap3A_214] {strides = array<i32>} : memref<12800xi32, #tpu.memory_space<vmem>>, vector<16xi32>,
      %swap3A_216 = vector.shape_cast %swap3A_215 : vector<16xi32> to vector<16xi32>
      %swap3A_217 = vector.shape_cast %get3A_209 : vector<16xi32> to vector<16xi32>
      tpu.vector_store %arg7[%swap3A_214], %swap3A_217 {strides = array<i32>} : memref<12800xi32, #tpu.memory_space<vmem>>, vector<16xi32>,
      %get3A_218 = arith.index_cast %scan3A_195 : i32 to index
      %get3A_219 = arith.constant 32 : index
      %get3A_220 = tpu.vector_load %arg6[%get3A_218, %get3A_219] {strides = array<i32>} : memref<64x200xi32, #tpu.memory_space<vmem>>, vector<1x16xi32>,
      %get3A_221 = vector.shape_cast %get3A_220 : vector<1x16xi32> to vector<16xi32>
      %mul3A_222 = arith.constant 200 : i32
      %mul3A_223 = arith.muli %scan3A_195, %mul3A_222 : i32
      %add3A_224 = arith.constant 32 : i32
      %add3A_225 = arith.addi %mul3A_223, %add3A_224 : i32
      %swap3A_226 = arith.index_cast %add3A_225 : i32 to index
      %swap3A_227 = tpu.vector_load %arg7[%swap3A_226] {strides = array<i32>} : memref<12800xi32, #tpu.memory_space<vmem>>, vector<16xi32>,
      %swap3A_228 = vector.shape_cast %swap3A_227 : vector<16xi32> to vector<16xi32>
      %swap3A_229 = vector.shape_cast %get3A_221 : vector<16xi32> to vector<16xi32>
      tpu.vector_store %arg7[%swap3A_226], %swap3A_229 {strides = array<i32>} : memref<12800xi32, #tpu.memory_space<vmem>>, vector<16xi32>,
      %get3A_230 = arith.index_cast %scan3A_195 : i32 to index
      %get3A_231 = arith.constant 48 : index
      %get3A_232 = tpu.vector_load %arg6[%get3A_230, %get3A_231] {strides = array<i32>} : memref<64x200xi32, #tpu.memory_space<vmem>>, vector<1x16xi32>,
      %get3A_233 = vector.shape_cast %get3A_232 : vector<1x16xi32> to vector<16xi32>
      %mul3A_234 = arith.constant 200 : i32
      %mul3A_235 = arith.muli %scan3A_195, %mul3A_234 : i32
      %add3A_236 = arith.constant 48 : i32
      %add3A_237 = arith.addi %mul3A_235, %add3A_236 : i32
      %swap3A_238 = arith.index_cast %add3A_237 : i32 to index
      %swap3A_239 = tpu.vector_load %arg7[%swap3A_238] {strides = array<i32>} : memref<12800xi32, #tpu.memory_space<vmem>>, vector<16xi32>,
      %swap3A_240 = vector.shape_cast %swap3A_239 : vector<16xi32> to vector<16xi32>
      %swap3A_241 = vector.shape_cast %get3A_233 : vector<16xi32> to vector<16xi32>
      tpu.vector_store %arg7[%swap3A_238], %swap3A_241 {strides = array<i32>} : memref<12800xi32, #tpu.memory_space<vmem>>, vector<16xi32>,
      %get3A_242 = arith.index_cast %scan3A_195 : i32 to index
      %get3A_243 = arith.constant 64 : index
      %get3A_244 = tpu.vector_load %arg6[%get3A_242, %get3A_243] {strides = array<i32>} : memref<64x200xi32, #tpu.memory_space<vmem>>, vector<1x16xi32>,
      %get3A_245 = vector.shape_cast %get3A_244 : vector<1x16xi32> to vector<16xi32>
      %mul3A_246 = arith.constant 200 : i32
      %mul3A_247 = arith.muli %scan3A_195, %mul3A_246 : i32
      %add3A_248 = arith.constant 64 : i32
      %add3A_249 = arith.addi %mul3A_247, %add3A_248 : i32
      %swap3A_250 = arith.index_cast %add3A_249 : i32 to index
      %swap3A_251 = tpu.vector_load %arg7[%swap3A_250] {strides = array<i32>} : memref<12800xi32, #tpu.memory_space<vmem>>, vector<16xi32>,
      %swap3A_252 = vector.shape_cast %swap3A_251 : vector<16xi32> to vector<16xi32>
      %swap3A_253 = vector.shape_cast %get3A_245 : vector<16xi32> to vector<16xi32>
      tpu.vector_store %arg7[%swap3A_250], %swap3A_253 {strides = array<i32>} : memref<12800xi32, #tpu.memory_space<vmem>>, vector<16xi32>,
      %get3A_254 = arith.index_cast %scan3A_195 : i32 to index
      %get3A_255 = arith.constant 80 : index
      %get3A_256 = tpu.vector_load %arg6[%get3A_254, %get3A_255] {strides = array<i32>} : memref<64x200xi32, #tpu.memory_space<vmem>>, vector<1x16xi32>,
      %get3A_257 = vector.shape_cast %get3A_256 : vector<1x16xi32> to vector<16xi32>
      %mul3A_258 = arith.constant 200 : i32
      %mul3A_259 = arith.muli %scan3A_195, %mul3A_258 : i32
      %add3A_260 = arith.constant 80 : i32
      %add3A_261 = arith.addi %mul3A_259, %add3A_260 : i32
      %swap3A_262 = arith.index_cast %add3A_261 : i32 to index
      %swap3A_263 = tpu.vector_load %arg7[%swap3A_262] {strides = array<i32>} : memref<12800xi32, #tpu.memory_space<vmem>>, vector<16xi32>,
      %swap3A_264 = vector.shape_cast %swap3A_263 : vector<16xi32> to vector<16xi32>
      %swap3A_265 = vector.shape_cast %get3A_257 : vector<16xi32> to vector<16xi32>
      tpu.vector_store %arg7[%swap3A_262], %swap3A_265 {strides = array<i32>} : memref<12800xi32, #tpu.memory_space<vmem>>, vector<16xi32>,
      %get3A_266 = arith.index_cast %scan3A_195 : i32 to index
      %get3A_267 = arith.constant 96 : index
      %get3A_268 = tpu.vector_load %arg6[%get3A_266, %get3A_267] {strides = array<i32>} : memref<64x200xi32, #tpu.memory_space<vmem>>, vector<1x16xi32>,
      %get3A_269 = vector.shape_cast %get3A_268 : vector<1x16xi32> to vector<16xi32>
      %mul3A_270 = arith.constant 200 : i32
      %mul3A_271 = arith.muli %scan3A_195, %mul3A_270 : i32
      %add3A_272 = arith.constant 96 : i32
      %add3A_273 = arith.addi %mul3A_271, %add3A_272 : i32
      %swap3A_274 = arith.index_cast %add3A_273 : i32 to index
      %swap3A_275 = tpu.vector_load %arg7[%swap3A_274] {strides = array<i32>} : memref<12800xi32, #tpu.memory_space<vmem>>, vector<16xi32>,
      %swap3A_276 = vector.shape_cast %swap3A_275 : vector<16xi32> to vector<16xi32>
      %swap3A_277 = vector.shape_cast %get3A_269 : vector<16xi32> to vector<16xi32>
      tpu.vector_store %arg7[%swap3A_274], %swap3A_277 {strides = array<i32>} : memref<12800xi32, #tpu.memory_space<vmem>>, vector<16xi32>,
      %get3A_278 = arith.index_cast %scan3A_195 : i32 to index
      %get3A_279 = arith.constant 112 : index
      %get3A_280 = tpu.vector_load %arg6[%get3A_278, %get3A_279] {strides = array<i32>} : memref<64x200xi32, #tpu.memory_space<vmem>>, vector<1x16xi32>,
      %get3A_281 = vector.shape_cast %get3A_280 : vector<1x16xi32> to vector<16xi32>
      %mul3A_282 = arith.constant 200 : i32
      %mul3A_283 = arith.muli %scan3A_195, %mul3A_282 : i32
      %add3A_284 = arith.constant 112 : i32
      %add3A_285 = arith.addi %mul3A_283, %add3A_284 : i32
      %swap3A_286 = arith.index_cast %add3A_285 : i32 to index
      %swap3A_287 = tpu.vector_load %arg7[%swap3A_286] {strides = array<i32>} : memref<12800xi32, #tpu.memory_space<vmem>>, vector<16xi32>,
      %swap3A_288 = vector.shape_cast %swap3A_287 : vector<16xi32> to vector<16xi32>
      %swap3A_289 = vector.shape_cast %get3A_281 : vector<16xi32> to vector<16xi32>
      tpu.vector_store %arg7[%swap3A_286], %swap3A_289 {strides = array<i32>} : memref<12800xi32, #tpu.memory_space<vmem>>, vector<16xi32>,
      %get3A_290 = arith.index_cast %scan3A_195 : i32 to index
      %get3A_291 = arith.constant 128 : index
      %get3A_292 = tpu.vector_load %arg6[%get3A_290, %get3A_291] {strides = array<i32>} : memref<64x200xi32, #tpu.memory_space<vmem>>, vector<1x16xi32>,
      %get3A_293 = vector.shape_cast %get3A_292 : vector<1x16xi32> to vector<16xi32>
      %mul3A_294 = arith.constant 200 : i32
      %mul3A_295 = arith.muli %scan3A_195, %mul3A_294 : i32
      %add3A_296 = arith.constant 128 : i32
      %add3A_297 = arith.addi %mul3A_295, %add3A_296 : i32
      %swap3A_298 = arith.index_cast %add3A_297 : i32 to index
      %swap3A_299 = tpu.vector_load %arg7[%swap3A_298] {strides = array<i32>} : memref<12800xi32, #tpu.memory_space<vmem>>, vector<16xi32>,
      %swap3A_300 = vector.shape_cast %swap3A_299 : vector<16xi32> to vector<16xi32>
      %swap3A_301 = vector.shape_cast %get3A_293 : vector<16xi32> to vector<16xi32>
      tpu.vector_store %arg7[%swap3A_298], %swap3A_301 {strides = array<i32>} : memref<12800xi32, #tpu.memory_space<vmem>>, vector<16xi32>,
      %get3A_302 = arith.index_cast %scan3A_195 : i32 to index
      %get3A_303 = arith.constant 144 : index
      %get3A_304 = tpu.vector_load %arg6[%get3A_302, %get3A_303] {strides = array<i32>} : memref<64x200xi32, #tpu.memory_space<vmem>>, vector<1x16xi32>,
      %get3A_305 = vector.shape_cast %get3A_304 : vector<1x16xi32> to vector<16xi32>
      %mul3A_306 = arith.constant 200 : i32
      %mul3A_307 = arith.muli %scan3A_195, %mul3A_306 : i32
      %add3A_308 = arith.constant 144 : i32
      %add3A_309 = arith.addi %mul3A_307, %add3A_308 : i32
      %swap3A_310 = arith.index_cast %add3A_309 : i32 to index
      %swap3A_311 = tpu.vector_load %arg7[%swap3A_310] {strides = array<i32>} : memref<12800xi32, #tpu.memory_space<vmem>>, vector<16xi32>,
      %swap3A_312 = vector.shape_cast %swap3A_311 : vector<16xi32> to vector<16xi32>
      %swap3A_313 = vector.shape_cast %get3A_305 : vector<16xi32> to vector<16xi32>
      tpu.vector_store %arg7[%swap3A_310], %swap3A_313 {strides = array<i32>} : memref<12800xi32, #tpu.memory_space<vmem>>, vector<16xi32>,
      %get3A_314 = arith.index_cast %scan3A_195 : i32 to index
      %get3A_315 = arith.constant 160 : index
      %get3A_316 = tpu.vector_load %arg6[%get3A_314, %get3A_315] {strides = array<i32>} : memref<64x200xi32, #tpu.memory_space<vmem>>, vector<1x16xi32>,
      %get3A_317 = vector.shape_cast %get3A_316 : vector<1x16xi32> to vector<16xi32>
      %mul3A_318 = arith.constant 200 : i32
      %mul3A_319 = arith.muli %scan3A_195, %mul3A_318 : i32
      %add3A_320 = arith.constant 160 : i32
      %add3A_321 = arith.addi %mul3A_319, %add3A_320 : i32
      %swap3A_322 = arith.index_cast %add3A_321 : i32 to index
      %swap3A_323 = tpu.vector_load %arg7[%swap3A_322] {strides = array<i32>} : memref<12800xi32, #tpu.memory_space<vmem>>, vector<16xi32>,
      %swap3A_324 = vector.shape_cast %swap3A_323 : vector<16xi32> to vector<16xi32>
      %swap3A_325 = vector.shape_cast %get3A_317 : vector<16xi32> to vector<16xi32>
      tpu.vector_store %arg7[%swap3A_322], %swap3A_325 {strides = array<i32>} : memref<12800xi32, #tpu.memory_space<vmem>>, vector<16xi32>,
      %get3A_326 = arith.index_cast %scan3A_195 : i32 to index
      %get3A_327 = arith.constant 176 : index
      %get3A_328 = tpu.vector_load %arg6[%get3A_326, %get3A_327] {strides = array<i32>} : memref<64x200xi32, #tpu.memory_space<vmem>>, vector<1x16xi32>,
      %get3A_329 = vector.shape_cast %get3A_328 : vector<1x16xi32> to vector<16xi32>
      %mul3A_330 = arith.constant 200 : i32
      %mul3A_331 = arith.muli %scan3A_195, %mul3A_330 : i32
      %add3A_332 = arith.constant 176 : i32
      %add3A_333 = arith.addi %mul3A_331, %add3A_332 : i32
      %swap3A_334 = arith.index_cast %add3A_333 : i32 to index
      %swap3A_335 = tpu.vector_load %arg7[%swap3A_334] {strides = array<i32>} : memref<12800xi32, #tpu.memory_space<vmem>>, vector<16xi32>,
      %swap3A_336 = vector.shape_cast %swap3A_335 : vector<16xi32> to vector<16xi32>
      %swap3A_337 = vector.shape_cast %get3A_329 : vector<16xi32> to vector<16xi32>
      tpu.vector_store %arg7[%swap3A_334], %swap3A_337 {strides = array<i32>} : memref<12800xi32, #tpu.memory_space<vmem>>, vector<16xi32>,
      %mul3A_338 = arith.constant 0 : i32
      %mul3A_339 = arith.muli %scan3A_195, %mul3A_338 : i32
      %add3A_340 = arith.constant 184 : i32
      %add3A_341 = arith.addi %mul3A_339, %add3A_340 : i32
      %get3A_342 = arith.index_cast %scan3A_195 : i32 to index
      %get3A_343 = arith.index_cast %add3A_341 : i32 to index
      %get3A_344 = tpu.vector_load %arg6[%get3A_342, %get3A_343] {strides = array<i32>} : memref<64x200xi32, #tpu.memory_space<vmem>>, vector<1x16xi32>,
      %get3A_345 = vector.shape_cast %get3A_344 : vector<1x16xi32> to vector<16xi32>
      %mul3A_346 = arith.constant 200 : i32
      %mul3A_347 = arith.muli %scan3A_195, %mul3A_346 : i32
      %add3A_348 = arith.constant 184 : i32
      %add3A_349 = arith.addi %mul3A_347, %add3A_348 : i32
      %swap3A_350 = arith.index_cast %add3A_349 : i32 to index
      %swap3A_351 = tpu.vector_load %arg7[%swap3A_350] {strides = array<i32>} : memref<12800xi32, #tpu.memory_space<vmem>>, vector<16xi32>,
      %swap3A_352 = vector.shape_cast %swap3A_351 : vector<16xi32> to vector<16xi32>
      %swap3A_353 = vector.shape_cast %get3A_345 : vector<16xi32> to vector<16xi32>
      tpu.vector_store %arg7[%swap3A_350], %swap3A_353 {strides = array<i32>} : memref<12800xi32, #tpu.memory_space<vmem>>, vector<16xi32>,
    }
    %scan3A_124 = arith.constant 64 : i32
    %dma_start3A_125 = arith.constant 0 : i32
    %dma_start3A_126 = tpu.memref_slice %arg5[%dma_start3A_125] : memref<1048576xf32, #tpu.memory_space<vmem_shared>> -> memref<1048576xf32, #tpu.memory_space<vmem_shared>>
    tpu.enqueue_indirect_dma source(%dma_start3A_126 : memref<1048576xf32, #tpu.memory_space<vmem_shared>>) target(%arg8 : memref<12800xf32, #tpu.memory_space<vmem>>) offsets(%arg7 : memref<12800xi32, #tpu.memory_space<vmem>>) semaphore(%arg10 : memref<!tpu.dma_semaphore, #tpu.memory_space<semaphore_mem>>)
    %dma_wait3A_127 = arith.constant 0 : i32
    %dma_wait3A_128 = tpu.memref_slice %arg5[%dma_wait3A_127] : memref<1048576xf32, #tpu.memory_space<vmem_shared>> -> memref<1048576xf32, #tpu.memory_space<vmem_shared>>
    tpu.wait_indirect_dma semaphore(%arg10 : memref<!tpu.dma_semaphore, #tpu.memory_space<semaphore_mem>>) src(%dma_wait3A_128 : memref<1048576xf32, #tpu.memory_space<vmem_shared>>) dst(%arg8 : memref<12800xf32, #tpu.memory_space<vmem>>)
    %scan3A_129 = arith.constant 0 : i32
    %scan3A_130 = arith.constant 0 : i32
    %scan3A_131 = arith.constant 64 : i32
    %scan3A_132 = arith.addi %scan3A_130, %scan3A_131 : i32
    %scan3A_133 = arith.constant 1 : i32
    scf.for %scan3A_195 = %scan3A_130 to %scan3A_132 step %scan3A_133  : i32 {
      %mul3A_196 = arith.constant 0 : i32
      %mul3A_197 = arith.muli %scan3A_195, %mul3A_196 : i32
      %add3A_198 = arith.constant 184 : i32
      %add3A_199 = arith.addi %mul3A_197, %add3A_198 : i32
      %mul3A_200 = arith.constant 200 : i32
      %mul3A_201 = arith.muli %scan3A_195, %mul3A_200 : i32
      %add3A_202 = arith.constant 184 : i32
      %add3A_203 = arith.addi %mul3A_201, %add3A_202 : i32
      %get3A = arith.index_cast %add3A_203 : i32 to index
      %get3A_204 = tpu.vector_load %arg8[%get3A] {strides = array<i32>} : memref<12800xf32, #tpu.memory_space<vmem>>, vector<16xf32>,
      %get3A_205 = vector.shape_cast %get3A_204 : vector<16xf32> to vector<16xf32>
      %swap3A = arith.index_cast %scan3A_195 : i32 to index
      %swap3A_206 = arith.index_cast %add3A_199 : i32 to index
      %swap3A_207 = tpu.vector_load %arg9[%swap3A, %swap3A_206] {strides = array<i32>} : memref<64x200xf32, #tpu.memory_space<vmem>>, vector<1x16xf32>,
      %swap3A_208 = vector.shape_cast %swap3A_207 : vector<1x16xf32> to vector<16xf32>
      %swap3A_209 = vector.shape_cast %get3A_205 : vector<16xf32> to vector<1x16xf32>
      tpu.vector_store %arg9[%swap3A, %swap3A_206], %swap3A_209 {strides = array<i32>} : memref<64x200xf32, #tpu.memory_space<vmem>>, vector<1x16xf32>,
      %mul3A_210 = arith.constant 200 : i32
      %mul3A_211 = arith.muli %scan3A_195, %mul3A_210 : i32
      %add3A_212 = arith.constant 0 : i32
      %add3A_213 = arith.addi %mul3A_211, %add3A_212 : i32
      %get3A_214 = arith.index_cast %add3A_213 : i32 to index
      %get3A_215 = tpu.vector_load %arg8[%get3A_214] {strides = array<i32>} : memref<12800xf32, #tpu.memory_space<vmem>>, vector<16xf32>,
      %get3A_216 = vector.shape_cast %get3A_215 : vector<16xf32> to vector<16xf32>
      %swap3A_217 = arith.index_cast %scan3A_195 : i32 to index
      %swap3A_218 = arith.constant 0 : index
      %swap3A_219 = tpu.vector_load %arg9[%swap3A_217, %swap3A_218] {strides = array<i32>} : memref<64x200xf32, #tpu.memory_space<vmem>>, vector<1x16xf32>,
      %swap3A_220 = vector.shape_cast %swap3A_219 : vector<1x16xf32> to vector<16xf32>
      %swap3A_221 = vector.shape_cast %get3A_216 : vector<16xf32> to vector<1x16xf32>
      tpu.vector_store %arg9[%swap3A_217, %swap3A_218], %swap3A_221 {strides = array<i32>} : memref<64x200xf32, #tpu.memory_space<vmem>>, vector<1x16xf32>,
      %mul3A_222 = arith.constant 200 : i32
      %mul3A_223 = arith.muli %scan3A_195, %mul3A_222 : i32
      %add3A_224 = arith.constant 16 : i32
      %add3A_225 = arith.addi %mul3A_223, %add3A_224 : i32
      %get3A_226 = arith.index_cast %add3A_225 : i32 to index
      %get3A_227 = tpu.vector_load %arg8[%get3A_226] {strides = array<i32>} : memref<12800xf32, #tpu.memory_space<vmem>>, vector<16xf32>,
      %get3A_228 = vector.shape_cast %get3A_227 : vector<16xf32> to vector<16xf32>
      %swap3A_229 = arith.index_cast %scan3A_195 : i32 to index
      %swap3A_230 = arith.constant 16 : index
      %swap3A_231 = tpu.vector_load %arg9[%swap3A_229, %swap3A_230] {strides = array<i32>} : memref<64x200xf32, #tpu.memory_space<vmem>>, vector<1x16xf32>,
      %swap3A_232 = vector.shape_cast %swap3A_231 : vector<1x16xf32> to vector<16xf32>
      %swap3A_233 = vector.shape_cast %get3A_228 : vector<16xf32> to vector<1x16xf32>
      tpu.vector_store %arg9[%swap3A_229, %swap3A_230], %swap3A_233 {strides = array<i32>} : memref<64x200xf32, #tpu.memory_space<vmem>>, vector<1x16xf32>,
      %mul3A_234 = arith.constant 200 : i32
      %mul3A_235 = arith.muli %scan3A_195, %mul3A_234 : i32
      %add3A_236 = arith.constant 32 : i32
      %add3A_237 = arith.addi %mul3A_235, %add3A_236 : i32
      %get3A_238 = arith.index_cast %add3A_237 : i32 to index
      %get3A_239 = tpu.vector_load %arg8[%get3A_238] {strides = array<i32>} : memref<12800xf32, #tpu.memory_space<vmem>>, vector<16xf32>,
      %get3A_240 = vector.shape_cast %get3A_239 : vector<16xf32> to vector<16xf32>
      %swap3A_241 = arith.index_cast %scan3A_195 : i32 to index
      %swap3A_242 = arith.constant 32 : index
      %swap3A_243 = tpu.vector_load %arg9[%swap3A_241, %swap3A_242] {strides = array<i32>} : memref<64x200xf32, #tpu.memory_space<vmem>>, vector<1x16xf32>,
      %swap3A_244 = vector.shape_cast %swap3A_243 : vector<1x16xf32> to vector<16xf32>
      %swap3A_245 = vector.shape_cast %get3A_240 : vector<16xf32> to vector<1x16xf32>
      tpu.vector_store %arg9[%swap3A_241, %swap3A_242], %swap3A_245 {strides = array<i32>} : memref<64x200xf32, #tpu.memory_space<vmem>>, vector<1x16xf32>,
      %mul3A_246 = arith.constant 200 : i32
      %mul3A_247 = arith.muli %scan3A_195, %mul3A_246 : i32
      %add3A_248 = arith.constant 48 : i32
      %add3A_249 = arith.addi %mul3A_247, %add3A_248 : i32
      %get3A_250 = arith.index_cast %add3A_249 : i32 to index
      %get3A_251 = tpu.vector_load %arg8[%get3A_250] {strides = array<i32>} : memref<12800xf32, #tpu.memory_space<vmem>>, vector<16xf32>,
      %get3A_252 = vector.shape_cast %get3A_251 : vector<16xf32> to vector<16xf32>
      %swap3A_253 = arith.index_cast %scan3A_195 : i32 to index
      %swap3A_254 = arith.constant 48 : index
      %swap3A_255 = tpu.vector_load %arg9[%swap3A_253, %swap3A_254] {strides = array<i32>} : memref<64x200xf32, #tpu.memory_space<vmem>>, vector<1x16xf32>,
      %swap3A_256 = vector.shape_cast %swap3A_255 : vector<1x16xf32> to vector<16xf32>
      %swap3A_257 = vector.shape_cast %get3A_252 : vector<16xf32> to vector<1x16xf32>
      tpu.vector_store %arg9[%swap3A_253, %swap3A_254], %swap3A_257 {strides = array<i32>} : memref<64x200xf32, #tpu.memory_space<vmem>>, vector<1x16xf32>,
      %mul3A_258 = arith.constant 200 : i32
      %mul3A_259 = arith.muli %scan3A_195, %mul3A_258 : i32
      %add3A_260 = arith.constant 64 : i32
      %add3A_261 = arith.addi %mul3A_259, %add3A_260 : i32
      %get3A_262 = arith.index_cast %add3A_261 : i32 to index
      %get3A_263 = tpu.vector_load %arg8[%get3A_262] {strides = array<i32>} : memref<12800xf32, #tpu.memory_space<vmem>>, vector<16xf32>,
      %get3A_264 = vector.shape_cast %get3A_263 : vector<16xf32> to vector<16xf32>
      %swap3A_265 = arith.index_cast %scan3A_195 : i32 to index
      %swap3A_266 = arith.constant 64 : index
      %swap3A_267 = tpu.vector_load %arg9[%swap3A_265, %swap3A_266] {strides = array<i32>} : memref<64x200xf32, #tpu.memory_space<vmem>>, vector<1x16xf32>,
      %swap3A_268 = vector.shape_cast %swap3A_267 : vector<1x16xf32> to vector<16xf32>
      %swap3A_269 = vector.shape_cast %get3A_264 : vector<16xf32> to vector<1x16xf32>
      tpu.vector_store %arg9[%swap3A_265, %swap3A_266], %swap3A_269 {strides = array<i32>} : memref<64x200xf32, #tpu.memory_space<vmem>>, vector<1x16xf32>,
      %mul3A_270 = arith.constant 200 : i32
      %mul3A_271 = arith.muli %scan3A_195, %mul3A_270 : i32
      %add3A_272 = arith.constant 80 : i32
      %add3A_273 = arith.addi %mul3A_271, %add3A_272 : i32
      %get3A_274 = arith.index_cast %add3A_273 : i32 to index
      %get3A_275 = tpu.vector_load %arg8[%get3A_274] {strides = array<i32>} : memref<12800xf32, #tpu.memory_space<vmem>>, vector<16xf32>,
      %get3A_276 = vector.shape_cast %get3A_275 : vector<16xf32> to vector<16xf32>
      %swap3A_277 = arith.index_cast %scan3A_195 : i32 to index
      %swap3A_278 = arith.constant 80 : index
      %swap3A_279 = tpu.vector_load %arg9[%swap3A_277, %swap3A_278] {strides = array<i32>} : memref<64x200xf32, #tpu.memory_space<vmem>>, vector<1x16xf32>,
      %swap3A_280 = vector.shape_cast %swap3A_279 : vector<1x16xf32> to vector<16xf32>
      %swap3A_281 = vector.shape_cast %get3A_276 : vector<16xf32> to vector<1x16xf32>
      tpu.vector_store %arg9[%swap3A_277, %swap3A_278], %swap3A_281 {strides = array<i32>} : memref<64x200xf32, #tpu.memory_space<vmem>>, vector<1x16xf32>,
      %mul3A_282 = arith.constant 200 : i32
      %mul3A_283 = arith.muli %scan3A_195, %mul3A_282 : i32
      %add3A_284 = arith.constant 96 : i32
      %add3A_285 = arith.addi %mul3A_283, %add3A_284 : i32
      %get3A_286 = arith.index_cast %add3A_285 : i32 to index
      %get3A_287 = tpu.vector_load %arg8[%get3A_286] {strides = array<i32>} : memref<12800xf32, #tpu.memory_space<vmem>>, vector<16xf32>,
      %get3A_288 = vector.shape_cast %get3A_287 : vector<16xf32> to vector<16xf32>
      %swap3A_289 = arith.index_cast %scan3A_195 : i32 to index
      %swap3A_290 = arith.constant 96 : index
      %swap3A_291 = tpu.vector_load %arg9[%swap3A_289, %swap3A_290] {strides = array<i32>} : memref<64x200xf32, #tpu.memory_space<vmem>>, vector<1x16xf32>,
      %swap3A_292 = vector.shape_cast %swap3A_291 : vector<1x16xf32> to vector<16xf32>
      %swap3A_293 = vector.shape_cast %get3A_288 : vector<16xf32> to vector<1x16xf32>
      tpu.vector_store %arg9[%swap3A_289, %swap3A_290], %swap3A_293 {strides = array<i32>} : memref<64x200xf32, #tpu.memory_space<vmem>>, vector<1x16xf32>,
      %mul3A_294 = arith.constant 200 : i32
      %mul3A_295 = arith.muli %scan3A_195, %mul3A_294 : i32
      %add3A_296 = arith.constant 112 : i32
      %add3A_297 = arith.addi %mul3A_295, %add3A_296 : i32
      %get3A_298 = arith.index_cast %add3A_297 : i32 to index
      %get3A_299 = tpu.vector_load %arg8[%get3A_298] {strides = array<i32>} : memref<12800xf32, #tpu.memory_space<vmem>>, vector<16xf32>,
      %get3A_300 = vector.shape_cast %get3A_299 : vector<16xf32> to vector<16xf32>
      %swap3A_301 = arith.index_cast %scan3A_195 : i32 to index
      %swap3A_302 = arith.constant 112 : index
      %swap3A_303 = tpu.vector_load %arg9[%swap3A_301, %swap3A_302] {strides = array<i32>} : memref<64x200xf32, #tpu.memory_space<vmem>>, vector<1x16xf32>,
      %swap3A_304 = vector.shape_cast %swap3A_303 : vector<1x16xf32> to vector<16xf32>
      %swap3A_305 = vector.shape_cast %get3A_300 : vector<16xf32> to vector<1x16xf32>
      tpu.vector_store %arg9[%swap3A_301, %swap3A_302], %swap3A_305 {strides = array<i32>} : memref<64x200xf32, #tpu.memory_space<vmem>>, vector<1x16xf32>,
      %mul3A_306 = arith.constant 200 : i32
      %mul3A_307 = arith.muli %scan3A_195, %mul3A_306 : i32
      %add3A_308 = arith.constant 128 : i32
      %add3A_309 = arith.addi %mul3A_307, %add3A_308 : i32
      %get3A_310 = arith.index_cast %add3A_309 : i32 to index
      %get3A_311 = tpu.vector_load %arg8[%get3A_310] {strides = array<i32>} : memref<12800xf32, #tpu.memory_space<vmem>>, vector<16xf32>,
      %get3A_312 = vector.shape_cast %get3A_311 : vector<16xf32> to vector<16xf32>
      %swap3A_313 = arith.index_cast %scan3A_195 : i32 to index
      %swap3A_314 = arith.constant 128 : index
      %swap3A_315 = tpu.vector_load %arg9[%swap3A_313, %swap3A_314] {strides = array<i32>} : memref<64x200xf32, #tpu.memory_space<vmem>>, vector<1x16xf32>,
      %swap3A_316 = vector.shape_cast %swap3A_315 : vector<1x16xf32> to vector<16xf32>
      %swap3A_317 = vector.shape_cast %get3A_312 : vector<16xf32> to vector<1x16xf32>
      tpu.vector_store %arg9[%swap3A_313, %swap3A_314], %swap3A_317 {strides = array<i32>} : memref<64x200xf32, #tpu.memory_space<vmem>>, vector<1x16xf32>,
      %mul3A_318 = arith.constant 200 : i32
      %mul3A_319 = arith.muli %scan3A_195, %mul3A_318 : i32
      %add3A_320 = arith.constant 144 : i32
      %add3A_321 = arith.addi %mul3A_319, %add3A_320 : i32
      %get3A_322 = arith.index_cast %add3A_321 : i32 to index
      %get3A_323 = tpu.vector_load %arg8[%get3A_322] {strides = array<i32>} : memref<12800xf32, #tpu.memory_space<vmem>>, vector<16xf32>,
      %get3A_324 = vector.shape_cast %get3A_323 : vector<16xf32> to vector<16xf32>
      %swap3A_325 = arith.index_cast %scan3A_195 : i32 to index
      %swap3A_326 = arith.constant 144 : index
      %swap3A_327 = tpu.vector_load %arg9[%swap3A_325, %swap3A_326] {strides = array<i32>} : memref<64x200xf32, #tpu.memory_space<vmem>>, vector<1x16xf32>,
      %swap3A_328 = vector.shape_cast %swap3A_327 : vector<1x16xf32> to vector<16xf32>
      %swap3A_329 = vector.shape_cast %get3A_324 : vector<16xf32> to vector<1x16xf32>
      tpu.vector_store %arg9[%swap3A_325, %swap3A_326], %swap3A_329 {strides = array<i32>} : memref<64x200xf32, #tpu.memory_space<vmem>>, vector<1x16xf32>,
      %mul3A_330 = arith.constant 200 : i32
      %mul3A_331 = arith.muli %scan3A_195, %mul3A_330 : i32
      %add3A_332 = arith.constant 160 : i32
      %add3A_333 = arith.addi %mul3A_331, %add3A_332 : i32
      %get3A_334 = arith.index_cast %add3A_333 : i32 to index
      %get3A_335 = tpu.vector_load %arg8[%get3A_334] {strides = array<i32>} : memref<12800xf32, #tpu.memory_space<vmem>>, vector<16xf32>,
      %get3A_336 = vector.shape_cast %get3A_335 : vector<16xf32> to vector<16xf32>
      %swap3A_337 = arith.index_cast %scan3A_195 : i32 to index
      %swap3A_338 = arith.constant 160 : index
      %swap3A_339 = tpu.vector_load %arg9[%swap3A_337, %swap3A_338] {strides = array<i32>} : memref<64x200xf32, #tpu.memory_space<vmem>>, vector<1x16xf32>,
      %swap3A_340 = vector.shape_cast %swap3A_339 : vector<1x16xf32> to vector<16xf32>
      %swap3A_341 = vector.shape_cast %get3A_336 : vector<16xf32> to vector<1x16xf32>
      tpu.vector_store %arg9[%swap3A_337, %swap3A_338], %swap3A_341 {strides = array<i32>} : memref<64x200xf32, #tpu.memory_space<vmem>>, vector<1x16xf32>,
      %mul3A_342 = arith.constant 200 : i32
      %mul3A_343 = arith.muli %scan3A_195, %mul3A_342 : i32
      %add3A_344 = arith.constant 176 : i32
      %add3A_345 = arith.addi %mul3A_343, %add3A_344 : i32
      %get3A_346 = arith.index_cast %add3A_345 : i32 to index
      %get3A_347 = tpu.vector_load %arg8[%get3A_346] {strides = array<i32>} : memref<12800xf32, #tpu.memory_space<vmem>>, vector<16xf32>,
      %get3A_348 = vector.shape_cast %get3A_347 : vector<16xf32> to vector<16xf32>
      %swap3A_349 = arith.index_cast %scan3A_195 : i32 to index
      %swap3A_350 = arith.constant 176 : index
      %swap3A_351 = tpu.vector_load %arg9[%swap3A_349, %swap3A_350] {strides = array<i32>} : memref<64x200xf32, #tpu.memory_space<vmem>>, vector<1x16xf32>,
      %swap3A_352 = vector.shape_cast %swap3A_351 : vector<1x16xf32> to vector<16xf32>
      %swap3A_353 = vector.shape_cast %get3A_348 : vector<16xf32> to vector<1x16xf32>
      tpu.vector_store %arg9[%swap3A_349, %swap3A_350], %swap3A_353 {strides = array<i32>} : memref<64x200xf32, #tpu.memory_space<vmem>>, vector<1x16xf32>,
    }
    %scan3A_134 = arith.constant 64 : i32
    "tpu.region"() ({
      %run_scoped3A = tpu.sem_alloc : memref<!tpu.dma_semaphore, #tpu.memory_space<semaphore_mem>>
      %dma_start3A_195 = arith.constant 0 : i32
      %dma_start3A_196 = tpu.memref_slice %arg4[%add3A_118, %dma_start3A_195] : memref<16384x200xf32, #tpu.memory_space<hbm>> -> memref<64x200xf32, #tpu.memory_space<hbm>>
      %dma_start3A_197 = arith.constant 0 : i32
      %dma_start3A_198 = tpu.memref_slice %arg4[%add3A_118, %dma_start3A_197] : memref<16384x200xf32, #tpu.memory_space<hbm>> -> memref<64x200xf32, #tpu.memory_space<hbm>>
      tpu.enqueue_dma source(%arg9 : memref<64x200xf32, #tpu.memory_space<vmem>>) target(%dma_start3A_198 : memref<64x200xf32, #tpu.memory_space<hbm>>) target_semaphore(%run_scoped3A : memref<!tpu.dma_semaphore, #tpu.memory_space<semaphore_mem>>)
      %dma_wait3A_199 = arith.constant 0 : i32
      %dma_wait3A_200 = tpu.memref_slice %arg4[%add3A_118, %dma_wait3A_199] : memref<16384x200xf32, #tpu.memory_space<hbm>> -> memref<64x200xf32, #tpu.memory_space<hbm>>
      %dma_wait3A_201 = arith.constant 0 : i32
      %dma_wait3A_202 = tpu.memref_slice %arg4[%add3A_118, %dma_wait3A_201] : memref<16384x200xf32, #tpu.memory_space<hbm>> -> memref<64x200xf32, #tpu.memory_space<hbm>>
      tpu.wait_dma2 semaphore(%run_scoped3A : memref<!tpu.dma_semaphore, #tpu.memory_space<semaphore_mem>>) src(%arg9 : memref<64x200xf32, #tpu.memory_space<vmem>>) dst(%dma_wait3A_202 : memref<64x200xf32, #tpu.memory_space<hbm>>)
      tpu.yield
    }) : () -> ()
    %mul3A_135 = arith.constant 512 : i32
    %mul3A_136 = arith.muli %add3A, %mul3A_135 : i32
    %add3A_137 = arith.constant 320 : i32
    %add3A_138 = arith.addi %mul3A_136, %add3A_137 : i32
    "tpu.region"() ({
      %run_scoped3A = tpu.sem_alloc : memref<!tpu.dma_semaphore, #tpu.memory_space<semaphore_mem>>
      %dma_start3A_195 = arith.constant 0 : i32
      %dma_start3A_196 = tpu.memref_slice %arg3[%add3A_138, %dma_start3A_195] : memref<16384x200xi32, #tpu.memory_space<hbm>> -> memref<64x200xi32, #tpu.memory_space<hbm>>
      %dma_start3A_197 = arith.constant 0 : i32
      %dma_start3A_198 = tpu.memref_slice %arg3[%add3A_138, %dma_start3A_197] : memref<16384x200xi32, #tpu.memory_space<hbm>> -> memref<64x200xi32, #tpu.memory_space<hbm>>
      tpu.enqueue_dma source(%dma_start3A_198 : memref<64x200xi32, #tpu.memory_space<hbm>>) target(%arg6 : memref<64x200xi32, #tpu.memory_space<vmem>>) target_semaphore(%run_scoped3A : memref<!tpu.dma_semaphore, #tpu.memory_space<semaphore_mem>>)
      %dma_wait3A_199 = arith.constant 0 : i32
      %dma_wait3A_200 = tpu.memref_slice %arg3[%add3A_138, %dma_wait3A_199] : memref<16384x200xi32, #tpu.memory_space<hbm>> -> memref<64x200xi32, #tpu.memory_space<hbm>>
      %dma_wait3A_201 = arith.constant 0 : i32
      %dma_wait3A_202 = tpu.memref_slice %arg3[%add3A_138, %dma_wait3A_201] : memref<16384x200xi32, #tpu.memory_space<hbm>> -> memref<64x200xi32, #tpu.memory_space<hbm>>
      tpu.wait_dma2 semaphore(%run_scoped3A : memref<!tpu.dma_semaphore, #tpu.memory_space<semaphore_mem>>) src(%dma_wait3A_202 : memref<64x200xi32, #tpu.memory_space<hbm>>) dst(%arg6 : memref<64x200xi32, #tpu.memory_space<vmem>>)
      tpu.yield
    }) : () -> ()
    %scan3A_139 = arith.constant 0 : i32
    %scan3A_140 = arith.constant 0 : i32
    %scan3A_141 = arith.constant 64 : i32
    %scan3A_142 = arith.addi %scan3A_140, %scan3A_141 : i32
    %scan3A_143 = arith.constant 1 : i32
    scf.for %scan3A_195 = %scan3A_140 to %scan3A_142 step %scan3A_143  : i32 {
      %get3A = arith.index_cast %scan3A_195 : i32 to index
      %get3A_196 = arith.constant 0 : index
      %get3A_197 = tpu.vector_load %arg6[%get3A, %get3A_196] {strides = array<i32>} : memref<64x200xi32, #tpu.memory_space<vmem>>, vector<1x16xi32>,
      %get3A_198 = vector.shape_cast %get3A_197 : vector<1x16xi32> to vector<16xi32>
      %mul3A_199 = arith.constant 200 : i32
      %mul3A_200 = arith.muli %scan3A_195, %mul3A_199 : i32
      %add3A_201 = arith.constant 0 : i32
      %add3A_202 = arith.addi %mul3A_200, %add3A_201 : i32
      %swap3A = arith.index_cast %add3A_202 : i32 to index
      %swap3A_203 = tpu.vector_load %arg7[%swap3A] {strides = array<i32>} : memref<12800xi32, #tpu.memory_space<vmem>>, vector<16xi32>,
      %swap3A_204 = vector.shape_cast %swap3A_203 : vector<16xi32> to vector<16xi32>
      %swap3A_205 = vector.shape_cast %get3A_198 : vector<16xi32> to vector<16xi32>
      tpu.vector_store %arg7[%swap3A], %swap3A_205 {strides = array<i32>} : memref<12800xi32, #tpu.memory_space<vmem>>, vector<16xi32>,
      %get3A_206 = arith.index_cast %scan3A_195 : i32 to index
      %get3A_207 = arith.constant 16 : index
      %get3A_208 = tpu.vector_load %arg6[%get3A_206, %get3A_207] {strides = array<i32>} : memref<64x200xi32, #tpu.memory_space<vmem>>, vector<1x16xi32>,
      %get3A_209 = vector.shape_cast %get3A_208 : vector<1x16xi32> to vector<16xi32>
      %mul3A_210 = arith.constant 200 : i32
      %mul3A_211 = arith.muli %scan3A_195, %mul3A_210 : i32
      %add3A_212 = arith.constant 16 : i32
      %add3A_213 = arith.addi %mul3A_211, %add3A_212 : i32
      %swap3A_214 = arith.index_cast %add3A_213 : i32 to index
      %swap3A_215 = tpu.vector_load %arg7[%swap3A_214] {strides = array<i32>} : memref<12800xi32, #tpu.memory_space<vmem>>, vector<16xi32>,
      %swap3A_216 = vector.shape_cast %swap3A_215 : vector<16xi32> to vector<16xi32>
      %swap3A_217 = vector.shape_cast %get3A_209 : vector<16xi32> to vector<16xi32>
      tpu.vector_store %arg7[%swap3A_214], %swap3A_217 {strides = array<i32>} : memref<12800xi32, #tpu.memory_space<vmem>>, vector<16xi32>,
      %get3A_218 = arith.index_cast %scan3A_195 : i32 to index
      %get3A_219 = arith.constant 32 : index
      %get3A_220 = tpu.vector_load %arg6[%get3A_218, %get3A_219] {strides = array<i32>} : memref<64x200xi32, #tpu.memory_space<vmem>>, vector<1x16xi32>,
      %get3A_221 = vector.shape_cast %get3A_220 : vector<1x16xi32> to vector<16xi32>
      %mul3A_222 = arith.constant 200 : i32
      %mul3A_223 = arith.muli %scan3A_195, %mul3A_222 : i32
      %add3A_224 = arith.constant 32 : i32
      %add3A_225 = arith.addi %mul3A_223, %add3A_224 : i32
      %swap3A_226 = arith.index_cast %add3A_225 : i32 to index
      %swap3A_227 = tpu.vector_load %arg7[%swap3A_226] {strides = array<i32>} : memref<12800xi32, #tpu.memory_space<vmem>>, vector<16xi32>,
      %swap3A_228 = vector.shape_cast %swap3A_227 : vector<16xi32> to vector<16xi32>
      %swap3A_229 = vector.shape_cast %get3A_221 : vector<16xi32> to vector<16xi32>
      tpu.vector_store %arg7[%swap3A_226], %swap3A_229 {strides = array<i32>} : memref<12800xi32, #tpu.memory_space<vmem>>, vector<16xi32>,
      %get3A_230 = arith.index_cast %scan3A_195 : i32 to index
      %get3A_231 = arith.constant 48 : index
      %get3A_232 = tpu.vector_load %arg6[%get3A_230, %get3A_231] {strides = array<i32>} : memref<64x200xi32, #tpu.memory_space<vmem>>, vector<1x16xi32>,
      %get3A_233 = vector.shape_cast %get3A_232 : vector<1x16xi32> to vector<16xi32>
      %mul3A_234 = arith.constant 200 : i32
      %mul3A_235 = arith.muli %scan3A_195, %mul3A_234 : i32
      %add3A_236 = arith.constant 48 : i32
      %add3A_237 = arith.addi %mul3A_235, %add3A_236 : i32
      %swap3A_238 = arith.index_cast %add3A_237 : i32 to index
      %swap3A_239 = tpu.vector_load %arg7[%swap3A_238] {strides = array<i32>} : memref<12800xi32, #tpu.memory_space<vmem>>, vector<16xi32>,
      %swap3A_240 = vector.shape_cast %swap3A_239 : vector<16xi32> to vector<16xi32>
      %swap3A_241 = vector.shape_cast %get3A_233 : vector<16xi32> to vector<16xi32>
      tpu.vector_store %arg7[%swap3A_238], %swap3A_241 {strides = array<i32>} : memref<12800xi32, #tpu.memory_space<vmem>>, vector<16xi32>,
      %get3A_242 = arith.index_cast %scan3A_195 : i32 to index
      %get3A_243 = arith.constant 64 : index
      %get3A_244 = tpu.vector_load %arg6[%get3A_242, %get3A_243] {strides = array<i32>} : memref<64x200xi32, #tpu.memory_space<vmem>>, vector<1x16xi32>,
      %get3A_245 = vector.shape_cast %get3A_244 : vector<1x16xi32> to vector<16xi32>
      %mul3A_246 = arith.constant 200 : i32
      %mul3A_247 = arith.muli %scan3A_195, %mul3A_246 : i32
      %add3A_248 = arith.constant 64 : i32
      %add3A_249 = arith.addi %mul3A_247, %add3A_248 : i32
      %swap3A_250 = arith.index_cast %add3A_249 : i32 to index
      %swap3A_251 = tpu.vector_load %arg7[%swap3A_250] {strides = array<i32>} : memref<12800xi32, #tpu.memory_space<vmem>>, vector<16xi32>,
      %swap3A_252 = vector.shape_cast %swap3A_251 : vector<16xi32> to vector<16xi32>
      %swap3A_253 = vector.shape_cast %get3A_245 : vector<16xi32> to vector<16xi32>
      tpu.vector_store %arg7[%swap3A_250], %swap3A_253 {strides = array<i32>} : memref<12800xi32, #tpu.memory_space<vmem>>, vector<16xi32>,
      %get3A_254 = arith.index_cast %scan3A_195 : i32 to index
      %get3A_255 = arith.constant 80 : index
      %get3A_256 = tpu.vector_load %arg6[%get3A_254, %get3A_255] {strides = array<i32>} : memref<64x200xi32, #tpu.memory_space<vmem>>, vector<1x16xi32>,
      %get3A_257 = vector.shape_cast %get3A_256 : vector<1x16xi32> to vector<16xi32>
      %mul3A_258 = arith.constant 200 : i32
      %mul3A_259 = arith.muli %scan3A_195, %mul3A_258 : i32
      %add3A_260 = arith.constant 80 : i32
      %add3A_261 = arith.addi %mul3A_259, %add3A_260 : i32
      %swap3A_262 = arith.index_cast %add3A_261 : i32 to index
      %swap3A_263 = tpu.vector_load %arg7[%swap3A_262] {strides = array<i32>} : memref<12800xi32, #tpu.memory_space<vmem>>, vector<16xi32>,
      %swap3A_264 = vector.shape_cast %swap3A_263 : vector<16xi32> to vector<16xi32>
      %swap3A_265 = vector.shape_cast %get3A_257 : vector<16xi32> to vector<16xi32>
      tpu.vector_store %arg7[%swap3A_262], %swap3A_265 {strides = array<i32>} : memref<12800xi32, #tpu.memory_space<vmem>>, vector<16xi32>,
      %get3A_266 = arith.index_cast %scan3A_195 : i32 to index
      %get3A_267 = arith.constant 96 : index
      %get3A_268 = tpu.vector_load %arg6[%get3A_266, %get3A_267] {strides = array<i32>} : memref<64x200xi32, #tpu.memory_space<vmem>>, vector<1x16xi32>,
      %get3A_269 = vector.shape_cast %get3A_268 : vector<1x16xi32> to vector<16xi32>
      %mul3A_270 = arith.constant 200 : i32
      %mul3A_271 = arith.muli %scan3A_195, %mul3A_270 : i32
      %add3A_272 = arith.constant 96 : i32
      %add3A_273 = arith.addi %mul3A_271, %add3A_272 : i32
      %swap3A_274 = arith.index_cast %add3A_273 : i32 to index
      %swap3A_275 = tpu.vector_load %arg7[%swap3A_274] {strides = array<i32>} : memref<12800xi32, #tpu.memory_space<vmem>>, vector<16xi32>,
      %swap3A_276 = vector.shape_cast %swap3A_275 : vector<16xi32> to vector<16xi32>
      %swap3A_277 = vector.shape_cast %get3A_269 : vector<16xi32> to vector<16xi32>
      tpu.vector_store %arg7[%swap3A_274], %swap3A_277 {strides = array<i32>} : memref<12800xi32, #tpu.memory_space<vmem>>, vector<16xi32>,
      %get3A_278 = arith.index_cast %scan3A_195 : i32 to index
      %get3A_279 = arith.constant 112 : index
      %get3A_280 = tpu.vector_load %arg6[%get3A_278, %get3A_279] {strides = array<i32>} : memref<64x200xi32, #tpu.memory_space<vmem>>, vector<1x16xi32>,
      %get3A_281 = vector.shape_cast %get3A_280 : vector<1x16xi32> to vector<16xi32>
      %mul3A_282 = arith.constant 200 : i32
      %mul3A_283 = arith.muli %scan3A_195, %mul3A_282 : i32
      %add3A_284 = arith.constant 112 : i32
      %add3A_285 = arith.addi %mul3A_283, %add3A_284 : i32
      %swap3A_286 = arith.index_cast %add3A_285 : i32 to index
      %swap3A_287 = tpu.vector_load %arg7[%swap3A_286] {strides = array<i32>} : memref<12800xi32, #tpu.memory_space<vmem>>, vector<16xi32>,
      %swap3A_288 = vector.shape_cast %swap3A_287 : vector<16xi32> to vector<16xi32>
      %swap3A_289 = vector.shape_cast %get3A_281 : vector<16xi32> to vector<16xi32>
      tpu.vector_store %arg7[%swap3A_286], %swap3A_289 {strides = array<i32>} : memref<12800xi32, #tpu.memory_space<vmem>>, vector<16xi32>,
      %get3A_290 = arith.index_cast %scan3A_195 : i32 to index
      %get3A_291 = arith.constant 128 : index
      %get3A_292 = tpu.vector_load %arg6[%get3A_290, %get3A_291] {strides = array<i32>} : memref<64x200xi32, #tpu.memory_space<vmem>>, vector<1x16xi32>,
      %get3A_293 = vector.shape_cast %get3A_292 : vector<1x16xi32> to vector<16xi32>
      %mul3A_294 = arith.constant 200 : i32
      %mul3A_295 = arith.muli %scan3A_195, %mul3A_294 : i32
      %add3A_296 = arith.constant 128 : i32
      %add3A_297 = arith.addi %mul3A_295, %add3A_296 : i32
      %swap3A_298 = arith.index_cast %add3A_297 : i32 to index
      %swap3A_299 = tpu.vector_load %arg7[%swap3A_298] {strides = array<i32>} : memref<12800xi32, #tpu.memory_space<vmem>>, vector<16xi32>,
      %swap3A_300 = vector.shape_cast %swap3A_299 : vector<16xi32> to vector<16xi32>
      %swap3A_301 = vector.shape_cast %get3A_293 : vector<16xi32> to vector<16xi32>
      tpu.vector_store %arg7[%swap3A_298], %swap3A_301 {strides = array<i32>} : memref<12800xi32, #tpu.memory_space<vmem>>, vector<16xi32>,
      %get3A_302 = arith.index_cast %scan3A_195 : i32 to index
      %get3A_303 = arith.constant 144 : index
      %get3A_304 = tpu.vector_load %arg6[%get3A_302, %get3A_303] {strides = array<i32>} : memref<64x200xi32, #tpu.memory_space<vmem>>, vector<1x16xi32>,
      %get3A_305 = vector.shape_cast %get3A_304 : vector<1x16xi32> to vector<16xi32>
      %mul3A_306 = arith.constant 200 : i32
      %mul3A_307 = arith.muli %scan3A_195, %mul3A_306 : i32
      %add3A_308 = arith.constant 144 : i32
      %add3A_309 = arith.addi %mul3A_307, %add3A_308 : i32
      %swap3A_310 = arith.index_cast %add3A_309 : i32 to index
      %swap3A_311 = tpu.vector_load %arg7[%swap3A_310] {strides = array<i32>} : memref<12800xi32, #tpu.memory_space<vmem>>, vector<16xi32>,
      %swap3A_312 = vector.shape_cast %swap3A_311 : vector<16xi32> to vector<16xi32>
      %swap3A_313 = vector.shape_cast %get3A_305 : vector<16xi32> to vector<16xi32>
      tpu.vector_store %arg7[%swap3A_310], %swap3A_313 {strides = array<i32>} : memref<12800xi32, #tpu.memory_space<vmem>>, vector<16xi32>,
      %get3A_314 = arith.index_cast %scan3A_195 : i32 to index
      %get3A_315 = arith.constant 160 : index
      %get3A_316 = tpu.vector_load %arg6[%get3A_314, %get3A_315] {strides = array<i32>} : memref<64x200xi32, #tpu.memory_space<vmem>>, vector<1x16xi32>,
      %get3A_317 = vector.shape_cast %get3A_316 : vector<1x16xi32> to vector<16xi32>
      %mul3A_318 = arith.constant 200 : i32
      %mul3A_319 = arith.muli %scan3A_195, %mul3A_318 : i32
      %add3A_320 = arith.constant 160 : i32
      %add3A_321 = arith.addi %mul3A_319, %add3A_320 : i32
      %swap3A_322 = arith.index_cast %add3A_321 : i32 to index
      %swap3A_323 = tpu.vector_load %arg7[%swap3A_322] {strides = array<i32>} : memref<12800xi32, #tpu.memory_space<vmem>>, vector<16xi32>,
      %swap3A_324 = vector.shape_cast %swap3A_323 : vector<16xi32> to vector<16xi32>
      %swap3A_325 = vector.shape_cast %get3A_317 : vector<16xi32> to vector<16xi32>
      tpu.vector_store %arg7[%swap3A_322], %swap3A_325 {strides = array<i32>} : memref<12800xi32, #tpu.memory_space<vmem>>, vector<16xi32>,
      %get3A_326 = arith.index_cast %scan3A_195 : i32 to index
      %get3A_327 = arith.constant 176 : index
      %get3A_328 = tpu.vector_load %arg6[%get3A_326, %get3A_327] {strides = array<i32>} : memref<64x200xi32, #tpu.memory_space<vmem>>, vector<1x16xi32>,
      %get3A_329 = vector.shape_cast %get3A_328 : vector<1x16xi32> to vector<16xi32>
      %mul3A_330 = arith.constant 200 : i32
      %mul3A_331 = arith.muli %scan3A_195, %mul3A_330 : i32
      %add3A_332 = arith.constant 176 : i32
      %add3A_333 = arith.addi %mul3A_331, %add3A_332 : i32
      %swap3A_334 = arith.index_cast %add3A_333 : i32 to index
      %swap3A_335 = tpu.vector_load %arg7[%swap3A_334] {strides = array<i32>} : memref<12800xi32, #tpu.memory_space<vmem>>, vector<16xi32>,
      %swap3A_336 = vector.shape_cast %swap3A_335 : vector<16xi32> to vector<16xi32>
      %swap3A_337 = vector.shape_cast %get3A_329 : vector<16xi32> to vector<16xi32>
      tpu.vector_store %arg7[%swap3A_334], %swap3A_337 {strides = array<i32>} : memref<12800xi32, #tpu.memory_space<vmem>>, vector<16xi32>,
      %mul3A_338 = arith.constant 0 : i32
      %mul3A_339 = arith.muli %scan3A_195, %mul3A_338 : i32
      %add3A_340 = arith.constant 184 : i32
      %add3A_341 = arith.addi %mul3A_339, %add3A_340 : i32
      %get3A_342 = arith.index_cast %scan3A_195 : i32 to index
      %get3A_343 = arith.index_cast %add3A_341 : i32 to index
      %get3A_344 = tpu.vector_load %arg6[%get3A_342, %get3A_343] {strides = array<i32>} : memref<64x200xi32, #tpu.memory_space<vmem>>, vector<1x16xi32>,
      %get3A_345 = vector.shape_cast %get3A_344 : vector<1x16xi32> to vector<16xi32>
      %mul3A_346 = arith.constant 200 : i32
      %mul3A_347 = arith.muli %scan3A_195, %mul3A_346 : i32
      %add3A_348 = arith.constant 184 : i32
      %add3A_349 = arith.addi %mul3A_347, %add3A_348 : i32
      %swap3A_350 = arith.index_cast %add3A_349 : i32 to index
      %swap3A_351 = tpu.vector_load %arg7[%swap3A_350] {strides = array<i32>} : memref<12800xi32, #tpu.memory_space<vmem>>, vector<16xi32>,
      %swap3A_352 = vector.shape_cast %swap3A_351 : vector<16xi32> to vector<16xi32>
      %swap3A_353 = vector.shape_cast %get3A_345 : vector<16xi32> to vector<16xi32>
      tpu.vector_store %arg7[%swap3A_350], %swap3A_353 {strides = array<i32>} : memref<12800xi32, #tpu.memory_space<vmem>>, vector<16xi32>,
    }
    %scan3A_144 = arith.constant 64 : i32
    %dma_start3A_145 = arith.constant 0 : i32
    %dma_start3A_146 = tpu.memref_slice %arg5[%dma_start3A_145] : memref<1048576xf32, #tpu.memory_space<vmem_shared>> -> memref<1048576xf32, #tpu.memory_space<vmem_shared>>
    tpu.enqueue_indirect_dma source(%dma_start3A_146 : memref<1048576xf32, #tpu.memory_space<vmem_shared>>) target(%arg8 : memref<12800xf32, #tpu.memory_space<vmem>>) offsets(%arg7 : memref<12800xi32, #tpu.memory_space<vmem>>) semaphore(%arg10 : memref<!tpu.dma_semaphore, #tpu.memory_space<semaphore_mem>>)
    %dma_wait3A_147 = arith.constant 0 : i32
    %dma_wait3A_148 = tpu.memref_slice %arg5[%dma_wait3A_147] : memref<1048576xf32, #tpu.memory_space<vmem_shared>> -> memref<1048576xf32, #tpu.memory_space<vmem_shared>>
    tpu.wait_indirect_dma semaphore(%arg10 : memref<!tpu.dma_semaphore, #tpu.memory_space<semaphore_mem>>) src(%dma_wait3A_148 : memref<1048576xf32, #tpu.memory_space<vmem_shared>>) dst(%arg8 : memref<12800xf32, #tpu.memory_space<vmem>>)
    %scan3A_149 = arith.constant 0 : i32
    %scan3A_150 = arith.constant 0 : i32
    %scan3A_151 = arith.constant 64 : i32
    %scan3A_152 = arith.addi %scan3A_150, %scan3A_151 : i32
    %scan3A_153 = arith.constant 1 : i32
    scf.for %scan3A_195 = %scan3A_150 to %scan3A_152 step %scan3A_153  : i32 {
      %mul3A_196 = arith.constant 0 : i32
      %mul3A_197 = arith.muli %scan3A_195, %mul3A_196 : i32
      %add3A_198 = arith.constant 184 : i32
      %add3A_199 = arith.addi %mul3A_197, %add3A_198 : i32
      %mul3A_200 = arith.constant 200 : i32
      %mul3A_201 = arith.muli %scan3A_195, %mul3A_200 : i32
      %add3A_202 = arith.constant 184 : i32
      %add3A_203 = arith.addi %mul3A_201, %add3A_202 : i32
      %get3A = arith.index_cast %add3A_203 : i32 to index
      %get3A_204 = tpu.vector_load %arg8[%get3A] {strides = array<i32>} : memref<12800xf32, #tpu.memory_space<vmem>>, vector<16xf32>,
      %get3A_205 = vector.shape_cast %get3A_204 : vector<16xf32> to vector<16xf32>
      %swap3A = arith.index_cast %scan3A_195 : i32 to index
      %swap3A_206 = arith.index_cast %add3A_199 : i32 to index
      %swap3A_207 = tpu.vector_load %arg9[%swap3A, %swap3A_206] {strides = array<i32>} : memref<64x200xf32, #tpu.memory_space<vmem>>, vector<1x16xf32>,
      %swap3A_208 = vector.shape_cast %swap3A_207 : vector<1x16xf32> to vector<16xf32>
      %swap3A_209 = vector.shape_cast %get3A_205 : vector<16xf32> to vector<1x16xf32>
      tpu.vector_store %arg9[%swap3A, %swap3A_206], %swap3A_209 {strides = array<i32>} : memref<64x200xf32, #tpu.memory_space<vmem>>, vector<1x16xf32>,
      %mul3A_210 = arith.constant 200 : i32
      %mul3A_211 = arith.muli %scan3A_195, %mul3A_210 : i32
      %add3A_212 = arith.constant 0 : i32
      %add3A_213 = arith.addi %mul3A_211, %add3A_212 : i32
      %get3A_214 = arith.index_cast %add3A_213 : i32 to index
      %get3A_215 = tpu.vector_load %arg8[%get3A_214] {strides = array<i32>} : memref<12800xf32, #tpu.memory_space<vmem>>, vector<16xf32>,
      %get3A_216 = vector.shape_cast %get3A_215 : vector<16xf32> to vector<16xf32>
      %swap3A_217 = arith.index_cast %scan3A_195 : i32 to index
      %swap3A_218 = arith.constant 0 : index
      %swap3A_219 = tpu.vector_load %arg9[%swap3A_217, %swap3A_218] {strides = array<i32>} : memref<64x200xf32, #tpu.memory_space<vmem>>, vector<1x16xf32>,
      %swap3A_220 = vector.shape_cast %swap3A_219 : vector<1x16xf32> to vector<16xf32>
      %swap3A_221 = vector.shape_cast %get3A_216 : vector<16xf32> to vector<1x16xf32>
      tpu.vector_store %arg9[%swap3A_217, %swap3A_218], %swap3A_221 {strides = array<i32>} : memref<64x200xf32, #tpu.memory_space<vmem>>, vector<1x16xf32>,
      %mul3A_222 = arith.constant 200 : i32
      %mul3A_223 = arith.muli %scan3A_195, %mul3A_222 : i32
      %add3A_224 = arith.constant 16 : i32
      %add3A_225 = arith.addi %mul3A_223, %add3A_224 : i32
      %get3A_226 = arith.index_cast %add3A_225 : i32 to index
      %get3A_227 = tpu.vector_load %arg8[%get3A_226] {strides = array<i32>} : memref<12800xf32, #tpu.memory_space<vmem>>, vector<16xf32>,
      %get3A_228 = vector.shape_cast %get3A_227 : vector<16xf32> to vector<16xf32>
      %swap3A_229 = arith.index_cast %scan3A_195 : i32 to index
      %swap3A_230 = arith.constant 16 : index
      %swap3A_231 = tpu.vector_load %arg9[%swap3A_229, %swap3A_230] {strides = array<i32>} : memref<64x200xf32, #tpu.memory_space<vmem>>, vector<1x16xf32>,
      %swap3A_232 = vector.shape_cast %swap3A_231 : vector<1x16xf32> to vector<16xf32>
      %swap3A_233 = vector.shape_cast %get3A_228 : vector<16xf32> to vector<1x16xf32>
      tpu.vector_store %arg9[%swap3A_229, %swap3A_230], %swap3A_233 {strides = array<i32>} : memref<64x200xf32, #tpu.memory_space<vmem>>, vector<1x16xf32>,
      %mul3A_234 = arith.constant 200 : i32
      %mul3A_235 = arith.muli %scan3A_195, %mul3A_234 : i32
      %add3A_236 = arith.constant 32 : i32
      %add3A_237 = arith.addi %mul3A_235, %add3A_236 : i32
      %get3A_238 = arith.index_cast %add3A_237 : i32 to index
      %get3A_239 = tpu.vector_load %arg8[%get3A_238] {strides = array<i32>} : memref<12800xf32, #tpu.memory_space<vmem>>, vector<16xf32>,
      %get3A_240 = vector.shape_cast %get3A_239 : vector<16xf32> to vector<16xf32>
      %swap3A_241 = arith.index_cast %scan3A_195 : i32 to index
      %swap3A_242 = arith.constant 32 : index
      %swap3A_243 = tpu.vector_load %arg9[%swap3A_241, %swap3A_242] {strides = array<i32>} : memref<64x200xf32, #tpu.memory_space<vmem>>, vector<1x16xf32>,
      %swap3A_244 = vector.shape_cast %swap3A_243 : vector<1x16xf32> to vector<16xf32>
      %swap3A_245 = vector.shape_cast %get3A_240 : vector<16xf32> to vector<1x16xf32>
      tpu.vector_store %arg9[%swap3A_241, %swap3A_242], %swap3A_245 {strides = array<i32>} : memref<64x200xf32, #tpu.memory_space<vmem>>, vector<1x16xf32>,
      %mul3A_246 = arith.constant 200 : i32
      %mul3A_247 = arith.muli %scan3A_195, %mul3A_246 : i32
      %add3A_248 = arith.constant 48 : i32
      %add3A_249 = arith.addi %mul3A_247, %add3A_248 : i32
      %get3A_250 = arith.index_cast %add3A_249 : i32 to index
      %get3A_251 = tpu.vector_load %arg8[%get3A_250] {strides = array<i32>} : memref<12800xf32, #tpu.memory_space<vmem>>, vector<16xf32>,
      %get3A_252 = vector.shape_cast %get3A_251 : vector<16xf32> to vector<16xf32>
      %swap3A_253 = arith.index_cast %scan3A_195 : i32 to index
      %swap3A_254 = arith.constant 48 : index
      %swap3A_255 = tpu.vector_load %arg9[%swap3A_253, %swap3A_254] {strides = array<i32>} : memref<64x200xf32, #tpu.memory_space<vmem>>, vector<1x16xf32>,
      %swap3A_256 = vector.shape_cast %swap3A_255 : vector<1x16xf32> to vector<16xf32>
      %swap3A_257 = vector.shape_cast %get3A_252 : vector<16xf32> to vector<1x16xf32>
      tpu.vector_store %arg9[%swap3A_253, %swap3A_254], %swap3A_257 {strides = array<i32>} : memref<64x200xf32, #tpu.memory_space<vmem>>, vector<1x16xf32>,
      %mul3A_258 = arith.constant 200 : i32
      %mul3A_259 = arith.muli %scan3A_195, %mul3A_258 : i32
      %add3A_260 = arith.constant 64 : i32
      %add3A_261 = arith.addi %mul3A_259, %add3A_260 : i32
      %get3A_262 = arith.index_cast %add3A_261 : i32 to index
      %get3A_263 = tpu.vector_load %arg8[%get3A_262] {strides = array<i32>} : memref<12800xf32, #tpu.memory_space<vmem>>, vector<16xf32>,
      %get3A_264 = vector.shape_cast %get3A_263 : vector<16xf32> to vector<16xf32>
      %swap3A_265 = arith.index_cast %scan3A_195 : i32 to index
      %swap3A_266 = arith.constant 64 : index
      %swap3A_267 = tpu.vector_load %arg9[%swap3A_265, %swap3A_266] {strides = array<i32>} : memref<64x200xf32, #tpu.memory_space<vmem>>, vector<1x16xf32>,
      %swap3A_268 = vector.shape_cast %swap3A_267 : vector<1x16xf32> to vector<16xf32>
      %swap3A_269 = vector.shape_cast %get3A_264 : vector<16xf32> to vector<1x16xf32>
      tpu.vector_store %arg9[%swap3A_265, %swap3A_266], %swap3A_269 {strides = array<i32>} : memref<64x200xf32, #tpu.memory_space<vmem>>, vector<1x16xf32>,
      %mul3A_270 = arith.constant 200 : i32
      %mul3A_271 = arith.muli %scan3A_195, %mul3A_270 : i32
      %add3A_272 = arith.constant 80 : i32
      %add3A_273 = arith.addi %mul3A_271, %add3A_272 : i32
      %get3A_274 = arith.index_cast %add3A_273 : i32 to index
      %get3A_275 = tpu.vector_load %arg8[%get3A_274] {strides = array<i32>} : memref<12800xf32, #tpu.memory_space<vmem>>, vector<16xf32>,
      %get3A_276 = vector.shape_cast %get3A_275 : vector<16xf32> to vector<16xf32>
      %swap3A_277 = arith.index_cast %scan3A_195 : i32 to index
      %swap3A_278 = arith.constant 80 : index
      %swap3A_279 = tpu.vector_load %arg9[%swap3A_277, %swap3A_278] {strides = array<i32>} : memref<64x200xf32, #tpu.memory_space<vmem>>, vector<1x16xf32>,
      %swap3A_280 = vector.shape_cast %swap3A_279 : vector<1x16xf32> to vector<16xf32>
      %swap3A_281 = vector.shape_cast %get3A_276 : vector<16xf32> to vector<1x16xf32>
      tpu.vector_store %arg9[%swap3A_277, %swap3A_278], %swap3A_281 {strides = array<i32>} : memref<64x200xf32, #tpu.memory_space<vmem>>, vector<1x16xf32>,
      %mul3A_282 = arith.constant 200 : i32
      %mul3A_283 = arith.muli %scan3A_195, %mul3A_282 : i32
      %add3A_284 = arith.constant 96 : i32
      %add3A_285 = arith.addi %mul3A_283, %add3A_284 : i32
      %get3A_286 = arith.index_cast %add3A_285 : i32 to index
      %get3A_287 = tpu.vector_load %arg8[%get3A_286] {strides = array<i32>} : memref<12800xf32, #tpu.memory_space<vmem>>, vector<16xf32>,
      %get3A_288 = vector.shape_cast %get3A_287 : vector<16xf32> to vector<16xf32>
      %swap3A_289 = arith.index_cast %scan3A_195 : i32 to index
      %swap3A_290 = arith.constant 96 : index
      %swap3A_291 = tpu.vector_load %arg9[%swap3A_289, %swap3A_290] {strides = array<i32>} : memref<64x200xf32, #tpu.memory_space<vmem>>, vector<1x16xf32>,
      %swap3A_292 = vector.shape_cast %swap3A_291 : vector<1x16xf32> to vector<16xf32>
      %swap3A_293 = vector.shape_cast %get3A_288 : vector<16xf32> to vector<1x16xf32>
      tpu.vector_store %arg9[%swap3A_289, %swap3A_290], %swap3A_293 {strides = array<i32>} : memref<64x200xf32, #tpu.memory_space<vmem>>, vector<1x16xf32>,
      %mul3A_294 = arith.constant 200 : i32
      %mul3A_295 = arith.muli %scan3A_195, %mul3A_294 : i32
      %add3A_296 = arith.constant 112 : i32
      %add3A_297 = arith.addi %mul3A_295, %add3A_296 : i32
      %get3A_298 = arith.index_cast %add3A_297 : i32 to index
      %get3A_299 = tpu.vector_load %arg8[%get3A_298] {strides = array<i32>} : memref<12800xf32, #tpu.memory_space<vmem>>, vector<16xf32>,
      %get3A_300 = vector.shape_cast %get3A_299 : vector<16xf32> to vector<16xf32>
      %swap3A_301 = arith.index_cast %scan3A_195 : i32 to index
      %swap3A_302 = arith.constant 112 : index
      %swap3A_303 = tpu.vector_load %arg9[%swap3A_301, %swap3A_302] {strides = array<i32>} : memref<64x200xf32, #tpu.memory_space<vmem>>, vector<1x16xf32>,
      %swap3A_304 = vector.shape_cast %swap3A_303 : vector<1x16xf32> to vector<16xf32>
      %swap3A_305 = vector.shape_cast %get3A_300 : vector<16xf32> to vector<1x16xf32>
      tpu.vector_store %arg9[%swap3A_301, %swap3A_302], %swap3A_305 {strides = array<i32>} : memref<64x200xf32, #tpu.memory_space<vmem>>, vector<1x16xf32>,
      %mul3A_306 = arith.constant 200 : i32
      %mul3A_307 = arith.muli %scan3A_195, %mul3A_306 : i32
      %add3A_308 = arith.constant 128 : i32
      %add3A_309 = arith.addi %mul3A_307, %add3A_308 : i32
      %get3A_310 = arith.index_cast %add3A_309 : i32 to index
      %get3A_311 = tpu.vector_load %arg8[%get3A_310] {strides = array<i32>} : memref<12800xf32, #tpu.memory_space<vmem>>, vector<16xf32>,
      %get3A_312 = vector.shape_cast %get3A_311 : vector<16xf32> to vector<16xf32>
      %swap3A_313 = arith.index_cast %scan3A_195 : i32 to index
      %swap3A_314 = arith.constant 128 : index
      %swap3A_315 = tpu.vector_load %arg9[%swap3A_313, %swap3A_314] {strides = array<i32>} : memref<64x200xf32, #tpu.memory_space<vmem>>, vector<1x16xf32>,
      %swap3A_316 = vector.shape_cast %swap3A_315 : vector<1x16xf32> to vector<16xf32>
      %swap3A_317 = vector.shape_cast %get3A_312 : vector<16xf32> to vector<1x16xf32>
      tpu.vector_store %arg9[%swap3A_313, %swap3A_314], %swap3A_317 {strides = array<i32>} : memref<64x200xf32, #tpu.memory_space<vmem>>, vector<1x16xf32>,
      %mul3A_318 = arith.constant 200 : i32
      %mul3A_319 = arith.muli %scan3A_195, %mul3A_318 : i32
      %add3A_320 = arith.constant 144 : i32
      %add3A_321 = arith.addi %mul3A_319, %add3A_320 : i32
      %get3A_322 = arith.index_cast %add3A_321 : i32 to index
      %get3A_323 = tpu.vector_load %arg8[%get3A_322] {strides = array<i32>} : memref<12800xf32, #tpu.memory_space<vmem>>, vector<16xf32>,
      %get3A_324 = vector.shape_cast %get3A_323 : vector<16xf32> to vector<16xf32>
      %swap3A_325 = arith.index_cast %scan3A_195 : i32 to index
      %swap3A_326 = arith.constant 144 : index
      %swap3A_327 = tpu.vector_load %arg9[%swap3A_325, %swap3A_326] {strides = array<i32>} : memref<64x200xf32, #tpu.memory_space<vmem>>, vector<1x16xf32>,
      %swap3A_328 = vector.shape_cast %swap3A_327 : vector<1x16xf32> to vector<16xf32>
      %swap3A_329 = vector.shape_cast %get3A_324 : vector<16xf32> to vector<1x16xf32>
      tpu.vector_store %arg9[%swap3A_325, %swap3A_326], %swap3A_329 {strides = array<i32>} : memref<64x200xf32, #tpu.memory_space<vmem>>, vector<1x16xf32>,
      %mul3A_330 = arith.constant 200 : i32
      %mul3A_331 = arith.muli %scan3A_195, %mul3A_330 : i32
      %add3A_332 = arith.constant 160 : i32
      %add3A_333 = arith.addi %mul3A_331, %add3A_332 : i32
      %get3A_334 = arith.index_cast %add3A_333 : i32 to index
      %get3A_335 = tpu.vector_load %arg8[%get3A_334] {strides = array<i32>} : memref<12800xf32, #tpu.memory_space<vmem>>, vector<16xf32>,
      %get3A_336 = vector.shape_cast %get3A_335 : vector<16xf32> to vector<16xf32>
      %swap3A_337 = arith.index_cast %scan3A_195 : i32 to index
      %swap3A_338 = arith.constant 160 : index
      %swap3A_339 = tpu.vector_load %arg9[%swap3A_337, %swap3A_338] {strides = array<i32>} : memref<64x200xf32, #tpu.memory_space<vmem>>, vector<1x16xf32>,
      %swap3A_340 = vector.shape_cast %swap3A_339 : vector<1x16xf32> to vector<16xf32>
      %swap3A_341 = vector.shape_cast %get3A_336 : vector<16xf32> to vector<1x16xf32>
      tpu.vector_store %arg9[%swap3A_337, %swap3A_338], %swap3A_341 {strides = array<i32>} : memref<64x200xf32, #tpu.memory_space<vmem>>, vector<1x16xf32>,
      %mul3A_342 = arith.constant 200 : i32
      %mul3A_343 = arith.muli %scan3A_195, %mul3A_342 : i32
      %add3A_344 = arith.constant 176 : i32
      %add3A_345 = arith.addi %mul3A_343, %add3A_344 : i32
      %get3A_346 = arith.index_cast %add3A_345 : i32 to index
      %get3A_347 = tpu.vector_load %arg8[%get3A_346] {strides = array<i32>} : memref<12800xf32, #tpu.memory_space<vmem>>, vector<16xf32>,
      %get3A_348 = vector.shape_cast %get3A_347 : vector<16xf32> to vector<16xf32>
      %swap3A_349 = arith.index_cast %scan3A_195 : i32 to index
      %swap3A_350 = arith.constant 176 : index
      %swap3A_351 = tpu.vector_load %arg9[%swap3A_349, %swap3A_350] {strides = array<i32>} : memref<64x200xf32, #tpu.memory_space<vmem>>, vector<1x16xf32>,
      %swap3A_352 = vector.shape_cast %swap3A_351 : vector<1x16xf32> to vector<16xf32>
      %swap3A_353 = vector.shape_cast %get3A_348 : vector<16xf32> to vector<1x16xf32>
      tpu.vector_store %arg9[%swap3A_349, %swap3A_350], %swap3A_353 {strides = array<i32>} : memref<64x200xf32, #tpu.memory_space<vmem>>, vector<1x16xf32>,
    }
    %scan3A_154 = arith.constant 64 : i32
    "tpu.region"() ({
      %run_scoped3A = tpu.sem_alloc : memref<!tpu.dma_semaphore, #tpu.memory_space<semaphore_mem>>
      %dma_start3A_195 = arith.constant 0 : i32
      %dma_start3A_196 = tpu.memref_slice %arg4[%add3A_138, %dma_start3A_195] : memref<16384x200xf32, #tpu.memory_space<hbm>> -> memref<64x200xf32, #tpu.memory_space<hbm>>
      %dma_start3A_197 = arith.constant 0 : i32
      %dma_start3A_198 = tpu.memref_slice %arg4[%add3A_138, %dma_start3A_197] : memref<16384x200xf32, #tpu.memory_space<hbm>> -> memref<64x200xf32, #tpu.memory_space<hbm>>
      tpu.enqueue_dma source(%arg9 : memref<64x200xf32, #tpu.memory_space<vmem>>) target(%dma_start3A_198 : memref<64x200xf32, #tpu.memory_space<hbm>>) target_semaphore(%run_scoped3A : memref<!tpu.dma_semaphore, #tpu.memory_space<semaphore_mem>>)
      %dma_wait3A_199 = arith.constant 0 : i32
      %dma_wait3A_200 = tpu.memref_slice %arg4[%add3A_138, %dma_wait3A_199] : memref<16384x200xf32, #tpu.memory_space<hbm>> -> memref<64x200xf32, #tpu.memory_space<hbm>>
      %dma_wait3A_201 = arith.constant 0 : i32
      %dma_wait3A_202 = tpu.memref_slice %arg4[%add3A_138, %dma_wait3A_201] : memref<16384x200xf32, #tpu.memory_space<hbm>> -> memref<64x200xf32, #tpu.memory_space<hbm>>
      tpu.wait_dma2 semaphore(%run_scoped3A : memref<!tpu.dma_semaphore, #tpu.memory_space<semaphore_mem>>) src(%arg9 : memref<64x200xf32, #tpu.memory_space<vmem>>) dst(%dma_wait3A_202 : memref<64x200xf32, #tpu.memory_space<hbm>>)
      tpu.yield
    }) : () -> ()
    %mul3A_155 = arith.constant 512 : i32
    %mul3A_156 = arith.muli %add3A, %mul3A_155 : i32
    %add3A_157 = arith.constant 384 : i32
    %add3A_158 = arith.addi %mul3A_156, %add3A_157 : i32
    "tpu.region"() ({
      %run_scoped3A = tpu.sem_alloc : memref<!tpu.dma_semaphore, #tpu.memory_space<semaphore_mem>>
      %dma_start3A_195 = arith.constant 0 : i32
      %dma_start3A_196 = tpu.memref_slice %arg3[%add3A_158, %dma_start3A_195] : memref<16384x200xi32, #tpu.memory_space<hbm>> -> memref<64x200xi32, #tpu.memory_space<hbm>>
      %dma_start3A_197 = arith.constant 0 : i32
      %dma_start3A_198 = tpu.memref_slice %arg3[%add3A_158, %dma_start3A_197] : memref<16384x200xi32, #tpu.memory_space<hbm>> -> memref<64x200xi32, #tpu.memory_space<hbm>>
      tpu.enqueue_dma source(%dma_start3A_198 : memref<64x200xi32, #tpu.memory_space<hbm>>) target(%arg6 : memref<64x200xi32, #tpu.memory_space<vmem>>) target_semaphore(%run_scoped3A : memref<!tpu.dma_semaphore, #tpu.memory_space<semaphore_mem>>)
      %dma_wait3A_199 = arith.constant 0 : i32
      %dma_wait3A_200 = tpu.memref_slice %arg3[%add3A_158, %dma_wait3A_199] : memref<16384x200xi32, #tpu.memory_space<hbm>> -> memref<64x200xi32, #tpu.memory_space<hbm>>
      %dma_wait3A_201 = arith.constant 0 : i32
      %dma_wait3A_202 = tpu.memref_slice %arg3[%add3A_158, %dma_wait3A_201] : memref<16384x200xi32, #tpu.memory_space<hbm>> -> memref<64x200xi32, #tpu.memory_space<hbm>>
      tpu.wait_dma2 semaphore(%run_scoped3A : memref<!tpu.dma_semaphore, #tpu.memory_space<semaphore_mem>>) src(%dma_wait3A_202 : memref<64x200xi32, #tpu.memory_space<hbm>>) dst(%arg6 : memref<64x200xi32, #tpu.memory_space<vmem>>)
      tpu.yield
    }) : () -> ()
    %scan3A_159 = arith.constant 0 : i32
    %scan3A_160 = arith.constant 0 : i32
    %scan3A_161 = arith.constant 64 : i32
    %scan3A_162 = arith.addi %scan3A_160, %scan3A_161 : i32
    %scan3A_163 = arith.constant 1 : i32
    scf.for %scan3A_195 = %scan3A_160 to %scan3A_162 step %scan3A_163  : i32 {
      %get3A = arith.index_cast %scan3A_195 : i32 to index
      %get3A_196 = arith.constant 0 : index
      %get3A_197 = tpu.vector_load %arg6[%get3A, %get3A_196] {strides = array<i32>} : memref<64x200xi32, #tpu.memory_space<vmem>>, vector<1x16xi32>,
      %get3A_198 = vector.shape_cast %get3A_197 : vector<1x16xi32> to vector<16xi32>
      %mul3A_199 = arith.constant 200 : i32
      %mul3A_200 = arith.muli %scan3A_195, %mul3A_199 : i32
      %add3A_201 = arith.constant 0 : i32
      %add3A_202 = arith.addi %mul3A_200, %add3A_201 : i32
      %swap3A = arith.index_cast %add3A_202 : i32 to index
      %swap3A_203 = tpu.vector_load %arg7[%swap3A] {strides = array<i32>} : memref<12800xi32, #tpu.memory_space<vmem>>, vector<16xi32>,
      %swap3A_204 = vector.shape_cast %swap3A_203 : vector<16xi32> to vector<16xi32>
      %swap3A_205 = vector.shape_cast %get3A_198 : vector<16xi32> to vector<16xi32>
      tpu.vector_store %arg7[%swap3A], %swap3A_205 {strides = array<i32>} : memref<12800xi32, #tpu.memory_space<vmem>>, vector<16xi32>,
      %get3A_206 = arith.index_cast %scan3A_195 : i32 to index
      %get3A_207 = arith.constant 16 : index
      %get3A_208 = tpu.vector_load %arg6[%get3A_206, %get3A_207] {strides = array<i32>} : memref<64x200xi32, #tpu.memory_space<vmem>>, vector<1x16xi32>,
      %get3A_209 = vector.shape_cast %get3A_208 : vector<1x16xi32> to vector<16xi32>
      %mul3A_210 = arith.constant 200 : i32
      %mul3A_211 = arith.muli %scan3A_195, %mul3A_210 : i32
      %add3A_212 = arith.constant 16 : i32
      %add3A_213 = arith.addi %mul3A_211, %add3A_212 : i32
      %swap3A_214 = arith.index_cast %add3A_213 : i32 to index
      %swap3A_215 = tpu.vector_load %arg7[%swap3A_214] {strides = array<i32>} : memref<12800xi32, #tpu.memory_space<vmem>>, vector<16xi32>,
      %swap3A_216 = vector.shape_cast %swap3A_215 : vector<16xi32> to vector<16xi32>
      %swap3A_217 = vector.shape_cast %get3A_209 : vector<16xi32> to vector<16xi32>
      tpu.vector_store %arg7[%swap3A_214], %swap3A_217 {strides = array<i32>} : memref<12800xi32, #tpu.memory_space<vmem>>, vector<16xi32>,
      %get3A_218 = arith.index_cast %scan3A_195 : i32 to index
      %get3A_219 = arith.constant 32 : index
      %get3A_220 = tpu.vector_load %arg6[%get3A_218, %get3A_219] {strides = array<i32>} : memref<64x200xi32, #tpu.memory_space<vmem>>, vector<1x16xi32>,
      %get3A_221 = vector.shape_cast %get3A_220 : vector<1x16xi32> to vector<16xi32>
      %mul3A_222 = arith.constant 200 : i32
      %mul3A_223 = arith.muli %scan3A_195, %mul3A_222 : i32
      %add3A_224 = arith.constant 32 : i32
      %add3A_225 = arith.addi %mul3A_223, %add3A_224 : i32
      %swap3A_226 = arith.index_cast %add3A_225 : i32 to index
      %swap3A_227 = tpu.vector_load %arg7[%swap3A_226] {strides = array<i32>} : memref<12800xi32, #tpu.memory_space<vmem>>, vector<16xi32>,
      %swap3A_228 = vector.shape_cast %swap3A_227 : vector<16xi32> to vector<16xi32>
      %swap3A_229 = vector.shape_cast %get3A_221 : vector<16xi32> to vector<16xi32>
      tpu.vector_store %arg7[%swap3A_226], %swap3A_229 {strides = array<i32>} : memref<12800xi32, #tpu.memory_space<vmem>>, vector<16xi32>,
      %get3A_230 = arith.index_cast %scan3A_195 : i32 to index
      %get3A_231 = arith.constant 48 : index
      %get3A_232 = tpu.vector_load %arg6[%get3A_230, %get3A_231] {strides = array<i32>} : memref<64x200xi32, #tpu.memory_space<vmem>>, vector<1x16xi32>,
      %get3A_233 = vector.shape_cast %get3A_232 : vector<1x16xi32> to vector<16xi32>
      %mul3A_234 = arith.constant 200 : i32
      %mul3A_235 = arith.muli %scan3A_195, %mul3A_234 : i32
      %add3A_236 = arith.constant 48 : i32
      %add3A_237 = arith.addi %mul3A_235, %add3A_236 : i32
      %swap3A_238 = arith.index_cast %add3A_237 : i32 to index
      %swap3A_239 = tpu.vector_load %arg7[%swap3A_238] {strides = array<i32>} : memref<12800xi32, #tpu.memory_space<vmem>>, vector<16xi32>,
      %swap3A_240 = vector.shape_cast %swap3A_239 : vector<16xi32> to vector<16xi32>
      %swap3A_241 = vector.shape_cast %get3A_233 : vector<16xi32> to vector<16xi32>
      tpu.vector_store %arg7[%swap3A_238], %swap3A_241 {strides = array<i32>} : memref<12800xi32, #tpu.memory_space<vmem>>, vector<16xi32>,
      %get3A_242 = arith.index_cast %scan3A_195 : i32 to index
      %get3A_243 = arith.constant 64 : index
      %get3A_244 = tpu.vector_load %arg6[%get3A_242, %get3A_243] {strides = array<i32>} : memref<64x200xi32, #tpu.memory_space<vmem>>, vector<1x16xi32>,
      %get3A_245 = vector.shape_cast %get3A_244 : vector<1x16xi32> to vector<16xi32>
      %mul3A_246 = arith.constant 200 : i32
      %mul3A_247 = arith.muli %scan3A_195, %mul3A_246 : i32
      %add3A_248 = arith.constant 64 : i32
      %add3A_249 = arith.addi %mul3A_247, %add3A_248 : i32
      %swap3A_250 = arith.index_cast %add3A_249 : i32 to index
      %swap3A_251 = tpu.vector_load %arg7[%swap3A_250] {strides = array<i32>} : memref<12800xi32, #tpu.memory_space<vmem>>, vector<16xi32>,
      %swap3A_252 = vector.shape_cast %swap3A_251 : vector<16xi32> to vector<16xi32>
      %swap3A_253 = vector.shape_cast %get3A_245 : vector<16xi32> to vector<16xi32>
      tpu.vector_store %arg7[%swap3A_250], %swap3A_253 {strides = array<i32>} : memref<12800xi32, #tpu.memory_space<vmem>>, vector<16xi32>,
      %get3A_254 = arith.index_cast %scan3A_195 : i32 to index
      %get3A_255 = arith.constant 80 : index
      %get3A_256 = tpu.vector_load %arg6[%get3A_254, %get3A_255] {strides = array<i32>} : memref<64x200xi32, #tpu.memory_space<vmem>>, vector<1x16xi32>,
      %get3A_257 = vector.shape_cast %get3A_256 : vector<1x16xi32> to vector<16xi32>
      %mul3A_258 = arith.constant 200 : i32
      %mul3A_259 = arith.muli %scan3A_195, %mul3A_258 : i32
      %add3A_260 = arith.constant 80 : i32
      %add3A_261 = arith.addi %mul3A_259, %add3A_260 : i32
      %swap3A_262 = arith.index_cast %add3A_261 : i32 to index
      %swap3A_263 = tpu.vector_load %arg7[%swap3A_262] {strides = array<i32>} : memref<12800xi32, #tpu.memory_space<vmem>>, vector<16xi32>,
      %swap3A_264 = vector.shape_cast %swap3A_263 : vector<16xi32> to vector<16xi32>
      %swap3A_265 = vector.shape_cast %get3A_257 : vector<16xi32> to vector<16xi32>
      tpu.vector_store %arg7[%swap3A_262], %swap3A_265 {strides = array<i32>} : memref<12800xi32, #tpu.memory_space<vmem>>, vector<16xi32>,
      %get3A_266 = arith.index_cast %scan3A_195 : i32 to index
      %get3A_267 = arith.constant 96 : index
      %get3A_268 = tpu.vector_load %arg6[%get3A_266, %get3A_267] {strides = array<i32>} : memref<64x200xi32, #tpu.memory_space<vmem>>, vector<1x16xi32>,
      %get3A_269 = vector.shape_cast %get3A_268 : vector<1x16xi32> to vector<16xi32>
      %mul3A_270 = arith.constant 200 : i32
      %mul3A_271 = arith.muli %scan3A_195, %mul3A_270 : i32
      %add3A_272 = arith.constant 96 : i32
      %add3A_273 = arith.addi %mul3A_271, %add3A_272 : i32
      %swap3A_274 = arith.index_cast %add3A_273 : i32 to index
      %swap3A_275 = tpu.vector_load %arg7[%swap3A_274] {strides = array<i32>} : memref<12800xi32, #tpu.memory_space<vmem>>, vector<16xi32>,
      %swap3A_276 = vector.shape_cast %swap3A_275 : vector<16xi32> to vector<16xi32>
      %swap3A_277 = vector.shape_cast %get3A_269 : vector<16xi32> to vector<16xi32>
      tpu.vector_store %arg7[%swap3A_274], %swap3A_277 {strides = array<i32>} : memref<12800xi32, #tpu.memory_space<vmem>>, vector<16xi32>,
      %get3A_278 = arith.index_cast %scan3A_195 : i32 to index
      %get3A_279 = arith.constant 112 : index
      %get3A_280 = tpu.vector_load %arg6[%get3A_278, %get3A_279] {strides = array<i32>} : memref<64x200xi32, #tpu.memory_space<vmem>>, vector<1x16xi32>,
      %get3A_281 = vector.shape_cast %get3A_280 : vector<1x16xi32> to vector<16xi32>
      %mul3A_282 = arith.constant 200 : i32
      %mul3A_283 = arith.muli %scan3A_195, %mul3A_282 : i32
      %add3A_284 = arith.constant 112 : i32
      %add3A_285 = arith.addi %mul3A_283, %add3A_284 : i32
      %swap3A_286 = arith.index_cast %add3A_285 : i32 to index
      %swap3A_287 = tpu.vector_load %arg7[%swap3A_286] {strides = array<i32>} : memref<12800xi32, #tpu.memory_space<vmem>>, vector<16xi32>,
      %swap3A_288 = vector.shape_cast %swap3A_287 : vector<16xi32> to vector<16xi32>
      %swap3A_289 = vector.shape_cast %get3A_281 : vector<16xi32> to vector<16xi32>
      tpu.vector_store %arg7[%swap3A_286], %swap3A_289 {strides = array<i32>} : memref<12800xi32, #tpu.memory_space<vmem>>, vector<16xi32>,
      %get3A_290 = arith.index_cast %scan3A_195 : i32 to index
      %get3A_291 = arith.constant 128 : index
      %get3A_292 = tpu.vector_load %arg6[%get3A_290, %get3A_291] {strides = array<i32>} : memref<64x200xi32, #tpu.memory_space<vmem>>, vector<1x16xi32>,
      %get3A_293 = vector.shape_cast %get3A_292 : vector<1x16xi32> to vector<16xi32>
      %mul3A_294 = arith.constant 200 : i32
      %mul3A_295 = arith.muli %scan3A_195, %mul3A_294 : i32
      %add3A_296 = arith.constant 128 : i32
      %add3A_297 = arith.addi %mul3A_295, %add3A_296 : i32
      %swap3A_298 = arith.index_cast %add3A_297 : i32 to index
      %swap3A_299 = tpu.vector_load %arg7[%swap3A_298] {strides = array<i32>} : memref<12800xi32, #tpu.memory_space<vmem>>, vector<16xi32>,
      %swap3A_300 = vector.shape_cast %swap3A_299 : vector<16xi32> to vector<16xi32>
      %swap3A_301 = vector.shape_cast %get3A_293 : vector<16xi32> to vector<16xi32>
      tpu.vector_store %arg7[%swap3A_298], %swap3A_301 {strides = array<i32>} : memref<12800xi32, #tpu.memory_space<vmem>>, vector<16xi32>,
      %get3A_302 = arith.index_cast %scan3A_195 : i32 to index
      %get3A_303 = arith.constant 144 : index
      %get3A_304 = tpu.vector_load %arg6[%get3A_302, %get3A_303] {strides = array<i32>} : memref<64x200xi32, #tpu.memory_space<vmem>>, vector<1x16xi32>,
      %get3A_305 = vector.shape_cast %get3A_304 : vector<1x16xi32> to vector<16xi32>
      %mul3A_306 = arith.constant 200 : i32
      %mul3A_307 = arith.muli %scan3A_195, %mul3A_306 : i32
      %add3A_308 = arith.constant 144 : i32
      %add3A_309 = arith.addi %mul3A_307, %add3A_308 : i32
      %swap3A_310 = arith.index_cast %add3A_309 : i32 to index
      %swap3A_311 = tpu.vector_load %arg7[%swap3A_310] {strides = array<i32>} : memref<12800xi32, #tpu.memory_space<vmem>>, vector<16xi32>,
      %swap3A_312 = vector.shape_cast %swap3A_311 : vector<16xi32> to vector<16xi32>
      %swap3A_313 = vector.shape_cast %get3A_305 : vector<16xi32> to vector<16xi32>
      tpu.vector_store %arg7[%swap3A_310], %swap3A_313 {strides = array<i32>} : memref<12800xi32, #tpu.memory_space<vmem>>, vector<16xi32>,
      %get3A_314 = arith.index_cast %scan3A_195 : i32 to index
      %get3A_315 = arith.constant 160 : index
      %get3A_316 = tpu.vector_load %arg6[%get3A_314, %get3A_315] {strides = array<i32>} : memref<64x200xi32, #tpu.memory_space<vmem>>, vector<1x16xi32>,
      %get3A_317 = vector.shape_cast %get3A_316 : vector<1x16xi32> to vector<16xi32>
      %mul3A_318 = arith.constant 200 : i32
      %mul3A_319 = arith.muli %scan3A_195, %mul3A_318 : i32
      %add3A_320 = arith.constant 160 : i32
      %add3A_321 = arith.addi %mul3A_319, %add3A_320 : i32
      %swap3A_322 = arith.index_cast %add3A_321 : i32 to index
      %swap3A_323 = tpu.vector_load %arg7[%swap3A_322] {strides = array<i32>} : memref<12800xi32, #tpu.memory_space<vmem>>, vector<16xi32>,
      %swap3A_324 = vector.shape_cast %swap3A_323 : vector<16xi32> to vector<16xi32>
      %swap3A_325 = vector.shape_cast %get3A_317 : vector<16xi32> to vector<16xi32>
      tpu.vector_store %arg7[%swap3A_322], %swap3A_325 {strides = array<i32>} : memref<12800xi32, #tpu.memory_space<vmem>>, vector<16xi32>,
      %get3A_326 = arith.index_cast %scan3A_195 : i32 to index
      %get3A_327 = arith.constant 176 : index
      %get3A_328 = tpu.vector_load %arg6[%get3A_326, %get3A_327] {strides = array<i32>} : memref<64x200xi32, #tpu.memory_space<vmem>>, vector<1x16xi32>,
      %get3A_329 = vector.shape_cast %get3A_328 : vector<1x16xi32> to vector<16xi32>
      %mul3A_330 = arith.constant 200 : i32
      %mul3A_331 = arith.muli %scan3A_195, %mul3A_330 : i32
      %add3A_332 = arith.constant 176 : i32
      %add3A_333 = arith.addi %mul3A_331, %add3A_332 : i32
      %swap3A_334 = arith.index_cast %add3A_333 : i32 to index
      %swap3A_335 = tpu.vector_load %arg7[%swap3A_334] {strides = array<i32>} : memref<12800xi32, #tpu.memory_space<vmem>>, vector<16xi32>,
      %swap3A_336 = vector.shape_cast %swap3A_335 : vector<16xi32> to vector<16xi32>
      %swap3A_337 = vector.shape_cast %get3A_329 : vector<16xi32> to vector<16xi32>
      tpu.vector_store %arg7[%swap3A_334], %swap3A_337 {strides = array<i32>} : memref<12800xi32, #tpu.memory_space<vmem>>, vector<16xi32>,
      %mul3A_338 = arith.constant 0 : i32
      %mul3A_339 = arith.muli %scan3A_195, %mul3A_338 : i32
      %add3A_340 = arith.constant 184 : i32
      %add3A_341 = arith.addi %mul3A_339, %add3A_340 : i32
      %get3A_342 = arith.index_cast %scan3A_195 : i32 to index
      %get3A_343 = arith.index_cast %add3A_341 : i32 to index
      %get3A_344 = tpu.vector_load %arg6[%get3A_342, %get3A_343] {strides = array<i32>} : memref<64x200xi32, #tpu.memory_space<vmem>>, vector<1x16xi32>,
      %get3A_345 = vector.shape_cast %get3A_344 : vector<1x16xi32> to vector<16xi32>
      %mul3A_346 = arith.constant 200 : i32
      %mul3A_347 = arith.muli %scan3A_195, %mul3A_346 : i32
      %add3A_348 = arith.constant 184 : i32
      %add3A_349 = arith.addi %mul3A_347, %add3A_348 : i32
      %swap3A_350 = arith.index_cast %add3A_349 : i32 to index
      %swap3A_351 = tpu.vector_load %arg7[%swap3A_350] {strides = array<i32>} : memref<12800xi32, #tpu.memory_space<vmem>>, vector<16xi32>,
      %swap3A_352 = vector.shape_cast %swap3A_351 : vector<16xi32> to vector<16xi32>
      %swap3A_353 = vector.shape_cast %get3A_345 : vector<16xi32> to vector<16xi32>
      tpu.vector_store %arg7[%swap3A_350], %swap3A_353 {strides = array<i32>} : memref<12800xi32, #tpu.memory_space<vmem>>, vector<16xi32>,
    }
    %scan3A_164 = arith.constant 64 : i32
    %dma_start3A_165 = arith.constant 0 : i32
    %dma_start3A_166 = tpu.memref_slice %arg5[%dma_start3A_165] : memref<1048576xf32, #tpu.memory_space<vmem_shared>> -> memref<1048576xf32, #tpu.memory_space<vmem_shared>>
    tpu.enqueue_indirect_dma source(%dma_start3A_166 : memref<1048576xf32, #tpu.memory_space<vmem_shared>>) target(%arg8 : memref<12800xf32, #tpu.memory_space<vmem>>) offsets(%arg7 : memref<12800xi32, #tpu.memory_space<vmem>>) semaphore(%arg10 : memref<!tpu.dma_semaphore, #tpu.memory_space<semaphore_mem>>)
    %dma_wait3A_167 = arith.constant 0 : i32
    %dma_wait3A_168 = tpu.memref_slice %arg5[%dma_wait3A_167] : memref<1048576xf32, #tpu.memory_space<vmem_shared>> -> memref<1048576xf32, #tpu.memory_space<vmem_shared>>
    tpu.wait_indirect_dma semaphore(%arg10 : memref<!tpu.dma_semaphore, #tpu.memory_space<semaphore_mem>>) src(%dma_wait3A_168 : memref<1048576xf32, #tpu.memory_space<vmem_shared>>) dst(%arg8 : memref<12800xf32, #tpu.memory_space<vmem>>)
    %scan3A_169 = arith.constant 0 : i32
    %scan3A_170 = arith.constant 0 : i32
    %scan3A_171 = arith.constant 64 : i32
    %scan3A_172 = arith.addi %scan3A_170, %scan3A_171 : i32
    %scan3A_173 = arith.constant 1 : i32
    scf.for %scan3A_195 = %scan3A_170 to %scan3A_172 step %scan3A_173  : i32 {
      %mul3A_196 = arith.constant 0 : i32
      %mul3A_197 = arith.muli %scan3A_195, %mul3A_196 : i32
      %add3A_198 = arith.constant 184 : i32
      %add3A_199 = arith.addi %mul3A_197, %add3A_198 : i32
      %mul3A_200 = arith.constant 200 : i32
      %mul3A_201 = arith.muli %scan3A_195, %mul3A_200 : i32
      %add3A_202 = arith.constant 184 : i32
      %add3A_203 = arith.addi %mul3A_201, %add3A_202 : i32
      %get3A = arith.index_cast %add3A_203 : i32 to index
      %get3A_204 = tpu.vector_load %arg8[%get3A] {strides = array<i32>} : memref<12800xf32, #tpu.memory_space<vmem>>, vector<16xf32>,
      %get3A_205 = vector.shape_cast %get3A_204 : vector<16xf32> to vector<16xf32>
      %swap3A = arith.index_cast %scan3A_195 : i32 to index
      %swap3A_206 = arith.index_cast %add3A_199 : i32 to index
      %swap3A_207 = tpu.vector_load %arg9[%swap3A, %swap3A_206] {strides = array<i32>} : memref<64x200xf32, #tpu.memory_space<vmem>>, vector<1x16xf32>,
      %swap3A_208 = vector.shape_cast %swap3A_207 : vector<1x16xf32> to vector<16xf32>
      %swap3A_209 = vector.shape_cast %get3A_205 : vector<16xf32> to vector<1x16xf32>
      tpu.vector_store %arg9[%swap3A, %swap3A_206], %swap3A_209 {strides = array<i32>} : memref<64x200xf32, #tpu.memory_space<vmem>>, vector<1x16xf32>,
      %mul3A_210 = arith.constant 200 : i32
      %mul3A_211 = arith.muli %scan3A_195, %mul3A_210 : i32
      %add3A_212 = arith.constant 0 : i32
      %add3A_213 = arith.addi %mul3A_211, %add3A_212 : i32
      %get3A_214 = arith.index_cast %add3A_213 : i32 to index
      %get3A_215 = tpu.vector_load %arg8[%get3A_214] {strides = array<i32>} : memref<12800xf32, #tpu.memory_space<vmem>>, vector<16xf32>,
      %get3A_216 = vector.shape_cast %get3A_215 : vector<16xf32> to vector<16xf32>
      %swap3A_217 = arith.index_cast %scan3A_195 : i32 to index
      %swap3A_218 = arith.constant 0 : index
      %swap3A_219 = tpu.vector_load %arg9[%swap3A_217, %swap3A_218] {strides = array<i32>} : memref<64x200xf32, #tpu.memory_space<vmem>>, vector<1x16xf32>,
      %swap3A_220 = vector.shape_cast %swap3A_219 : vector<1x16xf32> to vector<16xf32>
      %swap3A_221 = vector.shape_cast %get3A_216 : vector<16xf32> to vector<1x16xf32>
      tpu.vector_store %arg9[%swap3A_217, %swap3A_218], %swap3A_221 {strides = array<i32>} : memref<64x200xf32, #tpu.memory_space<vmem>>, vector<1x16xf32>,
      %mul3A_222 = arith.constant 200 : i32
      %mul3A_223 = arith.muli %scan3A_195, %mul3A_222 : i32
      %add3A_224 = arith.constant 16 : i32
      %add3A_225 = arith.addi %mul3A_223, %add3A_224 : i32
      %get3A_226 = arith.index_cast %add3A_225 : i32 to index
      %get3A_227 = tpu.vector_load %arg8[%get3A_226] {strides = array<i32>} : memref<12800xf32, #tpu.memory_space<vmem>>, vector<16xf32>,
      %get3A_228 = vector.shape_cast %get3A_227 : vector<16xf32> to vector<16xf32>
      %swap3A_229 = arith.index_cast %scan3A_195 : i32 to index
      %swap3A_230 = arith.constant 16 : index
      %swap3A_231 = tpu.vector_load %arg9[%swap3A_229, %swap3A_230] {strides = array<i32>} : memref<64x200xf32, #tpu.memory_space<vmem>>, vector<1x16xf32>,
      %swap3A_232 = vector.shape_cast %swap3A_231 : vector<1x16xf32> to vector<16xf32>
      %swap3A_233 = vector.shape_cast %get3A_228 : vector<16xf32> to vector<1x16xf32>
      tpu.vector_store %arg9[%swap3A_229, %swap3A_230], %swap3A_233 {strides = array<i32>} : memref<64x200xf32, #tpu.memory_space<vmem>>, vector<1x16xf32>,
      %mul3A_234 = arith.constant 200 : i32
      %mul3A_235 = arith.muli %scan3A_195, %mul3A_234 : i32
      %add3A_236 = arith.constant 32 : i32
      %add3A_237 = arith.addi %mul3A_235, %add3A_236 : i32
      %get3A_238 = arith.index_cast %add3A_237 : i32 to index
      %get3A_239 = tpu.vector_load %arg8[%get3A_238] {strides = array<i32>} : memref<12800xf32, #tpu.memory_space<vmem>>, vector<16xf32>,
      %get3A_240 = vector.shape_cast %get3A_239 : vector<16xf32> to vector<16xf32>
      %swap3A_241 = arith.index_cast %scan3A_195 : i32 to index
      %swap3A_242 = arith.constant 32 : index
      %swap3A_243 = tpu.vector_load %arg9[%swap3A_241, %swap3A_242] {strides = array<i32>} : memref<64x200xf32, #tpu.memory_space<vmem>>, vector<1x16xf32>,
      %swap3A_244 = vector.shape_cast %swap3A_243 : vector<1x16xf32> to vector<16xf32>
      %swap3A_245 = vector.shape_cast %get3A_240 : vector<16xf32> to vector<1x16xf32>
      tpu.vector_store %arg9[%swap3A_241, %swap3A_242], %swap3A_245 {strides = array<i32>} : memref<64x200xf32, #tpu.memory_space<vmem>>, vector<1x16xf32>,
      %mul3A_246 = arith.constant 200 : i32
      %mul3A_247 = arith.muli %scan3A_195, %mul3A_246 : i32
      %add3A_248 = arith.constant 48 : i32
      %add3A_249 = arith.addi %mul3A_247, %add3A_248 : i32
      %get3A_250 = arith.index_cast %add3A_249 : i32 to index
      %get3A_251 = tpu.vector_load %arg8[%get3A_250] {strides = array<i32>} : memref<12800xf32, #tpu.memory_space<vmem>>, vector<16xf32>,
      %get3A_252 = vector.shape_cast %get3A_251 : vector<16xf32> to vector<16xf32>
      %swap3A_253 = arith.index_cast %scan3A_195 : i32 to index
      %swap3A_254 = arith.constant 48 : index
      %swap3A_255 = tpu.vector_load %arg9[%swap3A_253, %swap3A_254] {strides = array<i32>} : memref<64x200xf32, #tpu.memory_space<vmem>>, vector<1x16xf32>,
      %swap3A_256 = vector.shape_cast %swap3A_255 : vector<1x16xf32> to vector<16xf32>
      %swap3A_257 = vector.shape_cast %get3A_252 : vector<16xf32> to vector<1x16xf32>
      tpu.vector_store %arg9[%swap3A_253, %swap3A_254], %swap3A_257 {strides = array<i32>} : memref<64x200xf32, #tpu.memory_space<vmem>>, vector<1x16xf32>,
      %mul3A_258 = arith.constant 200 : i32
      %mul3A_259 = arith.muli %scan3A_195, %mul3A_258 : i32
      %add3A_260 = arith.constant 64 : i32
      %add3A_261 = arith.addi %mul3A_259, %add3A_260 : i32
      %get3A_262 = arith.index_cast %add3A_261 : i32 to index
      %get3A_263 = tpu.vector_load %arg8[%get3A_262] {strides = array<i32>} : memref<12800xf32, #tpu.memory_space<vmem>>, vector<16xf32>,
      %get3A_264 = vector.shape_cast %get3A_263 : vector<16xf32> to vector<16xf32>
      %swap3A_265 = arith.index_cast %scan3A_195 : i32 to index
      %swap3A_266 = arith.constant 64 : index
      %swap3A_267 = tpu.vector_load %arg9[%swap3A_265, %swap3A_266] {strides = array<i32>} : memref<64x200xf32, #tpu.memory_space<vmem>>, vector<1x16xf32>,
      %swap3A_268 = vector.shape_cast %swap3A_267 : vector<1x16xf32> to vector<16xf32>
      %swap3A_269 = vector.shape_cast %get3A_264 : vector<16xf32> to vector<1x16xf32>
      tpu.vector_store %arg9[%swap3A_265, %swap3A_266], %swap3A_269 {strides = array<i32>} : memref<64x200xf32, #tpu.memory_space<vmem>>, vector<1x16xf32>,
      %mul3A_270 = arith.constant 200 : i32
      %mul3A_271 = arith.muli %scan3A_195, %mul3A_270 : i32
      %add3A_272 = arith.constant 80 : i32
      %add3A_273 = arith.addi %mul3A_271, %add3A_272 : i32
      %get3A_274 = arith.index_cast %add3A_273 : i32 to index
      %get3A_275 = tpu.vector_load %arg8[%get3A_274] {strides = array<i32>} : memref<12800xf32, #tpu.memory_space<vmem>>, vector<16xf32>,
      %get3A_276 = vector.shape_cast %get3A_275 : vector<16xf32> to vector<16xf32>
      %swap3A_277 = arith.index_cast %scan3A_195 : i32 to index
      %swap3A_278 = arith.constant 80 : index
      %swap3A_279 = tpu.vector_load %arg9[%swap3A_277, %swap3A_278] {strides = array<i32>} : memref<64x200xf32, #tpu.memory_space<vmem>>, vector<1x16xf32>,
      %swap3A_280 = vector.shape_cast %swap3A_279 : vector<1x16xf32> to vector<16xf32>
      %swap3A_281 = vector.shape_cast %get3A_276 : vector<16xf32> to vector<1x16xf32>
      tpu.vector_store %arg9[%swap3A_277, %swap3A_278], %swap3A_281 {strides = array<i32>} : memref<64x200xf32, #tpu.memory_space<vmem>>, vector<1x16xf32>,
      %mul3A_282 = arith.constant 200 : i32
      %mul3A_283 = arith.muli %scan3A_195, %mul3A_282 : i32
      %add3A_284 = arith.constant 96 : i32
      %add3A_285 = arith.addi %mul3A_283, %add3A_284 : i32
      %get3A_286 = arith.index_cast %add3A_285 : i32 to index
      %get3A_287 = tpu.vector_load %arg8[%get3A_286] {strides = array<i32>} : memref<12800xf32, #tpu.memory_space<vmem>>, vector<16xf32>,
      %get3A_288 = vector.shape_cast %get3A_287 : vector<16xf32> to vector<16xf32>
      %swap3A_289 = arith.index_cast %scan3A_195 : i32 to index
      %swap3A_290 = arith.constant 96 : index
      %swap3A_291 = tpu.vector_load %arg9[%swap3A_289, %swap3A_290] {strides = array<i32>} : memref<64x200xf32, #tpu.memory_space<vmem>>, vector<1x16xf32>,
      %swap3A_292 = vector.shape_cast %swap3A_291 : vector<1x16xf32> to vector<16xf32>
      %swap3A_293 = vector.shape_cast %get3A_288 : vector<16xf32> to vector<1x16xf32>
      tpu.vector_store %arg9[%swap3A_289, %swap3A_290], %swap3A_293 {strides = array<i32>} : memref<64x200xf32, #tpu.memory_space<vmem>>, vector<1x16xf32>,
      %mul3A_294 = arith.constant 200 : i32
      %mul3A_295 = arith.muli %scan3A_195, %mul3A_294 : i32
      %add3A_296 = arith.constant 112 : i32
      %add3A_297 = arith.addi %mul3A_295, %add3A_296 : i32
      %get3A_298 = arith.index_cast %add3A_297 : i32 to index
      %get3A_299 = tpu.vector_load %arg8[%get3A_298] {strides = array<i32>} : memref<12800xf32, #tpu.memory_space<vmem>>, vector<16xf32>,
      %get3A_300 = vector.shape_cast %get3A_299 : vector<16xf32> to vector<16xf32>
      %swap3A_301 = arith.index_cast %scan3A_195 : i32 to index
      %swap3A_302 = arith.constant 112 : index
      %swap3A_303 = tpu.vector_load %arg9[%swap3A_301, %swap3A_302] {strides = array<i32>} : memref<64x200xf32, #tpu.memory_space<vmem>>, vector<1x16xf32>,
      %swap3A_304 = vector.shape_cast %swap3A_303 : vector<1x16xf32> to vector<16xf32>
      %swap3A_305 = vector.shape_cast %get3A_300 : vector<16xf32> to vector<1x16xf32>
      tpu.vector_store %arg9[%swap3A_301, %swap3A_302], %swap3A_305 {strides = array<i32>} : memref<64x200xf32, #tpu.memory_space<vmem>>, vector<1x16xf32>,
      %mul3A_306 = arith.constant 200 : i32
      %mul3A_307 = arith.muli %scan3A_195, %mul3A_306 : i32
      %add3A_308 = arith.constant 128 : i32
      %add3A_309 = arith.addi %mul3A_307, %add3A_308 : i32
      %get3A_310 = arith.index_cast %add3A_309 : i32 to index
      %get3A_311 = tpu.vector_load %arg8[%get3A_310] {strides = array<i32>} : memref<12800xf32, #tpu.memory_space<vmem>>, vector<16xf32>,
      %get3A_312 = vector.shape_cast %get3A_311 : vector<16xf32> to vector<16xf32>
      %swap3A_313 = arith.index_cast %scan3A_195 : i32 to index
      %swap3A_314 = arith.constant 128 : index
      %swap3A_315 = tpu.vector_load %arg9[%swap3A_313, %swap3A_314] {strides = array<i32>} : memref<64x200xf32, #tpu.memory_space<vmem>>, vector<1x16xf32>,
      %swap3A_316 = vector.shape_cast %swap3A_315 : vector<1x16xf32> to vector<16xf32>
      %swap3A_317 = vector.shape_cast %get3A_312 : vector<16xf32> to vector<1x16xf32>
      tpu.vector_store %arg9[%swap3A_313, %swap3A_314], %swap3A_317 {strides = array<i32>} : memref<64x200xf32, #tpu.memory_space<vmem>>, vector<1x16xf32>,
      %mul3A_318 = arith.constant 200 : i32
      %mul3A_319 = arith.muli %scan3A_195, %mul3A_318 : i32
      %add3A_320 = arith.constant 144 : i32
      %add3A_321 = arith.addi %mul3A_319, %add3A_320 : i32
      %get3A_322 = arith.index_cast %add3A_321 : i32 to index
      %get3A_323 = tpu.vector_load %arg8[%get3A_322] {strides = array<i32>} : memref<12800xf32, #tpu.memory_space<vmem>>, vector<16xf32>,
      %get3A_324 = vector.shape_cast %get3A_323 : vector<16xf32> to vector<16xf32>
      %swap3A_325 = arith.index_cast %scan3A_195 : i32 to index
      %swap3A_326 = arith.constant 144 : index
      %swap3A_327 = tpu.vector_load %arg9[%swap3A_325, %swap3A_326] {strides = array<i32>} : memref<64x200xf32, #tpu.memory_space<vmem>>, vector<1x16xf32>,
      %swap3A_328 = vector.shape_cast %swap3A_327 : vector<1x16xf32> to vector<16xf32>
      %swap3A_329 = vector.shape_cast %get3A_324 : vector<16xf32> to vector<1x16xf32>
      tpu.vector_store %arg9[%swap3A_325, %swap3A_326], %swap3A_329 {strides = array<i32>} : memref<64x200xf32, #tpu.memory_space<vmem>>, vector<1x16xf32>,
      %mul3A_330 = arith.constant 200 : i32
      %mul3A_331 = arith.muli %scan3A_195, %mul3A_330 : i32
      %add3A_332 = arith.constant 160 : i32
      %add3A_333 = arith.addi %mul3A_331, %add3A_332 : i32
      %get3A_334 = arith.index_cast %add3A_333 : i32 to index
      %get3A_335 = tpu.vector_load %arg8[%get3A_334] {strides = array<i32>} : memref<12800xf32, #tpu.memory_space<vmem>>, vector<16xf32>,
      %get3A_336 = vector.shape_cast %get3A_335 : vector<16xf32> to vector<16xf32>
      %swap3A_337 = arith.index_cast %scan3A_195 : i32 to index
      %swap3A_338 = arith.constant 160 : index
      %swap3A_339 = tpu.vector_load %arg9[%swap3A_337, %swap3A_338] {strides = array<i32>} : memref<64x200xf32, #tpu.memory_space<vmem>>, vector<1x16xf32>,
      %swap3A_340 = vector.shape_cast %swap3A_339 : vector<1x16xf32> to vector<16xf32>
      %swap3A_341 = vector.shape_cast %get3A_336 : vector<16xf32> to vector<1x16xf32>
      tpu.vector_store %arg9[%swap3A_337, %swap3A_338], %swap3A_341 {strides = array<i32>} : memref<64x200xf32, #tpu.memory_space<vmem>>, vector<1x16xf32>,
      %mul3A_342 = arith.constant 200 : i32
      %mul3A_343 = arith.muli %scan3A_195, %mul3A_342 : i32
      %add3A_344 = arith.constant 176 : i32
      %add3A_345 = arith.addi %mul3A_343, %add3A_344 : i32
      %get3A_346 = arith.index_cast %add3A_345 : i32 to index
      %get3A_347 = tpu.vector_load %arg8[%get3A_346] {strides = array<i32>} : memref<12800xf32, #tpu.memory_space<vmem>>, vector<16xf32>,
      %get3A_348 = vector.shape_cast %get3A_347 : vector<16xf32> to vector<16xf32>
      %swap3A_349 = arith.index_cast %scan3A_195 : i32 to index
      %swap3A_350 = arith.constant 176 : index
      %swap3A_351 = tpu.vector_load %arg9[%swap3A_349, %swap3A_350] {strides = array<i32>} : memref<64x200xf32, #tpu.memory_space<vmem>>, vector<1x16xf32>,
      %swap3A_352 = vector.shape_cast %swap3A_351 : vector<1x16xf32> to vector<16xf32>
      %swap3A_353 = vector.shape_cast %get3A_348 : vector<16xf32> to vector<1x16xf32>
      tpu.vector_store %arg9[%swap3A_349, %swap3A_350], %swap3A_353 {strides = array<i32>} : memref<64x200xf32, #tpu.memory_space<vmem>>, vector<1x16xf32>,
    }
    %scan3A_174 = arith.constant 64 : i32
    "tpu.region"() ({
      %run_scoped3A = tpu.sem_alloc : memref<!tpu.dma_semaphore, #tpu.memory_space<semaphore_mem>>
      %dma_start3A_195 = arith.constant 0 : i32
      %dma_start3A_196 = tpu.memref_slice %arg4[%add3A_158, %dma_start3A_195] : memref<16384x200xf32, #tpu.memory_space<hbm>> -> memref<64x200xf32, #tpu.memory_space<hbm>>
      %dma_start3A_197 = arith.constant 0 : i32
      %dma_start3A_198 = tpu.memref_slice %arg4[%add3A_158, %dma_start3A_197] : memref<16384x200xf32, #tpu.memory_space<hbm>> -> memref<64x200xf32, #tpu.memory_space<hbm>>
      tpu.enqueue_dma source(%arg9 : memref<64x200xf32, #tpu.memory_space<vmem>>) target(%dma_start3A_198 : memref<64x200xf32, #tpu.memory_space<hbm>>) target_semaphore(%run_scoped3A : memref<!tpu.dma_semaphore, #tpu.memory_space<semaphore_mem>>)
      %dma_wait3A_199 = arith.constant 0 : i32
      %dma_wait3A_200 = tpu.memref_slice %arg4[%add3A_158, %dma_wait3A_199] : memref<16384x200xf32, #tpu.memory_space<hbm>> -> memref<64x200xf32, #tpu.memory_space<hbm>>
      %dma_wait3A_201 = arith.constant 0 : i32
      %dma_wait3A_202 = tpu.memref_slice %arg4[%add3A_158, %dma_wait3A_201] : memref<16384x200xf32, #tpu.memory_space<hbm>> -> memref<64x200xf32, #tpu.memory_space<hbm>>
      tpu.wait_dma2 semaphore(%run_scoped3A : memref<!tpu.dma_semaphore, #tpu.memory_space<semaphore_mem>>) src(%arg9 : memref<64x200xf32, #tpu.memory_space<vmem>>) dst(%dma_wait3A_202 : memref<64x200xf32, #tpu.memory_space<hbm>>)
      tpu.yield
    }) : () -> ()
    %mul3A_175 = arith.constant 512 : i32
    %mul3A_176 = arith.muli %add3A, %mul3A_175 : i32
    %add3A_177 = arith.constant 448 : i32
    %add3A_178 = arith.addi %mul3A_176, %add3A_177 : i32
    "tpu.region"() ({
      %run_scoped3A = tpu.sem_alloc : memref<!tpu.dma_semaphore, #tpu.memory_space<semaphore_mem>>
      %dma_start3A_195 = arith.constant 0 : i32
      %dma_start3A_196 = tpu.memref_slice %arg3[%add3A_178, %dma_start3A_195] : memref<16384x200xi32, #tpu.memory_space<hbm>> -> memref<64x200xi32, #tpu.memory_space<hbm>>
      %dma_start3A_197 = arith.constant 0 : i32
      %dma_start3A_198 = tpu.memref_slice %arg3[%add3A_178, %dma_start3A_197] : memref<16384x200xi32, #tpu.memory_space<hbm>> -> memref<64x200xi32, #tpu.memory_space<hbm>>
      tpu.enqueue_dma source(%dma_start3A_198 : memref<64x200xi32, #tpu.memory_space<hbm>>) target(%arg6 : memref<64x200xi32, #tpu.memory_space<vmem>>) target_semaphore(%run_scoped3A : memref<!tpu.dma_semaphore, #tpu.memory_space<semaphore_mem>>)
      %dma_wait3A_199 = arith.constant 0 : i32
      %dma_wait3A_200 = tpu.memref_slice %arg3[%add3A_178, %dma_wait3A_199] : memref<16384x200xi32, #tpu.memory_space<hbm>> -> memref<64x200xi32, #tpu.memory_space<hbm>>
      %dma_wait3A_201 = arith.constant 0 : i32
      %dma_wait3A_202 = tpu.memref_slice %arg3[%add3A_178, %dma_wait3A_201] : memref<16384x200xi32, #tpu.memory_space<hbm>> -> memref<64x200xi32, #tpu.memory_space<hbm>>
      tpu.wait_dma2 semaphore(%run_scoped3A : memref<!tpu.dma_semaphore, #tpu.memory_space<semaphore_mem>>) src(%dma_wait3A_202 : memref<64x200xi32, #tpu.memory_space<hbm>>) dst(%arg6 : memref<64x200xi32, #tpu.memory_space<vmem>>)
      tpu.yield
    }) : () -> ()
    %scan3A_179 = arith.constant 0 : i32
    %scan3A_180 = arith.constant 0 : i32
    %scan3A_181 = arith.constant 64 : i32
    %scan3A_182 = arith.addi %scan3A_180, %scan3A_181 : i32
    %scan3A_183 = arith.constant 1 : i32
    scf.for %scan3A_195 = %scan3A_180 to %scan3A_182 step %scan3A_183  : i32 {
      %get3A = arith.index_cast %scan3A_195 : i32 to index
      %get3A_196 = arith.constant 0 : index
      %get3A_197 = tpu.vector_load %arg6[%get3A, %get3A_196] {strides = array<i32>} : memref<64x200xi32, #tpu.memory_space<vmem>>, vector<1x16xi32>,
      %get3A_198 = vector.shape_cast %get3A_197 : vector<1x16xi32> to vector<16xi32>
      %mul3A_199 = arith.constant 200 : i32
      %mul3A_200 = arith.muli %scan3A_195, %mul3A_199 : i32
      %add3A_201 = arith.constant 0 : i32
      %add3A_202 = arith.addi %mul3A_200, %add3A_201 : i32
      %swap3A = arith.index_cast %add3A_202 : i32 to index
      %swap3A_203 = tpu.vector_load %arg7[%swap3A] {strides = array<i32>} : memref<12800xi32, #tpu.memory_space<vmem>>, vector<16xi32>,
      %swap3A_204 = vector.shape_cast %swap3A_203 : vector<16xi32> to vector<16xi32>
      %swap3A_205 = vector.shape_cast %get3A_198 : vector<16xi32> to vector<16xi32>
      tpu.vector_store %arg7[%swap3A], %swap3A_205 {strides = array<i32>} : memref<12800xi32, #tpu.memory_space<vmem>>, vector<16xi32>,
      %get3A_206 = arith.index_cast %scan3A_195 : i32 to index
      %get3A_207 = arith.constant 16 : index
      %get3A_208 = tpu.vector_load %arg6[%get3A_206, %get3A_207] {strides = array<i32>} : memref<64x200xi32, #tpu.memory_space<vmem>>, vector<1x16xi32>,
      %get3A_209 = vector.shape_cast %get3A_208 : vector<1x16xi32> to vector<16xi32>
      %mul3A_210 = arith.constant 200 : i32
      %mul3A_211 = arith.muli %scan3A_195, %mul3A_210 : i32
      %add3A_212 = arith.constant 16 : i32
      %add3A_213 = arith.addi %mul3A_211, %add3A_212 : i32
      %swap3A_214 = arith.index_cast %add3A_213 : i32 to index
      %swap3A_215 = tpu.vector_load %arg7[%swap3A_214] {strides = array<i32>} : memref<12800xi32, #tpu.memory_space<vmem>>, vector<16xi32>,
      %swap3A_216 = vector.shape_cast %swap3A_215 : vector<16xi32> to vector<16xi32>
      %swap3A_217 = vector.shape_cast %get3A_209 : vector<16xi32> to vector<16xi32>
      tpu.vector_store %arg7[%swap3A_214], %swap3A_217 {strides = array<i32>} : memref<12800xi32, #tpu.memory_space<vmem>>, vector<16xi32>,
      %get3A_218 = arith.index_cast %scan3A_195 : i32 to index
      %get3A_219 = arith.constant 32 : index
      %get3A_220 = tpu.vector_load %arg6[%get3A_218, %get3A_219] {strides = array<i32>} : memref<64x200xi32, #tpu.memory_space<vmem>>, vector<1x16xi32>,
      %get3A_221 = vector.shape_cast %get3A_220 : vector<1x16xi32> to vector<16xi32>
      %mul3A_222 = arith.constant 200 : i32
      %mul3A_223 = arith.muli %scan3A_195, %mul3A_222 : i32
      %add3A_224 = arith.constant 32 : i32
      %add3A_225 = arith.addi %mul3A_223, %add3A_224 : i32
      %swap3A_226 = arith.index_cast %add3A_225 : i32 to index
      %swap3A_227 = tpu.vector_load %arg7[%swap3A_226] {strides = array<i32>} : memref<12800xi32, #tpu.memory_space<vmem>>, vector<16xi32>,
      %swap3A_228 = vector.shape_cast %swap3A_227 : vector<16xi32> to vector<16xi32>
      %swap3A_229 = vector.shape_cast %get3A_221 : vector<16xi32> to vector<16xi32>
      tpu.vector_store %arg7[%swap3A_226], %swap3A_229 {strides = array<i32>} : memref<12800xi32, #tpu.memory_space<vmem>>, vector<16xi32>,
      %get3A_230 = arith.index_cast %scan3A_195 : i32 to index
      %get3A_231 = arith.constant 48 : index
      %get3A_232 = tpu.vector_load %arg6[%get3A_230, %get3A_231] {strides = array<i32>} : memref<64x200xi32, #tpu.memory_space<vmem>>, vector<1x16xi32>,
      %get3A_233 = vector.shape_cast %get3A_232 : vector<1x16xi32> to vector<16xi32>
      %mul3A_234 = arith.constant 200 : i32
      %mul3A_235 = arith.muli %scan3A_195, %mul3A_234 : i32
      %add3A_236 = arith.constant 48 : i32
      %add3A_237 = arith.addi %mul3A_235, %add3A_236 : i32
      %swap3A_238 = arith.index_cast %add3A_237 : i32 to index
      %swap3A_239 = tpu.vector_load %arg7[%swap3A_238] {strides = array<i32>} : memref<12800xi32, #tpu.memory_space<vmem>>, vector<16xi32>,
      %swap3A_240 = vector.shape_cast %swap3A_239 : vector<16xi32> to vector<16xi32>
      %swap3A_241 = vector.shape_cast %get3A_233 : vector<16xi32> to vector<16xi32>
      tpu.vector_store %arg7[%swap3A_238], %swap3A_241 {strides = array<i32>} : memref<12800xi32, #tpu.memory_space<vmem>>, vector<16xi32>,
      %get3A_242 = arith.index_cast %scan3A_195 : i32 to index
      %get3A_243 = arith.constant 64 : index
      %get3A_244 = tpu.vector_load %arg6[%get3A_242, %get3A_243] {strides = array<i32>} : memref<64x200xi32, #tpu.memory_space<vmem>>, vector<1x16xi32>,
      %get3A_245 = vector.shape_cast %get3A_244 : vector<1x16xi32> to vector<16xi32>
      %mul3A_246 = arith.constant 200 : i32
      %mul3A_247 = arith.muli %scan3A_195, %mul3A_246 : i32
      %add3A_248 = arith.constant 64 : i32
      %add3A_249 = arith.addi %mul3A_247, %add3A_248 : i32
      %swap3A_250 = arith.index_cast %add3A_249 : i32 to index
      %swap3A_251 = tpu.vector_load %arg7[%swap3A_250] {strides = array<i32>} : memref<12800xi32, #tpu.memory_space<vmem>>, vector<16xi32>,
      %swap3A_252 = vector.shape_cast %swap3A_251 : vector<16xi32> to vector<16xi32>
      %swap3A_253 = vector.shape_cast %get3A_245 : vector<16xi32> to vector<16xi32>
      tpu.vector_store %arg7[%swap3A_250], %swap3A_253 {strides = array<i32>} : memref<12800xi32, #tpu.memory_space<vmem>>, vector<16xi32>,
      %get3A_254 = arith.index_cast %scan3A_195 : i32 to index
      %get3A_255 = arith.constant 80 : index
      %get3A_256 = tpu.vector_load %arg6[%get3A_254, %get3A_255] {strides = array<i32>} : memref<64x200xi32, #tpu.memory_space<vmem>>, vector<1x16xi32>,
      %get3A_257 = vector.shape_cast %get3A_256 : vector<1x16xi32> to vector<16xi32>
      %mul3A_258 = arith.constant 200 : i32
      %mul3A_259 = arith.muli %scan3A_195, %mul3A_258 : i32
      %add3A_260 = arith.constant 80 : i32
      %add3A_261 = arith.addi %mul3A_259, %add3A_260 : i32
      %swap3A_262 = arith.index_cast %add3A_261 : i32 to index
      %swap3A_263 = tpu.vector_load %arg7[%swap3A_262] {strides = array<i32>} : memref<12800xi32, #tpu.memory_space<vmem>>, vector<16xi32>,
      %swap3A_264 = vector.shape_cast %swap3A_263 : vector<16xi32> to vector<16xi32>
      %swap3A_265 = vector.shape_cast %get3A_257 : vector<16xi32> to vector<16xi32>
      tpu.vector_store %arg7[%swap3A_262], %swap3A_265 {strides = array<i32>} : memref<12800xi32, #tpu.memory_space<vmem>>, vector<16xi32>,
      %get3A_266 = arith.index_cast %scan3A_195 : i32 to index
      %get3A_267 = arith.constant 96 : index
      %get3A_268 = tpu.vector_load %arg6[%get3A_266, %get3A_267] {strides = array<i32>} : memref<64x200xi32, #tpu.memory_space<vmem>>, vector<1x16xi32>,
      %get3A_269 = vector.shape_cast %get3A_268 : vector<1x16xi32> to vector<16xi32>
      %mul3A_270 = arith.constant 200 : i32
      %mul3A_271 = arith.muli %scan3A_195, %mul3A_270 : i32
      %add3A_272 = arith.constant 96 : i32
      %add3A_273 = arith.addi %mul3A_271, %add3A_272 : i32
      %swap3A_274 = arith.index_cast %add3A_273 : i32 to index
      %swap3A_275 = tpu.vector_load %arg7[%swap3A_274] {strides = array<i32>} : memref<12800xi32, #tpu.memory_space<vmem>>, vector<16xi32>,
      %swap3A_276 = vector.shape_cast %swap3A_275 : vector<16xi32> to vector<16xi32>
      %swap3A_277 = vector.shape_cast %get3A_269 : vector<16xi32> to vector<16xi32>
      tpu.vector_store %arg7[%swap3A_274], %swap3A_277 {strides = array<i32>} : memref<12800xi32, #tpu.memory_space<vmem>>, vector<16xi32>,
      %get3A_278 = arith.index_cast %scan3A_195 : i32 to index
      %get3A_279 = arith.constant 112 : index
      %get3A_280 = tpu.vector_load %arg6[%get3A_278, %get3A_279] {strides = array<i32>} : memref<64x200xi32, #tpu.memory_space<vmem>>, vector<1x16xi32>,
      %get3A_281 = vector.shape_cast %get3A_280 : vector<1x16xi32> to vector<16xi32>
      %mul3A_282 = arith.constant 200 : i32
      %mul3A_283 = arith.muli %scan3A_195, %mul3A_282 : i32
      %add3A_284 = arith.constant 112 : i32
      %add3A_285 = arith.addi %mul3A_283, %add3A_284 : i32
      %swap3A_286 = arith.index_cast %add3A_285 : i32 to index
      %swap3A_287 = tpu.vector_load %arg7[%swap3A_286] {strides = array<i32>} : memref<12800xi32, #tpu.memory_space<vmem>>, vector<16xi32>,
      %swap3A_288 = vector.shape_cast %swap3A_287 : vector<16xi32> to vector<16xi32>
      %swap3A_289 = vector.shape_cast %get3A_281 : vector<16xi32> to vector<16xi32>
      tpu.vector_store %arg7[%swap3A_286], %swap3A_289 {strides = array<i32>} : memref<12800xi32, #tpu.memory_space<vmem>>, vector<16xi32>,
      %get3A_290 = arith.index_cast %scan3A_195 : i32 to index
      %get3A_291 = arith.constant 128 : index
      %get3A_292 = tpu.vector_load %arg6[%get3A_290, %get3A_291] {strides = array<i32>} : memref<64x200xi32, #tpu.memory_space<vmem>>, vector<1x16xi32>,
      %get3A_293 = vector.shape_cast %get3A_292 : vector<1x16xi32> to vector<16xi32>
      %mul3A_294 = arith.constant 200 : i32
      %mul3A_295 = arith.muli %scan3A_195, %mul3A_294 : i32
      %add3A_296 = arith.constant 128 : i32
      %add3A_297 = arith.addi %mul3A_295, %add3A_296 : i32
      %swap3A_298 = arith.index_cast %add3A_297 : i32 to index
      %swap3A_299 = tpu.vector_load %arg7[%swap3A_298] {strides = array<i32>} : memref<12800xi32, #tpu.memory_space<vmem>>, vector<16xi32>,
      %swap3A_300 = vector.shape_cast %swap3A_299 : vector<16xi32> to vector<16xi32>
      %swap3A_301 = vector.shape_cast %get3A_293 : vector<16xi32> to vector<16xi32>
      tpu.vector_store %arg7[%swap3A_298], %swap3A_301 {strides = array<i32>} : memref<12800xi32, #tpu.memory_space<vmem>>, vector<16xi32>,
      %get3A_302 = arith.index_cast %scan3A_195 : i32 to index
      %get3A_303 = arith.constant 144 : index
      %get3A_304 = tpu.vector_load %arg6[%get3A_302, %get3A_303] {strides = array<i32>} : memref<64x200xi32, #tpu.memory_space<vmem>>, vector<1x16xi32>,
      %get3A_305 = vector.shape_cast %get3A_304 : vector<1x16xi32> to vector<16xi32>
      %mul3A_306 = arith.constant 200 : i32
      %mul3A_307 = arith.muli %scan3A_195, %mul3A_306 : i32
      %add3A_308 = arith.constant 144 : i32
      %add3A_309 = arith.addi %mul3A_307, %add3A_308 : i32
      %swap3A_310 = arith.index_cast %add3A_309 : i32 to index
      %swap3A_311 = tpu.vector_load %arg7[%swap3A_310] {strides = array<i32>} : memref<12800xi32, #tpu.memory_space<vmem>>, vector<16xi32>,
      %swap3A_312 = vector.shape_cast %swap3A_311 : vector<16xi32> to vector<16xi32>
      %swap3A_313 = vector.shape_cast %get3A_305 : vector<16xi32> to vector<16xi32>
      tpu.vector_store %arg7[%swap3A_310], %swap3A_313 {strides = array<i32>} : memref<12800xi32, #tpu.memory_space<vmem>>, vector<16xi32>,
      %get3A_314 = arith.index_cast %scan3A_195 : i32 to index
      %get3A_315 = arith.constant 160 : index
      %get3A_316 = tpu.vector_load %arg6[%get3A_314, %get3A_315] {strides = array<i32>} : memref<64x200xi32, #tpu.memory_space<vmem>>, vector<1x16xi32>,
      %get3A_317 = vector.shape_cast %get3A_316 : vector<1x16xi32> to vector<16xi32>
      %mul3A_318 = arith.constant 200 : i32
      %mul3A_319 = arith.muli %scan3A_195, %mul3A_318 : i32
      %add3A_320 = arith.constant 160 : i32
      %add3A_321 = arith.addi %mul3A_319, %add3A_320 : i32
      %swap3A_322 = arith.index_cast %add3A_321 : i32 to index
      %swap3A_323 = tpu.vector_load %arg7[%swap3A_322] {strides = array<i32>} : memref<12800xi32, #tpu.memory_space<vmem>>, vector<16xi32>,
      %swap3A_324 = vector.shape_cast %swap3A_323 : vector<16xi32> to vector<16xi32>
      %swap3A_325 = vector.shape_cast %get3A_317 : vector<16xi32> to vector<16xi32>
      tpu.vector_store %arg7[%swap3A_322], %swap3A_325 {strides = array<i32>} : memref<12800xi32, #tpu.memory_space<vmem>>, vector<16xi32>,
      %get3A_326 = arith.index_cast %scan3A_195 : i32 to index
      %get3A_327 = arith.constant 176 : index
      %get3A_328 = tpu.vector_load %arg6[%get3A_326, %get3A_327] {strides = array<i32>} : memref<64x200xi32, #tpu.memory_space<vmem>>, vector<1x16xi32>,
      %get3A_329 = vector.shape_cast %get3A_328 : vector<1x16xi32> to vector<16xi32>
      %mul3A_330 = arith.constant 200 : i32
      %mul3A_331 = arith.muli %scan3A_195, %mul3A_330 : i32
      %add3A_332 = arith.constant 176 : i32
      %add3A_333 = arith.addi %mul3A_331, %add3A_332 : i32
      %swap3A_334 = arith.index_cast %add3A_333 : i32 to index
      %swap3A_335 = tpu.vector_load %arg7[%swap3A_334] {strides = array<i32>} : memref<12800xi32, #tpu.memory_space<vmem>>, vector<16xi32>,
      %swap3A_336 = vector.shape_cast %swap3A_335 : vector<16xi32> to vector<16xi32>
      %swap3A_337 = vector.shape_cast %get3A_329 : vector<16xi32> to vector<16xi32>
      tpu.vector_store %arg7[%swap3A_334], %swap3A_337 {strides = array<i32>} : memref<12800xi32, #tpu.memory_space<vmem>>, vector<16xi32>,
      %mul3A_338 = arith.constant 0 : i32
      %mul3A_339 = arith.muli %scan3A_195, %mul3A_338 : i32
      %add3A_340 = arith.constant 184 : i32
      %add3A_341 = arith.addi %mul3A_339, %add3A_340 : i32
      %get3A_342 = arith.index_cast %scan3A_195 : i32 to index
      %get3A_343 = arith.index_cast %add3A_341 : i32 to index
      %get3A_344 = tpu.vector_load %arg6[%get3A_342, %get3A_343] {strides = array<i32>} : memref<64x200xi32, #tpu.memory_space<vmem>>, vector<1x16xi32>,
      %get3A_345 = vector.shape_cast %get3A_344 : vector<1x16xi32> to vector<16xi32>
      %mul3A_346 = arith.constant 200 : i32
      %mul3A_347 = arith.muli %scan3A_195, %mul3A_346 : i32
      %add3A_348 = arith.constant 184 : i32
      %add3A_349 = arith.addi %mul3A_347, %add3A_348 : i32
      %swap3A_350 = arith.index_cast %add3A_349 : i32 to index
      %swap3A_351 = tpu.vector_load %arg7[%swap3A_350] {strides = array<i32>} : memref<12800xi32, #tpu.memory_space<vmem>>, vector<16xi32>,
      %swap3A_352 = vector.shape_cast %swap3A_351 : vector<16xi32> to vector<16xi32>
      %swap3A_353 = vector.shape_cast %get3A_345 : vector<16xi32> to vector<16xi32>
      tpu.vector_store %arg7[%swap3A_350], %swap3A_353 {strides = array<i32>} : memref<12800xi32, #tpu.memory_space<vmem>>, vector<16xi32>,
    }
    %scan3A_184 = arith.constant 64 : i32
    %dma_start3A_185 = arith.constant 0 : i32
    %dma_start3A_186 = tpu.memref_slice %arg5[%dma_start3A_185] : memref<1048576xf32, #tpu.memory_space<vmem_shared>> -> memref<1048576xf32, #tpu.memory_space<vmem_shared>>
    tpu.enqueue_indirect_dma source(%dma_start3A_186 : memref<1048576xf32, #tpu.memory_space<vmem_shared>>) target(%arg8 : memref<12800xf32, #tpu.memory_space<vmem>>) offsets(%arg7 : memref<12800xi32, #tpu.memory_space<vmem>>) semaphore(%arg10 : memref<!tpu.dma_semaphore, #tpu.memory_space<semaphore_mem>>)
    %dma_wait3A_187 = arith.constant 0 : i32
    %dma_wait3A_188 = tpu.memref_slice %arg5[%dma_wait3A_187] : memref<1048576xf32, #tpu.memory_space<vmem_shared>> -> memref<1048576xf32, #tpu.memory_space<vmem_shared>>
    tpu.wait_indirect_dma semaphore(%arg10 : memref<!tpu.dma_semaphore, #tpu.memory_space<semaphore_mem>>) src(%dma_wait3A_188 : memref<1048576xf32, #tpu.memory_space<vmem_shared>>) dst(%arg8 : memref<12800xf32, #tpu.memory_space<vmem>>)
    %scan3A_189 = arith.constant 0 : i32
    %scan3A_190 = arith.constant 0 : i32
    %scan3A_191 = arith.constant 64 : i32
    %scan3A_192 = arith.addi %scan3A_190, %scan3A_191 : i32
    %scan3A_193 = arith.constant 1 : i32
    scf.for %scan3A_195 = %scan3A_190 to %scan3A_192 step %scan3A_193  : i32 {
      %mul3A_196 = arith.constant 0 : i32
      %mul3A_197 = arith.muli %scan3A_195, %mul3A_196 : i32
      %add3A_198 = arith.constant 184 : i32
      %add3A_199 = arith.addi %mul3A_197, %add3A_198 : i32
      %mul3A_200 = arith.constant 200 : i32
      %mul3A_201 = arith.muli %scan3A_195, %mul3A_200 : i32
      %add3A_202 = arith.constant 184 : i32
      %add3A_203 = arith.addi %mul3A_201, %add3A_202 : i32
      %get3A = arith.index_cast %add3A_203 : i32 to index
      %get3A_204 = tpu.vector_load %arg8[%get3A] {strides = array<i32>} : memref<12800xf32, #tpu.memory_space<vmem>>, vector<16xf32>,
      %get3A_205 = vector.shape_cast %get3A_204 : vector<16xf32> to vector<16xf32>
      %swap3A = arith.index_cast %scan3A_195 : i32 to index
      %swap3A_206 = arith.index_cast %add3A_199 : i32 to index
      %swap3A_207 = tpu.vector_load %arg9[%swap3A, %swap3A_206] {strides = array<i32>} : memref<64x200xf32, #tpu.memory_space<vmem>>, vector<1x16xf32>,
      %swap3A_208 = vector.shape_cast %swap3A_207 : vector<1x16xf32> to vector<16xf32>
      %swap3A_209 = vector.shape_cast %get3A_205 : vector<16xf32> to vector<1x16xf32>
      tpu.vector_store %arg9[%swap3A, %swap3A_206], %swap3A_209 {strides = array<i32>} : memref<64x200xf32, #tpu.memory_space<vmem>>, vector<1x16xf32>,
      %mul3A_210 = arith.constant 200 : i32
      %mul3A_211 = arith.muli %scan3A_195, %mul3A_210 : i32
      %add3A_212 = arith.constant 0 : i32
      %add3A_213 = arith.addi %mul3A_211, %add3A_212 : i32
      %get3A_214 = arith.index_cast %add3A_213 : i32 to index
      %get3A_215 = tpu.vector_load %arg8[%get3A_214] {strides = array<i32>} : memref<12800xf32, #tpu.memory_space<vmem>>, vector<16xf32>,
      %get3A_216 = vector.shape_cast %get3A_215 : vector<16xf32> to vector<16xf32>
      %swap3A_217 = arith.index_cast %scan3A_195 : i32 to index
      %swap3A_218 = arith.constant 0 : index
      %swap3A_219 = tpu.vector_load %arg9[%swap3A_217, %swap3A_218] {strides = array<i32>} : memref<64x200xf32, #tpu.memory_space<vmem>>, vector<1x16xf32>,
      %swap3A_220 = vector.shape_cast %swap3A_219 : vector<1x16xf32> to vector<16xf32>
      %swap3A_221 = vector.shape_cast %get3A_216 : vector<16xf32> to vector<1x16xf32>
      tpu.vector_store %arg9[%swap3A_217, %swap3A_218], %swap3A_221 {strides = array<i32>} : memref<64x200xf32, #tpu.memory_space<vmem>>, vector<1x16xf32>,
      %mul3A_222 = arith.constant 200 : i32
      %mul3A_223 = arith.muli %scan3A_195, %mul3A_222 : i32
      %add3A_224 = arith.constant 16 : i32
      %add3A_225 = arith.addi %mul3A_223, %add3A_224 : i32
      %get3A_226 = arith.index_cast %add3A_225 : i32 to index
      %get3A_227 = tpu.vector_load %arg8[%get3A_226] {strides = array<i32>} : memref<12800xf32, #tpu.memory_space<vmem>>, vector<16xf32>,
      %get3A_228 = vector.shape_cast %get3A_227 : vector<16xf32> to vector<16xf32>
      %swap3A_229 = arith.index_cast %scan3A_195 : i32 to index
      %swap3A_230 = arith.constant 16 : index
      %swap3A_231 = tpu.vector_load %arg9[%swap3A_229, %swap3A_230] {strides = array<i32>} : memref<64x200xf32, #tpu.memory_space<vmem>>, vector<1x16xf32>,
      %swap3A_232 = vector.shape_cast %swap3A_231 : vector<1x16xf32> to vector<16xf32>
      %swap3A_233 = vector.shape_cast %get3A_228 : vector<16xf32> to vector<1x16xf32>
      tpu.vector_store %arg9[%swap3A_229, %swap3A_230], %swap3A_233 {strides = array<i32>} : memref<64x200xf32, #tpu.memory_space<vmem>>, vector<1x16xf32>,
      %mul3A_234 = arith.constant 200 : i32
      %mul3A_235 = arith.muli %scan3A_195, %mul3A_234 : i32
      %add3A_236 = arith.constant 32 : i32
      %add3A_237 = arith.addi %mul3A_235, %add3A_236 : i32
      %get3A_238 = arith.index_cast %add3A_237 : i32 to index
      %get3A_239 = tpu.vector_load %arg8[%get3A_238] {strides = array<i32>} : memref<12800xf32, #tpu.memory_space<vmem>>, vector<16xf32>,
      %get3A_240 = vector.shape_cast %get3A_239 : vector<16xf32> to vector<16xf32>
      %swap3A_241 = arith.index_cast %scan3A_195 : i32 to index
      %swap3A_242 = arith.constant 32 : index
      %swap3A_243 = tpu.vector_load %arg9[%swap3A_241, %swap3A_242] {strides = array<i32>} : memref<64x200xf32, #tpu.memory_space<vmem>>, vector<1x16xf32>,
      %swap3A_244 = vector.shape_cast %swap3A_243 : vector<1x16xf32> to vector<16xf32>
      %swap3A_245 = vector.shape_cast %get3A_240 : vector<16xf32> to vector<1x16xf32>
      tpu.vector_store %arg9[%swap3A_241, %swap3A_242], %swap3A_245 {strides = array<i32>} : memref<64x200xf32, #tpu.memory_space<vmem>>, vector<1x16xf32>,
      %mul3A_246 = arith.constant 200 : i32
      %mul3A_247 = arith.muli %scan3A_195, %mul3A_246 : i32
      %add3A_248 = arith.constant 48 : i32
      %add3A_249 = arith.addi %mul3A_247, %add3A_248 : i32
      %get3A_250 = arith.index_cast %add3A_249 : i32 to index
      %get3A_251 = tpu.vector_load %arg8[%get3A_250] {strides = array<i32>} : memref<12800xf32, #tpu.memory_space<vmem>>, vector<16xf32>,
      %get3A_252 = vector.shape_cast %get3A_251 : vector<16xf32> to vector<16xf32>
      %swap3A_253 = arith.index_cast %scan3A_195 : i32 to index
      %swap3A_254 = arith.constant 48 : index
      %swap3A_255 = tpu.vector_load %arg9[%swap3A_253, %swap3A_254] {strides = array<i32>} : memref<64x200xf32, #tpu.memory_space<vmem>>, vector<1x16xf32>,
      %swap3A_256 = vector.shape_cast %swap3A_255 : vector<1x16xf32> to vector<16xf32>
      %swap3A_257 = vector.shape_cast %get3A_252 : vector<16xf32> to vector<1x16xf32>
      tpu.vector_store %arg9[%swap3A_253, %swap3A_254], %swap3A_257 {strides = array<i32>} : memref<64x200xf32, #tpu.memory_space<vmem>>, vector<1x16xf32>,
      %mul3A_258 = arith.constant 200 : i32
      %mul3A_259 = arith.muli %scan3A_195, %mul3A_258 : i32
      %add3A_260 = arith.constant 64 : i32
      %add3A_261 = arith.addi %mul3A_259, %add3A_260 : i32
      %get3A_262 = arith.index_cast %add3A_261 : i32 to index
      %get3A_263 = tpu.vector_load %arg8[%get3A_262] {strides = array<i32>} : memref<12800xf32, #tpu.memory_space<vmem>>, vector<16xf32>,
      %get3A_264 = vector.shape_cast %get3A_263 : vector<16xf32> to vector<16xf32>
      %swap3A_265 = arith.index_cast %scan3A_195 : i32 to index
      %swap3A_266 = arith.constant 64 : index
      %swap3A_267 = tpu.vector_load %arg9[%swap3A_265, %swap3A_266] {strides = array<i32>} : memref<64x200xf32, #tpu.memory_space<vmem>>, vector<1x16xf32>,
      %swap3A_268 = vector.shape_cast %swap3A_267 : vector<1x16xf32> to vector<16xf32>
      %swap3A_269 = vector.shape_cast %get3A_264 : vector<16xf32> to vector<1x16xf32>
      tpu.vector_store %arg9[%swap3A_265, %swap3A_266], %swap3A_269 {strides = array<i32>} : memref<64x200xf32, #tpu.memory_space<vmem>>, vector<1x16xf32>,
      %mul3A_270 = arith.constant 200 : i32
      %mul3A_271 = arith.muli %scan3A_195, %mul3A_270 : i32
      %add3A_272 = arith.constant 80 : i32
      %add3A_273 = arith.addi %mul3A_271, %add3A_272 : i32
      %get3A_274 = arith.index_cast %add3A_273 : i32 to index
      %get3A_275 = tpu.vector_load %arg8[%get3A_274] {strides = array<i32>} : memref<12800xf32, #tpu.memory_space<vmem>>, vector<16xf32>,
      %get3A_276 = vector.shape_cast %get3A_275 : vector<16xf32> to vector<16xf32>
      %swap3A_277 = arith.index_cast %scan3A_195 : i32 to index
      %swap3A_278 = arith.constant 80 : index
      %swap3A_279 = tpu.vector_load %arg9[%swap3A_277, %swap3A_278] {strides = array<i32>} : memref<64x200xf32, #tpu.memory_space<vmem>>, vector<1x16xf32>,
      %swap3A_280 = vector.shape_cast %swap3A_279 : vector<1x16xf32> to vector<16xf32>
      %swap3A_281 = vector.shape_cast %get3A_276 : vector<16xf32> to vector<1x16xf32>
      tpu.vector_store %arg9[%swap3A_277, %swap3A_278], %swap3A_281 {strides = array<i32>} : memref<64x200xf32, #tpu.memory_space<vmem>>, vector<1x16xf32>,
      %mul3A_282 = arith.constant 200 : i32
      %mul3A_283 = arith.muli %scan3A_195, %mul3A_282 : i32
      %add3A_284 = arith.constant 96 : i32
      %add3A_285 = arith.addi %mul3A_283, %add3A_284 : i32
      %get3A_286 = arith.index_cast %add3A_285 : i32 to index
      %get3A_287 = tpu.vector_load %arg8[%get3A_286] {strides = array<i32>} : memref<12800xf32, #tpu.memory_space<vmem>>, vector<16xf32>,
      %get3A_288 = vector.shape_cast %get3A_287 : vector<16xf32> to vector<16xf32>
      %swap3A_289 = arith.index_cast %scan3A_195 : i32 to index
      %swap3A_290 = arith.constant 96 : index
      %swap3A_291 = tpu.vector_load %arg9[%swap3A_289, %swap3A_290] {strides = array<i32>} : memref<64x200xf32, #tpu.memory_space<vmem>>, vector<1x16xf32>,
      %swap3A_292 = vector.shape_cast %swap3A_291 : vector<1x16xf32> to vector<16xf32>
      %swap3A_293 = vector.shape_cast %get3A_288 : vector<16xf32> to vector<1x16xf32>
      tpu.vector_store %arg9[%swap3A_289, %swap3A_290], %swap3A_293 {strides = array<i32>} : memref<64x200xf32, #tpu.memory_space<vmem>>, vector<1x16xf32>,
      %mul3A_294 = arith.constant 200 : i32
      %mul3A_295 = arith.muli %scan3A_195, %mul3A_294 : i32
      %add3A_296 = arith.constant 112 : i32
      %add3A_297 = arith.addi %mul3A_295, %add3A_296 : i32
      %get3A_298 = arith.index_cast %add3A_297 : i32 to index
      %get3A_299 = tpu.vector_load %arg8[%get3A_298] {strides = array<i32>} : memref<12800xf32, #tpu.memory_space<vmem>>, vector<16xf32>,
      %get3A_300 = vector.shape_cast %get3A_299 : vector<16xf32> to vector<16xf32>
      %swap3A_301 = arith.index_cast %scan3A_195 : i32 to index
      %swap3A_302 = arith.constant 112 : index
      %swap3A_303 = tpu.vector_load %arg9[%swap3A_301, %swap3A_302] {strides = array<i32>} : memref<64x200xf32, #tpu.memory_space<vmem>>, vector<1x16xf32>,
      %swap3A_304 = vector.shape_cast %swap3A_303 : vector<1x16xf32> to vector<16xf32>
      %swap3A_305 = vector.shape_cast %get3A_300 : vector<16xf32> to vector<1x16xf32>
      tpu.vector_store %arg9[%swap3A_301, %swap3A_302], %swap3A_305 {strides = array<i32>} : memref<64x200xf32, #tpu.memory_space<vmem>>, vector<1x16xf32>,
      %mul3A_306 = arith.constant 200 : i32
      %mul3A_307 = arith.muli %scan3A_195, %mul3A_306 : i32
      %add3A_308 = arith.constant 128 : i32
      %add3A_309 = arith.addi %mul3A_307, %add3A_308 : i32
      %get3A_310 = arith.index_cast %add3A_309 : i32 to index
      %get3A_311 = tpu.vector_load %arg8[%get3A_310] {strides = array<i32>} : memref<12800xf32, #tpu.memory_space<vmem>>, vector<16xf32>,
      %get3A_312 = vector.shape_cast %get3A_311 : vector<16xf32> to vector<16xf32>
      %swap3A_313 = arith.index_cast %scan3A_195 : i32 to index
      %swap3A_314 = arith.constant 128 : index
      %swap3A_315 = tpu.vector_load %arg9[%swap3A_313, %swap3A_314] {strides = array<i32>} : memref<64x200xf32, #tpu.memory_space<vmem>>, vector<1x16xf32>,
      %swap3A_316 = vector.shape_cast %swap3A_315 : vector<1x16xf32> to vector<16xf32>
      %swap3A_317 = vector.shape_cast %get3A_312 : vector<16xf32> to vector<1x16xf32>
      tpu.vector_store %arg9[%swap3A_313, %swap3A_314], %swap3A_317 {strides = array<i32>} : memref<64x200xf32, #tpu.memory_space<vmem>>, vector<1x16xf32>,
      %mul3A_318 = arith.constant 200 : i32
      %mul3A_319 = arith.muli %scan3A_195, %mul3A_318 : i32
      %add3A_320 = arith.constant 144 : i32
      %add3A_321 = arith.addi %mul3A_319, %add3A_320 : i32
      %get3A_322 = arith.index_cast %add3A_321 : i32 to index
      %get3A_323 = tpu.vector_load %arg8[%get3A_322] {strides = array<i32>} : memref<12800xf32, #tpu.memory_space<vmem>>, vector<16xf32>,
      %get3A_324 = vector.shape_cast %get3A_323 : vector<16xf32> to vector<16xf32>
      %swap3A_325 = arith.index_cast %scan3A_195 : i32 to index
      %swap3A_326 = arith.constant 144 : index
      %swap3A_327 = tpu.vector_load %arg9[%swap3A_325, %swap3A_326] {strides = array<i32>} : memref<64x200xf32, #tpu.memory_space<vmem>>, vector<1x16xf32>,
      %swap3A_328 = vector.shape_cast %swap3A_327 : vector<1x16xf32> to vector<16xf32>
      %swap3A_329 = vector.shape_cast %get3A_324 : vector<16xf32> to vector<1x16xf32>
      tpu.vector_store %arg9[%swap3A_325, %swap3A_326], %swap3A_329 {strides = array<i32>} : memref<64x200xf32, #tpu.memory_space<vmem>>, vector<1x16xf32>,
      %mul3A_330 = arith.constant 200 : i32
      %mul3A_331 = arith.muli %scan3A_195, %mul3A_330 : i32
      %add3A_332 = arith.constant 160 : i32
      %add3A_333 = arith.addi %mul3A_331, %add3A_332 : i32
      %get3A_334 = arith.index_cast %add3A_333 : i32 to index
      %get3A_335 = tpu.vector_load %arg8[%get3A_334] {strides = array<i32>} : memref<12800xf32, #tpu.memory_space<vmem>>, vector<16xf32>,
      %get3A_336 = vector.shape_cast %get3A_335 : vector<16xf32> to vector<16xf32>
      %swap3A_337 = arith.index_cast %scan3A_195 : i32 to index
      %swap3A_338 = arith.constant 160 : index
      %swap3A_339 = tpu.vector_load %arg9[%swap3A_337, %swap3A_338] {strides = array<i32>} : memref<64x200xf32, #tpu.memory_space<vmem>>, vector<1x16xf32>,
      %swap3A_340 = vector.shape_cast %swap3A_339 : vector<1x16xf32> to vector<16xf32>
      %swap3A_341 = vector.shape_cast %get3A_336 : vector<16xf32> to vector<1x16xf32>
      tpu.vector_store %arg9[%swap3A_337, %swap3A_338], %swap3A_341 {strides = array<i32>} : memref<64x200xf32, #tpu.memory_space<vmem>>, vector<1x16xf32>,
      %mul3A_342 = arith.constant 200 : i32
      %mul3A_343 = arith.muli %scan3A_195, %mul3A_342 : i32
      %add3A_344 = arith.constant 176 : i32
      %add3A_345 = arith.addi %mul3A_343, %add3A_344 : i32
      %get3A_346 = arith.index_cast %add3A_345 : i32 to index
      %get3A_347 = tpu.vector_load %arg8[%get3A_346] {strides = array<i32>} : memref<12800xf32, #tpu.memory_space<vmem>>, vector<16xf32>,
      %get3A_348 = vector.shape_cast %get3A_347 : vector<16xf32> to vector<16xf32>
      %swap3A_349 = arith.index_cast %scan3A_195 : i32 to index
      %swap3A_350 = arith.constant 176 : index
      %swap3A_351 = tpu.vector_load %arg9[%swap3A_349, %swap3A_350] {strides = array<i32>} : memref<64x200xf32, #tpu.memory_space<vmem>>, vector<1x16xf32>,
      %swap3A_352 = vector.shape_cast %swap3A_351 : vector<1x16xf32> to vector<16xf32>
      %swap3A_353 = vector.shape_cast %get3A_348 : vector<16xf32> to vector<1x16xf32>
      tpu.vector_store %arg9[%swap3A_349, %swap3A_350], %swap3A_353 {strides = array<i32>} : memref<64x200xf32, #tpu.memory_space<vmem>>, vector<1x16xf32>,
    }
    %scan3A_194 = arith.constant 64 : i32
    "tpu.region"() ({
      %run_scoped3A = tpu.sem_alloc : memref<!tpu.dma_semaphore, #tpu.memory_space<semaphore_mem>>
      %dma_start3A_195 = arith.constant 0 : i32
      %dma_start3A_196 = tpu.memref_slice %arg4[%add3A_178, %dma_start3A_195] : memref<16384x200xf32, #tpu.memory_space<hbm>> -> memref<64x200xf32, #tpu.memory_space<hbm>>
      %dma_start3A_197 = arith.constant 0 : i32
      %dma_start3A_198 = tpu.memref_slice %arg4[%add3A_178, %dma_start3A_197] : memref<16384x200xf32, #tpu.memory_space<hbm>> -> memref<64x200xf32, #tpu.memory_space<hbm>>
      tpu.enqueue_dma source(%arg9 : memref<64x200xf32, #tpu.memory_space<vmem>>) target(%dma_start3A_198 : memref<64x200xf32, #tpu.memory_space<hbm>>) target_semaphore(%run_scoped3A : memref<!tpu.dma_semaphore, #tpu.memory_space<semaphore_mem>>)
      %dma_wait3A_199 = arith.constant 0 : i32
      %dma_wait3A_200 = tpu.memref_slice %arg4[%add3A_178, %dma_wait3A_199] : memref<16384x200xf32, #tpu.memory_space<hbm>> -> memref<64x200xf32, #tpu.memory_space<hbm>>
      %dma_wait3A_201 = arith.constant 0 : i32
      %dma_wait3A_202 = tpu.memref_slice %arg4[%add3A_178, %dma_wait3A_201] : memref<16384x200xf32, #tpu.memory_space<hbm>> -> memref<64x200xf32, #tpu.memory_space<hbm>>
      tpu.wait_dma2 semaphore(%run_scoped3A : memref<!tpu.dma_semaphore, #tpu.memory_space<semaphore_mem>>) src(%arg9 : memref<64x200xf32, #tpu.memory_space<vmem>>) dst(%dma_wait3A_202 : memref<64x200xf32, #tpu.memory_space<hbm>>)
      tpu.yield
    }) : () -> ()
    return
  }
}

module attributes {stable_mosaic.version = 14 : i64} {
  func.func @_sigmoid_body(%arg0: i32, %arg1: memref<1xf32, #tpu.memory_space<smem>>, %arg2: memref<8x8192xf32, #tpu.memory_space<vmem>>, %arg3: memref<8x8192xf32, #tpu.memory_space<vmem>>) attributes {dimension_semantics = [#tpu.dimension_semantics<arbitrary>], iteration_bounds = array<i64: 16>, scalar_prefetch = 0 : i64, scratch_operands = 0 : i64, tpu.core_type = #tpu.core_type<tc>, window_params = [{transform_indices = @transform_0, window_bounds = array<i64: 1>}, {transform_indices = @transform_1, window_bounds = array<i64: 8, 8192>}, {transform_indices = @transform_2, window_bounds = array<i64: 8, 8192>}]} {
    %get3A = arith.constant 0 : index
    %get3A_0 = memref.load %arg1[%get3A] : memref<1xf32, #tpu.memory_space<smem>>
    %get3A_1 = arith.constant 0 : index
    %get3A_2 = arith.constant 0 : index
    %get3A_3 = vector.load %arg2[%get3A_1, %get3A_2] : memref<8x8192xf32, #tpu.memory_space<vmem>>, vector<8x8192xf32>
    %sub3A = vector.broadcast %get3A_0 : f32 to vector<8x8192xf32>
    %sub3A_4 = arith.subf %sub3A, %get3A_3 : vector<8x8192xf32>
    %logistic3A = arith.negf %sub3A_4 : vector<8x8192xf32>
    %logistic3A_5 = math.exp %logistic3A : vector<8x8192xf32>
    %logistic3A_6 = arith.constant 1.000000e+00 : f32
    %logistic3A_7 = vector.broadcast %logistic3A_6 : f32 to vector<8x8192xf32>
    %logistic3A_8 = arith.addf %logistic3A_7, %logistic3A_5 : vector<8x8192xf32>
    %logistic3A_9 = arith.divf %logistic3A_7, %logistic3A_8 : vector<8x8192xf32>
    %swap3A = arith.constant 0 : index
    %swap3A_10 = arith.constant 0 : index
    %swap3A_11 = vector.load %arg3[%swap3A, %swap3A_10] : memref<8x8192xf32, #tpu.memory_space<vmem>>, vector<8x8192xf32>
    tpu.vector_store %arg3[%swap3A, %swap3A_10], %logistic3A_9 {strides = array<i32>} : memref<8x8192xf32, #tpu.memory_space<vmem>>, vector<8x8192xf32>,
    return
  }
  func.func @transform_0(%arg0: i32) -> i32 {
    %c0_i32 = arith.constant 0 : i32
    %c0_i32_0 = arith.constant 0 : i32
    return %c0_i32 : i32
  }
  func.func @transform_1(%arg0: i32) -> (i32, i32) {
    %c0_i32 = arith.constant 0 : i32
    %c0_i32_0 = arith.constant 0 : i32
    return %c0_i32, %arg0 : i32, i32
  }
  func.func @transform_2(%arg0: i32) -> (i32, i32) {
    %c0_i32 = arith.constant 0 : i32
    %c0_i32_0 = arith.constant 0 : i32
    return %c0_i32, %arg0 : i32, i32
  }
}

</mosaic_0001>

<sc_bundles>
// kernel: kernel.4.cloned.1.call-start
scs
__scs_entry_jumppad:
0x0: {  	(pc) =	sbr.rel $0x88, $3  }
0x1: {  	(tag) =	ssettag $0x0;
	lr =	simm.s32 $0x1  }
0x2: {  	[smem:$0x3F9E] =	sst lr;
	_ =	strace $0xD0000000  }
0x3: {  	_ = 	snop  }
0x4: {  	_ = 	snop  }
0x5: {  	_ = 	snop  }
0x6: {  	_ = 	snop  }
0x7: {  	_ = 	snop  }
__scs_overlays_trampoline_lowered:
0x8: {  	[smem:$0x3FAD] =	sst s0  }
0x9: {  	[smem:$0x3FAE] =	sst s1  }
0xa: {  	[smem:$0x3FAF] =	sst s2  }
0xb: {  	[smem:$0x3FB0] =	sst s3  }
0xc: {  	[smem:$0x3FB1] =	sst s4  }
0xd: {  	[smem:$0x3FB2] =	sst s5  }
0xe: {  	[smem:$0x3FB3] =	sst s6  }
0xf: {  	[smem:$0x3FB4] =	sst s7  }
0x10: {  	[smem:$0x3FB5] =	sst s8  }
0x11: {  	[smem:$0x3FB6] =	sst s9;
	s0 =	simm.s32 @!p0 $0x0  }
0x12: {  	s1 =	sld [smem:$0x3F9C];
	s0 =	simm.s32 @p0 $0x1  }
0x13: {  	[smem:$0x3FB7] =	sst s0;
	s0 =	simm.s32 @!p1 $0x0  }
0x14: {  	s2 =	sld [smem:$0x3F9B];
	s0 =	simm.s32 @p1 $0x1  }
0x15: {  	[smem:$0x3FB8] =	sst s0;
	s0 =	simm.s32 @!p2 $0x0  }
0x16: {  	s3 =	sld [smem:$0x3FDB];
	s0 =	simm.s32 @p2 $0x1  }
0x17: {  	s4 =	simm.s32 $0x1BF5;
	[smem:$0x3FBA] =	sst s0  }
0x18: {  	s0 =	sld [smem:$0x3F9D];
	_ =	swait.ge [sflag:s4], $0x0  }
0x19: {  	s7 =	sld [smem:$0x3F9E]  }
0x1a: {  	s8 =	sadd.s32 $0xFFFFE003, lr  }
0x1b: {  	s9 =	sadd.s32 $0xFFFFFEF7, lr;
	s5 =	simm.s32 $0xFFFFFFFF;
	p2 =	slt.u32 s8, $0xFFFFF086  }
0x1c: {  	p1 =	slt.u32 s9, $0xF7A;
	s5 =	simm.s32 @!p2 $0x0  }
0x1d: {  	s5 =	simm.s32 @p1 $0x1;
	p0 =	seq.s32 s7, s2  }
0x1e: {  	s7 =	smul.u32 @!p0 $0xF7A, s2;
	p2 =	seq.s32 @!p0 s5, $0x0  }
0x1f: {  	s9 =	smul.u32 $0xF7A, s1;
	s8 =	simm.s32 @!p0 $0x1BF5;
	p2 =	por !p2, p0  }
0x20: {  	[sflag:s8] =	ssyncset.s32 @!p0 $0xFFFFF086;
	s6 =	sadd.s32 @!p0 s3, s7;
	s7 =	simm.s32 @!p0 $0x108  }
0x21: {  	s3 =	sadd.s32 s3, s9;
	s6 =	sadd.s32 @!p0 $0x88, s6;
	s7 =	simm.s32 @p2 $0x1082  }
0x22: {  	[simem:s7], [sflag:s8] =	dma.local @!p0 [hbm:s6], $0xF7A  }
0x23: {  	s9 =	sor.u32 $0xD0000000, s2;
	s6 =	simm.s32 $0x108;
	_ =	swait.ge @!p0 [sflag:s8], $0x0  }
0x24: {  	s3 =	sadd.s32 $0x88, s3;
	s6 =	simm.s32 @!p1 $0x1082;
	[sflag:s4] =	ssyncset.s32 $0xFFFFF086  }
0x25: {  	[simem:s6], [sflag:s4] =	dma.local [hbm:s3], $0xF7A  }
0x26: {  	[smem:$0x3F9E] =	sst s1;
	(tag) =	ssettag s2;
	_ =	strace s9  }
0x27: {  	s1 =	sld [smem:$0x3FAE]  }
0x28: {  	s2 =	sld [smem:$0x3FAF]  }
0x29: {  	s4 =	sld [smem:$0x3FB1]  }
0x2a: {  	p0 =	seq.s32 s5, $0x0;
	s5 =	sld [smem:$0x3FB2]  }
0x2b: {  	s6 =	sld [smem:$0x3FB3]  }
0x2c: {  	s7 =	sld [smem:$0x3FB4]  }
0x2d: {  	s3 =	simm.s32 $0x108;
	s8 =	sld [smem:$0x3FB5]  }
0x2e: {  	s3 =	simm.s32 @!p0 $0x1082;
	s9 =	sld [smem:$0x3FB6]  }
0x2f: {  	lr =	sadd.s32 s0, s3;
	s0 =	sld [smem:$0x3FAD]  }
0x30: {  	s3 =	sld [smem:$0x3FB0]  }
0x31: {  	[smem:$0x3FB9] =	sst s10  }
0x32: {  	s10 =	sld [smem:$0x3FB7];
	_ =	sdelay $0x3  }
0x33: {  	p0 =	seq.s32 s10, $0x1;
	s10 =	sld [smem:$0x3FB9];
	_ =	sdelay $0x3  }
0x34: {  	[smem:$0x3FB9] =	sst s10  }
0x35: {  	s10 =	sld [smem:$0x3FB8];
	_ =	sdelay $0x3  }
0x36: {  	p1 =	seq.s32 s10, $0x1;
	s10 =	sld [smem:$0x3FB9];
	_ =	sdelay $0x3  }
0x37: {  	[smem:$0x3FB9] =	sst s10  }
0x38: {  	s10 =	sld [smem:$0x3FBA]  }
0x39: {  	_ = 	snop;
	(pc) =	sbr.ind lr, $3  }
0x3a: {  	_ = 	snop  }
0x3b: {  	_ = 	snop  }
0x3c: {  	p2 =	seq.s32 s10, $0x1;
	s10 =	sld [smem:$0x3FB9]  }
0x3d: {  	_ =	shalt  }
0x3e: {  	_ =	shalt  }
0x3f: {  	_ =	shalt  }
0x40: {  	_ =	shalt  }
0x41: {  	_ =	shalt  }
0x42: {  	_ =	shalt  }
0x43: {  	_ =	shalt  }
0x44: {  	_ =	shalt  }
0x45: {  	_ =	shalt  }
0x46: {  	_ =	shalt  }
0x47: {  	_ =	shalt  }
0x48: {  	_ =	shalt  }
0x49: {  	_ =	shalt  }
0x4a: {  	_ =	shalt  }
0x4b: {  	_ =	shalt  }
0x4c: {  	_ =	shalt  }
0x4d: {  	_ =	shalt  }
0x4e: {  	_ =	shalt  }
0x4f: {  	_ =	shalt  }
0x50: {  	_ =	shalt  }
0x51: {  	_ =	shalt  }
0x52: {  	_ =	shalt  }
0x53: {  	_ =	shalt  }
0x54: {  	_ =	shalt  }
0x55: {  	_ =	shalt  }
0x56: {  	_ =	shalt  }
0x57: {  	_ =	shalt  }
0x58: {  	_ =	shalt  }
0x59: {  	_ =	shalt  }
0x5a: {  	_ =	shalt  }
0x5b: {  	_ =	shalt  }
0x5c: {  	_ =	shalt  }
0x5d: {  	_ =	shalt  }
0x5e: {  	_ =	shalt  }
0x5f: {  	_ =	shalt  }
0x60: {  	_ =	shalt  }
0x61: {  	_ =	shalt  }
0x62: {  	_ =	shalt  }
0x63: {  	_ =	shalt  }
0x64: {  	_ =	shalt  }
0x65: {  	_ =	shalt  }
0x66: {  	_ =	shalt  }
0x67: {  	_ =	shalt  }
0x68: {  	_ =	shalt  }
0x69: {  	_ =	shalt  }
0x6a: {  	_ =	shalt  }
0x6b: {  	_ =	shalt  }
0x6c: {  	_ =	shalt  }
0x6d: {  	_ =	shalt  }
0x6e: {  	_ =	shalt  }
0x6f: {  	_ =	shalt  }
0x70: {  	_ =	shalt  }
0x71: {  	_ =	shalt  }
0x72: {  	_ =	shalt  }
0x73: {  	_ =	shalt  }
0x74: {  	_ =	shalt  }
0x75: {  	_ =	shalt  }
0x76: {  	_ =	shalt  }
0x77: {  	_ =	shalt  }
0x78: {  	_ =	shalt  }
0x79: {  	_ =	shalt  }
0x7a: {  	_ =	shalt  }
0x7b: {  	_ =	shalt  }
0x7c: {  	_ =	shalt  }
0x7d: {  	_ =	shalt  }
0x7e: {  	_ =	shalt  }
0x7f: {  	_ =	shalt  }
0x80: {  	_ =	shalt  }
0x81: {  	_ =	shalt  }
0x82: {  	_ =	shalt  }
0x83: {  	_ =	shalt  }
0x84: {  	_ =	shalt  }
0x85: {  	_ =	shalt  }
0x86: {  	_ =	shalt  }
0x87: {  	_ =	shalt  }
.Lfunc_end0:
.L_simem_size_0:
called_computation_lowered:
.L_overlay_start_0:
0x88: {  	s2 =	sld [smem:$0x3FD9]  }
0x89: {  	s3 =	sld [smem:$0x3FFE];
	_ =	sdelay $0x1  }
0x8a: {  	s1 =	srdreg.scid  }
0x8b: {  	s0 =	sand.u32 $0x1, s1  }
0x8c: {  	s17 =	sshll.u32 s0, $0xA;
	s2 =	sadd.s32 s3, s2  }
0x8d: {  	s2 =	sadd.s32 s2, s17  }
0x8e: {  	[smem:$0x3FC5] =	sst s2  }
0x8f: {  	_ = 	snop  }
0x90: {  	s2 =	sld [smem:$0x3FD0];
	(tm) =	ssettm $0x1  }
0x91: {  	s18 =	sld [smem:$0x3FFB];
	_ =	sdelay $0x3  }
0x92: {  	_ =	strace s18  }
0x93: {  	s3 =	sld [smem:$0x3FFC];
	_ =	sdelay $0x3  }
0x94: {  	_ =	strace s3  }
0x95: {  	s3 =	sld [smem:$0x3FFD];
	_ =	sdelay $0x3  }
0x96: {  	_ =	strace s3  }
0x97: {  	_ =	strace $0x8FFFFFFF  }
0x98: {  	s19 =	sld [smem:$0x3FDB];
	_ =	sdelay $0x1  }
0x99: {  	s4 =	simm.s32 $_scs_section_size  }
0x9a: {  	s5 =	simm.s32 $_size__tile_overlayer_lowered;
	s6 =	simm.s32 $_tile_overlayer_lowered  }
0x9b: {  	s22 =	simm.s32 $0x1BFF;
	s21 =	sshll.u32 s6, $0x1;
	s3 =	sadd.s32 s4, s19  }
0x9c: {  	s7 =	simm.s32 $0x0;
	s20 =	sshll.u32 s5, $0x1;
	s5 =	sadd.s32 s21, s3  }
0x9d: {  	[timem:s7], [sflag:s22] =	dma.local [hbm:s5], s20  }
0x9e: {  	_ =	swait.ge [sflag:s22], s20  }
0x9f: {  	s4 =	ssub.s32 $0x0, s20;
	[sflag:s22] =	ssyncset.done $0x0  }
0xa0: {  	[sflag:s22] =	ssyncadd.s32 s4;
	_ =	sdelay $0x1  }
0xa1: {  	s23 =	simm.s32 $0x1B8B  }
0xa2: {  	_ =	swait.ge [sflag:s23], $0x1  }
0xa3: {  	[sflag:s23] =	ssyncset.done $0x0  }
0xa4: {  	s25 =	simm.s32 $0x1B8E;
	s24 =	sld [smem:$0x3FFE];
	[sflag:s23] =	ssyncadd.s32 $0xFFFFFFFF  }
0xa5: {  	s26 =	simm.s32 $execute0_lowered;
	[smem:$0x3FD2] =	sst s25  }
0xa6: {  	s5 =	sshll.u32 s26, $0x1;
	_ =	strace $0x80000046;
	[dreg:$0x1] =	wrdreg $0xFFFFFFFF  }
0xa7: {  	s28 =	simm.s32 $_size_execute0_lowered;
	s3 =	sadd.s32 s3, s5;
	[dreg:$0x0] =	wrdreg $0x0  }
0xa8: {  	s5 =	sshll.u32 s28, $0x1;
	[dreg:$0x2] =	wrdreg s3  }
0xa9: {  	[dreg:$0x3] =	wrdreg s5  }
0xaa: {  	[dreg:$0x4] =	wrdreg $0xC0  }
0xab: {  	_ =	task [dreg:s7], $0x5FFFF  }
0xac: {  	[dreg:$0x1] =	wrdreg $0xFFFFFFFF  }
0xad: {  	[dreg:$0x0] =	wrdreg $0x60  }
0xae: {  	[dreg:$0x2] =	wrdreg s2  }
0xaf: {  	[dreg:$0x3] =	wrdreg s24  }
0xb0: {  	[dreg:$0x4] =	wrdreg $0x0  }
0xb1: {  	[dreg:$0x5] =	wrdreg $0x9  }
0xb2: {  	_ =	task.clear_ibuf [dreg:s7], $0x6FFFF;
	_ =	strace $0x90000046  }
0xb3: {  	s29 =	simm.s32 $0x9;
	_ =	strace $0x80000048  }
0xb4: {  	_ =	swait.ge [sflag:s29], $0x1  }
0xb5: {  	[sflag:s29] =	ssyncadd.s32 $0xFFFFFFFF  }
0xb6: {  	_ =	strace $0x90000048  }
0xb7: {  	_ =	sfence  }
0xb8: {  	s30 =	sld [smem:$0x0];
	_ =	sdelay $0x2  }
0xb9: {  	s31 =	sshll.u32 s1, $0xD;
	s1 =	sshrl.u32 s1, $0x2  }
0xba: {  	s3 =	sand.u32 $0x4000, s31;
	s1 =	sadd.s32 s1, s30  }
0xbb: {  	s0 =	sor.u32 s3, s0;
	s1 =	sshll.u32 s1, $0x11  }
0xbc: {  	s0 =	sor.u32 s1, s0  }
0xbd: {  	s0 =	sadd.s32 $0x8F2B, s0  }
0xbe: {  	[sflag:s0] =	ssyncadd.remote.s32 $0x1  }
0xbf: {  	_ =	sfence.sel $0xFFFF  }
0xc0: {  	[dreg:$0x0] =	wrdreg $0xFFFFFFFF;
	(pc) =	sbr.abs _section_cstart, $3  }
0xc1: {  	[dreg:$0x1] =	wrdreg $0xFFFFFFFF  }
0xc2: {  	_ =	task.clear_ibuf [dreg:s7], $0x2FFFF;
	_ =	strace $0x9FFFFFFF  }
0xc3: {  	(tm) =	ssettm $0x7FFFFFFF  }
tec
execute0_lowered:
.L_overlay_start_1:
0x0: {  	(tag) =	ssettag $0x1  }
0x1: {  	s0 =	rddreg [dreg:$0x0]  }
0x2: {  	s3 =	rddreg [dreg:$0x1]  }
0x3: {  	s1 =	rddreg [dreg:$0x2];
	s2 =	simm.s32 $0x0  }
0x4: {  	s5 =	srdreg.scid;
	s11 =	stileid.u32;
	s28 =	simm.s32 $0x2  }
0x5: {  	s29 =	simm.s32 $0x10000;
	s30 =	simm.s32 $0x3200;
	s31 =	simm.s32 $0x14000  }
0x6: {  	[smem:$0x7FF] =	sst s2;
	s4 =	sadd.s32 $0x1200, s3;
	s3 =	sadd.s32 $0x81200, s3  }
0x7: {  	s5 =	sand.u32 $0x1, s5;
	s6 =	sand.u32 $0x7, s11;
	s8 =	sshll.u32 s11, $0xD  }
0x8: {  	s15 =	sshll.u32 s11, $0xF;
	s16 =	sshll.u32 s11, $0x6;
	_ =	strace $0x80000047  }
0x9: {  	s7 =	ssub.s32 $0x2, s5;
	s9 =	sshll.u32 s6, $0x11;
	s8 =	sand.u32 $0x10000, s8  }
0xa: {  	s6 =	sshll.u32 s6, $0x4;
	s5 =	sshll.u32 s5, $0xE;
	s10 =	sshrl.u32 s7, $0x1  }
0xb: {  	s9 =	sadd.s32 s9, s1;
	s0 =	sadd.s32 s0, s6;
	s5 =	sor.u32 s5, s15  }
0xc: {  	s7 =	ssub.s32 s7, s10;
	s23 =	sadd.s32 s8, s9;
	s0 =	sadd.s32 s8, s0  }
0xd: {  	s17 =	sadd.s32 s4, s5;
	s18 =	sor.u32 $0x800, s5;
	s6 =	sadd.s32 s3, s5  }
0xe: {  	s20 =	sor.u32 $0x1000, s5;
	s21 =	sor.u32 $0x1800, s5;
	s22 =	sor.u32 $0x2000, s5  }
0xf: {  	s24 =	sor.u32 $0x2800, s5;
	s25 =	sor.u32 $0x3000, s5;
	[dreg:$0x4] =	wrdreg s0  }
0x10: {  	s26 =	sor.u32 $0x3800, s5;
	s0 =	sor.u32 $0x1C02, s16;
	[dreg:$0x6] =	wrdreg s17  }
0x11: {  	[dreg:$0x7] =	wrdreg s6;
	s19 =	sadd.s32 s4, s18;
	s10 =	sadd.s32 s4, s20  }
0x12: {  	v0 =	vimm.s32 $0xFEDCBA98;
	s11 =	sadd.s32 s3, s20;
	s12 =	sadd.s32 s4, s21;
	s13 =	sadd.s32 s3, s21  }
0x13: {  	v1 =	vimm.s32 $0x76543210;
	v0 =	vunpack.c.l.s4.s8 v0;
	s14 =	sadd.s32 s4, s22;
	s15 =	sadd.s32 s3, s22;
	s16 =	sadd.s32 s4, s24  }
0x14: {  	v1 =	vunpack.c.l.s4.s8 v1;
	s17 =	sadd.s32 s3, s24;
	s20 =	sadd.s32 s4, s26;
	s21 =	sadd.s32 s3, s26  }
0x15: {  	v0 =	vunpack.c.0.s8.s32 v0;
	s22 =	smax.u32 s7, $0x1;
	s23 =	sshrl.u32 s23, $0x3;
	[dreg:$0x5] =	wrdreg s0  }
0x16: {  	v1 =	vunpack.c.0.s8.s32 v1;
	s24 =	simm.s32 $0x1;
	[dreg:$0x8] =	wrdreg s19;
	s0 =	sadd.s32 s3, s18  }
0x17: {  	v0 =	vand.u32 $0xF, v0;
	s18 =	sadd.s32 s4, s25;
	s19 =	sadd.s32 s3, s25;
	s3 =	simm.s32 $0x1A400  }
0x18: {  	vm0 =	vmmov $0xff;
	v0 =	vcombine.low v0, v1;
	s25 =	simm.s32 $0x0;
	[dreg:$0x9] =	wrdreg s0;
	s0 =	simm.s32 $0x17200  }
.LBB2_1:
0x19: {  	s4 =	rddreg [dreg:$0x4]  }
0x1a: {  	s5 =	rddreg [dreg:$0x5];
	s6 =	simm.s32 $0x10;
	s7 =	simm.s32 $0x80  }
0x1b: {  	[spmem:s23@s6], [sflag:s5] =	dma.strided [hbm:s4@s7], $0x2000, s24, $0x10   }
0x1c: {  	_ =	swait.ge [sflag:s28], $0x2000  }
0x1d: {  	[sflag:s28] =	ssyncset.done $0x0  }
0x1e: {  	[sflag:s28] =	ssyncadd.s32 $0xFFFFE000  }
0x1f: {  	[bflag:$0x0] =	sbarrier.arrive $0xFFFF  }
0x20: {  	s5 =	rddreg [dreg:$0x6]  }
0x21: {  	[tilespmem:s29], [sflag:$0x2] =	stream.linear.gather [hbm4b:s5+s2], $0x4000, $0x38;
	[tilespmem:$0x1E400] =	vst v63  }
0x22: {  	_ =	swait.ge [sflag:s28], $0x4000  }
0x23: {  	s6 =	sand.u32 $0x3800, s2;
	s7 =	sand.u32 $0x380, s2;
	[sflag:s28] =	ssyncset.done $0x0  }
0x24: {  	s4 =	sor.u32 s7, s6;
	[sflag:s28] =	ssyncadd.s32 $0xFFFFC000  }
0x25: {  	v1 =	vld [tilespmem:s4+$0x10000];
	_ =	sdelay $0x3  }
0x26: {  	s26 =	simm.s32 $0x14060  }
0x27: {  	[tilespmem:s26+$0xFFFFFFA0] =	vst v1  }
0x28: {  	v1 =	vld [tilespmem:s4+$0x10010];
	_ =	sdelay $0x4  }
0x29: {  	[tilespmem:s26+$0xFFFFFFB0] =	vst v1  }
0x2a: {  	v1 =	vld [tilespmem:s4+$0x10020];
	_ =	sdelay $0x4  }
0x2b: {  	[tilespmem:s26+$0xFFFFFFC0] =	vst v1  }
0x2c: {  	v1 =	vld [tilespmem:s4+$0x10030];
	_ =	sdelay $0x4  }
0x2d: {  	[tilespmem:s26+$0xFFFFFFD0] =	vst v1  }
0x2e: {  	v1 =	vld [tilespmem:s4+$0x10040];
	_ =	sdelay $0x4  }
0x2f: {  	[tilespmem:s26+$0xFFFFFFE0] =	vst v1  }
0x30: {  	v1 =	vld [tilespmem:s4+$0x10050];
	_ =	sdelay $0x4  }
0x31: {  	[tilespmem:s26+$0xFFFFFFF0] =	vst v1  }
0x32: {  	v1 =	vld [tilespmem:s4+$0x10060];
	_ =	sdelay $0x4  }
0x33: {  	[tilespmem:s26+$0x0] =	vst v1  }
0x34: {  	v1 =	vld [tilespmem:s4+$0x10070];
	_ =	sdelay $0x4  }
0x35: {  	[tilespmem:s26+$0x10] =	vst v1  }
0x36: {  	v1 =	vld [tilespmem:s4+$0x10400];
	_ =	sdelay $0x3  }
0x37: {  	s8 =	sand.u32 $0x3FF8, s2  }
0x38: {  	[tilespmem:s8+$0x14080] =	vst v1  }
0x39: {  	v1 =	vld [tilespmem:s4+$0x10410];
	_ =	sdelay $0x4  }
0x3a: {  	[tilespmem:s26+$0x30] =	vst v1  }
0x3b: {  	v1 =	vld [tilespmem:s4+$0x10420];
	_ =	sdelay $0x4  }
0x3c: {  	[tilespmem:s26+$0x40] =	vst v1  }
0x3d: {  	v1 =	vld [tilespmem:s4+$0x10430];
	_ =	sdelay $0x4  }
0x3e: {  	s4 =	sor.u32 $0x10440, s4;
	[tilespmem:s26+$0x50] =	vst v1  }
0x3f: {  	v2 =	vld.msk [tilespmem:s4+$0x0], $0xff;
	_ =	sdelay $0x4  }
0x40: {  	s9 =	simm.s32 $0x100;
	v1 =	vperm.xlane v1, v0;
	v2 =	vperm.xlane v2, v0  }
0x41: {  	s7 =	sand.u32 $0x3800, s9;
	s5 =	simm.s32 $0x80  }
0x42: {  	s6 =	simm.s32 $0x200;
	s8 =	sand.u32 $0x380, s5;
	s4 =	simm.s32 $0x0;
	v1 =	vsel vm0, v1, v2  }
.LBB2_2:
0x43: {  	p0 =	sne.s32 s6, $0x3F00;
	s7 =	sor.u32 s8, s7;
	[tilespmem:s26+$0x58] =	vst v1  }
0x44: {  	v1 =	vld [tilespmem:s7+$0x10000];
	_ =	sdelay $0x3  }
0x45: {  	s26 =	sadd.s32 $0xC8, s26  }
0x46: {  	[tilespmem:s26+$0xFFFFFFA0] =	vst v1  }
0x47: {  	v1 =	vld [tilespmem:s7+$0x10010];
	_ =	sdelay $0x4  }
0x48: {  	[tilespmem:s26+$0xFFFFFFB0] =	vst v1  }
0x49: {  	v1 =	vld [tilespmem:s7+$0x10020];
	_ =	sdelay $0x4  }
0x4a: {  	[tilespmem:s26+$0xFFFFFFC0] =	vst v1  }
0x4b: {  	v1 =	vld [tilespmem:s7+$0x10030];
	_ =	sdelay $0x4  }
0x4c: {  	[tilespmem:s26+$0xFFFFFFD0] =	vst v1  }
0x4d: {  	v1 =	vld [tilespmem:s7+$0x10040];
	_ =	sdelay $0x4  }
0x4e: {  	[tilespmem:s26+$0xFFFFFFE0] =	vst v1  }
0x4f: {  	v1 =	vld [tilespmem:s7+$0x10050];
	_ =	sdelay $0x4  }
0x50: {  	[tilespmem:s26+$0xFFFFFFF0] =	vst v1  }
0x51: {  	v1 =	vld [tilespmem:s7+$0x10060];
	_ =	sdelay $0x4  }
0x52: {  	[tilespmem:s26+$0x0] =	vst v1  }
0x53: {  	v1 =	vld [tilespmem:s7+$0x10070];
	_ =	sdelay $0x4  }
0x54: {  	[tilespmem:s26+$0x10] =	vst v1  }
0x55: {  	v1 =	vld [tilespmem:s7+$0x10400];
	_ =	sdelay $0x2  }
0x56: {  	s4 =	sadd.s32 $0xC8, s4  }
0x57: {  	s8 =	sand.u32 $0x3FF8, s4  }
0x58: {  	[tilespmem:s8+$0x14080] =	vst v1  }
0x59: {  	v1 =	vld [tilespmem:s7+$0x10410];
	_ =	sdelay $0x4  }
0x5a: {  	[tilespmem:s26+$0x30] =	vst v1  }
0x5b: {  	v1 =	vld [tilespmem:s7+$0x10420];
	_ =	sdelay $0x4  }
0x5c: {  	[tilespmem:s26+$0x40] =	vst v1  }
0x5d: {  	v1 =	vld [tilespmem:s7+$0x10430];
	_ =	sdelay $0x4  }
0x5e: {  	s7 =	sor.u32 $0x10440, s7;
	[tilespmem:s26+$0x50] =	vst v1  }
0x5f: {  	v2 =	vld.msk [tilespmem:s7+$0x0], $0xff;
	_ =	sdelay $0x2  }
.Ltmp0:
0x60: {  	(pc) =	sbr.rel @p0 .LBB2_2-.Ltmp0, $4  }
0x61: {  	_ = 	snop  }
0x62: {  	v1 =	vperm.xlane v1, v0;
	v2 =	vperm.xlane v2, v0  }
0x63: {  	s5 =	sadd.s32 $0x80, s5  }
0x64: {  	s8 =	sand.u32 $0x380, s5;
	s7 =	sand.u32 $0x3800, s6;
	s6 =	sadd.s32 $0x100, s6;
	v1 =	vsel vm0, v1, v2  }
0x65: {  	s5 =	sor.u32 s8, s7;
	[tilespmem:s26+$0x58] =	vst v1  }
0x66: {  	v1 =	vld [tilespmem:s5+$0x10000];
	_ =	sdelay $0x3  }
0x67: {  	s6 =	sadd.s32 $0xC8, s26  }
0x68: {  	[tilespmem:s6+$0xFFFFFFA0] =	vst v1  }
0x69: {  	v1 =	vld [tilespmem:s5+$0x10010];
	_ =	sdelay $0x4  }
0x6a: {  	[tilespmem:s6+$0xFFFFFFB0] =	vst v1  }
0x6b: {  	v1 =	vld [tilespmem:s5+$0x10020];
	_ =	sdelay $0x4  }
0x6c: {  	[tilespmem:s6+$0xFFFFFFC0] =	vst v1  }
0x6d: {  	v1 =	vld [tilespmem:s5+$0x10030];
	_ =	sdelay $0x4  }
0x6e: {  	[tilespmem:s6+$0xFFFFFFD0] =	vst v1  }
0x6f: {  	v1 =	vld [tilespmem:s5+$0x10040];
	_ =	sdelay $0x4  }
0x70: {  	[tilespmem:s6+$0xFFFFFFE0] =	vst v1  }
0x71: {  	v1 =	vld [tilespmem:s5+$0x10050];
	_ =	sdelay $0x4  }
0x72: {  	[tilespmem:s6+$0xFFFFFFF0] =	vst v1  }
0x73: {  	v1 =	vld [tilespmem:s5+$0x10060];
	_ =	sdelay $0x4  }
0x74: {  	[tilespmem:s6+$0x0] =	vst v1  }
0x75: {  	v1 =	vld [tilespmem:s5+$0x10070];
	_ =	sdelay $0x4  }
0x76: {  	[tilespmem:s6+$0x10] =	vst v1  }
0x77: {  	v1 =	vld [tilespmem:s5+$0x10400];
	_ =	sdelay $0x2  }
0x78: {  	s4 =	sadd.s32 $0xC8, s4  }
0x79: {  	s4 =	sand.u32 $0x3FF8, s4  }
0x7a: {  	[tilespmem:s4+$0x14080] =	vst v1  }
0x7b: {  	v1 =	vld [tilespmem:s5+$0x10410];
	_ =	sdelay $0x4  }
0x7c: {  	[tilespmem:s6+$0x30] =	vst v1  }
0x7d: {  	v1 =	vld [tilespmem:s5+$0x10420];
	_ =	sdelay $0x4  }
0x7e: {  	[tilespmem:s6+$0x40] =	vst v1  }
0x7f: {  	v1 =	vld [tilespmem:s5+$0x10430];
	_ =	sdelay $0x4  }
0x80: {  	s5 =	sor.u32 $0x10440, s5;
	[tilespmem:s6+$0x50] =	vst v1  }
0x81: {  	v2 =	vld.msk [tilespmem:s5+$0x0], $0xff;
	_ =	sdelay $0x4  }
0x82: {  	v1 =	vperm.xlane v1, v0;
	v2 =	vperm.xlane v2, v0;
	_ =	sdelay $0x1  }
0x83: {  	v1 =	vsel vm0, v1, v2  }
0x84: {  	[tilespmem:s6+$0x58] =	vst v1  }
0x85: {  	[tilespmem:s0], [sflag:$0x1] =	stream.indirect.gather [spmem:s1], $0x1, s31, s30, $0xb8;
	[tilespmem:$0x1E400] =	vst v63  }
0x86: {  	_ =	swait.ge [sflag:s24], $0x3200  }
0x87: {  	[sflag:s24] =	ssyncset.done $0x0  }
0x88: {  	s4 =	simm.s32 $0x17260;
	[sflag:s24] =	ssyncadd.s32 $0xFFFFCE00  }
0x89: {  	v1 =	vld [tilespmem:s4+$0x58];
	_ =	sdelay $0x2  }
0x8a: {  	s26 =	simm.s32 $0x0  }
0x8b: {  	s7 =	sand.u32 $0x3800, s26;
	s8 =	sand.u32 $0x380, s26  }
0x8c: {  	s6 =	sor.u32 s8, s7;
	v1 =	vperm.xlane v1, v0  }
0x8d: {  	s5 =	sadd.s32 $0x1A400, s6  }
0x8e: {  	[tilespmem:s5+$0x430] =	vst v1  }
0x8f: {  	[tilespmem:s5+$0x440] =	vst.msk $0xff, v1  }
0x90: {  	v1 =	vld [tilespmem:s4+$0xFFFFFFA0];
	_ =	sdelay $0x4  }
0x91: {  	[tilespmem:s6+$0x1A400] =	vst v1  }
0x92: {  	v1 =	vld [tilespmem:s4+$0xFFFFFFB0];
	_ =	sdelay $0x4  }
0x93: {  	[tilespmem:s5+$0x10] =	vst v1  }
0x94: {  	v1 =	vld [tilespmem:s4+$0xFFFFFFC0];
	_ =	sdelay $0x4  }
0x95: {  	[tilespmem:s5+$0x20] =	vst v1  }
0x96: {  	v1 =	vld [tilespmem:s4+$0xFFFFFFD0];
	_ =	sdelay $0x4  }
0x97: {  	[tilespmem:s5+$0x30] =	vst v1  }
0x98: {  	v1 =	vld [tilespmem:s4+$0xFFFFFFE0];
	_ =	sdelay $0x4  }
0x99: {  	[tilespmem:s5+$0x40] =	vst v1  }
0x9a: {  	v1 =	vld [tilespmem:s4+$0xFFFFFFF0];
	_ =	sdelay $0x4  }
0x9b: {  	[tilespmem:s5+$0x50] =	vst v1  }
0x9c: {  	v1 =	vld [tilespmem:s4+$0x0];
	_ =	sdelay $0x4  }
0x9d: {  	[tilespmem:s5+$0x60] =	vst v1  }
0x9e: {  	v1 =	vld [tilespmem:s4+$0x10];
	_ =	sdelay $0x4  }
0x9f: {  	s9 =	sand.u32 $0x3FF8, s26;
	[tilespmem:s5+$0x70] =	vst v1  }
0xa0: {  	v1 =	vld [tilespmem:s9+$0x17280];
	_ =	sdelay $0x4  }
0xa1: {  	[tilespmem:s5+$0x400] =	vst v1  }
0xa2: {  	v1 =	vld [tilespmem:s4+$0x30];
	_ =	sdelay $0x4  }
0xa3: {  	[tilespmem:s5+$0x410] =	vst v1  }
0xa4: {  	v1 =	vld [tilespmem:s4+$0x40];
	_ =	sdelay $0x4  }
0xa5: {  	[tilespmem:s5+$0x420] =	vst v1  }
0xa6: {  	s7 =	simm.s32 $0x0;
	s6 =	simm.s32 $0xC8;
	v1 =	vld [tilespmem:s4+$0x50]  }
.LBB2_4:
0xa7: {  	_ =	sdelay $0x2  }
0xa8: {  	s26 =	sadd.s32 $0x80, s26;
	s7 =	sadd.s32 $0x100, s7;
	s4 =	sadd.s32 $0xC8, s4  }
0xa9: {  	p0 =	sne.s32 s6, $0x3138;
	s8 =	smov.u32 s6;
	s6 =	sadd.s32 $0xC8, s6;
	[tilespmem:s5+$0x430] =	vst v1  }
0xaa: {  	v1 =	vld [tilespmem:s4+$0x58];
	_ =	sdelay $0x3  }
0xab: {  	s9 =	sand.u32 $0x380, s26;
	s5 =	sand.u32 $0x3800, s7  }
0xac: {  	s9 =	sor.u32 s9, s5;
	v1 =	vperm.xlane v1, v0  }
0xad: {  	s5 =	sadd.s32 $0x1A400, s9  }
0xae: {  	[tilespmem:s5+$0x430] =	vst v1  }
0xaf: {  	[tilespmem:s5+$0x440] =	vst.msk $0xff, v1  }
0xb0: {  	v1 =	vld [tilespmem:s4+$0xFFFFFFA0];
	_ =	sdelay $0x4  }
0xb1: {  	[tilespmem:s9+$0x1A400] =	vst v1  }
0xb2: {  	v1 =	vld [tilespmem:s4+$0xFFFFFFB0];
	_ =	sdelay $0x4  }
0xb3: {  	[tilespmem:s5+$0x10] =	vst v1  }
0xb4: {  	v1 =	vld [tilespmem:s4+$0xFFFFFFC0];
	_ =	sdelay $0x4  }
0xb5: {  	[tilespmem:s5+$0x20] =	vst v1  }
0xb6: {  	v1 =	vld [tilespmem:s4+$0xFFFFFFD0];
	_ =	sdelay $0x4  }
0xb7: {  	[tilespmem:s5+$0x30] =	vst v1  }
0xb8: {  	v1 =	vld [tilespmem:s4+$0xFFFFFFE0];
	_ =	sdelay $0x4  }
0xb9: {  	[tilespmem:s5+$0x40] =	vst v1  }
0xba: {  	v1 =	vld [tilespmem:s4+$0xFFFFFFF0];
	_ =	sdelay $0x4  }
0xbb: {  	[tilespmem:s5+$0x50] =	vst v1  }
0xbc: {  	v1 =	vld [tilespmem:s4+$0x0];
	_ =	sdelay $0x4  }
0xbd: {  	[tilespmem:s5+$0x60] =	vst v1  }
0xbe: {  	v1 =	vld [tilespmem:s4+$0x10];
	_ =	sdelay $0x3  }
0xbf: {  	s8 =	sand.u32 $0x3FF8, s8  }
0xc0: {  	[tilespmem:s5+$0x70] =	vst v1  }
0xc1: {  	v1 =	vld [tilespmem:s8+$0x17280];
	_ =	sdelay $0x4  }
0xc2: {  	[tilespmem:s5+$0x400] =	vst v1  }
0xc3: {  	v1 =	vld [tilespmem:s4+$0x30];
	_ =	sdelay $0x4  }
0xc4: {  	[tilespmem:s5+$0x410] =	vst v1  }
0xc5: {  	v1 =	vld [tilespmem:s4+$0x40];
	_ =	sdelay $0x1  }
.Ltmp1:
0xc6: {  	(pc) =	sbr.rel @p0 .LBB2_4-.Ltmp1, $3  }
0xc7: {  	_ =	sdelay $0x1  }
0xc8: {  	[tilespmem:s5+$0x420] =	vst v1  }
0xc9: {  	v1 =	vld [tilespmem:s4+$0x50]  }
0xca: {  	_ =	sdelay $0x3  }
0xcb: {  	s26 =	simm.s32 $0x0;
	s4 =	rddreg [dreg:$0x7];
	[tilespmem:s5+$0x430] =	vst v1  }
0xcc: {  	[hbm4b:s4+s26] =	stream.linear.scatter [tilespmem:s3], [sflag:$0x2], $0x4000, $0x38;
	[tilespmem:$0x1E400] =	vst v63  }
0xcd: {  	_ =	swait.ge [sflag:s28], $0x4000  }
0xce: {  	[sflag:s28] =	ssyncset.done $0x0  }
0xcf: {  	s6 =	rddreg [dreg:$0x8];
	[sflag:s28] =	ssyncadd.s32 $0xFFFFC000  }
0xd0: {  	[tilespmem:s29], [sflag:$0x2] =	stream.linear.gather [hbm4b:s6+s26], $0x4000, $0x38;
	[tilespmem:$0x1E400] =	vst v63  }
0xd1: {  	_ =	swait.ge [sflag:s28], $0x4000  }
0xd2: {  	s7 =	sand.u32 $0x3800, s26;
	s8 =	sand.u32 $0x380, s26;
	[sflag:s28] =	ssyncset.done $0x0  }
0xd3: {  	s5 =	sor.u32 s8, s7;
	[sflag:s28] =	ssyncadd.s32 $0xFFFFC000  }
0xd4: {  	v1 =	vld [tilespmem:s5+$0x10000];
	_ =	sdelay $0x3  }
0xd5: {  	s4 =	simm.s32 $0x14060  }
0xd6: {  	[tilespmem:s4+$0xFFFFFFA0] =	vst v1  }
0xd7: {  	v1 =	vld [tilespmem:s5+$0x10010];
	_ =	sdelay $0x4  }
0xd8: {  	[tilespmem:s4+$0xFFFFFFB0] =	vst v1  }
0xd9: {  	v1 =	vld [tilespmem:s5+$0x10020];
	_ =	sdelay $0x4  }
0xda: {  	[tilespmem:s4+$0xFFFFFFC0] =	vst v1  }
0xdb: {  	v1 =	vld [tilespmem:s5+$0x10030];
	_ =	sdelay $0x4  }
0xdc: {  	[tilespmem:s4+$0xFFFFFFD0] =	vst v1  }
0xdd: {  	v1 =	vld [tilespmem:s5+$0x10040];
	_ =	sdelay $0x4  }
0xde: {  	[tilespmem:s4+$0xFFFFFFE0] =	vst v1  }
0xdf: {  	v1 =	vld [tilespmem:s5+$0x10050];
	_ =	sdelay $0x4  }
0xe0: {  	[tilespmem:s4+$0xFFFFFFF0] =	vst v1  }
0xe1: {  	v1 =	vld [tilespmem:s5+$0x10060];
	_ =	sdelay $0x4  }
0xe2: {  	[tilespmem:s4+$0x0] =	vst v1  }
0xe3: {  	v1 =	vld [tilespmem:s5+$0x10070];
	_ =	sdelay $0x4  }
0xe4: {  	[tilespmem:s4+$0x10] =	vst v1  }
0xe5: {  	v1 =	vld [tilespmem:s5+$0x10400];
	_ =	sdelay $0x3  }
0xe6: {  	s6 =	sand.u32 $0x3FF8, s26  }
0xe7: {  	[tilespmem:s6+$0x14080] =	vst v1  }
0xe8: {  	v1 =	vld [tilespmem:s5+$0x10410];
	_ =	sdelay $0x4  }
0xe9: {  	[tilespmem:s4+$0x30] =	vst v1  }
0xea: {  	v1 =	vld [tilespmem:s5+$0x10420];
	_ =	sdelay $0x4  }
0xeb: {  	[tilespmem:s4+$0x40] =	vst v1  }
0xec: {  	v1 =	vld [tilespmem:s5+$0x10430];
	_ =	sdelay $0x4  }
0xed: {  	s5 =	sor.u32 $0x10440, s5;
	[tilespmem:s4+$0x50] =	vst v1  }
0xee: {  	v2 =	vld.msk [tilespmem:s5+$0x0], $0xff;
	_ =	sdelay $0x4  }
0xef: {  	v1 =	vperm.xlane v1, v0;
	v2 =	vperm.xlane v2, v0  }
0xf0: {  	s9 =	simm.s32 $0x100;
	s5 =	simm.s32 $0x80  }
0xf1: {  	s7 =	sand.u32 $0x3800, s9;
	s6 =	simm.s32 $0x200;
	s8 =	sand.u32 $0x380, s5;
	v1 =	vsel vm0, v1, v2  }
.LBB2_6:
0xf2: {  	p0 =	sne.s32 s6, $0x3F00;
	s7 =	sor.u32 s8, s7;
	[tilespmem:s4+$0x58] =	vst v1  }
0xf3: {  	v1 =	vld [tilespmem:s7+$0x10000];
	_ =	sdelay $0x3  }
0xf4: {  	s4 =	sadd.s32 $0xC8, s4  }
0xf5: {  	[tilespmem:s4+$0xFFFFFFA0] =	vst v1  }
0xf6: {  	v1 =	vld [tilespmem:s7+$0x10010];
	_ =	sdelay $0x4  }
0xf7: {  	[tilespmem:s4+$0xFFFFFFB0] =	vst v1  }
0xf8: {  	v1 =	vld [tilespmem:s7+$0x10020];
	_ =	sdelay $0x4  }
0xf9: {  	[tilespmem:s4+$0xFFFFFFC0] =	vst v1  }
0xfa: {  	v1 =	vld [tilespmem:s7+$0x10030];
	_ =	sdelay $0x4  }
0xfb: {  	[tilespmem:s4+$0xFFFFFFD0] =	vst v1  }
0xfc: {  	v1 =	vld [tilespmem:s7+$0x10040];
	_ =	sdelay $0x4  }
0xfd: {  	[tilespmem:s4+$0xFFFFFFE0] =	vst v1  }
0xfe: {  	v1 =	vld [tilespmem:s7+$0x10050];
	_ =	sdelay $0x4  }
0xff: {  	[tilespmem:s4+$0xFFFFFFF0] =	vst v1  }
0x100: {  	v1 =	vld [tilespmem:s7+$0x10060];
	_ =	sdelay $0x4  }
0x101: {  	[tilespmem:s4+$0x0] =	vst v1  }
0x102: {  	v1 =	vld [tilespmem:s7+$0x10070];
	_ =	sdelay $0x4  }
0x103: {  	[tilespmem:s4+$0x10] =	vst v1  }
0x104: {  	v1 =	vld [tilespmem:s7+$0x10400];
	_ =	sdelay $0x2  }
0x105: {  	s26 =	sadd.s32 $0xC8, s26  }
0x106: {  	s8 =	sand.u32 $0x3FF8, s26  }
0x107: {  	[tilespmem:s8+$0x14080] =	vst v1  }
0x108: {  	v1 =	vld [tilespmem:s7+$0x10410];
	_ =	sdelay $0x4  }
0x109: {  	[tilespmem:s4+$0x30] =	vst v1  }
0x10a: {  	v1 =	vld [tilespmem:s7+$0x10420];
	_ =	sdelay $0x4  }
0x10b: {  	[tilespmem:s4+$0x40] =	vst v1  }
0x10c: {  	v1 =	vld [tilespmem:s7+$0x10430];
	_ =	sdelay $0x4  }
0x10d: {  	s7 =	sor.u32 $0x10440, s7;
	[tilespmem:s4+$0x50] =	vst v1  }
0x10e: {  	v2 =	vld.msk [tilespmem:s7+$0x0], $0xff;
	_ =	sdelay $0x2  }
.Ltmp2:
0x10f: {  	(pc) =	sbr.rel @p0 .LBB2_6-.Ltmp2, $4  }
0x110: {  	_ = 	snop  }
0x111: {  	v1 =	vperm.xlane v1, v0;
	v2 =	vperm.xlane v2, v0  }
0x112: {  	s5 =	sadd.s32 $0x80, s5  }
0x113: {  	s8 =	sand.u32 $0x380, s5;
	s7 =	sand.u32 $0x3800, s6;
	s6 =	sadd.s32 $0x100, s6;
	v1 =	vsel vm0, v1, v2  }
0x114: {  	s5 =	sor.u32 s8, s7;
	[tilespmem:s4+$0x58] =	vst v1  }
0x115: {  	v1 =	vld [tilespmem:s5+$0x10000];
	_ =	sdelay $0x3  }
0x116: {  	s9 =	sadd.s32 $0xC8, s4  }
0x117: {  	[tilespmem:s9+$0xFFFFFFA0] =	vst v1  }
0x118: {  	v1 =	vld [tilespmem:s5+$0x10010];
	_ =	sdelay $0x4  }
0x119: {  	[tilespmem:s9+$0xFFFFFFB0] =	vst v1  }
0x11a: {  	v1 =	vld [tilespmem:s5+$0x10020];
	_ =	sdelay $0x4  }
0x11b: {  	[tilespmem:s9+$0xFFFFFFC0] =	vst v1  }
0x11c: {  	v1 =	vld [tilespmem:s5+$0x10030];
	_ =	sdelay $0x4  }
0x11d: {  	[tilespmem:s9+$0xFFFFFFD0] =	vst v1  }
0x11e: {  	v1 =	vld [tilespmem:s5+$0x10040];
	_ =	sdelay $0x4  }
0x11f: {  	[tilespmem:s9+$0xFFFFFFE0] =	vst v1  }
0x120: {  	v1 =	vld [tilespmem:s5+$0x10050];
	_ =	sdelay $0x4  }
0x121: {  	[tilespmem:s9+$0xFFFFFFF0] =	vst v1  }
0x122: {  	v1 =	vld [tilespmem:s5+$0x10060];
	_ =	sdelay $0x4  }
0x123: {  	[tilespmem:s9+$0x0] =	vst v1  }
0x124: {  	v1 =	vld [tilespmem:s5+$0x10070];
	_ =	sdelay $0x4  }
0x125: {  	[tilespmem:s9+$0x10] =	vst v1  }
0x126: {  	v1 =	vld [tilespmem:s5+$0x10400];
	_ =	sdelay $0x2  }
0x127: {  	s6 =	sadd.s32 $0xC8, s26  }
0x128: {  	s6 =	sand.u32 $0x3FF8, s6  }
0x129: {  	[tilespmem:s6+$0x14080] =	vst v1  }
0x12a: {  	v1 =	vld [tilespmem:s5+$0x10410];
	_ =	sdelay $0x4  }
0x12b: {  	[tilespmem:s9+$0x30] =	vst v1  }
0x12c: {  	v1 =	vld [tilespmem:s5+$0x10420];
	_ =	sdelay $0x4  }
0x12d: {  	[tilespmem:s9+$0x40] =	vst v1  }
0x12e: {  	v1 =	vld [tilespmem:s5+$0x10430];
	_ =	sdelay $0x4  }
0x12f: {  	s5 =	sor.u32 $0x10440, s5;
	[tilespmem:s9+$0x50] =	vst v1  }
0x130: {  	v2 =	vld.msk [tilespmem:s5+$0x0], $0xff;
	_ =	sdelay $0x4  }
0x131: {  	v1 =	vperm.xlane v1, v0;
	v2 =	vperm.xlane v2, v0;
	_ =	sdelay $0x1  }
0x132: {  	v1 =	vsel vm0, v1, v2  }
0x133: {  	[tilespmem:s9+$0x58] =	vst v1  }
0x134: {  	[tilespmem:s0], [sflag:$0x1] =	stream.indirect.gather [spmem:s1], $0x1, s31, s30, $0xb8;
	[tilespmem:$0x1E400] =	vst v63  }
0x135: {  	_ =	swait.ge [sflag:s24], $0x3200  }
0x136: {  	[sflag:s24] =	ssyncset.done $0x0  }
0x137: {  	s4 =	simm.s32 $0x17260;
	[sflag:s24] =	ssyncadd.s32 $0xFFFFCE00  }
0x138: {  	v1 =	vld [tilespmem:s4+$0x58];
	_ =	sdelay $0x2  }
0x139: {  	s26 =	simm.s32 $0x0  }
0x13a: {  	s7 =	sand.u32 $0x3800, s26;
	s8 =	sand.u32 $0x380, s26  }
0x13b: {  	s6 =	sor.u32 s8, s7;
	v1 =	vperm.xlane v1, v0  }
0x13c: {  	s5 =	sadd.s32 $0x1A400, s6  }
0x13d: {  	[tilespmem:s5+$0x430] =	vst v1  }
0x13e: {  	[tilespmem:s5+$0x440] =	vst.msk $0xff, v1  }
0x13f: {  	v1 =	vld [tilespmem:s4+$0xFFFFFFA0];
	_ =	sdelay $0x4  }
0x140: {  	[tilespmem:s6+$0x1A400] =	vst v1  }
0x141: {  	v1 =	vld [tilespmem:s4+$0xFFFFFFB0];
	_ =	sdelay $0x4  }
0x142: {  	[tilespmem:s5+$0x10] =	vst v1  }
0x143: {  	v1 =	vld [tilespmem:s4+$0xFFFFFFC0];
	_ =	sdelay $0x4  }
0x144: {  	[tilespmem:s5+$0x20] =	vst v1  }
0x145: {  	v1 =	vld [tilespmem:s4+$0xFFFFFFD0];
	_ =	sdelay $0x4  }
0x146: {  	[tilespmem:s5+$0x30] =	vst v1  }
0x147: {  	v1 =	vld [tilespmem:s4+$0xFFFFFFE0];
	_ =	sdelay $0x4  }
0x148: {  	[tilespmem:s5+$0x40] =	vst v1  }
0x149: {  	v1 =	vld [tilespmem:s4+$0xFFFFFFF0];
	_ =	sdelay $0x4  }
0x14a: {  	[tilespmem:s5+$0x50] =	vst v1  }
0x14b: {  	v1 =	vld [tilespmem:s4+$0x0];
	_ =	sdelay $0x4  }
0x14c: {  	[tilespmem:s5+$0x60] =	vst v1  }
0x14d: {  	v1 =	vld [tilespmem:s4+$0x10];
	_ =	sdelay $0x4  }
0x14e: {  	s9 =	sand.u32 $0x3FF8, s26;
	[tilespmem:s5+$0x70] =	vst v1  }
0x14f: {  	v1 =	vld [tilespmem:s9+$0x17280];
	_ =	sdelay $0x4  }
0x150: {  	[tilespmem:s5+$0x400] =	vst v1  }
0x151: {  	v1 =	vld [tilespmem:s4+$0x30];
	_ =	sdelay $0x4  }
0x152: {  	[tilespmem:s5+$0x410] =	vst v1  }
0x153: {  	v1 =	vld [tilespmem:s4+$0x40];
	_ =	sdelay $0x4  }
0x154: {  	[tilespmem:s5+$0x420] =	vst v1  }
0x155: {  	s7 =	simm.s32 $0x0;
	s6 =	simm.s32 $0xC8;
	v1 =	vld [tilespmem:s4+$0x50]  }
.LBB2_8:
0x156: {  	_ =	sdelay $0x2  }
0x157: {  	s26 =	sadd.s32 $0x80, s26;
	s7 =	sadd.s32 $0x100, s7;
	s4 =	sadd.s32 $0xC8, s4  }
0x158: {  	p0 =	sne.s32 s6, $0x3138;
	s8 =	smov.u32 s6;
	s6 =	sadd.s32 $0xC8, s6;
	[tilespmem:s5+$0x430] =	vst v1  }
0x159: {  	v1 =	vld [tilespmem:s4+$0x58];
	_ =	sdelay $0x3  }
0x15a: {  	s9 =	sand.u32 $0x380, s26;
	s5 =	sand.u32 $0x3800, s7  }
0x15b: {  	s9 =	sor.u32 s9, s5;
	v1 =	vperm.xlane v1, v0  }
0x15c: {  	s5 =	sadd.s32 $0x1A400, s9  }
0x15d: {  	[tilespmem:s5+$0x430] =	vst v1  }
0x15e: {  	[tilespmem:s5+$0x440] =	vst.msk $0xff, v1  }
0x15f: {  	v1 =	vld [tilespmem:s4+$0xFFFFFFA0];
	_ =	sdelay $0x4  }
0x160: {  	[tilespmem:s9+$0x1A400] =	vst v1  }
0x161: {  	v1 =	vld [tilespmem:s4+$0xFFFFFFB0];
	_ =	sdelay $0x4  }
0x162: {  	[tilespmem:s5+$0x10] =	vst v1  }
0x163: {  	v1 =	vld [tilespmem:s4+$0xFFFFFFC0];
	_ =	sdelay $0x4  }
0x164: {  	[tilespmem:s5+$0x20] =	vst v1  }
0x165: {  	v1 =	vld [tilespmem:s4+$0xFFFFFFD0];
	_ =	sdelay $0x4  }
0x166: {  	[tilespmem:s5+$0x30] =	vst v1  }
0x167: {  	v1 =	vld [tilespmem:s4+$0xFFFFFFE0];
	_ =	sdelay $0x4  }
0x168: {  	[tilespmem:s5+$0x40] =	vst v1  }
0x169: {  	v1 =	vld [tilespmem:s4+$0xFFFFFFF0];
	_ =	sdelay $0x4  }
0x16a: {  	[tilespmem:s5+$0x50] =	vst v1  }
0x16b: {  	v1 =	vld [tilespmem:s4+$0x0];
	_ =	sdelay $0x4  }
0x16c: {  	[tilespmem:s5+$0x60] =	vst v1  }
0x16d: {  	v1 =	vld [tilespmem:s4+$0x10];
	_ =	sdelay $0x3  }
0x16e: {  	s8 =	sand.u32 $0x3FF8, s8  }
0x16f: {  	[tilespmem:s5+$0x70] =	vst v1  }
0x170: {  	v1 =	vld [tilespmem:s8+$0x17280];
	_ =	sdelay $0x4  }
0x171: {  	[tilespmem:s5+$0x400] =	vst v1  }
0x172: {  	v1 =	vld [tilespmem:s4+$0x30];
	_ =	sdelay $0x4  }
0x173: {  	[tilespmem:s5+$0x410] =	vst v1  }
0x174: {  	v1 =	vld [tilespmem:s4+$0x40];
	_ =	sdelay $0x1  }
.Ltmp3:
0x175: {  	(pc) =	sbr.rel @p0 .LBB2_8-.Ltmp3, $3  }
0x176: {  	_ =	sdelay $0x1  }
0x177: {  	[tilespmem:s5+$0x420] =	vst v1  }
0x178: {  	v1 =	vld [tilespmem:s4+$0x50]  }
0x179: {  	_ =	sdelay $0x3  }
0x17a: {  	s26 =	simm.s32 $0x0;
	s4 =	rddreg [dreg:$0x9];
	[tilespmem:s5+$0x430] =	vst v1  }
0x17b: {  	[hbm4b:s4+s26] =	stream.linear.scatter [tilespmem:s3], [sflag:$0x2], $0x4000, $0x38;
	[tilespmem:$0x1E400] =	vst v63  }
0x17c: {  	_ =	swait.ge [sflag:s28], $0x4000  }
0x17d: {  	[sflag:s28] =	ssyncset.done $0x0  }
0x17e: {  	[sflag:s28] =	ssyncadd.s32 $0xFFFFC000  }
0x17f: {  	[tilespmem:s29], [sflag:$0x2] =	stream.linear.gather [hbm4b:s10+s26], $0x4000, $0x38;
	[tilespmem:$0x1E400] =	vst v63  }
0x180: {  	_ =	swait.ge [sflag:s28], $0x4000  }
0x181: {  	s7 =	sand.u32 $0x3800, s26;
	s8 =	sand.u32 $0x380, s26;
	[sflag:s28] =	ssyncset.done $0x0  }
0x182: {  	s5 =	sor.u32 s8, s7;
	[sflag:s28] =	ssyncadd.s32 $0xFFFFC000  }
0x183: {  	v1 =	vld [tilespmem:s5+$0x10000];
	_ =	sdelay $0x3  }
0x184: {  	s4 =	simm.s32 $0x14060  }
0x185: {  	[tilespmem:s4+$0xFFFFFFA0] =	vst v1  }
0x186: {  	v1 =	vld [tilespmem:s5+$0x10010];
	_ =	sdelay $0x4  }
0x187: {  	[tilespmem:s4+$0xFFFFFFB0] =	vst v1  }
0x188: {  	v1 =	vld [tilespmem:s5+$0x10020];
	_ =	sdelay $0x4  }
0x189: {  	[tilespmem:s4+$0xFFFFFFC0] =	vst v1  }
0x18a: {  	v1 =	vld [tilespmem:s5+$0x10030];
	_ =	sdelay $0x4  }
0x18b: {  	[tilespmem:s4+$0xFFFFFFD0] =	vst v1  }
0x18c: {  	v1 =	vld [tilespmem:s5+$0x10040];
	_ =	sdelay $0x4  }
0x18d: {  	[tilespmem:s4+$0xFFFFFFE0] =	vst v1  }
0x18e: {  	v1 =	vld [tilespmem:s5+$0x10050];
	_ =	sdelay $0x4  }
0x18f: {  	[tilespmem:s4+$0xFFFFFFF0] =	vst v1  }
0x190: {  	v1 =	vld [tilespmem:s5+$0x10060];
	_ =	sdelay $0x4  }
0x191: {  	[tilespmem:s4+$0x0] =	vst v1  }
0x192: {  	v1 =	vld [tilespmem:s5+$0x10070];
	_ =	sdelay $0x4  }
0x193: {  	[tilespmem:s4+$0x10] =	vst v1  }
0x194: {  	v1 =	vld [tilespmem:s5+$0x10400];
	_ =	sdelay $0x3  }
0x195: {  	s6 =	sand.u32 $0x3FF8, s26  }
0x196: {  	[tilespmem:s6+$0x14080] =	vst v1  }
0x197: {  	v1 =	vld [tilespmem:s5+$0x10410];
	_ =	sdelay $0x4  }
0x198: {  	[tilespmem:s4+$0x30] =	vst v1  }
0x199: {  	v1 =	vld [tilespmem:s5+$0x10420];
	_ =	sdelay $0x4  }
0x19a: {  	[tilespmem:s4+$0x40] =	vst v1  }
0x19b: {  	v1 =	vld [tilespmem:s5+$0x10430];
	_ =	sdelay $0x4  }
0x19c: {  	s5 =	sor.u32 $0x10440, s5;
	[tilespmem:s4+$0x50] =	vst v1  }
0x19d: {  	v2 =	vld.msk [tilespmem:s5+$0x0], $0xff;
	_ =	sdelay $0x4  }
0x19e: {  	v1 =	vperm.xlane v1, v0;
	v2 =	vperm.xlane v2, v0  }
0x19f: {  	s9 =	simm.s32 $0x100;
	s5 =	simm.s32 $0x80  }
0x1a0: {  	s7 =	sand.u32 $0x3800, s9;
	s6 =	simm.s32 $0x200;
	s8 =	sand.u32 $0x380, s5;
	v1 =	vsel vm0, v1, v2  }
.LBB2_10:
0x1a1: {  	p0 =	sne.s32 s6, $0x3F00;
	s7 =	sor.u32 s8, s7;
	[tilespmem:s4+$0x58] =	vst v1  }
0x1a2: {  	v1 =	vld [tilespmem:s7+$0x10000];
	_ =	sdelay $0x3  }
0x1a3: {  	s4 =	sadd.s32 $0xC8, s4  }
0x1a4: {  	[tilespmem:s4+$0xFFFFFFA0] =	vst v1  }
0x1a5: {  	v1 =	vld [tilespmem:s7+$0x10010];
	_ =	sdelay $0x4  }
0x1a6: {  	[tilespmem:s4+$0xFFFFFFB0] =	vst v1  }
0x1a7: {  	v1 =	vld [tilespmem:s7+$0x10020];
	_ =	sdelay $0x4  }
0x1a8: {  	[tilespmem:s4+$0xFFFFFFC0] =	vst v1  }
0x1a9: {  	v1 =	vld [tilespmem:s7+$0x10030];
	_ =	sdelay $0x4  }
0x1aa: {  	[tilespmem:s4+$0xFFFFFFD0] =	vst v1  }
0x1ab: {  	v1 =	vld [tilespmem:s7+$0x10040];
	_ =	sdelay $0x4  }
0x1ac: {  	[tilespmem:s4+$0xFFFFFFE0] =	vst v1  }
0x1ad: {  	v1 =	vld [tilespmem:s7+$0x10050];
	_ =	sdelay $0x4  }
0x1ae: {  	[tilespmem:s4+$0xFFFFFFF0] =	vst v1  }
0x1af: {  	v1 =	vld [tilespmem:s7+$0x10060];
	_ =	sdelay $0x4  }
0x1b0: {  	[tilespmem:s4+$0x0] =	vst v1  }
0x1b1: {  	v1 =	vld [tilespmem:s7+$0x10070];
	_ =	sdelay $0x4  }
0x1b2: {  	[tilespmem:s4+$0x10] =	vst v1  }
0x1b3: {  	v1 =	vld [tilespmem:s7+$0x10400];
	_ =	sdelay $0x2  }
0x1b4: {  	s26 =	sadd.s32 $0xC8, s26  }
0x1b5: {  	s8 =	sand.u32 $0x3FF8, s26  }
0x1b6: {  	[tilespmem:s8+$0x14080] =	vst v1  }
0x1b7: {  	v1 =	vld [tilespmem:s7+$0x10410];
	_ =	sdelay $0x4  }
0x1b8: {  	[tilespmem:s4+$0x30] =	vst v1  }
0x1b9: {  	v1 =	vld [tilespmem:s7+$0x10420];
	_ =	sdelay $0x4  }
0x1ba: {  	[tilespmem:s4+$0x40] =	vst v1  }
0x1bb: {  	v1 =	vld [tilespmem:s7+$0x10430];
	_ =	sdelay $0x4  }
0x1bc: {  	s7 =	sor.u32 $0x10440, s7;
	[tilespmem:s4+$0x50] =	vst v1  }
0x1bd: {  	v2 =	vld.msk [tilespmem:s7+$0x0], $0xff;
	_ =	sdelay $0x2  }
.Ltmp4:
0x1be: {  	(pc) =	sbr.rel @p0 .LBB2_10-.Ltmp4, $4  }
0x1bf: {  	_ = 	snop  }
0x1c0: {  	v1 =	vperm.xlane v1, v0;
	v2 =	vperm.xlane v2, v0  }
0x1c1: {  	s5 =	sadd.s32 $0x80, s5  }
0x1c2: {  	s8 =	sand.u32 $0x380, s5;
	s7 =	sand.u32 $0x3800, s6;
	s6 =	sadd.s32 $0x100, s6;
	v1 =	vsel vm0, v1, v2  }
0x1c3: {  	s5 =	sor.u32 s8, s7;
	[tilespmem:s4+$0x58] =	vst v1  }
0x1c4: {  	v1 =	vld [tilespmem:s5+$0x10000];
	_ =	sdelay $0x3  }
0x1c5: {  	s9 =	sadd.s32 $0xC8, s4  }
0x1c6: {  	[tilespmem:s9+$0xFFFFFFA0] =	vst v1  }
0x1c7: {  	v1 =	vld [tilespmem:s5+$0x10010];
	_ =	sdelay $0x4  }
0x1c8: {  	[tilespmem:s9+$0xFFFFFFB0] =	vst v1  }
0x1c9: {  	v1 =	vld [tilespmem:s5+$0x10020];
	_ =	sdelay $0x4  }
0x1ca: {  	[tilespmem:s9+$0xFFFFFFC0] =	vst v1  }
0x1cb: {  	v1 =	vld [tilespmem:s5+$0x10030];
	_ =	sdelay $0x4  }
0x1cc: {  	[tilespmem:s9+$0xFFFFFFD0] =	vst v1  }
0x1cd: {  	v1 =	vld [tilespmem:s5+$0x10040];
	_ =	sdelay $0x4  }
0x1ce: {  	[tilespmem:s9+$0xFFFFFFE0] =	vst v1  }
0x1cf: {  	v1 =	vld [tilespmem:s5+$0x10050];
	_ =	sdelay $0x4  }
0x1d0: {  	[tilespmem:s9+$0xFFFFFFF0] =	vst v1  }
0x1d1: {  	v1 =	vld [tilespmem:s5+$0x10060];
	_ =	sdelay $0x4  }
0x1d2: {  	[tilespmem:s9+$0x0] =	vst v1  }
0x1d3: {  	v1 =	vld [tilespmem:s5+$0x10070];
	_ =	sdelay $0x4  }
0x1d4: {  	[tilespmem:s9+$0x10] =	vst v1  }
0x1d5: {  	v1 =	vld [tilespmem:s5+$0x10400];
	_ =	sdelay $0x2  }
0x1d6: {  	s6 =	sadd.s32 $0xC8, s26  }
0x1d7: {  	s6 =	sand.u32 $0x3FF8, s6  }
0x1d8: {  	[tilespmem:s6+$0x14080] =	vst v1  }
0x1d9: {  	v1 =	vld [tilespmem:s5+$0x10410];
	_ =	sdelay $0x4  }
0x1da: {  	[tilespmem:s9+$0x30] =	vst v1  }
0x1db: {  	v1 =	vld [tilespmem:s5+$0x10420];
	_ =	sdelay $0x4  }
0x1dc: {  	[tilespmem:s9+$0x40] =	vst v1  }
0x1dd: {  	v1 =	vld [tilespmem:s5+$0x10430];
	_ =	sdelay $0x4  }
0x1de: {  	s5 =	sor.u32 $0x10440, s5;
	[tilespmem:s9+$0x50] =	vst v1  }
0x1df: {  	v2 =	vld.msk [tilespmem:s5+$0x0], $0xff;
	_ =	sdelay $0x4  }
0x1e0: {  	v1 =	vperm.xlane v1, v0;
	v2 =	vperm.xlane v2, v0;
	_ =	sdelay $0x1  }
0x1e1: {  	v1 =	vsel vm0, v1, v2  }
0x1e2: {  	[tilespmem:s9+$0x58] =	vst v1  }
0x1e3: {  	[tilespmem:s0], [sflag:$0x1] =	stream.indirect.gather [spmem:s1], $0x1, s31, s30, $0xb8;
	[tilespmem:$0x1E400] =	vst v63  }
0x1e4: {  	_ =	swait.ge [sflag:s24], $0x3200  }
0x1e5: {  	[sflag:s24] =	ssyncset.done $0x0  }
0x1e6: {  	s4 =	simm.s32 $0x17260;
	[sflag:s24] =	ssyncadd.s32 $0xFFFFCE00  }
0x1e7: {  	v1 =	vld [tilespmem:s4+$0x58];
	_ =	sdelay $0x2  }
0x1e8: {  	s26 =	simm.s32 $0x0  }
0x1e9: {  	s7 =	sand.u32 $0x3800, s26;
	s8 =	sand.u32 $0x380, s26  }
0x1ea: {  	s6 =	sor.u32 s8, s7;
	v1 =	vperm.xlane v1, v0  }
0x1eb: {  	s5 =	sadd.s32 $0x1A400, s6  }
0x1ec: {  	[tilespmem:s5+$0x430] =	vst v1  }
0x1ed: {  	[tilespmem:s5+$0x440] =	vst.msk $0xff, v1  }
0x1ee: {  	v1 =	vld [tilespmem:s4+$0xFFFFFFA0];
	_ =	sdelay $0x4  }
0x1ef: {  	[tilespmem:s6+$0x1A400] =	vst v1  }
0x1f0: {  	v1 =	vld [tilespmem:s4+$0xFFFFFFB0];
	_ =	sdelay $0x4  }
0x1f1: {  	[tilespmem:s5+$0x10] =	vst v1  }
0x1f2: {  	v1 =	vld [tilespmem:s4+$0xFFFFFFC0];
	_ =	sdelay $0x4  }
0x1f3: {  	[tilespmem:s5+$0x20] =	vst v1  }
0x1f4: {  	v1 =	vld [tilespmem:s4+$0xFFFFFFD0];
	_ =	sdelay $0x4  }
0x1f5: {  	[tilespmem:s5+$0x30] =	vst v1  }
0x1f6: {  	v1 =	vld [tilespmem:s4+$0xFFFFFFE0];
	_ =	sdelay $0x4  }
0x1f7: {  	[tilespmem:s5+$0x40] =	vst v1  }
0x1f8: {  	v1 =	vld [tilespmem:s4+$0xFFFFFFF0];
	_ =	sdelay $0x4  }
0x1f9: {  	[tilespmem:s5+$0x50] =	vst v1  }
0x1fa: {  	v1 =	vld [tilespmem:s4+$0x0];
	_ =	sdelay $0x4  }
0x1fb: {  	[tilespmem:s5+$0x60] =	vst v1  }
0x1fc: {  	v1 =	vld [tilespmem:s4+$0x10];
	_ =	sdelay $0x4  }
0x1fd: {  	s9 =	sand.u32 $0x3FF8, s26;
	[tilespmem:s5+$0x70] =	vst v1  }
0x1fe: {  	v1 =	vld [tilespmem:s9+$0x17280];
	_ =	sdelay $0x4  }
0x1ff: {  	[tilespmem:s5+$0x400] =	vst v1  }
0x200: {  	v1 =	vld [tilespmem:s4+$0x30];
	_ =	sdelay $0x4  }
0x201: {  	[tilespmem:s5+$0x410] =	vst v1  }
0x202: {  	v1 =	vld [tilespmem:s4+$0x40];
	_ =	sdelay $0x4  }
0x203: {  	[tilespmem:s5+$0x420] =	vst v1  }
0x204: {  	s7 =	simm.s32 $0x0;
	s6 =	simm.s32 $0xC8;
	v1 =	vld [tilespmem:s4+$0x50]  }
.LBB2_12:
0x205: {  	_ =	sdelay $0x2  }
0x206: {  	s26 =	sadd.s32 $0x80, s26;
	s7 =	sadd.s32 $0x100, s7;
	s4 =	sadd.s32 $0xC8, s4  }
0x207: {  	p0 =	sne.s32 s6, $0x3138;
	s8 =	smov.u32 s6;
	s6 =	sadd.s32 $0xC8, s6;
	[tilespmem:s5+$0x430] =	vst v1  }
0x208: {  	v1 =	vld [tilespmem:s4+$0x58];
	_ =	sdelay $0x3  }
0x209: {  	s9 =	sand.u32 $0x380, s26;
	s5 =	sand.u32 $0x3800, s7  }
0x20a: {  	s9 =	sor.u32 s9, s5;
	v1 =	vperm.xlane v1, v0  }
0x20b: {  	s5 =	sadd.s32 $0x1A400, s9  }
0x20c: {  	[tilespmem:s5+$0x430] =	vst v1  }
0x20d: {  	[tilespmem:s5+$0x440] =	vst.msk $0xff, v1  }
0x20e: {  	v1 =	vld [tilespmem:s4+$0xFFFFFFA0];
	_ =	sdelay $0x4  }
0x20f: {  	[tilespmem:s9+$0x1A400] =	vst v1  }
0x210: {  	v1 =	vld [tilespmem:s4+$0xFFFFFFB0];
	_ =	sdelay $0x4  }
0x211: {  	[tilespmem:s5+$0x10] =	vst v1  }
0x212: {  	v1 =	vld [tilespmem:s4+$0xFFFFFFC0];
	_ =	sdelay $0x4  }
0x213: {  	[tilespmem:s5+$0x20] =	vst v1  }
0x214: {  	v1 =	vld [tilespmem:s4+$0xFFFFFFD0];
	_ =	sdelay $0x4  }
0x215: {  	[tilespmem:s5+$0x30] =	vst v1  }
0x216: {  	v1 =	vld [tilespmem:s4+$0xFFFFFFE0];
	_ =	sdelay $0x4  }
0x217: {  	[tilespmem:s5+$0x40] =	vst v1  }
0x218: {  	v1 =	vld [tilespmem:s4+$0xFFFFFFF0];
	_ =	sdelay $0x4  }
0x219: {  	[tilespmem:s5+$0x50] =	vst v1  }
0x21a: {  	v1 =	vld [tilespmem:s4+$0x0];
	_ =	sdelay $0x4  }
0x21b: {  	[tilespmem:s5+$0x60] =	vst v1  }
0x21c: {  	v1 =	vld [tilespmem:s4+$0x10];
	_ =	sdelay $0x3  }
0x21d: {  	s8 =	sand.u32 $0x3FF8, s8  }
0x21e: {  	[tilespmem:s5+$0x70] =	vst v1  }
0x21f: {  	v1 =	vld [tilespmem:s8+$0x17280];
	_ =	sdelay $0x4  }
0x220: {  	[tilespmem:s5+$0x400] =	vst v1  }
0x221: {  	v1 =	vld [tilespmem:s4+$0x30];
	_ =	sdelay $0x4  }
0x222: {  	[tilespmem:s5+$0x410] =	vst v1  }
0x223: {  	v1 =	vld [tilespmem:s4+$0x40];
	_ =	sdelay $0x1  }
.Ltmp5:
0x224: {  	(pc) =	sbr.rel @p0 .LBB2_12-.Ltmp5, $3  }
0x225: {  	_ =	sdelay $0x1  }
0x226: {  	[tilespmem:s5+$0x420] =	vst v1  }
0x227: {  	v1 =	vld [tilespmem:s4+$0x50]  }
0x228: {  	_ =	sdelay $0x3  }
0x229: {  	s26 =	simm.s32 $0x0;
	[tilespmem:s5+$0x430] =	vst v1  }
0x22a: {  	[hbm4b:s11+s26] =	stream.linear.scatter [tilespmem:s3], [sflag:$0x2], $0x4000, $0x38;
	[tilespmem:$0x1E400] =	vst v63  }
0x22b: {  	_ =	swait.ge [sflag:s28], $0x4000  }
0x22c: {  	[sflag:s28] =	ssyncset.done $0x0  }
0x22d: {  	[sflag:s28] =	ssyncadd.s32 $0xFFFFC000  }
0x22e: {  	[tilespmem:s29], [sflag:$0x2] =	stream.linear.gather [hbm4b:s12+s26], $0x4000, $0x38;
	[tilespmem:$0x1E400] =	vst v63  }
0x22f: {  	_ =	swait.ge [sflag:s28], $0x4000  }
0x230: {  	s4 =	sand.u32 $0x3800, s26;
	s8 =	sand.u32 $0x380, s26;
	[sflag:s28] =	ssyncset.done $0x0  }
0x231: {  	s5 =	sor.u32 s8, s4;
	[sflag:s28] =	ssyncadd.s32 $0xFFFFC000  }
0x232: {  	v1 =	vld [tilespmem:s5+$0x10000];
	_ =	sdelay $0x3  }
0x233: {  	s4 =	simm.s32 $0x14060  }
0x234: {  	[tilespmem:s4+$0xFFFFFFA0] =	vst v1  }
0x235: {  	v1 =	vld [tilespmem:s5+$0x10010];
	_ =	sdelay $0x4  }
0x236: {  	[tilespmem:s4+$0xFFFFFFB0] =	vst v1  }
0x237: {  	v1 =	vld [tilespmem:s5+$0x10020];
	_ =	sdelay $0x4  }
0x238: {  	[tilespmem:s4+$0xFFFFFFC0] =	vst v1  }
0x239: {  	v1 =	vld [tilespmem:s5+$0x10030];
	_ =	sdelay $0x4  }
0x23a: {  	[tilespmem:s4+$0xFFFFFFD0] =	vst v1  }
0x23b: {  	v1 =	vld [tilespmem:s5+$0x10040];
	_ =	sdelay $0x4  }
0x23c: {  	[tilespmem:s4+$0xFFFFFFE0] =	vst v1  }
0x23d: {  	v1 =	vld [tilespmem:s5+$0x10050];
	_ =	sdelay $0x4  }
0x23e: {  	[tilespmem:s4+$0xFFFFFFF0] =	vst v1  }
0x23f: {  	v1 =	vld [tilespmem:s5+$0x10060];
	_ =	sdelay $0x4  }
0x240: {  	[tilespmem:s4+$0x0] =	vst v1  }
0x241: {  	v1 =	vld [tilespmem:s5+$0x10070];
	_ =	sdelay $0x4  }
0x242: {  	[tilespmem:s4+$0x10] =	vst v1  }
0x243: {  	v1 =	vld [tilespmem:s5+$0x10400];
	_ =	sdelay $0x3  }
0x244: {  	s6 =	sand.u32 $0x3FF8, s26  }
0x245: {  	[tilespmem:s6+$0x14080] =	vst v1  }
0x246: {  	v1 =	vld [tilespmem:s5+$0x10410];
	_ =	sdelay $0x4  }
0x247: {  	[tilespmem:s4+$0x30] =	vst v1  }
0x248: {  	v1 =	vld [tilespmem:s5+$0x10420];
	_ =	sdelay $0x4  }
0x249: {  	[tilespmem:s4+$0x40] =	vst v1  }
0x24a: {  	v1 =	vld [tilespmem:s5+$0x10430];
	_ =	sdelay $0x4  }
0x24b: {  	s5 =	sor.u32 $0x10440, s5;
	[tilespmem:s4+$0x50] =	vst v1  }
0x24c: {  	v2 =	vld.msk [tilespmem:s5+$0x0], $0xff;
	_ =	sdelay $0x4  }
0x24d: {  	v1 =	vperm.xlane v1, v0;
	v2 =	vperm.xlane v2, v0  }
0x24e: {  	s9 =	simm.s32 $0x100;
	s5 =	simm.s32 $0x80  }
0x24f: {  	s7 =	sand.u32 $0x3800, s9;
	s6 =	simm.s32 $0x200;
	s8 =	sand.u32 $0x380, s5;
	v1 =	vsel vm0, v1, v2  }
.LBB2_14:
0x250: {  	p0 =	sne.s32 s6, $0x3F00;
	s7 =	sor.u32 s8, s7;
	[tilespmem:s4+$0x58] =	vst v1  }
0x251: {  	v1 =	vld [tilespmem:s7+$0x10000];
	_ =	sdelay $0x3  }
0x252: {  	s4 =	sadd.s32 $0xC8, s4  }
0x253: {  	[tilespmem:s4+$0xFFFFFFA0] =	vst v1  }
0x254: {  	v1 =	vld [tilespmem:s7+$0x10010];
	_ =	sdelay $0x4  }
0x255: {  	[tilespmem:s4+$0xFFFFFFB0] =	vst v1  }
0x256: {  	v1 =	vld [tilespmem:s7+$0x10020];
	_ =	sdelay $0x4  }
0x257: {  	[tilespmem:s4+$0xFFFFFFC0] =	vst v1  }
0x258: {  	v1 =	vld [tilespmem:s7+$0x10030];
	_ =	sdelay $0x4  }
0x259: {  	[tilespmem:s4+$0xFFFFFFD0] =	vst v1  }
0x25a: {  	v1 =	vld [tilespmem:s7+$0x10040];
	_ =	sdelay $0x4  }
0x25b: {  	[tilespmem:s4+$0xFFFFFFE0] =	vst v1  }
0x25c: {  	v1 =	vld [tilespmem:s7+$0x10050];
	_ =	sdelay $0x4  }
0x25d: {  	[tilespmem:s4+$0xFFFFFFF0] =	vst v1  }
0x25e: {  	v1 =	vld [tilespmem:s7+$0x10060];
	_ =	sdelay $0x4  }
0x25f: {  	[tilespmem:s4+$0x0] =	vst v1  }
0x260: {  	v1 =	vld [tilespmem:s7+$0x10070];
	_ =	sdelay $0x4  }
0x261: {  	[tilespmem:s4+$0x10] =	vst v1  }
0x262: {  	v1 =	vld [tilespmem:s7+$0x10400];
	_ =	sdelay $0x2  }
0x263: {  	s26 =	sadd.s32 $0xC8, s26  }
0x264: {  	s8 =	sand.u32 $0x3FF8, s26  }
0x265: {  	[tilespmem:s8+$0x14080] =	vst v1  }
0x266: {  	v1 =	vld [tilespmem:s7+$0x10410];
	_ =	sdelay $0x4  }
0x267: {  	[tilespmem:s4+$0x30] =	vst v1  }
0x268: {  	v1 =	vld [tilespmem:s7+$0x10420];
	_ =	sdelay $0x4  }
0x269: {  	[tilespmem:s4+$0x40] =	vst v1  }
0x26a: {  	v1 =	vld [tilespmem:s7+$0x10430];
	_ =	sdelay $0x4  }
0x26b: {  	s7 =	sor.u32 $0x10440, s7;
	[tilespmem:s4+$0x50] =	vst v1  }
0x26c: {  	v2 =	vld.msk [tilespmem:s7+$0x0], $0xff;
	_ =	sdelay $0x2  }
.Ltmp6:
0x26d: {  	(pc) =	sbr.rel @p0 .LBB2_14-.Ltmp6, $4  }
0x26e: {  	_ = 	snop  }
0x26f: {  	v1 =	vperm.xlane v1, v0;
	v2 =	vperm.xlane v2, v0  }
0x270: {  	s5 =	sadd.s32 $0x80, s5  }
0x271: {  	s8 =	sand.u32 $0x380, s5;
	s7 =	sand.u32 $0x3800, s6;
	s6 =	sadd.s32 $0x100, s6;
	v1 =	vsel vm0, v1, v2  }
0x272: {  	s5 =	sor.u32 s8, s7;
	[tilespmem:s4+$0x58] =	vst v1  }
0x273: {  	v1 =	vld [tilespmem:s5+$0x10000];
	_ =	sdelay $0x3  }
0x274: {  	s9 =	sadd.s32 $0xC8, s4  }
0x275: {  	[tilespmem:s9+$0xFFFFFFA0] =	vst v1  }
0x276: {  	v1 =	vld [tilespmem:s5+$0x10010];
	_ =	sdelay $0x4  }
0x277: {  	[tilespmem:s9+$0xFFFFFFB0] =	vst v1  }
0x278: {  	v1 =	vld [tilespmem:s5+$0x10020];
	_ =	sdelay $0x4  }
0x279: {  	[tilespmem:s9+$0xFFFFFFC0] =	vst v1  }
0x27a: {  	v1 =	vld [tilespmem:s5+$0x10030];
	_ =	sdelay $0x4  }
0x27b: {  	[tilespmem:s9+$0xFFFFFFD0] =	vst v1  }
0x27c: {  	v1 =	vld [tilespmem:s5+$0x10040];
	_ =	sdelay $0x4  }
0x27d: {  	[tilespmem:s9+$0xFFFFFFE0] =	vst v1  }
0x27e: {  	v1 =	vld [tilespmem:s5+$0x10050];
	_ =	sdelay $0x4  }
0x27f: {  	[tilespmem:s9+$0xFFFFFFF0] =	vst v1  }
0x280: {  	v1 =	vld [tilespmem:s5+$0x10060];
	_ =	sdelay $0x4  }
0x281: {  	[tilespmem:s9+$0x0] =	vst v1  }
0x282: {  	v1 =	vld [tilespmem:s5+$0x10070];
	_ =	sdelay $0x4  }
0x283: {  	[tilespmem:s9+$0x10] =	vst v1  }
0x284: {  	v1 =	vld [tilespmem:s5+$0x10400];
	_ =	sdelay $0x2  }
0x285: {  	s6 =	sadd.s32 $0xC8, s26  }
0x286: {  	s6 =	sand.u32 $0x3FF8, s6  }
0x287: {  	[tilespmem:s6+$0x14080] =	vst v1  }
0x288: {  	v1 =	vld [tilespmem:s5+$0x10410];
	_ =	sdelay $0x4  }
0x289: {  	[tilespmem:s9+$0x30] =	vst v1  }
0x28a: {  	v1 =	vld [tilespmem:s5+$0x10420];
	_ =	sdelay $0x4  }
0x28b: {  	[tilespmem:s9+$0x40] =	vst v1  }
0x28c: {  	v1 =	vld [tilespmem:s5+$0x10430];
	_ =	sdelay $0x4  }
0x28d: {  	s5 =	sor.u32 $0x10440, s5;
	[tilespmem:s9+$0x50] =	vst v1  }
0x28e: {  	v2 =	vld.msk [tilespmem:s5+$0x0], $0xff;
	_ =	sdelay $0x4  }
0x28f: {  	v1 =	vperm.xlane v1, v0;
	v2 =	vperm.xlane v2, v0;
	_ =	sdelay $0x1  }
0x290: {  	v1 =	vsel vm0, v1, v2  }
0x291: {  	[tilespmem:s9+$0x58] =	vst v1  }
0x292: {  	[tilespmem:s0], [sflag:$0x1] =	stream.indirect.gather [spmem:s1], $0x1, s31, s30, $0xb8;
	[tilespmem:$0x1E400] =	vst v63  }
0x293: {  	_ =	swait.ge [sflag:s24], $0x3200  }
0x294: {  	[sflag:s24] =	ssyncset.done $0x0  }
0x295: {  	s4 =	simm.s32 $0x17260;
	[sflag:s24] =	ssyncadd.s32 $0xFFFFCE00  }
0x296: {  	v1 =	vld [tilespmem:s4+$0x58];
	_ =	sdelay $0x2  }
0x297: {  	s26 =	simm.s32 $0x0  }
0x298: {  	s7 =	sand.u32 $0x3800, s26;
	s8 =	sand.u32 $0x380, s26  }
0x299: {  	s6 =	sor.u32 s8, s7;
	v1 =	vperm.xlane v1, v0  }
0x29a: {  	s5 =	sadd.s32 $0x1A400, s6  }
0x29b: {  	[tilespmem:s5+$0x430] =	vst v1  }
0x29c: {  	[tilespmem:s5+$0x440] =	vst.msk $0xff, v1  }
0x29d: {  	v1 =	vld [tilespmem:s4+$0xFFFFFFA0];
	_ =	sdelay $0x4  }
0x29e: {  	[tilespmem:s6+$0x1A400] =	vst v1  }
0x29f: {  	v1 =	vld [tilespmem:s4+$0xFFFFFFB0];
	_ =	sdelay $0x4  }
0x2a0: {  	[tilespmem:s5+$0x10] =	vst v1  }
0x2a1: {  	v1 =	vld [tilespmem:s4+$0xFFFFFFC0];
	_ =	sdelay $0x4  }
0x2a2: {  	[tilespmem:s5+$0x20] =	vst v1  }
0x2a3: {  	v1 =	vld [tilespmem:s4+$0xFFFFFFD0];
	_ =	sdelay $0x4  }
0x2a4: {  	[tilespmem:s5+$0x30] =	vst v1  }
0x2a5: {  	v1 =	vld [tilespmem:s4+$0xFFFFFFE0];
	_ =	sdelay $0x4  }
0x2a6: {  	[tilespmem:s5+$0x40] =	vst v1  }
0x2a7: {  	v1 =	vld [tilespmem:s4+$0xFFFFFFF0];
	_ =	sdelay $0x4  }
0x2a8: {  	[tilespmem:s5+$0x50] =	vst v1  }
0x2a9: {  	v1 =	vld [tilespmem:s4+$0x0];
	_ =	sdelay $0x4  }
0x2aa: {  	[tilespmem:s5+$0x60] =	vst v1  }
0x2ab: {  	v1 =	vld [tilespmem:s4+$0x10];
	_ =	sdelay $0x4  }
0x2ac: {  	s9 =	sand.u32 $0x3FF8, s26;
	[tilespmem:s5+$0x70] =	vst v1  }
0x2ad: {  	v1 =	vld [tilespmem:s9+$0x17280];
	_ =	sdelay $0x4  }
0x2ae: {  	[tilespmem:s5+$0x400] =	vst v1  }
0x2af: {  	v1 =	vld [tilespmem:s4+$0x30];
	_ =	sdelay $0x4  }
0x2b0: {  	[tilespmem:s5+$0x410] =	vst v1  }
0x2b1: {  	v1 =	vld [tilespmem:s4+$0x40];
	_ =	sdelay $0x4  }
0x2b2: {  	[tilespmem:s5+$0x420] =	vst v1  }
0x2b3: {  	s7 =	simm.s32 $0x0;
	s6 =	simm.s32 $0xC8;
	v1 =	vld [tilespmem:s4+$0x50]  }
.LBB2_16:
0x2b4: {  	_ =	sdelay $0x2  }
0x2b5: {  	s26 =	sadd.s32 $0x80, s26;
	s7 =	sadd.s32 $0x100, s7;
	s4 =	sadd.s32 $0xC8, s4  }
0x2b6: {  	p0 =	sne.s32 s6, $0x3138;
	s8 =	smov.u32 s6;
	s6 =	sadd.s32 $0xC8, s6;
	[tilespmem:s5+$0x430] =	vst v1  }
0x2b7: {  	v1 =	vld [tilespmem:s4+$0x58];
	_ =	sdelay $0x3  }
0x2b8: {  	s9 =	sand.u32 $0x380, s26;
	s5 =	sand.u32 $0x3800, s7  }
0x2b9: {  	s9 =	sor.u32 s9, s5;
	v1 =	vperm.xlane v1, v0  }
0x2ba: {  	s5 =	sadd.s32 $0x1A400, s9  }
0x2bb: {  	[tilespmem:s5+$0x430] =	vst v1  }
0x2bc: {  	[tilespmem:s5+$0x440] =	vst.msk $0xff, v1  }
0x2bd: {  	v1 =	vld [tilespmem:s4+$0xFFFFFFA0];
	_ =	sdelay $0x4  }
0x2be: {  	[tilespmem:s9+$0x1A400] =	vst v1  }
0x2bf: {  	v1 =	vld [tilespmem:s4+$0xFFFFFFB0];
	_ =	sdelay $0x4  }
0x2c0: {  	[tilespmem:s5+$0x10] =	vst v1  }
0x2c1: {  	v1 =	vld [tilespmem:s4+$0xFFFFFFC0];
	_ =	sdelay $0x4  }
0x2c2: {  	[tilespmem:s5+$0x20] =	vst v1  }
0x2c3: {  	v1 =	vld [tilespmem:s4+$0xFFFFFFD0];
	_ =	sdelay $0x4  }
0x2c4: {  	[tilespmem:s5+$0x30] =	vst v1  }
0x2c5: {  	v1 =	vld [tilespmem:s4+$0xFFFFFFE0];
	_ =	sdelay $0x4  }
0x2c6: {  	[tilespmem:s5+$0x40] =	vst v1  }
0x2c7: {  	v1 =	vld [tilespmem:s4+$0xFFFFFFF0];
	_ =	sdelay $0x4  }
0x2c8: {  	[tilespmem:s5+$0x50] =	vst v1  }
0x2c9: {  	v1 =	vld [tilespmem:s4+$0x0];
	_ =	sdelay $0x4  }
0x2ca: {  	[tilespmem:s5+$0x60] =	vst v1  }
0x2cb: {  	v1 =	vld [tilespmem:s4+$0x10];
	_ =	sdelay $0x3  }
0x2cc: {  	s8 =	sand.u32 $0x3FF8, s8  }
0x2cd: {  	[tilespmem:s5+$0x70] =	vst v1  }
0x2ce: {  	v1 =	vld [tilespmem:s8+$0x17280];
	_ =	sdelay $0x4  }
0x2cf: {  	[tilespmem:s5+$0x400] =	vst v1  }
0x2d0: {  	v1 =	vld [tilespmem:s4+$0x30];
	_ =	sdelay $0x4  }
0x2d1: {  	[tilespmem:s5+$0x410] =	vst v1  }
0x2d2: {  	v1 =	vld [tilespmem:s4+$0x40];
	_ =	sdelay $0x1  }
.Ltmp7:
0x2d3: {  	(pc) =	sbr.rel @p0 .LBB2_16-.Ltmp7, $3  }
0x2d4: {  	_ =	sdelay $0x1  }
0x2d5: {  	[tilespmem:s5+$0x420] =	vst v1  }
0x2d6: {  	v1 =	vld [tilespmem:s4+$0x50]  }
0x2d7: {  	_ =	sdelay $0x3  }
0x2d8: {  	s26 =	simm.s32 $0x0;
	[tilespmem:s5+$0x430] =	vst v1  }
0x2d9: {  	[hbm4b:s13+s26] =	stream.linear.scatter [tilespmem:s3], [sflag:$0x2], $0x4000, $0x38;
	[tilespmem:$0x1E400] =	vst v63  }
0x2da: {  	_ =	swait.ge [sflag:s28], $0x4000  }
0x2db: {  	[sflag:s28] =	ssyncset.done $0x0  }
0x2dc: {  	[sflag:s28] =	ssyncadd.s32 $0xFFFFC000  }
0x2dd: {  	[tilespmem:s29], [sflag:$0x2] =	stream.linear.gather [hbm4b:s14+s26], $0x4000, $0x38;
	[tilespmem:$0x1E400] =	vst v63  }
0x2de: {  	_ =	swait.ge [sflag:s28], $0x4000  }
0x2df: {  	s4 =	sand.u32 $0x3800, s26;
	s8 =	sand.u32 $0x380, s26;
	[sflag:s28] =	ssyncset.done $0x0  }
0x2e0: {  	s5 =	sor.u32 s8, s4;
	[sflag:s28] =	ssyncadd.s32 $0xFFFFC000  }
0x2e1: {  	v1 =	vld [tilespmem:s5+$0x10000];
	_ =	sdelay $0x3  }
0x2e2: {  	s4 =	simm.s32 $0x14060  }
0x2e3: {  	[tilespmem:s4+$0xFFFFFFA0] =	vst v1  }
0x2e4: {  	v1 =	vld [tilespmem:s5+$0x10010];
	_ =	sdelay $0x4  }
0x2e5: {  	[tilespmem:s4+$0xFFFFFFB0] =	vst v1  }
0x2e6: {  	v1 =	vld [tilespmem:s5+$0x10020];
	_ =	sdelay $0x4  }
0x2e7: {  	[tilespmem:s4+$0xFFFFFFC0] =	vst v1  }
0x2e8: {  	v1 =	vld [tilespmem:s5+$0x10030];
	_ =	sdelay $0x4  }
0x2e9: {  	[tilespmem:s4+$0xFFFFFFD0] =	vst v1  }
0x2ea: {  	v1 =	vld [tilespmem:s5+$0x10040];
	_ =	sdelay $0x4  }
0x2eb: {  	[tilespmem:s4+$0xFFFFFFE0] =	vst v1  }
0x2ec: {  	v1 =	vld [tilespmem:s5+$0x10050];
	_ =	sdelay $0x4  }
0x2ed: {  	[tilespmem:s4+$0xFFFFFFF0] =	vst v1  }
0x2ee: {  	v1 =	vld [tilespmem:s5+$0x10060];
	_ =	sdelay $0x4  }
0x2ef: {  	[tilespmem:s4+$0x0] =	vst v1  }
0x2f0: {  	v1 =	vld [tilespmem:s5+$0x10070];
	_ =	sdelay $0x4  }
0x2f1: {  	[tilespmem:s4+$0x10] =	vst v1  }
0x2f2: {  	v1 =	vld [tilespmem:s5+$0x10400];
	_ =	sdelay $0x3  }
0x2f3: {  	s6 =	sand.u32 $0x3FF8, s26  }
0x2f4: {  	[tilespmem:s6+$0x14080] =	vst v1  }
0x2f5: {  	v1 =	vld [tilespmem:s5+$0x10410];
	_ =	sdelay $0x4  }
0x2f6: {  	[tilespmem:s4+$0x30] =	vst v1  }
0x2f7: {  	v1 =	vld [tilespmem:s5+$0x10420];
	_ =	sdelay $0x4  }
0x2f8: {  	[tilespmem:s4+$0x40] =	vst v1  }
0x2f9: {  	v1 =	vld [tilespmem:s5+$0x10430];
	_ =	sdelay $0x4  }
0x2fa: {  	s5 =	sor.u32 $0x10440, s5;
	[tilespmem:s4+$0x50] =	vst v1  }
0x2fb: {  	v2 =	vld.msk [tilespmem:s5+$0x0], $0xff;
	_ =	sdelay $0x4  }
0x2fc: {  	v1 =	vperm.xlane v1, v0;
	v2 =	vperm.xlane v2, v0  }
0x2fd: {  	s9 =	simm.s32 $0x100;
	s5 =	simm.s32 $0x80  }
0x2fe: {  	s7 =	sand.u32 $0x3800, s9;
	s6 =	simm.s32 $0x200;
	s8 =	sand.u32 $0x380, s5;
	v1 =	vsel vm0, v1, v2  }
.LBB2_18:
0x2ff: {  	p0 =	sne.s32 s6, $0x3F00;
	s7 =	sor.u32 s8, s7;
	[tilespmem:s4+$0x58] =	vst v1  }
0x300: {  	v1 =	vld [tilespmem:s7+$0x10000];
	_ =	sdelay $0x3  }
0x301: {  	s4 =	sadd.s32 $0xC8, s4  }
0x302: {  	[tilespmem:s4+$0xFFFFFFA0] =	vst v1  }
0x303: {  	v1 =	vld [tilespmem:s7+$0x10010];
	_ =	sdelay $0x4  }
0x304: {  	[tilespmem:s4+$0xFFFFFFB0] =	vst v1  }
0x305: {  	v1 =	vld [tilespmem:s7+$0x10020];
	_ =	sdelay $0x4  }
0x306: {  	[tilespmem:s4+$0xFFFFFFC0] =	vst v1  }
0x307: {  	v1 =	vld [tilespmem:s7+$0x10030];
	_ =	sdelay $0x4  }
0x308: {  	[tilespmem:s4+$0xFFFFFFD0] =	vst v1  }
0x309: {  	v1 =	vld [tilespmem:s7+$0x10040];
	_ =	sdelay $0x4  }
0x30a: {  	[tilespmem:s4+$0xFFFFFFE0] =	vst v1  }
0x30b: {  	v1 =	vld [tilespmem:s7+$0x10050];
	_ =	sdelay $0x4  }
0x30c: {  	[tilespmem:s4+$0xFFFFFFF0] =	vst v1  }
0x30d: {  	v1 =	vld [tilespmem:s7+$0x10060];
	_ =	sdelay $0x4  }
0x30e: {  	[tilespmem:s4+$0x0] =	vst v1  }
0x30f: {  	v1 =	vld [tilespmem:s7+$0x10070];
	_ =	sdelay $0x4  }
0x310: {  	[tilespmem:s4+$0x10] =	vst v1  }
0x311: {  	v1 =	vld [tilespmem:s7+$0x10400];
	_ =	sdelay $0x2  }
0x312: {  	s26 =	sadd.s32 $0xC8, s26  }
0x313: {  	s8 =	sand.u32 $0x3FF8, s26  }
0x314: {  	[tilespmem:s8+$0x14080] =	vst v1  }
0x315: {  	v1 =	vld [tilespmem:s7+$0x10410];
	_ =	sdelay $0x4  }
0x316: {  	[tilespmem:s4+$0x30] =	vst v1  }
0x317: {  	v1 =	vld [tilespmem:s7+$0x10420];
	_ =	sdelay $0x4  }
0x318: {  	[tilespmem:s4+$0x40] =	vst v1  }
0x319: {  	v1 =	vld [tilespmem:s7+$0x10430];
	_ =	sdelay $0x4  }
0x31a: {  	s7 =	sor.u32 $0x10440, s7;
	[tilespmem:s4+$0x50] =	vst v1  }
0x31b: {  	v2 =	vld.msk [tilespmem:s7+$0x0], $0xff;
	_ =	sdelay $0x2  }
.Ltmp8:
0x31c: {  	(pc) =	sbr.rel @p0 .LBB2_18-.Ltmp8, $4  }
0x31d: {  	_ = 	snop  }
0x31e: {  	v1 =	vperm.xlane v1, v0;
	v2 =	vperm.xlane v2, v0  }
0x31f: {  	s5 =	sadd.s32 $0x80, s5  }
0x320: {  	s8 =	sand.u32 $0x380, s5;
	s7 =	sand.u32 $0x3800, s6;
	s6 =	sadd.s32 $0x100, s6;
	v1 =	vsel vm0, v1, v2  }
0x321: {  	s5 =	sor.u32 s8, s7;
	[tilespmem:s4+$0x58] =	vst v1  }
0x322: {  	v1 =	vld [tilespmem:s5+$0x10000];
	_ =	sdelay $0x3  }
0x323: {  	s9 =	sadd.s32 $0xC8, s4  }
0x324: {  	[tilespmem:s9+$0xFFFFFFA0] =	vst v1  }
0x325: {  	v1 =	vld [tilespmem:s5+$0x10010];
	_ =	sdelay $0x4  }
0x326: {  	[tilespmem:s9+$0xFFFFFFB0] =	vst v1  }
0x327: {  	v1 =	vld [tilespmem:s5+$0x10020];
	_ =	sdelay $0x4  }
0x328: {  	[tilespmem:s9+$0xFFFFFFC0] =	vst v1  }
0x329: {  	v1 =	vld [tilespmem:s5+$0x10030];
	_ =	sdelay $0x4  }
0x32a: {  	[tilespmem:s9+$0xFFFFFFD0] =	vst v1  }
0x32b: {  	v1 =	vld [tilespmem:s5+$0x10040];
	_ =	sdelay $0x4  }
0x32c: {  	[tilespmem:s9+$0xFFFFFFE0] =	vst v1  }
0x32d: {  	v1 =	vld [tilespmem:s5+$0x10050];
	_ =	sdelay $0x4  }
0x32e: {  	[tilespmem:s9+$0xFFFFFFF0] =	vst v1  }
0x32f: {  	v1 =	vld [tilespmem:s5+$0x10060];
	_ =	sdelay $0x4  }
0x330: {  	[tilespmem:s9+$0x0] =	vst v1  }
0x331: {  	v1 =	vld [tilespmem:s5+$0x10070];
	_ =	sdelay $0x4  }
0x332: {  	[tilespmem:s9+$0x10] =	vst v1  }
0x333: {  	v1 =	vld [tilespmem:s5+$0x10400];
	_ =	sdelay $0x2  }
0x334: {  	s6 =	sadd.s32 $0xC8, s26  }
0x335: {  	s6 =	sand.u32 $0x3FF8, s6  }
0x336: {  	[tilespmem:s6+$0x14080] =	vst v1  }
0x337: {  	v1 =	vld [tilespmem:s5+$0x10410];
	_ =	sdelay $0x4  }
0x338: {  	[tilespmem:s9+$0x30] =	vst v1  }
0x339: {  	v1 =	vld [tilespmem:s5+$0x10420];
	_ =	sdelay $0x4  }
0x33a: {  	[tilespmem:s9+$0x40] =	vst v1  }
0x33b: {  	v1 =	vld [tilespmem:s5+$0x10430];
	_ =	sdelay $0x4  }
0x33c: {  	s5 =	sor.u32 $0x10440, s5;
	[tilespmem:s9+$0x50] =	vst v1  }
0x33d: {  	v2 =	vld.msk [tilespmem:s5+$0x0], $0xff;
	_ =	sdelay $0x4  }
0x33e: {  	v1 =	vperm.xlane v1, v0;
	v2 =	vperm.xlane v2, v0;
	_ =	sdelay $0x1  }
0x33f: {  	v1 =	vsel vm0, v1, v2  }
0x340: {  	[tilespmem:s9+$0x58] =	vst v1  }
0x341: {  	[tilespmem:s0], [sflag:$0x1] =	stream.indirect.gather [spmem:s1], $0x1, s31, s30, $0xb8;
	[tilespmem:$0x1E400] =	vst v63  }
0x342: {  	_ =	swait.ge [sflag:s24], $0x3200  }
0x343: {  	[sflag:s24] =	ssyncset.done $0x0  }
0x344: {  	s4 =	simm.s32 $0x17260;
	[sflag:s24] =	ssyncadd.s32 $0xFFFFCE00  }
0x345: {  	v1 =	vld [tilespmem:s4+$0x58];
	_ =	sdelay $0x2  }
0x346: {  	s26 =	simm.s32 $0x0  }
0x347: {  	s7 =	sand.u32 $0x3800, s26;
	s8 =	sand.u32 $0x380, s26  }
0x348: {  	s6 =	sor.u32 s8, s7;
	v1 =	vperm.xlane v1, v0  }
0x349: {  	s5 =	sadd.s32 $0x1A400, s6  }
0x34a: {  	[tilespmem:s5+$0x430] =	vst v1  }
0x34b: {  	[tilespmem:s5+$0x440] =	vst.msk $0xff, v1  }
0x34c: {  	v1 =	vld [tilespmem:s4+$0xFFFFFFA0];
	_ =	sdelay $0x4  }
0x34d: {  	[tilespmem:s6+$0x1A400] =	vst v1  }
0x34e: {  	v1 =	vld [tilespmem:s4+$0xFFFFFFB0];
	_ =	sdelay $0x4  }
0x34f: {  	[tilespmem:s5+$0x10] =	vst v1  }
0x350: {  	v1 =	vld [tilespmem:s4+$0xFFFFFFC0];
	_ =	sdelay $0x4  }
0x351: {  	[tilespmem:s5+$0x20] =	vst v1  }
0x352: {  	v1 =	vld [tilespmem:s4+$0xFFFFFFD0];
	_ =	sdelay $0x4  }
0x353: {  	[tilespmem:s5+$0x30] =	vst v1  }
0x354: {  	v1 =	vld [tilespmem:s4+$0xFFFFFFE0];
	_ =	sdelay $0x4  }
0x355: {  	[tilespmem:s5+$0x40] =	vst v1  }
0x356: {  	v1 =	vld [tilespmem:s4+$0xFFFFFFF0];
	_ =	sdelay $0x4  }
0x357: {  	[tilespmem:s5+$0x50] =	vst v1  }
0x358: {  	v1 =	vld [tilespmem:s4+$0x0];
	_ =	sdelay $0x4  }
0x359: {  	[tilespmem:s5+$0x60] =	vst v1  }
0x35a: {  	v1 =	vld [tilespmem:s4+$0x10];
	_ =	sdelay $0x4  }
0x35b: {  	s9 =	sand.u32 $0x3FF8, s26;
	[tilespmem:s5+$0x70] =	vst v1  }
0x35c: {  	v1 =	vld [tilespmem:s9+$0x17280];
	_ =	sdelay $0x4  }
0x35d: {  	[tilespmem:s5+$0x400] =	vst v1  }
0x35e: {  	v1 =	vld [tilespmem:s4+$0x30];
	_ =	sdelay $0x4  }
0x35f: {  	[tilespmem:s5+$0x410] =	vst v1  }
0x360: {  	v1 =	vld [tilespmem:s4+$0x40];
	_ =	sdelay $0x4  }
0x361: {  	[tilespmem:s5+$0x420] =	vst v1  }
0x362: {  	s7 =	simm.s32 $0x0;
	s6 =	simm.s32 $0xC8;
	v1 =	vld [tilespmem:s4+$0x50]  }
.LBB2_20:
0x363: {  	_ =	sdelay $0x2  }
0x364: {  	s26 =	sadd.s32 $0x80, s26;
	s7 =	sadd.s32 $0x100, s7;
	s4 =	sadd.s32 $0xC8, s4  }
0x365: {  	p0 =	sne.s32 s6, $0x3138;
	s8 =	smov.u32 s6;
	s6 =	sadd.s32 $0xC8, s6;
	[tilespmem:s5+$0x430] =	vst v1  }
0x366: {  	v1 =	vld [tilespmem:s4+$0x58];
	_ =	sdelay $0x3  }
0x367: {  	s9 =	sand.u32 $0x380, s26;
	s5 =	sand.u32 $0x3800, s7  }
0x368: {  	s9 =	sor.u32 s9, s5;
	v1 =	vperm.xlane v1, v0  }
0x369: {  	s5 =	sadd.s32 $0x1A400, s9  }
0x36a: {  	[tilespmem:s5+$0x430] =	vst v1  }
0x36b: {  	[tilespmem:s5+$0x440] =	vst.msk $0xff, v1  }
0x36c: {  	v1 =	vld [tilespmem:s4+$0xFFFFFFA0];
	_ =	sdelay $0x4  }
0x36d: {  	[tilespmem:s9+$0x1A400] =	vst v1  }
0x36e: {  	v1 =	vld [tilespmem:s4+$0xFFFFFFB0];
	_ =	sdelay $0x4  }
0x36f: {  	[tilespmem:s5+$0x10] =	vst v1  }
0x370: {  	v1 =	vld [tilespmem:s4+$0xFFFFFFC0];
	_ =	sdelay $0x4  }
0x371: {  	[tilespmem:s5+$0x20] =	vst v1  }
0x372: {  	v1 =	vld [tilespmem:s4+$0xFFFFFFD0];
	_ =	sdelay $0x4  }
0x373: {  	[tilespmem:s5+$0x30] =	vst v1  }
0x374: {  	v1 =	vld [tilespmem:s4+$0xFFFFFFE0];
	_ =	sdelay $0x4  }
0x375: {  	[tilespmem:s5+$0x40] =	vst v1  }
0x376: {  	v1 =	vld [tilespmem:s4+$0xFFFFFFF0];
	_ =	sdelay $0x4  }
0x377: {  	[tilespmem:s5+$0x50] =	vst v1  }
0x378: {  	v1 =	vld [tilespmem:s4+$0x0];
	_ =	sdelay $0x4  }
0x379: {  	[tilespmem:s5+$0x60] =	vst v1  }
0x37a: {  	v1 =	vld [tilespmem:s4+$0x10];
	_ =	sdelay $0x3  }
0x37b: {  	s8 =	sand.u32 $0x3FF8, s8  }
0x37c: {  	[tilespmem:s5+$0x70] =	vst v1  }
0x37d: {  	v1 =	vld [tilespmem:s8+$0x17280];
	_ =	sdelay $0x4  }
0x37e: {  	[tilespmem:s5+$0x400] =	vst v1  }
0x37f: {  	v1 =	vld [tilespmem:s4+$0x30];
	_ =	sdelay $0x4  }
0x380: {  	[tilespmem:s5+$0x410] =	vst v1  }
0x381: {  	v1 =	vld [tilespmem:s4+$0x40];
	_ =	sdelay $0x1  }
.Ltmp9:
0x382: {  	(pc) =	sbr.rel @p0 .LBB2_20-.Ltmp9, $3  }
0x383: {  	_ =	sdelay $0x1  }
0x384: {  	[tilespmem:s5+$0x420] =	vst v1  }
0x385: {  	v1 =	vld [tilespmem:s4+$0x50]  }
0x386: {  	_ =	sdelay $0x3  }
0x387: {  	s26 =	simm.s32 $0x0;
	[tilespmem:s5+$0x430] =	vst v1  }
0x388: {  	[hbm4b:s15+s26] =	stream.linear.scatter [tilespmem:s3], [sflag:$0x2], $0x4000, $0x38;
	[tilespmem:$0x1E400] =	vst v63  }
0x389: {  	_ =	swait.ge [sflag:s28], $0x4000  }
0x38a: {  	[sflag:s28] =	ssyncset.done $0x0  }
0x38b: {  	[sflag:s28] =	ssyncadd.s32 $0xFFFFC000  }
0x38c: {  	[tilespmem:s29], [sflag:$0x2] =	stream.linear.gather [hbm4b:s16+s26], $0x4000, $0x38;
	[tilespmem:$0x1E400] =	vst v63  }
0x38d: {  	_ =	swait.ge [sflag:s28], $0x4000  }
0x38e: {  	s4 =	sand.u32 $0x3800, s26;
	s8 =	sand.u32 $0x380, s26;
	[sflag:s28] =	ssyncset.done $0x0  }
0x38f: {  	s5 =	sor.u32 s8, s4;
	[sflag:s28] =	ssyncadd.s32 $0xFFFFC000  }
0x390: {  	v1 =	vld [tilespmem:s5+$0x10000];
	_ =	sdelay $0x3  }
0x391: {  	s4 =	simm.s32 $0x14060  }
0x392: {  	[tilespmem:s4+$0xFFFFFFA0] =	vst v1  }
0x393: {  	v1 =	vld [tilespmem:s5+$0x10010];
	_ =	sdelay $0x4  }
0x394: {  	[tilespmem:s4+$0xFFFFFFB0] =	vst v1  }
0x395: {  	v1 =	vld [tilespmem:s5+$0x10020];
	_ =	sdelay $0x4  }
0x396: {  	[tilespmem:s4+$0xFFFFFFC0] =	vst v1  }
0x397: {  	v1 =	vld [tilespmem:s5+$0x10030];
	_ =	sdelay $0x4  }
0x398: {  	[tilespmem:s4+$0xFFFFFFD0] =	vst v1  }
0x399: {  	v1 =	vld [tilespmem:s5+$0x10040];
	_ =	sdelay $0x4  }
0x39a: {  	[tilespmem:s4+$0xFFFFFFE0] =	vst v1  }
0x39b: {  	v1 =	vld [tilespmem:s5+$0x10050];
	_ =	sdelay $0x4  }
0x39c: {  	[tilespmem:s4+$0xFFFFFFF0] =	vst v1  }
0x39d: {  	v1 =	vld [tilespmem:s5+$0x10060];
	_ =	sdelay $0x4  }
0x39e: {  	[tilespmem:s4+$0x0] =	vst v1  }
0x39f: {  	v1 =	vld [tilespmem:s5+$0x10070];
	_ =	sdelay $0x4  }
0x3a0: {  	[tilespmem:s4+$0x10] =	vst v1  }
0x3a1: {  	v1 =	vld [tilespmem:s5+$0x10400];
	_ =	sdelay $0x3  }
0x3a2: {  	s6 =	sand.u32 $0x3FF8, s26  }
0x3a3: {  	[tilespmem:s6+$0x14080] =	vst v1  }
0x3a4: {  	v1 =	vld [tilespmem:s5+$0x10410];
	_ =	sdelay $0x4  }
0x3a5: {  	[tilespmem:s4+$0x30] =	vst v1  }
0x3a6: {  	v1 =	vld [tilespmem:s5+$0x10420];
	_ =	sdelay $0x4  }
0x3a7: {  	[tilespmem:s4+$0x40] =	vst v1  }
0x3a8: {  	v1 =	vld [tilespmem:s5+$0x10430];
	_ =	sdelay $0x4  }
0x3a9: {  	s5 =	sor.u32 $0x10440, s5;
	[tilespmem:s4+$0x50] =	vst v1  }
0x3aa: {  	v2 =	vld.msk [tilespmem:s5+$0x0], $0xff;
	_ =	sdelay $0x4  }
0x3ab: {  	v1 =	vperm.xlane v1, v0;
	v2 =	vperm.xlane v2, v0  }
0x3ac: {  	s9 =	simm.s32 $0x100;
	s5 =	simm.s32 $0x80  }
0x3ad: {  	s7 =	sand.u32 $0x3800, s9;
	s6 =	simm.s32 $0x200;
	s8 =	sand.u32 $0x380, s5;
	v1 =	vsel vm0, v1, v2  }
.LBB2_22:
0x3ae: {  	p0 =	sne.s32 s6, $0x3F00;
	s7 =	sor.u32 s8, s7;
	[tilespmem:s4+$0x58] =	vst v1  }
0x3af: {  	v1 =	vld [tilespmem:s7+$0x10000];
	_ =	sdelay $0x3  }
0x3b0: {  	s4 =	sadd.s32 $0xC8, s4  }
0x3b1: {  	[tilespmem:s4+$0xFFFFFFA0] =	vst v1  }
0x3b2: {  	v1 =	vld [tilespmem:s7+$0x10010];
	_ =	sdelay $0x4  }
0x3b3: {  	[tilespmem:s4+$0xFFFFFFB0] =	vst v1  }
0x3b4: {  	v1 =	vld [tilespmem:s7+$0x10020];
	_ =	sdelay $0x4  }
0x3b5: {  	[tilespmem:s4+$0xFFFFFFC0] =	vst v1  }
0x3b6: {  	v1 =	vld [tilespmem:s7+$0x10030];
	_ =	sdelay $0x4  }
0x3b7: {  	[tilespmem:s4+$0xFFFFFFD0] =	vst v1  }
0x3b8: {  	v1 =	vld [tilespmem:s7+$0x10040];
	_ =	sdelay $0x4  }
0x3b9: {  	[tilespmem:s4+$0xFFFFFFE0] =	vst v1  }
0x3ba: {  	v1 =	vld [tilespmem:s7+$0x10050];
	_ =	sdelay $0x4  }
0x3bb: {  	[tilespmem:s4+$0xFFFFFFF0] =	vst v1  }
0x3bc: {  	v1 =	vld [tilespmem:s7+$0x10060];
	_ =	sdelay $0x4  }
0x3bd: {  	[tilespmem:s4+$0x0] =	vst v1  }
0x3be: {  	v1 =	vld [tilespmem:s7+$0x10070];
	_ =	sdelay $0x4  }
0x3bf: {  	[tilespmem:s4+$0x10] =	vst v1  }
0x3c0: {  	v1 =	vld [tilespmem:s7+$0x10400];
	_ =	sdelay $0x2  }
0x3c1: {  	s26 =	sadd.s32 $0xC8, s26  }
0x3c2: {  	s8 =	sand.u32 $0x3FF8, s26  }
0x3c3: {  	[tilespmem:s8+$0x14080] =	vst v1  }
0x3c4: {  	v1 =	vld [tilespmem:s7+$0x10410];
	_ =	sdelay $0x4  }
0x3c5: {  	[tilespmem:s4+$0x30] =	vst v1  }
0x3c6: {  	v1 =	vld [tilespmem:s7+$0x10420];
	_ =	sdelay $0x4  }
0x3c7: {  	[tilespmem:s4+$0x40] =	vst v1  }
0x3c8: {  	v1 =	vld [tilespmem:s7+$0x10430];
	_ =	sdelay $0x4  }
0x3c9: {  	s7 =	sor.u32 $0x10440, s7;
	[tilespmem:s4+$0x50] =	vst v1  }
0x3ca: {  	v2 =	vld.msk [tilespmem:s7+$0x0], $0xff;
	_ =	sdelay $0x2  }
.Ltmp10:
0x3cb: {  	(pc) =	sbr.rel @p0 .LBB2_22-.Ltmp10, $4  }
0x3cc: {  	_ = 	snop  }
0x3cd: {  	v1 =	vperm.xlane v1, v0;
	v2 =	vperm.xlane v2, v0  }
0x3ce: {  	s5 =	sadd.s32 $0x80, s5  }
0x3cf: {  	s8 =	sand.u32 $0x380, s5;
	s7 =	sand.u32 $0x3800, s6;
	s6 =	sadd.s32 $0x100, s6;
	v1 =	vsel vm0, v1, v2  }
0x3d0: {  	s5 =	sor.u32 s8, s7;
	[tilespmem:s4+$0x58] =	vst v1  }
0x3d1: {  	v1 =	vld [tilespmem:s5+$0x10000];
	_ =	sdelay $0x3  }
0x3d2: {  	s9 =	sadd.s32 $0xC8, s4  }
0x3d3: {  	[tilespmem:s9+$0xFFFFFFA0] =	vst v1  }
0x3d4: {  	v1 =	vld [tilespmem:s5+$0x10010];
	_ =	sdelay $0x4  }
0x3d5: {  	[tilespmem:s9+$0xFFFFFFB0] =	vst v1  }
0x3d6: {  	v1 =	vld [tilespmem:s5+$0x10020];
	_ =	sdelay $0x4  }
0x3d7: {  	[tilespmem:s9+$0xFFFFFFC0] =	vst v1  }
0x3d8: {  	v1 =	vld [tilespmem:s5+$0x10030];
	_ =	sdelay $0x4  }
0x3d9: {  	[tilespmem:s9+$0xFFFFFFD0] =	vst v1  }
0x3da: {  	v1 =	vld [tilespmem:s5+$0x10040];
	_ =	sdelay $0x4  }
0x3db: {  	[tilespmem:s9+$0xFFFFFFE0] =	vst v1  }
0x3dc: {  	v1 =	vld [tilespmem:s5+$0x10050];
	_ =	sdelay $0x4  }
0x3dd: {  	[tilespmem:s9+$0xFFFFFFF0] =	vst v1  }
0x3de: {  	v1 =	vld [tilespmem:s5+$0x10060];
	_ =	sdelay $0x4  }
0x3df: {  	[tilespmem:s9+$0x0] =	vst v1  }
0x3e0: {  	v1 =	vld [tilespmem:s5+$0x10070];
	_ =	sdelay $0x4  }
0x3e1: {  	[tilespmem:s9+$0x10] =	vst v1  }
0x3e2: {  	v1 =	vld [tilespmem:s5+$0x10400];
	_ =	sdelay $0x2  }
0x3e3: {  	s6 =	sadd.s32 $0xC8, s26  }
0x3e4: {  	s6 =	sand.u32 $0x3FF8, s6  }
0x3e5: {  	[tilespmem:s6+$0x14080] =	vst v1  }
0x3e6: {  	v1 =	vld [tilespmem:s5+$0x10410];
	_ =	sdelay $0x4  }
0x3e7: {  	[tilespmem:s9+$0x30] =	vst v1  }
0x3e8: {  	v1 =	vld [tilespmem:s5+$0x10420];
	_ =	sdelay $0x4  }
0x3e9: {  	[tilespmem:s9+$0x40] =	vst v1  }
0x3ea: {  	v1 =	vld [tilespmem:s5+$0x10430];
	_ =	sdelay $0x4  }
0x3eb: {  	s5 =	sor.u32 $0x10440, s5;
	[tilespmem:s9+$0x50] =	vst v1  }
0x3ec: {  	v2 =	vld.msk [tilespmem:s5+$0x0], $0xff;
	_ =	sdelay $0x4  }
0x3ed: {  	v1 =	vperm.xlane v1, v0;
	v2 =	vperm.xlane v2, v0;
	_ =	sdelay $0x1  }
0x3ee: {  	v1 =	vsel vm0, v1, v2  }
0x3ef: {  	[tilespmem:s9+$0x58] =	vst v1  }
0x3f0: {  	[tilespmem:s0], [sflag:$0x1] =	stream.indirect.gather [spmem:s1], $0x1, s31, s30, $0xb8;
	[tilespmem:$0x1E400] =	vst v63  }
0x3f1: {  	_ =	swait.ge [sflag:s24], $0x3200  }
0x3f2: {  	[sflag:s24] =	ssyncset.done $0x0  }
0x3f3: {  	s4 =	simm.s32 $0x17260;
	[sflag:s24] =	ssyncadd.s32 $0xFFFFCE00  }
0x3f4: {  	v1 =	vld [tilespmem:s4+$0x58];
	_ =	sdelay $0x2  }
0x3f5: {  	s26 =	simm.s32 $0x0  }
0x3f6: {  	s7 =	sand.u32 $0x3800, s26;
	s8 =	sand.u32 $0x380, s26  }
0x3f7: {  	s6 =	sor.u32 s8, s7;
	v1 =	vperm.xlane v1, v0  }
0x3f8: {  	s5 =	sadd.s32 $0x1A400, s6  }
0x3f9: {  	[tilespmem:s5+$0x430] =	vst v1  }
0x3fa: {  	[tilespmem:s5+$0x440] =	vst.msk $0xff, v1  }
0x3fb: {  	v1 =	vld [tilespmem:s4+$0xFFFFFFA0];
	_ =	sdelay $0x4  }
0x3fc: {  	[tilespmem:s6+$0x1A400] =	vst v1  }
0x3fd: {  	v1 =	vld [tilespmem:s4+$0xFFFFFFB0];
	_ =	sdelay $0x4  }
0x3fe: {  	[tilespmem:s5+$0x10] =	vst v1  }
0x3ff: {  	v1 =	vld [tilespmem:s4+$0xFFFFFFC0];
	_ =	sdelay $0x4  }
0x400: {  	[tilespmem:s5+$0x20] =	vst v1  }
0x401: {  	v1 =	vld [tilespmem:s4+$0xFFFFFFD0];
	_ =	sdelay $0x4  }
0x402: {  	[tilespmem:s5+$0x30] =	vst v1  }
0x403: {  	v1 =	vld [tilespmem:s4+$0xFFFFFFE0];
	_ =	sdelay $0x4  }
0x404: {  	[tilespmem:s5+$0x40] =	vst v1  }
0x405: {  	v1 =	vld [tilespmem:s4+$0xFFFFFFF0];
	_ =	sdelay $0x4  }
0x406: {  	[tilespmem:s5+$0x50] =	vst v1  }
0x407: {  	v1 =	vld [tilespmem:s4+$0x0];
	_ =	sdelay $0x4  }
0x408: {  	[tilespmem:s5+$0x60] =	vst v1  }
0x409: {  	v1 =	vld [tilespmem:s4+$0x10];
	_ =	sdelay $0x4  }
0x40a: {  	s9 =	sand.u32 $0x3FF8, s26;
	[tilespmem:s5+$0x70] =	vst v1  }
0x40b: {  	v1 =	vld [tilespmem:s9+$0x17280];
	_ =	sdelay $0x4  }
0x40c: {  	[tilespmem:s5+$0x400] =	vst v1  }
0x40d: {  	v1 =	vld [tilespmem:s4+$0x30];
	_ =	sdelay $0x4  }
0x40e: {  	[tilespmem:s5+$0x410] =	vst v1  }
0x40f: {  	v1 =	vld [tilespmem:s4+$0x40];
	_ =	sdelay $0x4  }
0x410: {  	[tilespmem:s5+$0x420] =	vst v1  }
0x411: {  	s7 =	simm.s32 $0x0;
	s6 =	simm.s32 $0xC8;
	v1 =	vld [tilespmem:s4+$0x50]  }
.LBB2_24:
0x412: {  	_ =	sdelay $0x2  }
0x413: {  	s26 =	sadd.s32 $0x80, s26;
	s7 =	sadd.s32 $0x100, s7;
	s4 =	sadd.s32 $0xC8, s4  }
0x414: {  	p0 =	sne.s32 s6, $0x3138;
	s8 =	smov.u32 s6;
	s6 =	sadd.s32 $0xC8, s6;
	[tilespmem:s5+$0x430] =	vst v1  }
0x415: {  	v1 =	vld [tilespmem:s4+$0x58];
	_ =	sdelay $0x3  }
0x416: {  	s9 =	sand.u32 $0x380, s26;
	s5 =	sand.u32 $0x3800, s7  }
0x417: {  	s9 =	sor.u32 s9, s5;
	v1 =	vperm.xlane v1, v0  }
0x418: {  	s5 =	sadd.s32 $0x1A400, s9  }
0x419: {  	[tilespmem:s5+$0x430] =	vst v1  }
0x41a: {  	[tilespmem:s5+$0x440] =	vst.msk $0xff, v1  }
0x41b: {  	v1 =	vld [tilespmem:s4+$0xFFFFFFA0];
	_ =	sdelay $0x4  }
0x41c: {  	[tilespmem:s9+$0x1A400] =	vst v1  }
0x41d: {  	v1 =	vld [tilespmem:s4+$0xFFFFFFB0];
	_ =	sdelay $0x4  }
0x41e: {  	[tilespmem:s5+$0x10] =	vst v1  }
0x41f: {  	v1 =	vld [tilespmem:s4+$0xFFFFFFC0];
	_ =	sdelay $0x4  }
0x420: {  	[tilespmem:s5+$0x20] =	vst v1  }
0x421: {  	v1 =	vld [tilespmem:s4+$0xFFFFFFD0];
	_ =	sdelay $0x4  }
0x422: {  	[tilespmem:s5+$0x30] =	vst v1  }
0x423: {  	v1 =	vld [tilespmem:s4+$0xFFFFFFE0];
	_ =	sdelay $0x4  }
0x424: {  	[tilespmem:s5+$0x40] =	vst v1  }
0x425: {  	v1 =	vld [tilespmem:s4+$0xFFFFFFF0];
	_ =	sdelay $0x4  }
0x426: {  	[tilespmem:s5+$0x50] =	vst v1  }
0x427: {  	v1 =	vld [tilespmem:s4+$0x0];
	_ =	sdelay $0x4  }
0x428: {  	[tilespmem:s5+$0x60] =	vst v1  }
0x429: {  	v1 =	vld [tilespmem:s4+$0x10];
	_ =	sdelay $0x3  }
0x42a: {  	s8 =	sand.u32 $0x3FF8, s8  }
0x42b: {  	[tilespmem:s5+$0x70] =	vst v1  }
0x42c: {  	v1 =	vld [tilespmem:s8+$0x17280];
	_ =	sdelay $0x4  }
0x42d: {  	[tilespmem:s5+$0x400] =	vst v1  }
0x42e: {  	v1 =	vld [tilespmem:s4+$0x30];
	_ =	sdelay $0x4  }
0x42f: {  	[tilespmem:s5+$0x410] =	vst v1  }
0x430: {  	v1 =	vld [tilespmem:s4+$0x40];
	_ =	sdelay $0x1  }
.Ltmp11:
0x431: {  	(pc) =	sbr.rel @p0 .LBB2_24-.Ltmp11, $3  }
0x432: {  	_ =	sdelay $0x1  }
0x433: {  	[tilespmem:s5+$0x420] =	vst v1  }
0x434: {  	v1 =	vld [tilespmem:s4+$0x50]  }
0x435: {  	_ =	sdelay $0x3  }
0x436: {  	s26 =	simm.s32 $0x0;
	[tilespmem:s5+$0x430] =	vst v1  }
0x437: {  	[hbm4b:s17+s26] =	stream.linear.scatter [tilespmem:s3], [sflag:$0x2], $0x4000, $0x38;
	[tilespmem:$0x1E400] =	vst v63  }
0x438: {  	_ =	swait.ge [sflag:s28], $0x4000  }
0x439: {  	[sflag:s28] =	ssyncset.done $0x0  }
0x43a: {  	[sflag:s28] =	ssyncadd.s32 $0xFFFFC000  }
0x43b: {  	[tilespmem:s29], [sflag:$0x2] =	stream.linear.gather [hbm4b:s18+s26], $0x4000, $0x38;
	[tilespmem:$0x1E400] =	vst v63  }
0x43c: {  	_ =	swait.ge [sflag:s28], $0x4000  }
0x43d: {  	s4 =	sand.u32 $0x3800, s26;
	s8 =	sand.u32 $0x380, s26;
	[sflag:s28] =	ssyncset.done $0x0  }
0x43e: {  	s5 =	sor.u32 s8, s4;
	[sflag:s28] =	ssyncadd.s32 $0xFFFFC000  }
0x43f: {  	v1 =	vld [tilespmem:s5+$0x10000];
	_ =	sdelay $0x3  }
0x440: {  	s4 =	simm.s32 $0x14060  }
0x441: {  	[tilespmem:s4+$0xFFFFFFA0] =	vst v1  }
0x442: {  	v1 =	vld [tilespmem:s5+$0x10010];
	_ =	sdelay $0x4  }
0x443: {  	[tilespmem:s4+$0xFFFFFFB0] =	vst v1  }
0x444: {  	v1 =	vld [tilespmem:s5+$0x10020];
	_ =	sdelay $0x4  }
0x445: {  	[tilespmem:s4+$0xFFFFFFC0] =	vst v1  }
0x446: {  	v1 =	vld [tilespmem:s5+$0x10030];
	_ =	sdelay $0x4  }
0x447: {  	[tilespmem:s4+$0xFFFFFFD0] =	vst v1  }
0x448: {  	v1 =	vld [tilespmem:s5+$0x10040];
	_ =	sdelay $0x4  }
0x449: {  	[tilespmem:s4+$0xFFFFFFE0] =	vst v1  }
0x44a: {  	v1 =	vld [tilespmem:s5+$0x10050];
	_ =	sdelay $0x4  }
0x44b: {  	[tilespmem:s4+$0xFFFFFFF0] =	vst v1  }
0x44c: {  	v1 =	vld [tilespmem:s5+$0x10060];
	_ =	sdelay $0x4  }
0x44d: {  	[tilespmem:s4+$0x0] =	vst v1  }
0x44e: {  	v1 =	vld [tilespmem:s5+$0x10070];
	_ =	sdelay $0x4  }
0x44f: {  	[tilespmem:s4+$0x10] =	vst v1  }
0x450: {  	v1 =	vld [tilespmem:s5+$0x10400];
	_ =	sdelay $0x3  }
0x451: {  	s6 =	sand.u32 $0x3FF8, s26  }
0x452: {  	[tilespmem:s6+$0x14080] =	vst v1  }
0x453: {  	v1 =	vld [tilespmem:s5+$0x10410];
	_ =	sdelay $0x4  }
0x454: {  	[tilespmem:s4+$0x30] =	vst v1  }
0x455: {  	v1 =	vld [tilespmem:s5+$0x10420];
	_ =	sdelay $0x4  }
0x456: {  	[tilespmem:s4+$0x40] =	vst v1  }
0x457: {  	v1 =	vld [tilespmem:s5+$0x10430];
	_ =	sdelay $0x4  }
0x458: {  	s5 =	sor.u32 $0x10440, s5;
	[tilespmem:s4+$0x50] =	vst v1  }
0x459: {  	v2 =	vld.msk [tilespmem:s5+$0x0], $0xff;
	_ =	sdelay $0x4  }
0x45a: {  	v1 =	vperm.xlane v1, v0;
	v2 =	vperm.xlane v2, v0  }
0x45b: {  	s9 =	simm.s32 $0x100;
	s5 =	simm.s32 $0x80  }
0x45c: {  	s7 =	sand.u32 $0x3800, s9;
	s6 =	simm.s32 $0x200;
	s8 =	sand.u32 $0x380, s5;
	v1 =	vsel vm0, v1, v2  }
.LBB2_26:
0x45d: {  	p0 =	sne.s32 s6, $0x3F00;
	s7 =	sor.u32 s8, s7;
	[tilespmem:s4+$0x58] =	vst v1  }
0x45e: {  	v1 =	vld [tilespmem:s7+$0x10000];
	_ =	sdelay $0x3  }
0x45f: {  	s4 =	sadd.s32 $0xC8, s4  }
0x460: {  	[tilespmem:s4+$0xFFFFFFA0] =	vst v1  }
0x461: {  	v1 =	vld [tilespmem:s7+$0x10010];
	_ =	sdelay $0x4  }
0x462: {  	[tilespmem:s4+$0xFFFFFFB0] =	vst v1  }
0x463: {  	v1 =	vld [tilespmem:s7+$0x10020];
	_ =	sdelay $0x4  }
0x464: {  	[tilespmem:s4+$0xFFFFFFC0] =	vst v1  }
0x465: {  	v1 =	vld [tilespmem:s7+$0x10030];
	_ =	sdelay $0x4  }
0x466: {  	[tilespmem:s4+$0xFFFFFFD0] =	vst v1  }
0x467: {  	v1 =	vld [tilespmem:s7+$0x10040];
	_ =	sdelay $0x4  }
0x468: {  	[tilespmem:s4+$0xFFFFFFE0] =	vst v1  }
0x469: {  	v1 =	vld [tilespmem:s7+$0x10050];
	_ =	sdelay $0x4  }
0x46a: {  	[tilespmem:s4+$0xFFFFFFF0] =	vst v1  }
0x46b: {  	v1 =	vld [tilespmem:s7+$0x10060];
	_ =	sdelay $0x4  }
0x46c: {  	[tilespmem:s4+$0x0] =	vst v1  }
0x46d: {  	v1 =	vld [tilespmem:s7+$0x10070];
	_ =	sdelay $0x4  }
0x46e: {  	[tilespmem:s4+$0x10] =	vst v1  }
0x46f: {  	v1 =	vld [tilespmem:s7+$0x10400];
	_ =	sdelay $0x2  }
0x470: {  	s26 =	sadd.s32 $0xC8, s26  }
0x471: {  	s8 =	sand.u32 $0x3FF8, s26  }
0x472: {  	[tilespmem:s8+$0x14080] =	vst v1  }
0x473: {  	v1 =	vld [tilespmem:s7+$0x10410];
	_ =	sdelay $0x4  }
0x474: {  	[tilespmem:s4+$0x30] =	vst v1  }
0x475: {  	v1 =	vld [tilespmem:s7+$0x10420];
	_ =	sdelay $0x4  }
0x476: {  	[tilespmem:s4+$0x40] =	vst v1  }
0x477: {  	v1 =	vld [tilespmem:s7+$0x10430];
	_ =	sdelay $0x4  }
0x478: {  	s7 =	sor.u32 $0x10440, s7;
	[tilespmem:s4+$0x50] =	vst v1  }
0x479: {  	v2 =	vld.msk [tilespmem:s7+$0x0], $0xff;
	_ =	sdelay $0x2  }
.Ltmp12:
0x47a: {  	(pc) =	sbr.rel @p0 .LBB2_26-.Ltmp12, $4  }
0x47b: {  	_ = 	snop  }
0x47c: {  	v1 =	vperm.xlane v1, v0;
	v2 =	vperm.xlane v2, v0  }
0x47d: {  	s5 =	sadd.s32 $0x80, s5  }
0x47e: {  	s8 =	sand.u32 $0x380, s5;
	s7 =	sand.u32 $0x3800, s6;
	s6 =	sadd.s32 $0x100, s6;
	v1 =	vsel vm0, v1, v2  }
0x47f: {  	s5 =	sor.u32 s8, s7;
	[tilespmem:s4+$0x58] =	vst v1  }
0x480: {  	v1 =	vld [tilespmem:s5+$0x10000];
	_ =	sdelay $0x3  }
0x481: {  	s9 =	sadd.s32 $0xC8, s4  }
0x482: {  	[tilespmem:s9+$0xFFFFFFA0] =	vst v1  }
0x483: {  	v1 =	vld [tilespmem:s5+$0x10010];
	_ =	sdelay $0x4  }
0x484: {  	[tilespmem:s9+$0xFFFFFFB0] =	vst v1  }
0x485: {  	v1 =	vld [tilespmem:s5+$0x10020];
	_ =	sdelay $0x4  }
0x486: {  	[tilespmem:s9+$0xFFFFFFC0] =	vst v1  }
0x487: {  	v1 =	vld [tilespmem:s5+$0x10030];
	_ =	sdelay $0x4  }
0x488: {  	[tilespmem:s9+$0xFFFFFFD0] =	vst v1  }
0x489: {  	v1 =	vld [tilespmem:s5+$0x10040];
	_ =	sdelay $0x4  }
0x48a: {  	[tilespmem:s9+$0xFFFFFFE0] =	vst v1  }
0x48b: {  	v1 =	vld [tilespmem:s5+$0x10050];
	_ =	sdelay $0x4  }
0x48c: {  	[tilespmem:s9+$0xFFFFFFF0] =	vst v1  }
0x48d: {  	v1 =	vld [tilespmem:s5+$0x10060];
	_ =	sdelay $0x4  }
0x48e: {  	[tilespmem:s9+$0x0] =	vst v1  }
0x48f: {  	v1 =	vld [tilespmem:s5+$0x10070];
	_ =	sdelay $0x4  }
0x490: {  	[tilespmem:s9+$0x10] =	vst v1  }
0x491: {  	v1 =	vld [tilespmem:s5+$0x10400];
	_ =	sdelay $0x2  }
0x492: {  	s6 =	sadd.s32 $0xC8, s26  }
0x493: {  	s6 =	sand.u32 $0x3FF8, s6  }
0x494: {  	[tilespmem:s6+$0x14080] =	vst v1  }
0x495: {  	v1 =	vld [tilespmem:s5+$0x10410];
	_ =	sdelay $0x4  }
0x496: {  	[tilespmem:s9+$0x30] =	vst v1  }
0x497: {  	v1 =	vld [tilespmem:s5+$0x10420];
	_ =	sdelay $0x4  }
0x498: {  	[tilespmem:s9+$0x40] =	vst v1  }
0x499: {  	v1 =	vld [tilespmem:s5+$0x10430];
	_ =	sdelay $0x4  }
0x49a: {  	s5 =	sor.u32 $0x10440, s5;
	[tilespmem:s9+$0x50] =	vst v1  }
0x49b: {  	v2 =	vld.msk [tilespmem:s5+$0x0], $0xff;
	_ =	sdelay $0x4  }
0x49c: {  	v1 =	vperm.xlane v1, v0;
	v2 =	vperm.xlane v2, v0;
	_ =	sdelay $0x1  }
0x49d: {  	v1 =	vsel vm0, v1, v2  }
0x49e: {  	[tilespmem:s9+$0x58] =	vst v1  }
0x49f: {  	[tilespmem:s0], [sflag:$0x1] =	stream.indirect.gather [spmem:s1], $0x1, s31, s30, $0xb8;
	[tilespmem:$0x1E400] =	vst v63  }
0x4a0: {  	_ =	swait.ge [sflag:s24], $0x3200  }
0x4a1: {  	[sflag:s24] =	ssyncset.done $0x0  }
0x4a2: {  	s4 =	simm.s32 $0x17260;
	[sflag:s24] =	ssyncadd.s32 $0xFFFFCE00  }
0x4a3: {  	v1 =	vld [tilespmem:s4+$0x58];
	_ =	sdelay $0x2  }
0x4a4: {  	s26 =	simm.s32 $0x0  }
0x4a5: {  	s7 =	sand.u32 $0x3800, s26;
	s8 =	sand.u32 $0x380, s26  }
0x4a6: {  	s6 =	sor.u32 s8, s7;
	v1 =	vperm.xlane v1, v0  }
0x4a7: {  	s5 =	sadd.s32 $0x1A400, s6  }
0x4a8: {  	[tilespmem:s5+$0x430] =	vst v1  }
0x4a9: {  	[tilespmem:s5+$0x440] =	vst.msk $0xff, v1  }
0x4aa: {  	v1 =	vld [tilespmem:s4+$0xFFFFFFA0];
	_ =	sdelay $0x4  }
0x4ab: {  	[tilespmem:s6+$0x1A400] =	vst v1  }
0x4ac: {  	v1 =	vld [tilespmem:s4+$0xFFFFFFB0];
	_ =	sdelay $0x4  }
0x4ad: {  	[tilespmem:s5+$0x10] =	vst v1  }
0x4ae: {  	v1 =	vld [tilespmem:s4+$0xFFFFFFC0];
	_ =	sdelay $0x4  }
0x4af: {  	[tilespmem:s5+$0x20] =	vst v1  }
0x4b0: {  	v1 =	vld [tilespmem:s4+$0xFFFFFFD0];
	_ =	sdelay $0x4  }
0x4b1: {  	[tilespmem:s5+$0x30] =	vst v1  }
0x4b2: {  	v1 =	vld [tilespmem:s4+$0xFFFFFFE0];
	_ =	sdelay $0x4  }
0x4b3: {  	[tilespmem:s5+$0x40] =	vst v1  }
0x4b4: {  	v1 =	vld [tilespmem:s4+$0xFFFFFFF0];
	_ =	sdelay $0x4  }
0x4b5: {  	[tilespmem:s5+$0x50] =	vst v1  }
0x4b6: {  	v1 =	vld [tilespmem:s4+$0x0];
	_ =	sdelay $0x4  }
0x4b7: {  	[tilespmem:s5+$0x60] =	vst v1  }
0x4b8: {  	v1 =	vld [tilespmem:s4+$0x10];
	_ =	sdelay $0x4  }
0x4b9: {  	s9 =	sand.u32 $0x3FF8, s26;
	[tilespmem:s5+$0x70] =	vst v1  }
0x4ba: {  	v1 =	vld [tilespmem:s9+$0x17280];
	_ =	sdelay $0x4  }
0x4bb: {  	[tilespmem:s5+$0x400] =	vst v1  }
0x4bc: {  	v1 =	vld [tilespmem:s4+$0x30];
	_ =	sdelay $0x4  }
0x4bd: {  	[tilespmem:s5+$0x410] =	vst v1  }
0x4be: {  	v1 =	vld [tilespmem:s4+$0x40];
	_ =	sdelay $0x4  }
0x4bf: {  	[tilespmem:s5+$0x420] =	vst v1  }
0x4c0: {  	s7 =	simm.s32 $0x0;
	s6 =	simm.s32 $0xC8;
	v1 =	vld [tilespmem:s4+$0x50]  }
.LBB2_28:
0x4c1: {  	_ =	sdelay $0x2  }
0x4c2: {  	s26 =	sadd.s32 $0x80, s26;
	s7 =	sadd.s32 $0x100, s7;
	s4 =	sadd.s32 $0xC8, s4  }
0x4c3: {  	p0 =	sne.s32 s6, $0x3138;
	s8 =	smov.u32 s6;
	s6 =	sadd.s32 $0xC8, s6;
	[tilespmem:s5+$0x430] =	vst v1  }
0x4c4: {  	v1 =	vld [tilespmem:s4+$0x58];
	_ =	sdelay $0x3  }
0x4c5: {  	s9 =	sand.u32 $0x380, s26;
	s5 =	sand.u32 $0x3800, s7  }
0x4c6: {  	s9 =	sor.u32 s9, s5;
	v1 =	vperm.xlane v1, v0  }
0x4c7: {  	s5 =	sadd.s32 $0x1A400, s9  }
0x4c8: {  	[tilespmem:s5+$0x430] =	vst v1  }
0x4c9: {  	[tilespmem:s5+$0x440] =	vst.msk $0xff, v1  }
0x4ca: {  	v1 =	vld [tilespmem:s4+$0xFFFFFFA0];
	_ =	sdelay $0x4  }
0x4cb: {  	[tilespmem:s9+$0x1A400] =	vst v1  }
0x4cc: {  	v1 =	vld [tilespmem:s4+$0xFFFFFFB0];
	_ =	sdelay $0x4  }
0x4cd: {  	[tilespmem:s5+$0x10] =	vst v1  }
0x4ce: {  	v1 =	vld [tilespmem:s4+$0xFFFFFFC0];
	_ =	sdelay $0x4  }
0x4cf: {  	[tilespmem:s5+$0x20] =	vst v1  }
0x4d0: {  	v1 =	vld [tilespmem:s4+$0xFFFFFFD0];
	_ =	sdelay $0x4  }
0x4d1: {  	[tilespmem:s5+$0x30] =	vst v1  }
0x4d2: {  	v1 =	vld [tilespmem:s4+$0xFFFFFFE0];
	_ =	sdelay $0x4  }
0x4d3: {  	[tilespmem:s5+$0x40] =	vst v1  }
0x4d4: {  	v1 =	vld [tilespmem:s4+$0xFFFFFFF0];
	_ =	sdelay $0x4  }
0x4d5: {  	[tilespmem:s5+$0x50] =	vst v1  }
0x4d6: {  	v1 =	vld [tilespmem:s4+$0x0];
	_ =	sdelay $0x4  }
0x4d7: {  	[tilespmem:s5+$0x60] =	vst v1  }
0x4d8: {  	v1 =	vld [tilespmem:s4+$0x10];
	_ =	sdelay $0x3  }
0x4d9: {  	s8 =	sand.u32 $0x3FF8, s8  }
0x4da: {  	[tilespmem:s5+$0x70] =	vst v1  }
0x4db: {  	v1 =	vld [tilespmem:s8+$0x17280];
	_ =	sdelay $0x4  }
0x4dc: {  	[tilespmem:s5+$0x400] =	vst v1  }
0x4dd: {  	v1 =	vld [tilespmem:s4+$0x30];
	_ =	sdelay $0x4  }
0x4de: {  	[tilespmem:s5+$0x410] =	vst v1  }
0x4df: {  	v1 =	vld [tilespmem:s4+$0x40];
	_ =	sdelay $0x1  }
.Ltmp13:
0x4e0: {  	(pc) =	sbr.rel @p0 .LBB2_28-.Ltmp13, $3  }
0x4e1: {  	_ =	sdelay $0x1  }
0x4e2: {  	[tilespmem:s5+$0x420] =	vst v1  }
0x4e3: {  	v1 =	vld [tilespmem:s4+$0x50]  }
0x4e4: {  	_ =	sdelay $0x3  }
0x4e5: {  	s26 =	simm.s32 $0x0;
	[tilespmem:s5+$0x430] =	vst v1  }
0x4e6: {  	[hbm4b:s19+s26] =	stream.linear.scatter [tilespmem:s3], [sflag:$0x2], $0x4000, $0x38;
	[tilespmem:$0x1E400] =	vst v63  }
0x4e7: {  	_ =	swait.ge [sflag:s28], $0x4000  }
0x4e8: {  	[sflag:s28] =	ssyncset.done $0x0  }
0x4e9: {  	[sflag:s28] =	ssyncadd.s32 $0xFFFFC000  }
0x4ea: {  	[tilespmem:s29], [sflag:$0x2] =	stream.linear.gather [hbm4b:s20+s26], $0x4000, $0x38;
	[tilespmem:$0x1E400] =	vst v63  }
0x4eb: {  	_ =	swait.ge [sflag:s28], $0x4000  }
0x4ec: {  	s4 =	sand.u32 $0x3800, s26;
	s8 =	sand.u32 $0x380, s26;
	[sflag:s28] =	ssyncset.done $0x0  }
0x4ed: {  	s5 =	sor.u32 s8, s4;
	[sflag:s28] =	ssyncadd.s32 $0xFFFFC000  }
0x4ee: {  	v1 =	vld [tilespmem:s5+$0x10000];
	_ =	sdelay $0x3  }
0x4ef: {  	s4 =	simm.s32 $0x14060  }
0x4f0: {  	[tilespmem:s4+$0xFFFFFFA0] =	vst v1  }
0x4f1: {  	v1 =	vld [tilespmem:s5+$0x10010];
	_ =	sdelay $0x4  }
0x4f2: {  	[tilespmem:s4+$0xFFFFFFB0] =	vst v1  }
0x4f3: {  	v1 =	vld [tilespmem:s5+$0x10020];
	_ =	sdelay $0x4  }
0x4f4: {  	[tilespmem:s4+$0xFFFFFFC0] =	vst v1  }
0x4f5: {  	v1 =	vld [tilespmem:s5+$0x10030];
	_ =	sdelay $0x4  }
0x4f6: {  	[tilespmem:s4+$0xFFFFFFD0] =	vst v1  }
0x4f7: {  	v1 =	vld [tilespmem:s5+$0x10040];
	_ =	sdelay $0x4  }
0x4f8: {  	[tilespmem:s4+$0xFFFFFFE0] =	vst v1  }
0x4f9: {  	v1 =	vld [tilespmem:s5+$0x10050];
	_ =	sdelay $0x4  }
0x4fa: {  	[tilespmem:s4+$0xFFFFFFF0] =	vst v1  }
0x4fb: {  	v1 =	vld [tilespmem:s5+$0x10060];
	_ =	sdelay $0x4  }
0x4fc: {  	[tilespmem:s4+$0x0] =	vst v1  }
0x4fd: {  	v1 =	vld [tilespmem:s5+$0x10070];
	_ =	sdelay $0x4  }
0x4fe: {  	[tilespmem:s4+$0x10] =	vst v1  }
0x4ff: {  	v1 =	vld [tilespmem:s5+$0x10400];
	_ =	sdelay $0x3  }
0x500: {  	s6 =	sand.u32 $0x3FF8, s26  }
0x501: {  	[tilespmem:s6+$0x14080] =	vst v1  }
0x502: {  	v1 =	vld [tilespmem:s5+$0x10410];
	_ =	sdelay $0x4  }
0x503: {  	[tilespmem:s4+$0x30] =	vst v1  }
0x504: {  	v1 =	vld [tilespmem:s5+$0x10420];
	_ =	sdelay $0x4  }
0x505: {  	[tilespmem:s4+$0x40] =	vst v1  }
0x506: {  	v1 =	vld [tilespmem:s5+$0x10430];
	_ =	sdelay $0x4  }
0x507: {  	s5 =	sor.u32 $0x10440, s5;
	[tilespmem:s4+$0x50] =	vst v1  }
0x508: {  	v2 =	vld.msk [tilespmem:s5+$0x0], $0xff;
	_ =	sdelay $0x4  }
0x509: {  	v1 =	vperm.xlane v1, v0;
	v2 =	vperm.xlane v2, v0  }
0x50a: {  	s9 =	simm.s32 $0x100;
	s5 =	simm.s32 $0x80  }
0x50b: {  	s7 =	sand.u32 $0x3800, s9;
	s6 =	simm.s32 $0x200;
	s8 =	sand.u32 $0x380, s5;
	v1 =	vsel vm0, v1, v2  }
.LBB2_30:
0x50c: {  	p0 =	sne.s32 s6, $0x3F00;
	s7 =	sor.u32 s8, s7;
	[tilespmem:s4+$0x58] =	vst v1  }
0x50d: {  	v1 =	vld [tilespmem:s7+$0x10000];
	_ =	sdelay $0x3  }
0x50e: {  	s4 =	sadd.s32 $0xC8, s4  }
0x50f: {  	[tilespmem:s4+$0xFFFFFFA0] =	vst v1  }
0x510: {  	v1 =	vld [tilespmem:s7+$0x10010];
	_ =	sdelay $0x4  }
0x511: {  	[tilespmem:s4+$0xFFFFFFB0] =	vst v1  }
0x512: {  	v1 =	vld [tilespmem:s7+$0x10020];
	_ =	sdelay $0x4  }
0x513: {  	[tilespmem:s4+$0xFFFFFFC0] =	vst v1  }
0x514: {  	v1 =	vld [tilespmem:s7+$0x10030];
	_ =	sdelay $0x4  }
0x515: {  	[tilespmem:s4+$0xFFFFFFD0] =	vst v1  }
0x516: {  	v1 =	vld [tilespmem:s7+$0x10040];
	_ =	sdelay $0x4  }
0x517: {  	[tilespmem:s4+$0xFFFFFFE0] =	vst v1  }
0x518: {  	v1 =	vld [tilespmem:s7+$0x10050];
	_ =	sdelay $0x4  }
0x519: {  	[tilespmem:s4+$0xFFFFFFF0] =	vst v1  }
0x51a: {  	v1 =	vld [tilespmem:s7+$0x10060];
	_ =	sdelay $0x4  }
0x51b: {  	[tilespmem:s4+$0x0] =	vst v1  }
0x51c: {  	v1 =	vld [tilespmem:s7+$0x10070];
	_ =	sdelay $0x4  }
0x51d: {  	[tilespmem:s4+$0x10] =	vst v1  }
0x51e: {  	v1 =	vld [tilespmem:s7+$0x10400];
	_ =	sdelay $0x2  }
0x51f: {  	s26 =	sadd.s32 $0xC8, s26  }
0x520: {  	s8 =	sand.u32 $0x3FF8, s26  }
0x521: {  	[tilespmem:s8+$0x14080] =	vst v1  }
0x522: {  	v1 =	vld [tilespmem:s7+$0x10410];
	_ =	sdelay $0x4  }
0x523: {  	[tilespmem:s4+$0x30] =	vst v1  }
0x524: {  	v1 =	vld [tilespmem:s7+$0x10420];
	_ =	sdelay $0x4  }
0x525: {  	[tilespmem:s4+$0x40] =	vst v1  }
0x526: {  	v1 =	vld [tilespmem:s7+$0x10430];
	_ =	sdelay $0x4  }
0x527: {  	s7 =	sor.u32 $0x10440, s7;
	[tilespmem:s4+$0x50] =	vst v1  }
0x528: {  	v2 =	vld.msk [tilespmem:s7+$0x0], $0xff;
	_ =	sdelay $0x2  }
.Ltmp14:
0x529: {  	(pc) =	sbr.rel @p0 .LBB2_30-.Ltmp14, $4  }
0x52a: {  	_ = 	snop  }
0x52b: {  	v1 =	vperm.xlane v1, v0;
	v2 =	vperm.xlane v2, v0  }
0x52c: {  	s5 =	sadd.s32 $0x80, s5  }
0x52d: {  	s8 =	sand.u32 $0x380, s5;
	s7 =	sand.u32 $0x3800, s6;
	s6 =	sadd.s32 $0x100, s6;
	v1 =	vsel vm0, v1, v2  }
0x52e: {  	s5 =	sor.u32 s8, s7;
	[tilespmem:s4+$0x58] =	vst v1  }
0x52f: {  	v1 =	vld [tilespmem:s5+$0x10000];
	_ =	sdelay $0x3  }
0x530: {  	s9 =	sadd.s32 $0xC8, s4  }
0x531: {  	[tilespmem:s9+$0xFFFFFFA0] =	vst v1  }
0x532: {  	v1 =	vld [tilespmem:s5+$0x10010];
	_ =	sdelay $0x4  }
0x533: {  	[tilespmem:s9+$0xFFFFFFB0] =	vst v1  }
0x534: {  	v1 =	vld [tilespmem:s5+$0x10020];
	_ =	sdelay $0x4  }
0x535: {  	[tilespmem:s9+$0xFFFFFFC0] =	vst v1  }
0x536: {  	v1 =	vld [tilespmem:s5+$0x10030];
	_ =	sdelay $0x4  }
0x537: {  	[tilespmem:s9+$0xFFFFFFD0] =	vst v1  }
0x538: {  	v1 =	vld [tilespmem:s5+$0x10040];
	_ =	sdelay $0x4  }
0x539: {  	[tilespmem:s9+$0xFFFFFFE0] =	vst v1  }
0x53a: {  	v1 =	vld [tilespmem:s5+$0x10050];
	_ =	sdelay $0x4  }
0x53b: {  	[tilespmem:s9+$0xFFFFFFF0] =	vst v1  }
0x53c: {  	v1 =	vld [tilespmem:s5+$0x10060];
	_ =	sdelay $0x4  }
0x53d: {  	[tilespmem:s9+$0x0] =	vst v1  }
0x53e: {  	v1 =	vld [tilespmem:s5+$0x10070];
	_ =	sdelay $0x4  }
0x53f: {  	[tilespmem:s9+$0x10] =	vst v1  }
0x540: {  	v1 =	vld [tilespmem:s5+$0x10400];
	_ =	sdelay $0x2  }
0x541: {  	s6 =	sadd.s32 $0xC8, s26  }
0x542: {  	s6 =	sand.u32 $0x3FF8, s6  }
0x543: {  	[tilespmem:s6+$0x14080] =	vst v1  }
0x544: {  	v1 =	vld [tilespmem:s5+$0x10410];
	_ =	sdelay $0x4  }
0x545: {  	[tilespmem:s9+$0x30] =	vst v1  }
0x546: {  	v1 =	vld [tilespmem:s5+$0x10420];
	_ =	sdelay $0x4  }
0x547: {  	[tilespmem:s9+$0x40] =	vst v1  }
0x548: {  	v1 =	vld [tilespmem:s5+$0x10430];
	_ =	sdelay $0x4  }
0x549: {  	s5 =	sor.u32 $0x10440, s5;
	[tilespmem:s9+$0x50] =	vst v1  }
0x54a: {  	v2 =	vld.msk [tilespmem:s5+$0x0], $0xff;
	_ =	sdelay $0x4  }
0x54b: {  	v1 =	vperm.xlane v1, v0;
	v2 =	vperm.xlane v2, v0;
	_ =	sdelay $0x1  }
0x54c: {  	v1 =	vsel vm0, v1, v2  }
0x54d: {  	[tilespmem:s9+$0x58] =	vst v1  }
0x54e: {  	[tilespmem:s0], [sflag:$0x1] =	stream.indirect.gather [spmem:s1], $0x1, s31, s30, $0xb8;
	[tilespmem:$0x1E400] =	vst v63  }
0x54f: {  	_ =	swait.ge [sflag:s24], $0x3200  }
0x550: {  	[sflag:s24] =	ssyncset.done $0x0  }
0x551: {  	s4 =	simm.s32 $0x17260;
	[sflag:s24] =	ssyncadd.s32 $0xFFFFCE00  }
0x552: {  	v1 =	vld [tilespmem:s4+$0x58];
	_ =	sdelay $0x2  }
0x553: {  	s26 =	simm.s32 $0x0  }
0x554: {  	s7 =	sand.u32 $0x3800, s26;
	s8 =	sand.u32 $0x380, s26  }
0x555: {  	s6 =	sor.u32 s8, s7;
	v1 =	vperm.xlane v1, v0  }
0x556: {  	s5 =	sadd.s32 $0x1A400, s6  }
0x557: {  	[tilespmem:s5+$0x430] =	vst v1  }
0x558: {  	[tilespmem:s5+$0x440] =	vst.msk $0xff, v1  }
0x559: {  	v1 =	vld [tilespmem:s4+$0xFFFFFFA0];
	_ =	sdelay $0x4  }
0x55a: {  	[tilespmem:s6+$0x1A400] =	vst v1  }
0x55b: {  	v1 =	vld [tilespmem:s4+$0xFFFFFFB0];
	_ =	sdelay $0x4  }
0x55c: {  	[tilespmem:s5+$0x10] =	vst v1  }
0x55d: {  	v1 =	vld [tilespmem:s4+$0xFFFFFFC0];
	_ =	sdelay $0x4  }
0x55e: {  	[tilespmem:s5+$0x20] =	vst v1  }
0x55f: {  	v1 =	vld [tilespmem:s4+$0xFFFFFFD0];
	_ =	sdelay $0x4  }
0x560: {  	[tilespmem:s5+$0x30] =	vst v1  }
0x561: {  	v1 =	vld [tilespmem:s4+$0xFFFFFFE0];
	_ =	sdelay $0x4  }
0x562: {  	[tilespmem:s5+$0x40] =	vst v1  }
0x563: {  	v1 =	vld [tilespmem:s4+$0xFFFFFFF0];
	_ =	sdelay $0x4  }
0x564: {  	[tilespmem:s5+$0x50] =	vst v1  }
0x565: {  	v1 =	vld [tilespmem:s4+$0x0];
	_ =	sdelay $0x4  }
0x566: {  	[tilespmem:s5+$0x60] =	vst v1  }
0x567: {  	v1 =	vld [tilespmem:s4+$0x10];
	_ =	sdelay $0x4  }
0x568: {  	s9 =	sand.u32 $0x3FF8, s26;
	[tilespmem:s5+$0x70] =	vst v1  }
0x569: {  	v1 =	vld [tilespmem:s9+$0x17280];
	_ =	sdelay $0x4  }
0x56a: {  	[tilespmem:s5+$0x400] =	vst v1  }
0x56b: {  	v1 =	vld [tilespmem:s4+$0x30];
	_ =	sdelay $0x4  }
0x56c: {  	[tilespmem:s5+$0x410] =	vst v1  }
0x56d: {  	v1 =	vld [tilespmem:s4+$0x40];
	_ =	sdelay $0x4  }
0x56e: {  	[tilespmem:s5+$0x420] =	vst v1  }
0x56f: {  	s7 =	simm.s32 $0x0;
	s6 =	simm.s32 $0xC8;
	v1 =	vld [tilespmem:s4+$0x50]  }
.LBB2_32:
0x570: {  	_ =	sdelay $0x2  }
0x571: {  	s26 =	sadd.s32 $0x80, s26;
	s7 =	sadd.s32 $0x100, s7;
	s4 =	sadd.s32 $0xC8, s4  }
0x572: {  	p0 =	sne.s32 s6, $0x3138;
	s8 =	smov.u32 s6;
	s6 =	sadd.s32 $0xC8, s6;
	[tilespmem:s5+$0x430] =	vst v1  }
0x573: {  	v1 =	vld [tilespmem:s4+$0x58];
	_ =	sdelay $0x3  }
0x574: {  	s9 =	sand.u32 $0x380, s26;
	s5 =	sand.u32 $0x3800, s7  }
0x575: {  	s9 =	sor.u32 s9, s5;
	v1 =	vperm.xlane v1, v0  }
0x576: {  	s5 =	sadd.s32 $0x1A400, s9  }
0x577: {  	[tilespmem:s5+$0x430] =	vst v1  }
0x578: {  	[tilespmem:s5+$0x440] =	vst.msk $0xff, v1  }
0x579: {  	v1 =	vld [tilespmem:s4+$0xFFFFFFA0];
	_ =	sdelay $0x4  }
0x57a: {  	[tilespmem:s9+$0x1A400] =	vst v1  }
0x57b: {  	v1 =	vld [tilespmem:s4+$0xFFFFFFB0];
	_ =	sdelay $0x4  }
0x57c: {  	[tilespmem:s5+$0x10] =	vst v1  }
0x57d: {  	v1 =	vld [tilespmem:s4+$0xFFFFFFC0];
	_ =	sdelay $0x4  }
0x57e: {  	[tilespmem:s5+$0x20] =	vst v1  }
0x57f: {  	v1 =	vld [tilespmem:s4+$0xFFFFFFD0];
	_ =	sdelay $0x4  }
0x580: {  	[tilespmem:s5+$0x30] =	vst v1  }
0x581: {  	v1 =	vld [tilespmem:s4+$0xFFFFFFE0];
	_ =	sdelay $0x4  }
0x582: {  	[tilespmem:s5+$0x40] =	vst v1  }
0x583: {  	v1 =	vld [tilespmem:s4+$0xFFFFFFF0];
	_ =	sdelay $0x4  }
0x584: {  	[tilespmem:s5+$0x50] =	vst v1  }
0x585: {  	v1 =	vld [tilespmem:s4+$0x0];
	_ =	sdelay $0x4  }
0x586: {  	[tilespmem:s5+$0x60] =	vst v1  }
0x587: {  	v1 =	vld [tilespmem:s4+$0x10];
	_ =	sdelay $0x3  }
0x588: {  	s8 =	sand.u32 $0x3FF8, s8  }
0x589: {  	[tilespmem:s5+$0x70] =	vst v1  }
0x58a: {  	v1 =	vld [tilespmem:s8+$0x17280];
	_ =	sdelay $0x4  }
0x58b: {  	[tilespmem:s5+$0x400] =	vst v1  }
0x58c: {  	v1 =	vld [tilespmem:s4+$0x30];
	_ =	sdelay $0x4  }
0x58d: {  	[tilespmem:s5+$0x410] =	vst v1  }
0x58e: {  	v1 =	vld [tilespmem:s4+$0x40];
	_ =	sdelay $0x1  }
.Ltmp15:
0x58f: {  	(pc) =	sbr.rel @p0 .LBB2_32-.Ltmp15, $3  }
0x590: {  	_ =	sdelay $0x1  }
0x591: {  	[tilespmem:s5+$0x420] =	vst v1  }
0x592: {  	v1 =	vld [tilespmem:s4+$0x50]  }
0x593: {  	_ =	sdelay $0x1  }
0x594: {  	s25 =	sadd.s32 $0x1, s25  }
0x595: {  	p0 =	sne.s32 s25, s22  }
.Ltmp16:
0x596: {  	[tilespmem:s5+$0x430] =	vst v1;
	(pc) =	sbr.rel @p0 .LBB2_1-.Ltmp16, $4  }
0x597: {  	[hbm4b:s21+s2] =	stream.linear.scatter [tilespmem:s3], [sflag:$0x2], $0x4000, $0x38;
	[tilespmem:$0x1E400] =	vst v63  }
0x598: {  	_ =	swait.ge [sflag:s28], $0x4000  }
0x599: {  	[sflag:s28] =	ssyncset.done $0x0  }
0x59a: {  	[sflag:s28] =	ssyncadd.s32 $0xFFFFC000  }
0x59b: {  	_ =	sfence.sel $0x180000  }
0x59c: {  	[bflag:$0x0] =	sbarrier.arrive $0xFFFF  }
0x59d: {  	_ =	strace $0x90000047  }
0x59e: {  	s0 =	stileid.u32;
	[bflag:$0x2] =	sbarrier.arrive $0xFFFF  }
0x59f: {  	p0 =	sne.s32 s0, $0x0;
	s0 =	rddreg [dreg:$0x3]  }
0x5a0: {  	s0 =	sadd.s32 @!p0 $0x100000, s0  }
0x5a1: {  	[sflag:s0] =	ssyncadd.tile.s32 @!p0 $0x1;
	_ =	shalt  }
.Lfunc_end2:
_tile_overlayer_lowered:
.L_overlay_start_2:
0x5a2: {  	(tag) =	ssettag $0x2  }
0x5a3: {  	s0 =	rddreg [dreg:$0x0];
	s2 =	stileid.u32  }
0x5a4: {  	s1 =	rddreg [dreg:$0x1];
	p0 =	sne.s32 s2, $0x0  }
0x5a5: {  	s3 =	rddreg [dreg:$0x2];
	[bflag:$0x3] =	sbarrier.arrive $0xFFFF;
	s2 =	simm.s32 @!p0 $0x1C02  }
0x5a6: {  	[timem:s3], [sflag:s2] =	dma.local @!p0 [hbm:s0], s1  }
0x5a7: {  	s0 =	simm.s32 @!p0 $0x2  }
0x5a8: {  	_ =	swait.ge @!p0 [sflag:s0], s1  }
0x5a9: {  	s1 =	ssub.s32 @!p0 $0x0, s1;
	[sflag:s0] =	ssyncset.done @!p0 $0x0  }
0x5aa: {  	[sflag:s0] =	ssyncadd.s32 @!p0 s1  }
0x5ab: {  	[bflag:$0x3] =	sbarrier.arrive $0xFFFF  }
0x5ac: {  	_ =	shalt  }

</sc_bundles>
